<compile_context>
chip_gen: v7x
topology: tpu7x:2x2x1
jax: 0.10.2.dev20260603
libtpu: 0.0.44.dev20260713+nightly
codegen_flags: <defaults>
</compile_context>

<pallas_src>
import functools

import jax
import jax.numpy as jnp
from jax import lax
from jax.experimental import pallas as pl
from jax.experimental.pallas import tpu as pltpu
from jax.experimental.pallas import tpu_sc as plsc

_B, _F, _N = 8, 3, 2048
_K = 32
_KS = 16
_L = 16
_NW = 32
_ROWS = (_B * _N) // _NW
_WPB = _NW // _B
_CHUNKS = _N // _L
_CAPV = 14
_CAP = _CAPV * _L
_PRUNE_AT = 160
_GROUP = 16
_NEG = float("-inf")


def _sort_desc(k, v):
    return plsc.sort_key_val(k, v, descending=True)


_GDN = lax.GatherDimensionNumbers(offset_dims=(), collapsed_slice_dims=(0,),
                                  start_index_map=(0,))


def _reg_gather(v, idx):
    return lax.gather(v, idx.reshape(_L, 1), _GDN, (1,),
                      mode=lax.GatherScatterMode.PROMISE_IN_BOUNDS)


def _bf16_round(v):
    u = plsc.bitcast(v, jnp.uint32)
    r = u + jnp.uint32(0x7FFF) + ((u >> jnp.uint32(16)) & jnp.uint32(1))
    r = r & jnp.uint32(0xFFFF0000)
    return plsc.bitcast(r, jnp.float32)


def _rev(a):
    return lax.rev(a, dimensions=(0,))


def _merge16(ak, av, bk, bv):
    brk, brv = _rev(bk), _rev(bv)
    m = ak >= brk
    hk = jnp.where(m, ak, brk)
    hv = jnp.where(m, av, brv)
    lk = jnp.where(m, brk, ak)
    lv = jnp.where(m, brv, av)
    hk, hv = _sort_desc(hk, hv)
    lk, lv = _sort_desc(lk, lv)
    return hk, hv, lk, lv


def _merge32_top32(a0k, a0v, a1k, a1v, b0k, b0v, b1k, b1v):
    rb0k, rb0v = _rev(b0k), _rev(b0v)
    rb1k, rb1v = _rev(b1k), _rev(b1v)
    m0 = a0k >= rb1k
    h0k = jnp.where(m0, a0k, rb1k)
    h0v = jnp.where(m0, a0v, rb1v)
    m1 = a1k >= rb0k
    h1k = jnp.where(m1, a1k, rb0k)
    h1v = jnp.where(m1, a1v, rb0v)
    m = h0k >= h1k
    pk = jnp.where(m, h0k, h1k)
    pv = jnp.where(m, h0v, h1v)
    qk = jnp.where(m, h1k, h0k)
    qv = jnp.where(m, h1v, h0v)
    pk, pv = _sort_desc(pk, pv)
    qk, qv = _sort_desc(qk, qv)
    return pk, pv, qk, qv


def _sc_body(x0_hbm, x1_hbm, x2_hbm, kern_hbm, op0_hbm, sidx_hbm, adj_hbm,
             x0_v, x1_v, x2_v, xb0_v, xb1_v, xb2_v, xx_v, keybuf, idxbuf,
             wbuf, sidx_stage, adj_stage, kern_v, op0_v):
    cid = lax.axis_index("c")
    sid = lax.axis_index("s")
    w = sid * 2 + cid
    b = w // _WPB
    rbase = (w % _WPB) * _ROWS

    pltpu.sync_copy(x0_hbm.at[pl.ds(b * _N, _N)], x0_v)
    pltpu.sync_copy(x1_hbm.at[pl.ds(b * _N, _N)], x1_v)
    pltpu.sync_copy(x2_hbm.at[pl.ds(b * _N, _N)], x2_v)
    pltpu.sync_copy(kern_hbm, kern_v)
    pltpu.sync_copy(op0_hbm, op0_v)

    def xx_body(i, _):
        a0 = x0_v[pl.ds(i * _L, _L)]
        a1 = x1_v[pl.ds(i * _L, _L)]
        a2 = x2_v[pl.ds(i * _L, _L)]
        xx_v[pl.ds(i * _L, _L)] = a0 * a0 + a1 * a1 + a2 * a2
        xb0_v[pl.ds(i * _L, _L)] = _bf16_round(a0)
        xb1_v[pl.ds(i * _L, _L)] = _bf16_round(a1)
        xb2_v[pl.ds(i * _L, _L)] = _bf16_round(a2)
        return 0
    lax.fori_loop(0, _CHUNKS, xx_body, 0)

    kv0 = _bf16_round(kern_v[pl.ds(0, _L)])
    kv1 = _bf16_round(kern_v[pl.ds(_L, _L)])
    kv2 = _bf16_round(kern_v[pl.ds(2 * _L, _L)])
    opv = op0_v[...]
    iota = lax.iota(jnp.int32, _L)
    ninf = jnp.full((_L,), _NEG, jnp.float32)
    zero_i = jnp.zeros((_L,), jnp.int32)
    boff = b * _N

    def select_top32():
        runs = []
        for i in range(_CAPV):
            ki = keybuf[pl.ds(i * _L, _L)]
            vi = idxbuf[pl.ds(i * _L, _L)]
            runs.append(_sort_desc(ki, vi))
        runs32 = []
        for i in range(0, _CAPV, 2):
            runs32.append(_merge16(runs[i][0], runs[i][1],
                                   runs[i + 1][0], runs[i + 1][1]))
        cur = runs32[0]
        for i in range(1, len(runs32)):
            cur = _merge32_top32(*cur, *runs32[i])
        return cur

    def process_row(r, rr):
        row = rbase + r
        qi = jnp.full((_L,), row, jnp.int32)
        q0 = plsc.load_gather(xb0_v, [qi])
        q1 = plsc.load_gather(xb1_v, [qi])
        q2 = plsc.load_gather(xb2_v, [qi])

        def score_chunk(c):
            a0 = xb0_v[pl.ds(c * _L, _L)]
            a1 = xb1_v[pl.ds(c * _L, _L)]
            a2 = xb2_v[pl.ds(c * _L, _L)]
            xxv = xx_v[pl.ds(c * _L, _L)]
            dot = q0 * a0 + q1 * a1 + q2 * a2
            return dot + dot - xxv

        s0 = score_chunk(0)
        s1 = score_chunk(1)
        k0, v0 = _sort_desc(s0, iota)
        k1, v1 = _sort_desc(s1, iota + _L)
        hk, hv, lk, lv = _merge16(k0, v0, k1, v1)
        keybuf[pl.ds(0, _L)] = hk
        idxbuf[pl.ds(0, _L)] = hv
        keybuf[pl.ds(_L, _L)] = lk
        idxbuf[pl.ds(_L, _L)] = lv
        for i in range(2, _CAPV):
            keybuf[pl.ds(i * _L, _L)] = ninf
            idxbuf[pl.ds(i * _L, _L)] = zero_i
        t0 = jnp.min(lk)

        def prune(ct):
            pk, pv, qk, qv = select_top32()
            keybuf[pl.ds(0, _L)] = pk
            idxbuf[pl.ds(0, _L)] = pv
            keybuf[pl.ds(_L, _L)] = qk
            idxbuf[pl.ds(_L, _L)] = qv
            for i in range(2, _CAPV):
                keybuf[pl.ds(i * _L, _L)] = ninf
                idxbuf[pl.ds(i * _L, _L)] = zero_i
            return jnp.int32(_K), jnp.min(qk)

        def append_chunk(c, cnt, t):
            s = score_chunk(c)
            m = s > t
            plsc.store_compressed(keybuf.at[pl.ds(cnt, _L)], s, mask=m)
            plsc.store_compressed(idxbuf.at[pl.ds(cnt, _L)], iota + c * _L,
                                  mask=m)
            return cnt + plsc.all_reduce_population_count(m)[0]

        def blk_body(blk, carry):
            cnt, t = carry
            base = 2 + blk * 4
            for u in range(4):
                cnt = append_chunk(base + u, cnt, t)
            return lax.cond(cnt >= _PRUNE_AT, prune, lambda ct: ct, (cnt, t))

        cnt, t = lax.fori_loop(0, (_CHUNKS - 4) // 4, blk_body,
                               (jnp.int32(_K), t0))
        for c in (_CHUNKS - 2, _CHUNKS - 1):
            cnt = append_chunk(c, cnt, t)

        pk, pv, qk, qv = select_top32()
        i0, i1 = pv, qv

        sidx_stage[pl.ds(rr * _K, _L)] = i0 + boff
        sidx_stage[pl.ds(rr * _K + _L, _L)] = i1 + boff

        g0a = plsc.load_gather(x0_v, [i0])
        g1a = plsc.load_gather(x1_v, [i0])
        g2a = plsc.load_gather(x2_v, [i0])
        g0b = plsc.load_gather(x0_v, [i1])
        g1b = plsc.load_gather(x1_v, [i1])
        g2b = plsc.load_gather(x2_v, [i1])
        c0 = _reg_gather(g0a, zero_i)
        c1 = _reg_gather(g1a, zero_i)
        c2 = _reg_gather(g2a, zero_i)
        db0a = _bf16_round(g0a - c0)
        db0b = _bf16_round(g0b - c0)
        db1a = _bf16_round(g1a - c1)
        db1b = _bf16_round(g1b - c1)
        db2a = _bf16_round(g2a - c2)
        db2b = _bf16_round(g2b - c2)

        ssum = jnp.zeros((_L,), jnp.float32)
        for j in range(_K):
            jv = jnp.full((_L,), j % _L, jnp.int32)
            if j < _L:
                d0 = _reg_gather(db0a, jv)
                d1 = _reg_gather(db1a, jv)
                d2 = _reg_gather(db2a, jv)
            else:
                d0 = _reg_gather(db0b, jv)
                d1 = _reg_gather(db1b, jv)
                d2 = _reg_gather(db2b, jv)
            wj = d0 * kv0 + d1 * kv1 + d2 * kv2
            if j == 0:
                wj = wj + opv
            wj = jnp.maximum(wj, 0.0)
            ssum = ssum + wj
            wbuf[pl.ds(j * _L, _L)] = wj

        r1 = 1.0 / (ssum + 1e-6)
        s2 = jnp.zeros((_L,), jnp.float32)
        for j in range(_K):
            a = wbuf[pl.ds(j * _L, _L)] * r1
            a = a * a
            s2 = s2 + a
            wbuf[pl.ds(j * _L, _L)] = a

        r2 = 1.0 / (s2 + 1e-6)
        for j in range(_K):
            v = wbuf[pl.ds(j * _L, _L)] * r2
            v = jnp.where(v > 0.1, v, 0.0)
            adj_stage[pl.ds((rr * _K + j) * _KS, _KS)] = v
        return 0

    def group_body(g, _):
        def row_body(rr, _):
            return process_row(g * _GROUP + rr, rr)
        lax.fori_loop(0, _GROUP, row_body, 0)
        base = w * _ROWS + g * _GROUP
        pltpu.sync_copy(adj_stage,
                        adj_hbm.at[pl.ds(base * _K * _KS, _GROUP * _K * _KS)])
        pltpu.sync_copy(sidx_stage,
                        sidx_hbm.at[pl.ds(base * _K, _GROUP * _K)])
        return 0

    lax.fori_loop(0, _ROWS // _GROUP, group_body, 0)


@jax.jit
def _run(x0, x1, x2, kern_flat, op0):
    f32, i32 = jnp.float32, jnp.int32
    return pl.kernel(
        _sc_body,
        out_type=[
            jax.ShapeDtypeStruct((_B * _N * _K,), i32),
            jax.ShapeDtypeStruct((_B * _N * _K * _KS,), f32),
        ],
        mesh=plsc.VectorSubcoreMesh(core_axis_name="c", subcore_axis_name="s",
                                    num_cores=2, num_subcores=16),
        compiler_params=pltpu.CompilerParams(needs_layout_passes=False),
        scratch_types=[
            pltpu.VMEM((_N,), f32),
            pltpu.VMEM((_N,), f32),
            pltpu.VMEM((_N,), f32),
            pltpu.VMEM((_N,), f32),
            pltpu.VMEM((_N,), f32),
            pltpu.VMEM((_N,), f32),
            pltpu.VMEM((_N,), f32),
            pltpu.VMEM((_CAP,), f32),
            pltpu.VMEM((_CAP,), i32),
            pltpu.VMEM((_K * _L,), f32),
            pltpu.VMEM((_GROUP * _K,), i32),
            pltpu.VMEM((_GROUP * _K * _KS,), f32),
            pltpu.VMEM((_F * _L,), f32),
            pltpu.VMEM((_L,), f32),
        ],
    )(x0, x1, x2, kern_flat, op0)


def kernel(x, kernals, kernals_padding, one_padding):
    x0 = x[:, 0, :].reshape(-1)
    x1 = x[:, 1, :].reshape(-1)
    x2 = x[:, 2, :].reshape(-1)
    kern_flat = jnp.concatenate([kernals_padding, kernals], axis=1).reshape(-1)
    op0 = one_padding[0]
    sidx, adjf = _run(x0, x1, x2, kern_flat, op0)
    return (sidx, adjf.reshape(_B * _N, _K, _KS))

# --- scband reference (transcript-rebuilt; emitter-appended) ---
"""Pipeline reference for scband-pai-index-matrix-41154376631100 (READ-ONLY COPY).

The authoritative reference and input builder live on the scoring server;
editing this copy changes nothing except your own understanding.
"""

import math
import jax, jax.numpy as jnp
import numpy as np


def fibonacci_sphere(samples=1):
    rnd = 1.0
    points = []
    offset = 2.0 / samples
    increment = math.pi * (3.0 - math.sqrt(5.0))
    for i in range(samples):
        y = i * offset - 1 + offset / 2
        r = math.sqrt(1 - pow(y, 2))
        phi = (i + rnd) % samples * increment
        x = math.cos(phi) * r
        z = math.sin(phi) * r
        points.append([x, y, z])
    return points


def setup_inputs(seed: int = 0) -> dict:
    key = jax.random.key(seed)
    B, feats, N = 8, 3, 2048
    k, kernel_size = 32, 16
    x = jax.random.normal(jax.random.fold_in(key, 0), (B, feats, N), dtype=jnp.float32)
    kernals = jnp.asarray(np.array(fibonacci_sphere(kernel_size - 1), dtype=np.float32).T)  # (3, kernel_size-1)
    kernals_padding = jnp.zeros((3, 1), dtype=jnp.float32)
    one_padding_np = np.zeros((k, kernel_size), dtype=np.float32)
    one_padding_np[0, 0] = 1.0
    one_padding = jnp.asarray(one_padding_np)
    return {"x": x, "kernals": kernals, "kernals_padding": kernals_padding, "one_padding": one_padding}


def knn(x, k):
    # x: (B, feats, N)
    inner = -2.0 * jnp.matmul(jnp.swapaxes(x, 2, 1), x)
    xx = jnp.sum(x ** 2, axis=1, keepdims=True)
    pairwise_distance = -xx - inner - jnp.swapaxes(xx, 2, 1)
    _, idx = jax.lax.top_k(pairwise_distance, k)
    return idx


def reference(x, kernals, kernals_padding, one_padding):
    batch_size, feats, num_pts = x.shape
    k, kernel_size = one_padding.shape
    spirals_index = knn(x, k)  # (B, N, k)
    idx_base = jnp.arange(0, batch_size).reshape(-1, 1, 1) * num_pts
    spirals_index = (spirals_index + idx_base).reshape(-1)
    spirals = jnp.swapaxes(x, 2, 1).reshape(batch_size * num_pts, feats)
    spirals = spirals[spirals_index, :].reshape(batch_size * num_pts, k, feats)
    kern = jnp.concatenate([kernals_padding, kernals], axis=1)  # (3, kernel_size)
    adjweight = jnp.matmul(spirals - spirals[:, 0:1, :], kern)  # (B*N, k, kernel_size)
    adjweight = adjweight + one_padding
    adjweight = jnp.where(adjweight > 0, adjweight, jnp.zeros_like(adjweight))
    adjweight = adjweight / (jnp.sum(adjweight, axis=1, keepdims=True) + 1e-06)
    adjweight = adjweight * adjweight
    adjweight = adjweight / (jnp.sum(adjweight, axis=1, keepdims=True) + 1e-06)
    adjweight = jnp.where(adjweight > 0.1, adjweight, jnp.zeros_like(adjweight))
    return (spirals_index, adjweight)

if __name__ == "__main__":
    import jax
    _d = setup_inputs()
    print(jax.jit(kernel)(*tuple(_d.values())))

</pallas_src>

<mosaic_0001>
#map = affine_map<(d0, d1) -> (0)>
module attributes {stable_mosaic.version = 14 : i64} {
  func.func @_sc_body(%arg0: i32, %arg1: i32, %arg2: memref<16384xf32, #tpu.memory_space<hbm>>, %arg3: memref<16384xf32, #tpu.memory_space<hbm>>, %arg4: memref<16384xf32, #tpu.memory_space<hbm>>, %arg5: memref<48xf32, #tpu.memory_space<hbm>>, %arg6: memref<16xf32, #tpu.memory_space<hbm>>, %arg7: memref<524288xi32, #tpu.memory_space<hbm>>, %arg8: memref<8388608xf32, #tpu.memory_space<hbm>>, %arg9: memref<2048xf32, #tpu.memory_space<vmem>>, %arg10: memref<2048xf32, #tpu.memory_space<vmem>>, %arg11: memref<2048xf32, #tpu.memory_space<vmem>>, %arg12: memref<2048xf32, #tpu.memory_space<vmem>>, %arg13: memref<2048xf32, #tpu.memory_space<vmem>>, %arg14: memref<2048xf32, #tpu.memory_space<vmem>>, %arg15: memref<2048xf32, #tpu.memory_space<vmem>>, %arg16: memref<224xf32, #tpu.memory_space<vmem>>, %arg17: memref<224xi32, #tpu.memory_space<vmem>>, %arg18: memref<512xf32, #tpu.memory_space<vmem>>, %arg19: memref<512xi32, #tpu.memory_space<vmem>>, %arg20: memref<8192xf32, #tpu.memory_space<vmem>>, %arg21: memref<48xf32, #tpu.memory_space<vmem>>, %arg22: memref<16xf32, #tpu.memory_space<vmem>>) attributes {dimension_semantics = [#tpu.dimension_semantics<core_parallel>, #tpu.dimension_semantics<subcore_parallel>], iteration_bounds = array<i64: 2, 16>, scalar_prefetch = 0 : i64, scratch_operands = 14 : i64, tpu.core_type = #tpu.core_type<sc_vector_subcore>, window_params = [{transform_indices = #map}, {transform_indices = #map}, {transform_indices = #map}, {transform_indices = #map}, {transform_indices = #map}, {transform_indices = #map}, {transform_indices = #map}]} {
    %mul3A = arith.constant 2 : i32
    %mul3A_0 = arith.muli %arg1, %mul3A : i32
    %add3A = arith.addi %mul3A_0, %arg0 : i32
    %jit3A = arith.constant 4 : i32
    %div3A = arith.divsi %add3A, %jit3A : i32
    %sign3A = arith.constant 0 : i32
    %sign3A_1 = arith.cmpi sgt, %add3A, %sign3A : i32
    %sign3A_2 = arith.extui %sign3A_1 : i1 to i32
    %sign3A_3 = arith.constant 0 : i32
    %sign3A_4 = arith.cmpi slt, %add3A, %sign3A_3 : i32
    %sign3A_5 = arith.extui %sign3A_4 : i1 to i32
    %sign3A_6 = arith.subi %sign3A_2, %sign3A_5 : i32
    %sign3A_7 = arith.constant 0 : i32
    %sign3A_8 = arith.cmpi sgt, %jit3A, %sign3A_7 : i32
    %sign3A_9 = arith.extui %sign3A_8 : i1 to i32
    %sign3A_10 = arith.constant 0 : i32
    %sign3A_11 = arith.cmpi slt, %jit3A, %sign3A_10 : i32
    %sign3A_12 = arith.extui %sign3A_11 : i1 to i32
    %sign3A_13 = arith.subi %sign3A_9, %sign3A_12 : i32
    %ne3A = arith.cmpi ne, %sign3A_6, %sign3A_13 : i32
    %rem3A = arith.remsi %add3A, %jit3A : i32
    %ne3A_14 = arith.constant 0 : i32
    %ne3A_15 = arith.cmpi ne, %rem3A, %ne3A_14 : i32
    %and3A = arith.andi %ne3A, %ne3A_15 : i1
    %sub3A = arith.constant 1 : i32
    %sub3A_16 = arith.subi %div3A, %sub3A : i32
    %select_n3A = arith.select %and3A, %sub3A_16, %div3A : i32
    %jit3A_17 = arith.constant 4 : i32
    %eq3A = arith.constant 0 : i32
    %eq3A_18 = arith.cmpi eq, %jit3A_17, %eq3A : i32
    %jit3A_19 = arith.constant 1 : i32
    %select_n3A_20 = arith.select %eq3A_18, %jit3A_19, %jit3A_17 : i32
    %rem3A_21 = arith.remsi %add3A, %select_n3A_20 : i32
    %ne3A_22 = arith.constant 0 : i32
    %ne3A_23 = arith.cmpi ne, %rem3A_21, %ne3A_22 : i32
    %lt3A = arith.constant 0 : i32
    %lt3A_24 = arith.cmpi slt, %rem3A_21, %lt3A : i32
    %lt3A_25 = arith.constant 0 : i32
    %lt3A_26 = arith.cmpi slt, %select_n3A_20, %lt3A_25 : i32
    %ne3A_27 = arith.xori %lt3A_24, %lt3A_26 : i1
    %and3A_28 = arith.andi %ne3A_27, %ne3A_23 : i1
    %add3A_29 = arith.addi %rem3A_21, %select_n3A_20 : i32
    %select_n3A_30 = arith.select %and3A_28, %add3A_29, %rem3A_21 : i32
    %mul3A_31 = arith.constant 512 : i32
    %mul3A_32 = arith.muli %select_n3A_30, %mul3A_31 : i32
    %mul3A_33 = arith.constant 2048 : i32
    %mul3A_34 = arith.muli %select_n3A, %mul3A_33 : i32
    "tpu.region"() ({
      %run_scoped3A = tpu.sem_alloc : memref<!tpu.dma_semaphore, #tpu.memory_space<semaphore_mem>>
      %dma_start3A = tpu.memref_slice %arg2[%mul3A_34] : memref<16384xf32, #tpu.memory_space<hbm>> -> memref<2048xf32, #tpu.memory_space<hbm>>
      %dma_start3A_107 = tpu.memref_slice %arg2[%mul3A_34] : memref<16384xf32, #tpu.memory_space<hbm>> -> memref<2048xf32, #tpu.memory_space<hbm>>
      tpu.enqueue_dma source(%dma_start3A_107 : memref<2048xf32, #tpu.memory_space<hbm>>) target(%arg9 : memref<2048xf32, #tpu.memory_space<vmem>>) target_semaphore(%run_scoped3A : memref<!tpu.dma_semaphore, #tpu.memory_space<semaphore_mem>>)
      %dma_wait3A = tpu.memref_slice %arg2[%mul3A_34] : memref<16384xf32, #tpu.memory_space<hbm>> -> memref<2048xf32, #tpu.memory_space<hbm>>
      %dma_wait3A_108 = tpu.memref_slice %arg2[%mul3A_34] : memref<16384xf32, #tpu.memory_space<hbm>> -> memref<2048xf32, #tpu.memory_space<hbm>>
      tpu.wait_dma2 semaphore(%run_scoped3A : memref<!tpu.dma_semaphore, #tpu.memory_space<semaphore_mem>>) src(%dma_wait3A_108 : memref<2048xf32, #tpu.memory_space<hbm>>) dst(%arg9 : memref<2048xf32, #tpu.memory_space<vmem>>)
      tpu.yield
    }) : () -> ()
    %mul3A_35 = arith.constant 2048 : i32
    %mul3A_36 = arith.muli %select_n3A, %mul3A_35 : i32
    "tpu.region"() ({
      %run_scoped3A = tpu.sem_alloc : memref<!tpu.dma_semaphore, #tpu.memory_space<semaphore_mem>>
      %dma_start3A = tpu.memref_slice %arg3[%mul3A_36] : memref<16384xf32, #tpu.memory_space<hbm>> -> memref<2048xf32, #tpu.memory_space<hbm>>
      %dma_start3A_107 = tpu.memref_slice %arg3[%mul3A_36] : memref<16384xf32, #tpu.memory_space<hbm>> -> memref<2048xf32, #tpu.memory_space<hbm>>
      tpu.enqueue_dma source(%dma_start3A_107 : memref<2048xf32, #tpu.memory_space<hbm>>) target(%arg10 : memref<2048xf32, #tpu.memory_space<vmem>>) target_semaphore(%run_scoped3A : memref<!tpu.dma_semaphore, #tpu.memory_space<semaphore_mem>>)
      %dma_wait3A = tpu.memref_slice %arg3[%mul3A_36] : memref<16384xf32, #tpu.memory_space<hbm>> -> memref<2048xf32, #tpu.memory_space<hbm>>
      %dma_wait3A_108 = tpu.memref_slice %arg3[%mul3A_36] : memref<16384xf32, #tpu.memory_space<hbm>> -> memref<2048xf32, #tpu.memory_space<hbm>>
      tpu.wait_dma2 semaphore(%run_scoped3A : memref<!tpu.dma_semaphore, #tpu.memory_space<semaphore_mem>>) src(%dma_wait3A_108 : memref<2048xf32, #tpu.memory_space<hbm>>) dst(%arg10 : memref<2048xf32, #tpu.memory_space<vmem>>)
      tpu.yield
    }) : () -> ()
    %mul3A_37 = arith.constant 2048 : i32
    %mul3A_38 = arith.muli %select_n3A, %mul3A_37 : i32
    "tpu.region"() ({
      %run_scoped3A = tpu.sem_alloc : memref<!tpu.dma_semaphore, #tpu.memory_space<semaphore_mem>>
      %dma_start3A = tpu.memref_slice %arg4[%mul3A_38] : memref<16384xf32, #tpu.memory_space<hbm>> -> memref<2048xf32, #tpu.memory_space<hbm>>
      %dma_start3A_107 = tpu.memref_slice %arg4[%mul3A_38] : memref<16384xf32, #tpu.memory_space<hbm>> -> memref<2048xf32, #tpu.memory_space<hbm>>
      tpu.enqueue_dma source(%dma_start3A_107 : memref<2048xf32, #tpu.memory_space<hbm>>) target(%arg11 : memref<2048xf32, #tpu.memory_space<vmem>>) target_semaphore(%run_scoped3A : memref<!tpu.dma_semaphore, #tpu.memory_space<semaphore_mem>>)
      %dma_wait3A = tpu.memref_slice %arg4[%mul3A_38] : memref<16384xf32, #tpu.memory_space<hbm>> -> memref<2048xf32, #tpu.memory_space<hbm>>
      %dma_wait3A_108 = tpu.memref_slice %arg4[%mul3A_38] : memref<16384xf32, #tpu.memory_space<hbm>> -> memref<2048xf32, #tpu.memory_space<hbm>>
      tpu.wait_dma2 semaphore(%run_scoped3A : memref<!tpu.dma_semaphore, #tpu.memory_space<semaphore_mem>>) src(%dma_wait3A_108 : memref<2048xf32, #tpu.memory_space<hbm>>) dst(%arg11 : memref<2048xf32, #tpu.memory_space<vmem>>)
      tpu.yield
    }) : () -> ()
    "tpu.region"() ({
      %run_scoped3A = tpu.sem_alloc : memref<!tpu.dma_semaphore, #tpu.memory_space<semaphore_mem>>
      tpu.enqueue_dma source(%arg5 : memref<48xf32, #tpu.memory_space<hbm>>) target(%arg21 : memref<48xf32, #tpu.memory_space<vmem>>) target_semaphore(%run_scoped3A : memref<!tpu.dma_semaphore, #tpu.memory_space<semaphore_mem>>)
      tpu.wait_dma2 semaphore(%run_scoped3A : memref<!tpu.dma_semaphore, #tpu.memory_space<semaphore_mem>>) src(%arg5 : memref<48xf32, #tpu.memory_space<hbm>>) dst(%arg21 : memref<48xf32, #tpu.memory_space<vmem>>)
      tpu.yield
    }) : () -> ()
    "tpu.region"() ({
      %run_scoped3A = tpu.sem_alloc : memref<!tpu.dma_semaphore, #tpu.memory_space<semaphore_mem>>
      tpu.enqueue_dma source(%arg6 : memref<16xf32, #tpu.memory_space<hbm>>) target(%arg22 : memref<16xf32, #tpu.memory_space<vmem>>) target_semaphore(%run_scoped3A : memref<!tpu.dma_semaphore, #tpu.memory_space<semaphore_mem>>)
      tpu.wait_dma2 semaphore(%run_scoped3A : memref<!tpu.dma_semaphore, #tpu.memory_space<semaphore_mem>>) src(%arg6 : memref<16xf32, #tpu.memory_space<hbm>>) dst(%arg22 : memref<16xf32, #tpu.memory_space<vmem>>)
      tpu.yield
    }) : () -> ()
    %scan3A = arith.constant 0 : i32
    %scan3A_39 = arith.constant 0 : i32
    %scan3A_40 = arith.constant 128 : i32
    %scan3A_41 = arith.addi %scan3A_39, %scan3A_40 : i32
    %scan3A_42 = arith.constant 1 : i32
    %scan3A_43 = scf.for %scan3A_107 = %scan3A_39 to %scan3A_41 step %scan3A_42 iter_args(%scan3A_108 = %scan3A) -> (i32)  : i32 {
      %mul3A_109 = arith.constant 16 : i32
      %mul3A_110 = arith.muli %scan3A_107, %mul3A_109 : i32
      %get3A_111 = arith.index_cast %mul3A_110 : i32 to index
      %get3A_112 = tpu.vector_load %arg9[%get3A_111] {strides = array<i32>} : memref<2048xf32, #tpu.memory_space<vmem>>, vector<16xf32>,
      %mul3A_113 = arith.constant 16 : i32
      %mul3A_114 = arith.muli %scan3A_107, %mul3A_113 : i32
      %get3A_115 = arith.index_cast %mul3A_114 : i32 to index
      %get3A_116 = tpu.vector_load %arg10[%get3A_115] {strides = array<i32>} : memref<2048xf32, #tpu.memory_space<vmem>>, vector<16xf32>,
      %mul3A_117 = arith.constant 16 : i32
      %mul3A_118 = arith.muli %scan3A_107, %mul3A_117 : i32
      %get3A_119 = arith.index_cast %mul3A_118 : i32 to index
      %get3A_120 = tpu.vector_load %arg11[%get3A_119] {strides = array<i32>} : memref<2048xf32, #tpu.memory_space<vmem>>, vector<16xf32>,
      %mul3A_121 = arith.mulf %get3A_112, %get3A_112 : vector<16xf32>
      %mul3A_122 = arith.mulf %get3A_116, %get3A_116 : vector<16xf32>
      %add3A_123 = arith.addf %mul3A_121, %mul3A_122 : vector<16xf32>
      %mul3A_124 = arith.mulf %get3A_120, %get3A_120 : vector<16xf32>
      %add3A_125 = arith.addf %add3A_123, %mul3A_124 : vector<16xf32>
      %mul3A_126 = arith.constant 16 : i32
      %mul3A_127 = arith.muli %scan3A_107, %mul3A_126 : i32
      %swap3A = arith.index_cast %mul3A_127 : i32 to index
      %swap3A_128 = tpu.vector_load %arg15[%swap3A] {strides = array<i32>} : memref<2048xf32, #tpu.memory_space<vmem>>, vector<16xf32>,
      tpu.vector_store %arg15[%swap3A], %add3A_125 {strides = array<i32>} : memref<2048xf32, #tpu.memory_space<vmem>>, vector<16xf32>,
      %bitcast3A_129 = vector.bitcast %get3A_112 : vector<16xf32> to vector<16xi32>
      %add3A_130 = arith.constant 32767 : i32
      %add3A_131 = vector.broadcast %add3A_130 : i32 to vector<16xi32>
      %add3A_132 = arith.addi %bitcast3A_129, %add3A_131 : vector<16xi32>
      %shift_right_logical3A_133 = arith.constant 16 : i32
      %shift_right_logical3A_134 = vector.broadcast %shift_right_logical3A_133 : i32 to vector<16xi32>
      %shift_right_logical3A_135 = arith.shrui %bitcast3A_129, %shift_right_logical3A_134 : vector<16xi32>
      %and3A_136 = arith.constant 1 : i32
      %and3A_137 = vector.broadcast %and3A_136 : i32 to vector<16xi32>
      %and3A_138 = arith.andi %shift_right_logical3A_135, %and3A_137 : vector<16xi32>
      %add3A_139 = arith.addi %add3A_132, %and3A_138 : vector<16xi32>
      %and3A_140 = arith.constant -65536 : i32
      %and3A_141 = vector.broadcast %and3A_140 : i32 to vector<16xi32>
      %and3A_142 = arith.andi %add3A_139, %and3A_141 : vector<16xi32>
      %bitcast3A_143 = vector.bitcast %and3A_142 : vector<16xi32> to vector<16xf32>
      %mul3A_144 = arith.constant 16 : i32
      %mul3A_145 = arith.muli %scan3A_107, %mul3A_144 : i32
      %swap3A_146 = arith.index_cast %mul3A_145 : i32 to index
      %swap3A_147 = tpu.vector_load %arg12[%swap3A_146] {strides = array<i32>} : memref<2048xf32, #tpu.memory_space<vmem>>, vector<16xf32>,
      tpu.vector_store %arg12[%swap3A_146], %bitcast3A_143 {strides = array<i32>} : memref<2048xf32, #tpu.memory_space<vmem>>, vector<16xf32>,
      %bitcast3A_148 = vector.bitcast %get3A_116 : vector<16xf32> to vector<16xi32>
      %add3A_149 = arith.constant 32767 : i32
      %add3A_150 = vector.broadcast %add3A_149 : i32 to vector<16xi32>
      %add3A_151 = arith.addi %bitcast3A_148, %add3A_150 : vector<16xi32>
      %shift_right_logical3A_152 = arith.constant 16 : i32
      %shift_right_logical3A_153 = vector.broadcast %shift_right_logical3A_152 : i32 to vector<16xi32>
      %shift_right_logical3A_154 = arith.shrui %bitcast3A_148, %shift_right_logical3A_153 : vector<16xi32>
      %and3A_155 = arith.constant 1 : i32
      %and3A_156 = vector.broadcast %and3A_155 : i32 to vector<16xi32>
      %and3A_157 = arith.andi %shift_right_logical3A_154, %and3A_156 : vector<16xi32>
      %add3A_158 = arith.addi %add3A_151, %and3A_157 : vector<16xi32>
      %and3A_159 = arith.constant -65536 : i32
      %and3A_160 = vector.broadcast %and3A_159 : i32 to vector<16xi32>
      %and3A_161 = arith.andi %add3A_158, %and3A_160 : vector<16xi32>
      %bitcast3A_162 = vector.bitcast %and3A_161 : vector<16xi32> to vector<16xf32>
      %mul3A_163 = arith.constant 16 : i32
      %mul3A_164 = arith.muli %scan3A_107, %mul3A_163 : i32
      %swap3A_165 = arith.index_cast %mul3A_164 : i32 to index
      %swap3A_166 = tpu.vector_load %arg13[%swap3A_165] {strides = array<i32>} : memref<2048xf32, #tpu.memory_space<vmem>>, vector<16xf32>,
      tpu.vector_store %arg13[%swap3A_165], %bitcast3A_162 {strides = array<i32>} : memref<2048xf32, #tpu.memory_space<vmem>>, vector<16xf32>,
      %bitcast3A_167 = vector.bitcast %get3A_120 : vector<16xf32> to vector<16xi32>
      %add3A_168 = arith.constant 32767 : i32
      %add3A_169 = vector.broadcast %add3A_168 : i32 to vector<16xi32>
      %add3A_170 = arith.addi %bitcast3A_167, %add3A_169 : vector<16xi32>
      %shift_right_logical3A_171 = arith.constant 16 : i32
      %shift_right_logical3A_172 = vector.broadcast %shift_right_logical3A_171 : i32 to vector<16xi32>
      %shift_right_logical3A_173 = arith.shrui %bitcast3A_167, %shift_right_logical3A_172 : vector<16xi32>
      %and3A_174 = arith.constant 1 : i32
      %and3A_175 = vector.broadcast %and3A_174 : i32 to vector<16xi32>
      %and3A_176 = arith.andi %shift_right_logical3A_173, %and3A_175 : vector<16xi32>
      %add3A_177 = arith.addi %add3A_170, %and3A_176 : vector<16xi32>
      %and3A_178 = arith.constant -65536 : i32
      %and3A_179 = vector.broadcast %and3A_178 : i32 to vector<16xi32>
      %and3A_180 = arith.andi %add3A_177, %and3A_179 : vector<16xi32>
      %bitcast3A_181 = vector.bitcast %and3A_180 : vector<16xi32> to vector<16xf32>
      %mul3A_182 = arith.constant 16 : i32
      %mul3A_183 = arith.muli %scan3A_107, %mul3A_182 : i32
      %swap3A_184 = arith.index_cast %mul3A_183 : i32 to index
      %swap3A_185 = tpu.vector_load %arg14[%swap3A_184] {strides = array<i32>} : memref<2048xf32, #tpu.memory_space<vmem>>, vector<16xf32>,
      tpu.vector_store %arg14[%swap3A_184], %bitcast3A_181 {strides = array<i32>} : memref<2048xf32, #tpu.memory_space<vmem>>, vector<16xf32>,
      %scan3A_186 = arith.constant 0 : i32
      scf.yield %scan3A_186 : i32
    }
    %scan3A_44 = arith.constant 128 : i32
    %get3A = arith.constant 0 : index
    %get3A_45 = tpu.vector_load %arg21[%get3A] {strides = array<i32>} : memref<48xf32, #tpu.memory_space<vmem>>, vector<16xf32>,
    %bitcast3A = vector.bitcast %get3A_45 : vector<16xf32> to vector<16xi32>
    %add3A_46 = arith.constant 32767 : i32
    %add3A_47 = vector.broadcast %add3A_46 : i32 to vector<16xi32>
    %add3A_48 = arith.addi %bitcast3A, %add3A_47 : vector<16xi32>
    %shift_right_logical3A = arith.constant 16 : i32
    %shift_right_logical3A_49 = vector.broadcast %shift_right_logical3A : i32 to vector<16xi32>
    %shift_right_logical3A_50 = arith.shrui %bitcast3A, %shift_right_logical3A_49 : vector<16xi32>
    %and3A_51 = arith.constant 1 : i32
    %and3A_52 = vector.broadcast %and3A_51 : i32 to vector<16xi32>
    %and3A_53 = arith.andi %shift_right_logical3A_50, %and3A_52 : vector<16xi32>
    %add3A_54 = arith.addi %add3A_48, %and3A_53 : vector<16xi32>
    %and3A_55 = arith.constant -65536 : i32
    %and3A_56 = vector.broadcast %and3A_55 : i32 to vector<16xi32>
    %and3A_57 = arith.andi %add3A_54, %and3A_56 : vector<16xi32>
    %bitcast3A_58 = vector.bitcast %and3A_57 : vector<16xi32> to vector<16xf32>
    %get3A_59 = arith.constant 16 : index
    %get3A_60 = tpu.vector_load %arg21[%get3A_59] {strides = array<i32>} : memref<48xf32, #tpu.memory_space<vmem>>, vector<16xf32>,
    %bitcast3A_61 = vector.bitcast %get3A_60 : vector<16xf32> to vector<16xi32>
    %add3A_62 = arith.constant 32767 : i32
    %add3A_63 = vector.broadcast %add3A_62 : i32 to vector<16xi32>
    %add3A_64 = arith.addi %bitcast3A_61, %add3A_63 : vector<16xi32>
    %shift_right_logical3A_65 = arith.constant 16 : i32
    %shift_right_logical3A_66 = vector.broadcast %shift_right_logical3A_65 : i32 to vector<16xi32>
    %shift_right_logical3A_67 = arith.shrui %bitcast3A_61, %shift_right_logical3A_66 : vector<16xi32>
    %and3A_68 = arith.constant 1 : i32
    %and3A_69 = vector.broadcast %and3A_68 : i32 to vector<16xi32>
    %and3A_70 = arith.andi %shift_right_logical3A_67, %and3A_69 : vector<16xi32>
    %add3A_71 = arith.addi %add3A_64, %and3A_70 : vector<16xi32>
    %and3A_72 = arith.constant -65536 : i32
    %and3A_73 = vector.broadcast %and3A_72 : i32 to vector<16xi32>
    %and3A_74 = arith.andi %add3A_71, %and3A_73 : vector<16xi32>
    %bitcast3A_75 = vector.bitcast %and3A_74 : vector<16xi32> to vector<16xf32>
    %get3A_76 = arith.constant 32 : index
    %get3A_77 = tpu.vector_load %arg21[%get3A_76] {strides = array<i32>} : memref<48xf32, #tpu.memory_space<vmem>>, vector<16xf32>,
    %bitcast3A_78 = vector.bitcast %get3A_77 : vector<16xf32> to vector<16xi32>
    %add3A_79 = arith.constant 32767 : i32
    %add3A_80 = vector.broadcast %add3A_79 : i32 to vector<16xi32>
    %add3A_81 = arith.addi %bitcast3A_78, %add3A_80 : vector<16xi32>
    %shift_right_logical3A_82 = arith.constant 16 : i32
    %shift_right_logical3A_83 = vector.broadcast %shift_right_logical3A_82 : i32 to vector<16xi32>
    %shift_right_logical3A_84 = arith.shrui %bitcast3A_78, %shift_right_logical3A_83 : vector<16xi32>
    %and3A_85 = arith.constant 1 : i32
    %and3A_86 = vector.broadcast %and3A_85 : i32 to vector<16xi32>
    %and3A_87 = arith.andi %shift_right_logical3A_84, %and3A_86 : vector<16xi32>
    %add3A_88 = arith.addi %add3A_81, %and3A_87 : vector<16xi32>
    %and3A_89 = arith.constant -65536 : i32
    %and3A_90 = vector.broadcast %and3A_89 : i32 to vector<16xi32>
    %and3A_91 = arith.andi %add3A_88, %and3A_90 : vector<16xi32>
    %bitcast3A_92 = vector.bitcast %and3A_91 : vector<16xi32> to vector<16xf32>
    %get3A_93 = arith.constant 0 : index
    %get3A_94 = tpu.vector_load %arg22[%get3A_93] {strides = array<i32>} : memref<16xf32, #tpu.memory_space<vmem>>, vector<16xf32>,
    %iota3A = tpu.iota {dimensions = array<i32: 0>} : vector<16xi32>
    %broadcast_in_dim3A = arith.constant 0xFF800000 : f32
    %broadcast_in_dim3A_95 = vector.broadcast %broadcast_in_dim3A : f32 to vector<16xf32>
    %broadcast_in_dim3A_96 = arith.constant 0 : i32
    %broadcast_in_dim3A_97 = vector.broadcast %broadcast_in_dim3A_96 : i32 to vector<16xi32>
    %mul3A_98 = arith.constant 2048 : i32
    %mul3A_99 = arith.muli %select_n3A, %mul3A_98 : i32
    %scan3A_100 = arith.constant 0 : i32
    %scan3A_101 = arith.constant 0 : i32
    %scan3A_102 = arith.constant 32 : i32
    %scan3A_103 = arith.addi %scan3A_101, %scan3A_102 : i32
    %scan3A_104 = arith.constant 1 : i32
    %scan3A_105 = scf.for %scan3A_107 = %scan3A_101 to %scan3A_103 step %scan3A_104 iter_args(%scan3A_108 = %scan3A_100) -> (i32)  : i32 {
      %scan3A_109 = arith.constant 0 : i32
      %scan3A_110 = arith.constant 0 : i32
      %scan3A_111 = arith.constant 16 : i32
      %scan3A_112 = arith.addi %scan3A_110, %scan3A_111 : i32
      %scan3A_113 = arith.constant 1 : i32
      %scan3A_114 = scf.for %scan3A_128 = %scan3A_110 to %scan3A_112 step %scan3A_113 iter_args(%scan3A_129 = %scan3A_109) -> (i32)  : i32 {
        %mul3A_130 = arith.constant 16 : i32
        %mul3A_131 = arith.muli %scan3A_107, %mul3A_130 : i32
        %add3A_132 = arith.addi %mul3A_131, %scan3A_128 : i32
        %add3A_133 = arith.addi %mul3A_32, %add3A_132 : i32
        %broadcast_in_dim3A_134 = vector.broadcast %add3A_133 : i32 to vector<16xi32>
        %gather3A = tpu.vector_load_idx %arg12[%broadcast_in_dim3A_134] : memref<2048xf32, #tpu.memory_space<vmem>>[vector<16xi32>], vector<16xf32>,
        %gather3A_135 = tpu.vector_load_idx %arg13[%broadcast_in_dim3A_134] : memref<2048xf32, #tpu.memory_space<vmem>>[vector<16xi32>], vector<16xf32>,
        %gather3A_136 = tpu.vector_load_idx %arg14[%broadcast_in_dim3A_134] : memref<2048xf32, #tpu.memory_space<vmem>>[vector<16xi32>], vector<16xf32>,
        %get3A_137 = arith.constant 0 : index
        %get3A_138 = tpu.vector_load %arg12[%get3A_137] {strides = array<i32>} : memref<2048xf32, #tpu.memory_space<vmem>>, vector<16xf32>,
        %get3A_139 = arith.constant 0 : index
        %get3A_140 = tpu.vector_load %arg13[%get3A_139] {strides = array<i32>} : memref<2048xf32, #tpu.memory_space<vmem>>, vector<16xf32>,
        %get3A_141 = arith.constant 0 : index
        %get3A_142 = tpu.vector_load %arg14[%get3A_141] {strides = array<i32>} : memref<2048xf32, #tpu.memory_space<vmem>>, vector<16xf32>,
        %get3A_143 = arith.constant 0 : index
        %get3A_144 = tpu.vector_load %arg15[%get3A_143] {strides = array<i32>} : memref<2048xf32, #tpu.memory_space<vmem>>, vector<16xf32>,
        %mul3A_145 = arith.mulf %gather3A, %get3A_138 : vector<16xf32>
        %mul3A_146 = arith.mulf %gather3A_135, %get3A_140 : vector<16xf32>
        %add3A_147 = arith.addf %mul3A_145, %mul3A_146 : vector<16xf32>
        %mul3A_148 = arith.mulf %gather3A_136, %get3A_142 : vector<16xf32>
        %add3A_149 = arith.addf %add3A_147, %mul3A_148 : vector<16xf32>
        %add3A_150 = arith.addf %add3A_149, %add3A_149 : vector<16xf32>
        %sub3A_151 = arith.subf %add3A_150, %get3A_144 : vector<16xf32>
        %get3A_152 = arith.constant 16 : index
        %get3A_153 = tpu.vector_load %arg12[%get3A_152] {strides = array<i32>} : memref<2048xf32, #tpu.memory_space<vmem>>, vector<16xf32>,
        %get3A_154 = arith.constant 16 : index
        %get3A_155 = tpu.vector_load %arg13[%get3A_154] {strides = array<i32>} : memref<2048xf32, #tpu.memory_space<vmem>>, vector<16xf32>,
        %get3A_156 = arith.constant 16 : index
        %get3A_157 = tpu.vector_load %arg14[%get3A_156] {strides = array<i32>} : memref<2048xf32, #tpu.memory_space<vmem>>, vector<16xf32>,
        %get3A_158 = arith.constant 16 : index
        %get3A_159 = tpu.vector_load %arg15[%get3A_158] {strides = array<i32>} : memref<2048xf32, #tpu.memory_space<vmem>>, vector<16xf32>,
        %mul3A_160 = arith.mulf %gather3A, %get3A_153 : vector<16xf32>
        %mul3A_161 = arith.mulf %gather3A_135, %get3A_155 : vector<16xf32>
        %add3A_162 = arith.addf %mul3A_160, %mul3A_161 : vector<16xf32>
        %mul3A_163 = arith.mulf %gather3A_136, %get3A_157 : vector<16xf32>
        %add3A_164 = arith.addf %add3A_162, %mul3A_163 : vector<16xf32>
        %add3A_165 = arith.addf %add3A_164, %add3A_164 : vector<16xf32>
        %sub3A_166 = arith.subf %add3A_165, %get3A_159 : vector<16xf32>
        %masked_sort3A = arith.constant dense<true> : vector<16xi1>
        %masked_sort3A_167, %masked_sort3A_168, %masked_sort3A_169 = tpu.sort %sub3A_151, %iota3A masked %masked_sort3A {descending = true} : (vector<16xf32>, vector<16xi32>, vector<16xi1>) -> (vector<16xi1>, vector<16xf32>, vector<16xi32>)
        %add3A_170 = arith.constant 16 : i32
        %add3A_171 = vector.broadcast %add3A_170 : i32 to vector<16xi32>
        %add3A_172 = arith.addi %iota3A, %add3A_171 : vector<16xi32>
        %masked_sort3A_173 = arith.constant dense<true> : vector<16xi1>
        %masked_sort3A_174, %masked_sort3A_175, %masked_sort3A_176 = tpu.sort %sub3A_166, %add3A_172 masked %masked_sort3A_173 {descending = true} : (vector<16xf32>, vector<16xi32>, vector<16xi1>) -> (vector<16xi1>, vector<16xf32>, vector<16xi32>)
        %rev3A = arith.constant 15 : i32
        %rev3A_177 = vector.broadcast %rev3A : i32 to vector<16xi32>
        %rev3A_178 = tpu.iota {dimensions = array<i32: 0>} : vector<16xi32>
        %rev3A_179 = arith.subi %rev3A_177, %rev3A_178 : vector<16xi32>
        %rev3A_180 = tpu.dynamic_gather %masked_sort3A_175[%rev3A_179] in [0] : vector<16xf32>, vector<16xi32> -> vector<16xf32>
        %rev3A_181 = arith.constant 15 : i32
        %rev3A_182 = vector.broadcast %rev3A_181 : i32 to vector<16xi32>
        %rev3A_183 = tpu.iota {dimensions = array<i32: 0>} : vector<16xi32>
        %rev3A_184 = arith.subi %rev3A_182, %rev3A_183 : vector<16xi32>
        %rev3A_185 = tpu.dynamic_gather %masked_sort3A_176[%rev3A_184] in [0] : vector<16xi32>, vector<16xi32> -> vector<16xi32>
        %ge3A = arith.cmpf oge, %masked_sort3A_168, %rev3A_180 : vector<16xf32>
        %select_n3A_186 = arith.select %ge3A, %masked_sort3A_168, %rev3A_180 : vector<16xi1>, vector<16xf32>
        %select_n3A_187 = arith.select %ge3A, %masked_sort3A_169, %rev3A_185 : vector<16xi1>, vector<16xi32>
        %select_n3A_188 = arith.select %ge3A, %rev3A_180, %masked_sort3A_168 : vector<16xi1>, vector<16xf32>
        %select_n3A_189 = arith.select %ge3A, %rev3A_185, %masked_sort3A_169 : vector<16xi1>, vector<16xi32>
        %masked_sort3A_190 = arith.constant dense<true> : vector<16xi1>
        %masked_sort3A_191, %masked_sort3A_192, %masked_sort3A_193 = tpu.sort %select_n3A_186, %select_n3A_187 masked %masked_sort3A_190 {descending = true} : (vector<16xf32>, vector<16xi32>, vector<16xi1>) -> (vector<16xi1>, vector<16xf32>, vector<16xi32>)
        %masked_sort3A_194 = arith.constant dense<true> : vector<16xi1>
        %masked_sort3A_195, %masked_sort3A_196, %masked_sort3A_197 = tpu.sort %select_n3A_188, %select_n3A_189 masked %masked_sort3A_194 {descending = true} : (vector<16xf32>, vector<16xi32>, vector<16xi1>) -> (vector<16xi1>, vector<16xf32>, vector<16xi32>)
        %swap3A = arith.constant 0 : index
        %swap3A_198 = tpu.vector_load %arg16[%swap3A] {strides = array<i32>} : memref<224xf32, #tpu.memory_space<vmem>>, vector<16xf32>,
        tpu.vector_store %arg16[%swap3A], %masked_sort3A_192 {strides = array<i32>} : memref<224xf32, #tpu.memory_space<vmem>>, vector<16xf32>,
        %swap3A_199 = arith.constant 0 : index
        %swap3A_200 = tpu.vector_load %arg17[%swap3A_199] {strides = array<i32>} : memref<224xi32, #tpu.memory_space<vmem>>, vector<16xi32>,
        tpu.vector_store %arg17[%swap3A_199], %masked_sort3A_193 {strides = array<i32>} : memref<224xi32, #tpu.memory_space<vmem>>, vector<16xi32>,
        %swap3A_201 = arith.constant 16 : index
        %swap3A_202 = tpu.vector_load %arg16[%swap3A_201] {strides = array<i32>} : memref<224xf32, #tpu.memory_space<vmem>>, vector<16xf32>,
        tpu.vector_store %arg16[%swap3A_201], %masked_sort3A_196 {strides = array<i32>} : memref<224xf32, #tpu.memory_space<vmem>>, vector<16xf32>,
        %swap3A_203 = arith.constant 16 : index
        %swap3A_204 = tpu.vector_load %arg17[%swap3A_203] {strides = array<i32>} : memref<224xi32, #tpu.memory_space<vmem>>, vector<16xi32>,
        tpu.vector_store %arg17[%swap3A_203], %masked_sort3A_197 {strides = array<i32>} : memref<224xi32, #tpu.memory_space<vmem>>, vector<16xi32>,
        %swap3A_205 = arith.constant 32 : index
        %swap3A_206 = tpu.vector_load %arg16[%swap3A_205] {strides = array<i32>} : memref<224xf32, #tpu.memory_space<vmem>>, vector<16xf32>,
        tpu.vector_store %arg16[%swap3A_205], %broadcast_in_dim3A_95 {strides = array<i32>} : memref<224xf32, #tpu.memory_space<vmem>>, vector<16xf32>,
        %swap3A_207 = arith.constant 32 : index
        %swap3A_208 = tpu.vector_load %arg17[%swap3A_207] {strides = array<i32>} : memref<224xi32, #tpu.memory_space<vmem>>, vector<16xi32>,
        tpu.vector_store %arg17[%swap3A_207], %broadcast_in_dim3A_97 {strides = array<i32>} : memref<224xi32, #tpu.memory_space<vmem>>, vector<16xi32>,
        %swap3A_209 = arith.constant 48 : index
        %swap3A_210 = tpu.vector_load %arg16[%swap3A_209] {strides = array<i32>} : memref<224xf32, #tpu.memory_space<vmem>>, vector<16xf32>,
        tpu.vector_store %arg16[%swap3A_209], %broadcast_in_dim3A_95 {strides = array<i32>} : memref<224xf32, #tpu.memory_space<vmem>>, vector<16xf32>,
        %swap3A_211 = arith.constant 48 : index
        %swap3A_212 = tpu.vector_load %arg17[%swap3A_211] {strides = array<i32>} : memref<224xi32, #tpu.memory_space<vmem>>, vector<16xi32>,
        tpu.vector_store %arg17[%swap3A_211], %broadcast_in_dim3A_97 {strides = array<i32>} : memref<224xi32, #tpu.memory_space<vmem>>, vector<16xi32>,
        %swap3A_213 = arith.constant 64 : index
        %swap3A_214 = tpu.vector_load %arg16[%swap3A_213] {strides = array<i32>} : memref<224xf32, #tpu.memory_space<vmem>>, vector<16xf32>,
        tpu.vector_store %arg16[%swap3A_213], %broadcast_in_dim3A_95 {strides = array<i32>} : memref<224xf32, #tpu.memory_space<vmem>>, vector<16xf32>,
        %swap3A_215 = arith.constant 64 : index
        %swap3A_216 = tpu.vector_load %arg17[%swap3A_215] {strides = array<i32>} : memref<224xi32, #tpu.memory_space<vmem>>, vector<16xi32>,
        tpu.vector_store %arg17[%swap3A_215], %broadcast_in_dim3A_97 {strides = array<i32>} : memref<224xi32, #tpu.memory_space<vmem>>, vector<16xi32>,
        %swap3A_217 = arith.constant 80 : index
        %swap3A_218 = tpu.vector_load %arg16[%swap3A_217] {strides = array<i32>} : memref<224xf32, #tpu.memory_space<vmem>>, vector<16xf32>,
        tpu.vector_store %arg16[%swap3A_217], %broadcast_in_dim3A_95 {strides = array<i32>} : memref<224xf32, #tpu.memory_space<vmem>>, vector<16xf32>,
        %swap3A_219 = arith.constant 80 : index
        %swap3A_220 = tpu.vector_load %arg17[%swap3A_219] {strides = array<i32>} : memref<224xi32, #tpu.memory_space<vmem>>, vector<16xi32>,
        tpu.vector_store %arg17[%swap3A_219], %broadcast_in_dim3A_97 {strides = array<i32>} : memref<224xi32, #tpu.memory_space<vmem>>, vector<16xi32>,
        %swap3A_221 = arith.constant 96 : index
        %swap3A_222 = tpu.vector_load %arg16[%swap3A_221] {strides = array<i32>} : memref<224xf32, #tpu.memory_space<vmem>>, vector<16xf32>,
        tpu.vector_store %arg16[%swap3A_221], %broadcast_in_dim3A_95 {strides = array<i32>} : memref<224xf32, #tpu.memory_space<vmem>>, vector<16xf32>,
        %swap3A_223 = arith.constant 96 : index
        %swap3A_224 = tpu.vector_load %arg17[%swap3A_223] {strides = array<i32>} : memref<224xi32, #tpu.memory_space<vmem>>, vector<16xi32>,
        tpu.vector_store %arg17[%swap3A_223], %broadcast_in_dim3A_97 {strides = array<i32>} : memref<224xi32, #tpu.memory_space<vmem>>, vector<16xi32>,
        %swap3A_225 = arith.constant 112 : index
        %swap3A_226 = tpu.vector_load %arg16[%swap3A_225] {strides = array<i32>} : memref<224xf32, #tpu.memory_space<vmem>>, vector<16xf32>,
        tpu.vector_store %arg16[%swap3A_225], %broadcast_in_dim3A_95 {strides = array<i32>} : memref<224xf32, #tpu.memory_space<vmem>>, vector<16xf32>,
        %swap3A_227 = arith.constant 112 : index
        %swap3A_228 = tpu.vector_load %arg17[%swap3A_227] {strides = array<i32>} : memref<224xi32, #tpu.memory_space<vmem>>, vector<16xi32>,
        tpu.vector_store %arg17[%swap3A_227], %broadcast_in_dim3A_97 {strides = array<i32>} : memref<224xi32, #tpu.memory_space<vmem>>, vector<16xi32>,
        %swap3A_229 = arith.constant 128 : index
        %swap3A_230 = tpu.vector_load %arg16[%swap3A_229] {strides = array<i32>} : memref<224xf32, #tpu.memory_space<vmem>>, vector<16xf32>,
        tpu.vector_store %arg16[%swap3A_229], %broadcast_in_dim3A_95 {strides = array<i32>} : memref<224xf32, #tpu.memory_space<vmem>>, vector<16xf32>,
        %swap3A_231 = arith.constant 128 : index
        %swap3A_232 = tpu.vector_load %arg17[%swap3A_231] {strides = array<i32>} : memref<224xi32, #tpu.memory_space<vmem>>, vector<16xi32>,
        tpu.vector_store %arg17[%swap3A_231], %broadcast_in_dim3A_97 {strides = array<i32>} : memref<224xi32, #tpu.memory_space<vmem>>, vector<16xi32>,
        %swap3A_233 = arith.constant 144 : index
        %swap3A_234 = tpu.vector_load %arg16[%swap3A_233] {strides = array<i32>} : memref<224xf32, #tpu.memory_space<vmem>>, vector<16xf32>,
        tpu.vector_store %arg16[%swap3A_233], %broadcast_in_dim3A_95 {strides = array<i32>} : memref<224xf32, #tpu.memory_space<vmem>>, vector<16xf32>,
        %swap3A_235 = arith.constant 144 : index
        %swap3A_236 = tpu.vector_load %arg17[%swap3A_235] {strides = array<i32>} : memref<224xi32, #tpu.memory_space<vmem>>, vector<16xi32>,
        tpu.vector_store %arg17[%swap3A_235], %broadcast_in_dim3A_97 {strides = array<i32>} : memref<224xi32, #tpu.memory_space<vmem>>, vector<16xi32>,
        %swap3A_237 = arith.constant 160 : index
        %swap3A_238 = tpu.vector_load %arg16[%swap3A_237] {strides = array<i32>} : memref<224xf32, #tpu.memory_space<vmem>>, vector<16xf32>,
        tpu.vector_store %arg16[%swap3A_237], %broadcast_in_dim3A_95 {strides = array<i32>} : memref<224xf32, #tpu.memory_space<vmem>>, vector<16xf32>,
        %swap3A_239 = arith.constant 160 : index
        %swap3A_240 = tpu.vector_load %arg17[%swap3A_239] {strides = array<i32>} : memref<224xi32, #tpu.memory_space<vmem>>, vector<16xi32>,
        tpu.vector_store %arg17[%swap3A_239], %broadcast_in_dim3A_97 {strides = array<i32>} : memref<224xi32, #tpu.memory_space<vmem>>, vector<16xi32>,
        %swap3A_241 = arith.constant 176 : index
        %swap3A_242 = tpu.vector_load %arg16[%swap3A_241] {strides = array<i32>} : memref<224xf32, #tpu.memory_space<vmem>>, vector<16xf32>,
        tpu.vector_store %arg16[%swap3A_241], %broadcast_in_dim3A_95 {strides = array<i32>} : memref<224xf32, #tpu.memory_space<vmem>>, vector<16xf32>,
        %swap3A_243 = arith.constant 176 : index
        %swap3A_244 = tpu.vector_load %arg17[%swap3A_243] {strides = array<i32>} : memref<224xi32, #tpu.memory_space<vmem>>, vector<16xi32>,
        tpu.vector_store %arg17[%swap3A_243], %broadcast_in_dim3A_97 {strides = array<i32>} : memref<224xi32, #tpu.memory_space<vmem>>, vector<16xi32>,
        %swap3A_245 = arith.constant 192 : index
        %swap3A_246 = tpu.vector_load %arg16[%swap3A_245] {strides = array<i32>} : memref<224xf32, #tpu.memory_space<vmem>>, vector<16xf32>,
        tpu.vector_store %arg16[%swap3A_245], %broadcast_in_dim3A_95 {strides = array<i32>} : memref<224xf32, #tpu.memory_space<vmem>>, vector<16xf32>,
        %swap3A_247 = arith.constant 192 : index
        %swap3A_248 = tpu.vector_load %arg17[%swap3A_247] {strides = array<i32>} : memref<224xi32, #tpu.memory_space<vmem>>, vector<16xi32>,
        tpu.vector_store %arg17[%swap3A_247], %broadcast_in_dim3A_97 {strides = array<i32>} : memref<224xi32, #tpu.memory_space<vmem>>, vector<16xi32>,
        %swap3A_249 = arith.constant 208 : index
        %swap3A_250 = tpu.vector_load %arg16[%swap3A_249] {strides = array<i32>} : memref<224xf32, #tpu.memory_space<vmem>>, vector<16xf32>,
        tpu.vector_store %arg16[%swap3A_249], %broadcast_in_dim3A_95 {strides = array<i32>} : memref<224xf32, #tpu.memory_space<vmem>>, vector<16xf32>,
        %swap3A_251 = arith.constant 208 : index
        %swap3A_252 = tpu.vector_load %arg17[%swap3A_251] {strides = array<i32>} : memref<224xi32, #tpu.memory_space<vmem>>, vector<16xi32>,
        tpu.vector_store %arg17[%swap3A_251], %broadcast_in_dim3A_97 {strides = array<i32>} : memref<224xi32, #tpu.memory_space<vmem>>, vector<16xi32>,
        %reduce_min3A = arith.constant true
        %reduce_min3A_253 = vector.broadcast %reduce_min3A : i1 to vector<16xi1>
        %reduce_min3A_254 = tpu.scan <min>, %masked_sort3A_196 masked %reduce_min3A_253 : vector<16xf32>, vector<16xi1> -> vector<16xf32>
        %reduce_min3A_255 = vector.extract %reduce_min3A_254[15] : f32 from vector<16xf32>
        %scan3A_256 = arith.constant 32 : i32
        %scan3A_257 = arith.constant 0 : i32
        %scan3A_258 = arith.constant 31 : i32
        %scan3A_259 = arith.addi %scan3A_257, %scan3A_258 : i32
        %scan3A_260 = arith.constant 1 : i32
        %scan3A_261:2 = scf.for %scan3A_2435 = %scan3A_257 to %scan3A_259 step %scan3A_260 iter_args(%scan3A_2436 = %scan3A_256, %scan3A_2437 = %reduce_min3A_255) -> (i32, f32)  : i32 {
          %mul3A_2438 = arith.constant 4 : i32
          %mul3A_2439 = arith.muli %scan3A_2435, %mul3A_2438 : i32
          %add3A_2440 = arith.constant 2 : i32
          %add3A_2441 = arith.addi %add3A_2440, %mul3A_2439 : i32
          %add3A_2442 = arith.constant 0 : i32
          %add3A_2443 = arith.addi %add3A_2441, %add3A_2442 : i32
          %mul3A_2444 = arith.constant 16 : i32
          %mul3A_2445 = arith.muli %add3A_2443, %mul3A_2444 : i32
          %get3A_2446 = arith.index_cast %mul3A_2445 : i32 to index
          %get3A_2447 = tpu.vector_load %arg12[%get3A_2446] {strides = array<i32>} : memref<2048xf32, #tpu.memory_space<vmem>>, vector<16xf32>,
          %mul3A_2448 = arith.constant 16 : i32
          %mul3A_2449 = arith.muli %add3A_2443, %mul3A_2448 : i32
          %get3A_2450 = arith.index_cast %mul3A_2449 : i32 to index
          %get3A_2451 = tpu.vector_load %arg13[%get3A_2450] {strides = array<i32>} : memref<2048xf32, #tpu.memory_space<vmem>>, vector<16xf32>,
          %mul3A_2452 = arith.constant 16 : i32
          %mul3A_2453 = arith.muli %add3A_2443, %mul3A_2452 : i32
          %get3A_2454 = arith.index_cast %mul3A_2453 : i32 to index
          %get3A_2455 = tpu.vector_load %arg14[%get3A_2454] {strides = array<i32>} : memref<2048xf32, #tpu.memory_space<vmem>>, vector<16xf32>,
          %mul3A_2456 = arith.constant 16 : i32
          %mul3A_2457 = arith.muli %add3A_2443, %mul3A_2456 : i32
          %get3A_2458 = arith.index_cast %mul3A_2457 : i32 to index
          %get3A_2459 = tpu.vector_load %arg15[%get3A_2458] {strides = array<i32>} : memref<2048xf32, #tpu.memory_space<vmem>>, vector<16xf32>,
          %mul3A_2460 = arith.mulf %gather3A, %get3A_2447 : vector<16xf32>
          %mul3A_2461 = arith.mulf %gather3A_135, %get3A_2451 : vector<16xf32>
          %add3A_2462 = arith.addf %mul3A_2460, %mul3A_2461 : vector<16xf32>
          %mul3A_2463 = arith.mulf %gather3A_136, %get3A_2455 : vector<16xf32>
          %add3A_2464 = arith.addf %add3A_2462, %mul3A_2463 : vector<16xf32>
          %add3A_2465 = arith.addf %add3A_2464, %add3A_2464 : vector<16xf32>
          %sub3A_2466 = arith.subf %add3A_2465, %get3A_2459 : vector<16xf32>
          %gt3A_2467 = vector.broadcast %scan3A_2437 : f32 to vector<16xf32>
          %gt3A_2468 = arith.cmpf ogt, %sub3A_2466, %gt3A_2467 : vector<16xf32>
          %swap3A_2469 = arith.index_cast %scan3A_2436 : i32 to index
          %swap3A_2470 = tpu.vector_load %arg16[%swap3A_2469] masked %gt3A_2468 {strides = array<i32>} : memref<224xf32, #tpu.memory_space<vmem>>, vector<16xf32>, vector<16xi1>
          tpu.vector_store %arg16[%swap3A_2469], %sub3A_2466 masked %gt3A_2468 {strides = array<i32>} : memref<224xf32, #tpu.memory_space<vmem>>, vector<16xf32>, vector<16xi1>
          %mul3A_2471 = arith.constant 16 : i32
          %mul3A_2472 = arith.muli %add3A_2443, %mul3A_2471 : i32
          %add3A_2473 = vector.broadcast %mul3A_2472 : i32 to vector<16xi32>
          %add3A_2474 = arith.addi %iota3A, %add3A_2473 : vector<16xi32>
          %swap3A_2475 = arith.index_cast %scan3A_2436 : i32 to index
          %swap3A_2476 = tpu.vector_load %arg17[%swap3A_2475] masked %gt3A_2468 {strides = array<i32>} : memref<224xi32, #tpu.memory_space<vmem>>, vector<16xi32>, vector<16xi1>
          tpu.vector_store %arg17[%swap3A_2475], %add3A_2474 masked %gt3A_2468 {strides = array<i32>} : memref<224xi32, #tpu.memory_space<vmem>>, vector<16xi32>, vector<16xi1>
          %all_reduce_population_count3A_2477 = tpu.all_reduce %gt3A_2468 {dim = 0 : i64, kind = #tpu.reduction_kind<sum>} : vector<16xi1> -> vector<16xi32>
          %slice3A_2478 = vector.extract_strided_slice %all_reduce_population_count3A_2477 {offsets = [0], sizes = [1], strides = [1]} : vector<16xi32> to vector<1xi32>
          %squeeze3A_2479 = vector.extract %slice3A_2478[0] : i32 from vector<1xi32>
          %add3A_2480 = arith.addi %scan3A_2436, %squeeze3A_2479 : i32
          %add3A_2481 = arith.constant 1 : i32
          %add3A_2482 = arith.addi %add3A_2441, %add3A_2481 : i32
          %mul3A_2483 = arith.constant 16 : i32
          %mul3A_2484 = arith.muli %add3A_2482, %mul3A_2483 : i32
          %get3A_2485 = arith.index_cast %mul3A_2484 : i32 to index
          %get3A_2486 = tpu.vector_load %arg12[%get3A_2485] {strides = array<i32>} : memref<2048xf32, #tpu.memory_space<vmem>>, vector<16xf32>,
          %mul3A_2487 = arith.constant 16 : i32
          %mul3A_2488 = arith.muli %add3A_2482, %mul3A_2487 : i32
          %get3A_2489 = arith.index_cast %mul3A_2488 : i32 to index
          %get3A_2490 = tpu.vector_load %arg13[%get3A_2489] {strides = array<i32>} : memref<2048xf32, #tpu.memory_space<vmem>>, vector<16xf32>,
          %mul3A_2491 = arith.constant 16 : i32
          %mul3A_2492 = arith.muli %add3A_2482, %mul3A_2491 : i32
          %get3A_2493 = arith.index_cast %mul3A_2492 : i32 to index
          %get3A_2494 = tpu.vector_load %arg14[%get3A_2493] {strides = array<i32>} : memref<2048xf32, #tpu.memory_space<vmem>>, vector<16xf32>,
          %mul3A_2495 = arith.constant 16 : i32
          %mul3A_2496 = arith.muli %add3A_2482, %mul3A_2495 : i32
          %get3A_2497 = arith.index_cast %mul3A_2496 : i32 to index
          %get3A_2498 = tpu.vector_load %arg15[%get3A_2497] {strides = array<i32>} : memref<2048xf32, #tpu.memory_space<vmem>>, vector<16xf32>,
          %mul3A_2499 = arith.mulf %gather3A, %get3A_2486 : vector<16xf32>
          %mul3A_2500 = arith.mulf %gather3A_135, %get3A_2490 : vector<16xf32>
          %add3A_2501 = arith.addf %mul3A_2499, %mul3A_2500 : vector<16xf32>
          %mul3A_2502 = arith.mulf %gather3A_136, %get3A_2494 : vector<16xf32>
          %add3A_2503 = arith.addf %add3A_2501, %mul3A_2502 : vector<16xf32>
          %add3A_2504 = arith.addf %add3A_2503, %add3A_2503 : vector<16xf32>
          %sub3A_2505 = arith.subf %add3A_2504, %get3A_2498 : vector<16xf32>
          %gt3A_2506 = vector.broadcast %scan3A_2437 : f32 to vector<16xf32>
          %gt3A_2507 = arith.cmpf ogt, %sub3A_2505, %gt3A_2506 : vector<16xf32>
          %swap3A_2508 = arith.index_cast %add3A_2480 : i32 to index
          %swap3A_2509 = tpu.vector_load %arg16[%swap3A_2508] masked %gt3A_2507 {strides = array<i32>} : memref<224xf32, #tpu.memory_space<vmem>>, vector<16xf32>, vector<16xi1>
          tpu.vector_store %arg16[%swap3A_2508], %sub3A_2505 masked %gt3A_2507 {strides = array<i32>} : memref<224xf32, #tpu.memory_space<vmem>>, vector<16xf32>, vector<16xi1>
          %mul3A_2510 = arith.constant 16 : i32
          %mul3A_2511 = arith.muli %add3A_2482, %mul3A_2510 : i32
          %add3A_2512 = vector.broadcast %mul3A_2511 : i32 to vector<16xi32>
          %add3A_2513 = arith.addi %iota3A, %add3A_2512 : vector<16xi32>
          %swap3A_2514 = arith.index_cast %add3A_2480 : i32 to index
          %swap3A_2515 = tpu.vector_load %arg17[%swap3A_2514] masked %gt3A_2507 {strides = array<i32>} : memref<224xi32, #tpu.memory_space<vmem>>, vector<16xi32>, vector<16xi1>
          tpu.vector_store %arg17[%swap3A_2514], %add3A_2513 masked %gt3A_2507 {strides = array<i32>} : memref<224xi32, #tpu.memory_space<vmem>>, vector<16xi32>, vector<16xi1>
          %all_reduce_population_count3A_2516 = tpu.all_reduce %gt3A_2507 {dim = 0 : i64, kind = #tpu.reduction_kind<sum>} : vector<16xi1> -> vector<16xi32>
          %slice3A_2517 = vector.extract_strided_slice %all_reduce_population_count3A_2516 {offsets = [0], sizes = [1], strides = [1]} : vector<16xi32> to vector<1xi32>
          %squeeze3A_2518 = vector.extract %slice3A_2517[0] : i32 from vector<1xi32>
          %add3A_2519 = arith.addi %add3A_2480, %squeeze3A_2518 : i32
          %add3A_2520 = arith.constant 2 : i32
          %add3A_2521 = arith.addi %add3A_2441, %add3A_2520 : i32
          %mul3A_2522 = arith.constant 16 : i32
          %mul3A_2523 = arith.muli %add3A_2521, %mul3A_2522 : i32
          %get3A_2524 = arith.index_cast %mul3A_2523 : i32 to index
          %get3A_2525 = tpu.vector_load %arg12[%get3A_2524] {strides = array<i32>} : memref<2048xf32, #tpu.memory_space<vmem>>, vector<16xf32>,
          %mul3A_2526 = arith.constant 16 : i32
          %mul3A_2527 = arith.muli %add3A_2521, %mul3A_2526 : i32
          %get3A_2528 = arith.index_cast %mul3A_2527 : i32 to index
          %get3A_2529 = tpu.vector_load %arg13[%get3A_2528] {strides = array<i32>} : memref<2048xf32, #tpu.memory_space<vmem>>, vector<16xf32>,
          %mul3A_2530 = arith.constant 16 : i32
          %mul3A_2531 = arith.muli %add3A_2521, %mul3A_2530 : i32
          %get3A_2532 = arith.index_cast %mul3A_2531 : i32 to index
          %get3A_2533 = tpu.vector_load %arg14[%get3A_2532] {strides = array<i32>} : memref<2048xf32, #tpu.memory_space<vmem>>, vector<16xf32>,
          %mul3A_2534 = arith.constant 16 : i32
          %mul3A_2535 = arith.muli %add3A_2521, %mul3A_2534 : i32
          %get3A_2536 = arith.index_cast %mul3A_2535 : i32 to index
          %get3A_2537 = tpu.vector_load %arg15[%get3A_2536] {strides = array<i32>} : memref<2048xf32, #tpu.memory_space<vmem>>, vector<16xf32>,
          %mul3A_2538 = arith.mulf %gather3A, %get3A_2525 : vector<16xf32>
          %mul3A_2539 = arith.mulf %gather3A_135, %get3A_2529 : vector<16xf32>
          %add3A_2540 = arith.addf %mul3A_2538, %mul3A_2539 : vector<16xf32>
          %mul3A_2541 = arith.mulf %gather3A_136, %get3A_2533 : vector<16xf32>
          %add3A_2542 = arith.addf %add3A_2540, %mul3A_2541 : vector<16xf32>
          %add3A_2543 = arith.addf %add3A_2542, %add3A_2542 : vector<16xf32>
          %sub3A_2544 = arith.subf %add3A_2543, %get3A_2537 : vector<16xf32>
          %gt3A_2545 = vector.broadcast %scan3A_2437 : f32 to vector<16xf32>
          %gt3A_2546 = arith.cmpf ogt, %sub3A_2544, %gt3A_2545 : vector<16xf32>
          %swap3A_2547 = arith.index_cast %add3A_2519 : i32 to index
          %swap3A_2548 = tpu.vector_load %arg16[%swap3A_2547] masked %gt3A_2546 {strides = array<i32>} : memref<224xf32, #tpu.memory_space<vmem>>, vector<16xf32>, vector<16xi1>
          tpu.vector_store %arg16[%swap3A_2547], %sub3A_2544 masked %gt3A_2546 {strides = array<i32>} : memref<224xf32, #tpu.memory_space<vmem>>, vector<16xf32>, vector<16xi1>
          %mul3A_2549 = arith.constant 16 : i32
          %mul3A_2550 = arith.muli %add3A_2521, %mul3A_2549 : i32
          %add3A_2551 = vector.broadcast %mul3A_2550 : i32 to vector<16xi32>
          %add3A_2552 = arith.addi %iota3A, %add3A_2551 : vector<16xi32>
          %swap3A_2553 = arith.index_cast %add3A_2519 : i32 to index
          %swap3A_2554 = tpu.vector_load %arg17[%swap3A_2553] masked %gt3A_2546 {strides = array<i32>} : memref<224xi32, #tpu.memory_space<vmem>>, vector<16xi32>, vector<16xi1>
          tpu.vector_store %arg17[%swap3A_2553], %add3A_2552 masked %gt3A_2546 {strides = array<i32>} : memref<224xi32, #tpu.memory_space<vmem>>, vector<16xi32>, vector<16xi1>
          %all_reduce_population_count3A_2555 = tpu.all_reduce %gt3A_2546 {dim = 0 : i64, kind = #tpu.reduction_kind<sum>} : vector<16xi1> -> vector<16xi32>
          %slice3A_2556 = vector.extract_strided_slice %all_reduce_population_count3A_2555 {offsets = [0], sizes = [1], strides = [1]} : vector<16xi32> to vector<1xi32>
          %squeeze3A_2557 = vector.extract %slice3A_2556[0] : i32 from vector<1xi32>
          %add3A_2558 = arith.addi %add3A_2519, %squeeze3A_2557 : i32
          %add3A_2559 = arith.constant 3 : i32
          %add3A_2560 = arith.addi %add3A_2441, %add3A_2559 : i32
          %mul3A_2561 = arith.constant 16 : i32
          %mul3A_2562 = arith.muli %add3A_2560, %mul3A_2561 : i32
          %get3A_2563 = arith.index_cast %mul3A_2562 : i32 to index
          %get3A_2564 = tpu.vector_load %arg12[%get3A_2563] {strides = array<i32>} : memref<2048xf32, #tpu.memory_space<vmem>>, vector<16xf32>,
          %mul3A_2565 = arith.constant 16 : i32
          %mul3A_2566 = arith.muli %add3A_2560, %mul3A_2565 : i32
          %get3A_2567 = arith.index_cast %mul3A_2566 : i32 to index
          %get3A_2568 = tpu.vector_load %arg13[%get3A_2567] {strides = array<i32>} : memref<2048xf32, #tpu.memory_space<vmem>>, vector<16xf32>,
          %mul3A_2569 = arith.constant 16 : i32
          %mul3A_2570 = arith.muli %add3A_2560, %mul3A_2569 : i32
          %get3A_2571 = arith.index_cast %mul3A_2570 : i32 to index
          %get3A_2572 = tpu.vector_load %arg14[%get3A_2571] {strides = array<i32>} : memref<2048xf32, #tpu.memory_space<vmem>>, vector<16xf32>,
          %mul3A_2573 = arith.constant 16 : i32
          %mul3A_2574 = arith.muli %add3A_2560, %mul3A_2573 : i32
          %get3A_2575 = arith.index_cast %mul3A_2574 : i32 to index
          %get3A_2576 = tpu.vector_load %arg15[%get3A_2575] {strides = array<i32>} : memref<2048xf32, #tpu.memory_space<vmem>>, vector<16xf32>,
          %mul3A_2577 = arith.mulf %gather3A, %get3A_2564 : vector<16xf32>
          %mul3A_2578 = arith.mulf %gather3A_135, %get3A_2568 : vector<16xf32>
          %add3A_2579 = arith.addf %mul3A_2577, %mul3A_2578 : vector<16xf32>
          %mul3A_2580 = arith.mulf %gather3A_136, %get3A_2572 : vector<16xf32>
          %add3A_2581 = arith.addf %add3A_2579, %mul3A_2580 : vector<16xf32>
          %add3A_2582 = arith.addf %add3A_2581, %add3A_2581 : vector<16xf32>
          %sub3A_2583 = arith.subf %add3A_2582, %get3A_2576 : vector<16xf32>
          %gt3A_2584 = vector.broadcast %scan3A_2437 : f32 to vector<16xf32>
          %gt3A_2585 = arith.cmpf ogt, %sub3A_2583, %gt3A_2584 : vector<16xf32>
          %swap3A_2586 = arith.index_cast %add3A_2558 : i32 to index
          %swap3A_2587 = tpu.vector_load %arg16[%swap3A_2586] masked %gt3A_2585 {strides = array<i32>} : memref<224xf32, #tpu.memory_space<vmem>>, vector<16xf32>, vector<16xi1>
          tpu.vector_store %arg16[%swap3A_2586], %sub3A_2583 masked %gt3A_2585 {strides = array<i32>} : memref<224xf32, #tpu.memory_space<vmem>>, vector<16xf32>, vector<16xi1>
          %mul3A_2588 = arith.constant 16 : i32
          %mul3A_2589 = arith.muli %add3A_2560, %mul3A_2588 : i32
          %add3A_2590 = vector.broadcast %mul3A_2589 : i32 to vector<16xi32>
          %add3A_2591 = arith.addi %iota3A, %add3A_2590 : vector<16xi32>
          %swap3A_2592 = arith.index_cast %add3A_2558 : i32 to index
          %swap3A_2593 = tpu.vector_load %arg17[%swap3A_2592] masked %gt3A_2585 {strides = array<i32>} : memref<224xi32, #tpu.memory_space<vmem>>, vector<16xi32>, vector<16xi1>
          tpu.vector_store %arg17[%swap3A_2592], %add3A_2591 masked %gt3A_2585 {strides = array<i32>} : memref<224xi32, #tpu.memory_space<vmem>>, vector<16xi32>, vector<16xi1>
          %all_reduce_population_count3A_2594 = tpu.all_reduce %gt3A_2585 {dim = 0 : i64, kind = #tpu.reduction_kind<sum>} : vector<16xi1> -> vector<16xi32>
          %slice3A_2595 = vector.extract_strided_slice %all_reduce_population_count3A_2594 {offsets = [0], sizes = [1], strides = [1]} : vector<16xi32> to vector<1xi32>
          %squeeze3A_2596 = vector.extract %slice3A_2595[0] : i32 from vector<1xi32>
          %add3A_2597 = arith.addi %add3A_2558, %squeeze3A_2596 : i32
          %ge3A_2598 = arith.constant 160 : i32
          %ge3A_2599 = arith.cmpi sge, %add3A_2597, %ge3A_2598 : i32
          %convert_element_type3A = arith.extui %ge3A_2599 : i1 to i32
          %cond3A = arith.constant 0 : i32
          %cond3A_2600 = arith.cmpi ne, %convert_element_type3A, %cond3A : i32
          %cond3A_2601:2 = scf.if %cond3A_2600 -> (i32, f32) {
            %get3A_2602 = arith.constant 0 : index
            %get3A_2603 = tpu.vector_load %arg16[%get3A_2602] {strides = array<i32>} : memref<224xf32, #tpu.memory_space<vmem>>, vector<16xf32>,
            %get3A_2604 = arith.constant 0 : index
            %get3A_2605 = tpu.vector_load %arg17[%get3A_2604] {strides = array<i32>} : memref<224xi32, #tpu.memory_space<vmem>>, vector<16xi32>,
            %masked_sort3A_2606 = arith.constant dense<true> : vector<16xi1>
            %masked_sort3A_2607, %masked_sort3A_2608, %masked_sort3A_2609 = tpu.sort %get3A_2603, %get3A_2605 masked %masked_sort3A_2606 {descending = true} : (vector<16xf32>, vector<16xi32>, vector<16xi1>) -> (vector<16xi1>, vector<16xf32>, vector<16xi32>)
            %get3A_2610 = arith.constant 16 : index
            %get3A_2611 = tpu.vector_load %arg16[%get3A_2610] {strides = array<i32>} : memref<224xf32, #tpu.memory_space<vmem>>, vector<16xf32>,
            %get3A_2612 = arith.constant 16 : index
            %get3A_2613 = tpu.vector_load %arg17[%get3A_2612] {strides = array<i32>} : memref<224xi32, #tpu.memory_space<vmem>>, vector<16xi32>,
            %masked_sort3A_2614 = arith.constant dense<true> : vector<16xi1>
            %masked_sort3A_2615, %masked_sort3A_2616, %masked_sort3A_2617 = tpu.sort %get3A_2611, %get3A_2613 masked %masked_sort3A_2614 {descending = true} : (vector<16xf32>, vector<16xi32>, vector<16xi1>) -> (vector<16xi1>, vector<16xf32>, vector<16xi32>)
            %get3A_2618 = arith.constant 32 : index
            %get3A_2619 = tpu.vector_load %arg16[%get3A_2618] {strides = array<i32>} : memref<224xf32, #tpu.memory_space<vmem>>, vector<16xf32>,
            %get3A_2620 = arith.constant 32 : index
            %get3A_2621 = tpu.vector_load %arg17[%get3A_2620] {strides = array<i32>} : memref<224xi32, #tpu.memory_space<vmem>>, vector<16xi32>,
            %masked_sort3A_2622 = arith.constant dense<true> : vector<16xi1>
            %masked_sort3A_2623, %masked_sort3A_2624, %masked_sort3A_2625 = tpu.sort %get3A_2619, %get3A_2621 masked %masked_sort3A_2622 {descending = true} : (vector<16xf32>, vector<16xi32>, vector<16xi1>) -> (vector<16xi1>, vector<16xf32>, vector<16xi32>)
            %get3A_2626 = arith.constant 48 : index
            %get3A_2627 = tpu.vector_load %arg16[%get3A_2626] {strides = array<i32>} : memref<224xf32, #tpu.memory_space<vmem>>, vector<16xf32>,
            %get3A_2628 = arith.constant 48 : index
            %get3A_2629 = tpu.vector_load %arg17[%get3A_2628] {strides = array<i32>} : memref<224xi32, #tpu.memory_space<vmem>>, vector<16xi32>,
            %masked_sort3A_2630 = arith.constant dense<true> : vector<16xi1>
            %masked_sort3A_2631, %masked_sort3A_2632, %masked_sort3A_2633 = tpu.sort %get3A_2627, %get3A_2629 masked %masked_sort3A_2630 {descending = true} : (vector<16xf32>, vector<16xi32>, vector<16xi1>) -> (vector<16xi1>, vector<16xf32>, vector<16xi32>)
            %get3A_2634 = arith.constant 64 : index
            %get3A_2635 = tpu.vector_load %arg16[%get3A_2634] {strides = array<i32>} : memref<224xf32, #tpu.memory_space<vmem>>, vector<16xf32>,
            %get3A_2636 = arith.constant 64 : index
            %get3A_2637 = tpu.vector_load %arg17[%get3A_2636] {strides = array<i32>} : memref<224xi32, #tpu.memory_space<vmem>>, vector<16xi32>,
            %masked_sort3A_2638 = arith.constant dense<true> : vector<16xi1>
            %masked_sort3A_2639, %masked_sort3A_2640, %masked_sort3A_2641 = tpu.sort %get3A_2635, %get3A_2637 masked %masked_sort3A_2638 {descending = true} : (vector<16xf32>, vector<16xi32>, vector<16xi1>) -> (vector<16xi1>, vector<16xf32>, vector<16xi32>)
            %get3A_2642 = arith.constant 80 : index
            %get3A_2643 = tpu.vector_load %arg16[%get3A_2642] {strides = array<i32>} : memref<224xf32, #tpu.memory_space<vmem>>, vector<16xf32>,
            %get3A_2644 = arith.constant 80 : index
            %get3A_2645 = tpu.vector_load %arg17[%get3A_2644] {strides = array<i32>} : memref<224xi32, #tpu.memory_space<vmem>>, vector<16xi32>,
            %masked_sort3A_2646 = arith.constant dense<true> : vector<16xi1>
            %masked_sort3A_2647, %masked_sort3A_2648, %masked_sort3A_2649 = tpu.sort %get3A_2643, %get3A_2645 masked %masked_sort3A_2646 {descending = true} : (vector<16xf32>, vector<16xi32>, vector<16xi1>) -> (vector<16xi1>, vector<16xf32>, vector<16xi32>)
            %get3A_2650 = arith.constant 96 : index
            %get3A_2651 = tpu.vector_load %arg16[%get3A_2650] {strides = array<i32>} : memref<224xf32, #tpu.memory_space<vmem>>, vector<16xf32>,
            %get3A_2652 = arith.constant 96 : index
            %get3A_2653 = tpu.vector_load %arg17[%get3A_2652] {strides = array<i32>} : memref<224xi32, #tpu.memory_space<vmem>>, vector<16xi32>,
            %masked_sort3A_2654 = arith.constant dense<true> : vector<16xi1>
            %masked_sort3A_2655, %masked_sort3A_2656, %masked_sort3A_2657 = tpu.sort %get3A_2651, %get3A_2653 masked %masked_sort3A_2654 {descending = true} : (vector<16xf32>, vector<16xi32>, vector<16xi1>) -> (vector<16xi1>, vector<16xf32>, vector<16xi32>)
            %get3A_2658 = arith.constant 112 : index
            %get3A_2659 = tpu.vector_load %arg16[%get3A_2658] {strides = array<i32>} : memref<224xf32, #tpu.memory_space<vmem>>, vector<16xf32>,
            %get3A_2660 = arith.constant 112 : index
            %get3A_2661 = tpu.vector_load %arg17[%get3A_2660] {strides = array<i32>} : memref<224xi32, #tpu.memory_space<vmem>>, vector<16xi32>,
            %masked_sort3A_2662 = arith.constant dense<true> : vector<16xi1>
            %masked_sort3A_2663, %masked_sort3A_2664, %masked_sort3A_2665 = tpu.sort %get3A_2659, %get3A_2661 masked %masked_sort3A_2662 {descending = true} : (vector<16xf32>, vector<16xi32>, vector<16xi1>) -> (vector<16xi1>, vector<16xf32>, vector<16xi32>)
            %get3A_2666 = arith.constant 128 : index
            %get3A_2667 = tpu.vector_load %arg16[%get3A_2666] {strides = array<i32>} : memref<224xf32, #tpu.memory_space<vmem>>, vector<16xf32>,
            %get3A_2668 = arith.constant 128 : index
            %get3A_2669 = tpu.vector_load %arg17[%get3A_2668] {strides = array<i32>} : memref<224xi32, #tpu.memory_space<vmem>>, vector<16xi32>,
            %masked_sort3A_2670 = arith.constant dense<true> : vector<16xi1>
            %masked_sort3A_2671, %masked_sort3A_2672, %masked_sort3A_2673 = tpu.sort %get3A_2667, %get3A_2669 masked %masked_sort3A_2670 {descending = true} : (vector<16xf32>, vector<16xi32>, vector<16xi1>) -> (vector<16xi1>, vector<16xf32>, vector<16xi32>)
            %get3A_2674 = arith.constant 144 : index
            %get3A_2675 = tpu.vector_load %arg16[%get3A_2674] {strides = array<i32>} : memref<224xf32, #tpu.memory_space<vmem>>, vector<16xf32>,
            %get3A_2676 = arith.constant 144 : index
            %get3A_2677 = tpu.vector_load %arg17[%get3A_2676] {strides = array<i32>} : memref<224xi32, #tpu.memory_space<vmem>>, vector<16xi32>,
            %masked_sort3A_2678 = arith.constant dense<true> : vector<16xi1>
            %masked_sort3A_2679, %masked_sort3A_2680, %masked_sort3A_2681 = tpu.sort %get3A_2675, %get3A_2677 masked %masked_sort3A_2678 {descending = true} : (vector<16xf32>, vector<16xi32>, vector<16xi1>) -> (vector<16xi1>, vector<16xf32>, vector<16xi32>)
            %get3A_2682 = arith.constant 160 : index
            %get3A_2683 = tpu.vector_load %arg16[%get3A_2682] {strides = array<i32>} : memref<224xf32, #tpu.memory_space<vmem>>, vector<16xf32>,
            %get3A_2684 = arith.constant 160 : index
            %get3A_2685 = tpu.vector_load %arg17[%get3A_2684] {strides = array<i32>} : memref<224xi32, #tpu.memory_space<vmem>>, vector<16xi32>,
            %masked_sort3A_2686 = arith.constant dense<true> : vector<16xi1>
            %masked_sort3A_2687, %masked_sort3A_2688, %masked_sort3A_2689 = tpu.sort %get3A_2683, %get3A_2685 masked %masked_sort3A_2686 {descending = true} : (vector<16xf32>, vector<16xi32>, vector<16xi1>) -> (vector<16xi1>, vector<16xf32>, vector<16xi32>)
            %get3A_2690 = arith.constant 176 : index
            %get3A_2691 = tpu.vector_load %arg16[%get3A_2690] {strides = array<i32>} : memref<224xf32, #tpu.memory_space<vmem>>, vector<16xf32>,
            %get3A_2692 = arith.constant 176 : index
            %get3A_2693 = tpu.vector_load %arg17[%get3A_2692] {strides = array<i32>} : memref<224xi32, #tpu.memory_space<vmem>>, vector<16xi32>,
            %masked_sort3A_2694 = arith.constant dense<true> : vector<16xi1>
            %masked_sort3A_2695, %masked_sort3A_2696, %masked_sort3A_2697 = tpu.sort %get3A_2691, %get3A_2693 masked %masked_sort3A_2694 {descending = true} : (vector<16xf32>, vector<16xi32>, vector<16xi1>) -> (vector<16xi1>, vector<16xf32>, vector<16xi32>)
            %get3A_2698 = arith.constant 192 : index
            %get3A_2699 = tpu.vector_load %arg16[%get3A_2698] {strides = array<i32>} : memref<224xf32, #tpu.memory_space<vmem>>, vector<16xf32>,
            %get3A_2700 = arith.constant 192 : index
            %get3A_2701 = tpu.vector_load %arg17[%get3A_2700] {strides = array<i32>} : memref<224xi32, #tpu.memory_space<vmem>>, vector<16xi32>,
            %masked_sort3A_2702 = arith.constant dense<true> : vector<16xi1>
            %masked_sort3A_2703, %masked_sort3A_2704, %masked_sort3A_2705 = tpu.sort %get3A_2699, %get3A_2701 masked %masked_sort3A_2702 {descending = true} : (vector<16xf32>, vector<16xi32>, vector<16xi1>) -> (vector<16xi1>, vector<16xf32>, vector<16xi32>)
            %get3A_2706 = arith.constant 208 : index
            %get3A_2707 = tpu.vector_load %arg16[%get3A_2706] {strides = array<i32>} : memref<224xf32, #tpu.memory_space<vmem>>, vector<16xf32>,
            %get3A_2708 = arith.constant 208 : index
            %get3A_2709 = tpu.vector_load %arg17[%get3A_2708] {strides = array<i32>} : memref<224xi32, #tpu.memory_space<vmem>>, vector<16xi32>,
            %masked_sort3A_2710 = arith.constant dense<true> : vector<16xi1>
            %masked_sort3A_2711, %masked_sort3A_2712, %masked_sort3A_2713 = tpu.sort %get3A_2707, %get3A_2709 masked %masked_sort3A_2710 {descending = true} : (vector<16xf32>, vector<16xi32>, vector<16xi1>) -> (vector<16xi1>, vector<16xf32>, vector<16xi32>)
            %rev3A_2714 = arith.constant 15 : i32
            %rev3A_2715 = vector.broadcast %rev3A_2714 : i32 to vector<16xi32>
            %rev3A_2716 = tpu.iota {dimensions = array<i32: 0>} : vector<16xi32>
            %rev3A_2717 = arith.subi %rev3A_2715, %rev3A_2716 : vector<16xi32>
            %rev3A_2718 = tpu.dynamic_gather %masked_sort3A_2616[%rev3A_2717] in [0] : vector<16xf32>, vector<16xi32> -> vector<16xf32>
            %rev3A_2719 = arith.constant 15 : i32
            %rev3A_2720 = vector.broadcast %rev3A_2719 : i32 to vector<16xi32>
            %rev3A_2721 = tpu.iota {dimensions = array<i32: 0>} : vector<16xi32>
            %rev3A_2722 = arith.subi %rev3A_2720, %rev3A_2721 : vector<16xi32>
            %rev3A_2723 = tpu.dynamic_gather %masked_sort3A_2617[%rev3A_2722] in [0] : vector<16xi32>, vector<16xi32> -> vector<16xi32>
            %ge3A_2724 = arith.cmpf oge, %masked_sort3A_2608, %rev3A_2718 : vector<16xf32>
            %select_n3A_2725 = arith.select %ge3A_2724, %masked_sort3A_2608, %rev3A_2718 : vector<16xi1>, vector<16xf32>
            %select_n3A_2726 = arith.select %ge3A_2724, %masked_sort3A_2609, %rev3A_2723 : vector<16xi1>, vector<16xi32>
            %select_n3A_2727 = arith.select %ge3A_2724, %rev3A_2718, %masked_sort3A_2608 : vector<16xi1>, vector<16xf32>
            %select_n3A_2728 = arith.select %ge3A_2724, %rev3A_2723, %masked_sort3A_2609 : vector<16xi1>, vector<16xi32>
            %masked_sort3A_2729 = arith.constant dense<true> : vector<16xi1>
            %masked_sort3A_2730, %masked_sort3A_2731, %masked_sort3A_2732 = tpu.sort %select_n3A_2725, %select_n3A_2726 masked %masked_sort3A_2729 {descending = true} : (vector<16xf32>, vector<16xi32>, vector<16xi1>) -> (vector<16xi1>, vector<16xf32>, vector<16xi32>)
            %masked_sort3A_2733 = arith.constant dense<true> : vector<16xi1>
            %masked_sort3A_2734, %masked_sort3A_2735, %masked_sort3A_2736 = tpu.sort %select_n3A_2727, %select_n3A_2728 masked %masked_sort3A_2733 {descending = true} : (vector<16xf32>, vector<16xi32>, vector<16xi1>) -> (vector<16xi1>, vector<16xf32>, vector<16xi32>)
            %rev3A_2737 = arith.constant 15 : i32
            %rev3A_2738 = vector.broadcast %rev3A_2737 : i32 to vector<16xi32>
            %rev3A_2739 = tpu.iota {dimensions = array<i32: 0>} : vector<16xi32>
            %rev3A_2740 = arith.subi %rev3A_2738, %rev3A_2739 : vector<16xi32>
            %rev3A_2741 = tpu.dynamic_gather %masked_sort3A_2632[%rev3A_2740] in [0] : vector<16xf32>, vector<16xi32> -> vector<16xf32>
            %rev3A_2742 = arith.constant 15 : i32
            %rev3A_2743 = vector.broadcast %rev3A_2742 : i32 to vector<16xi32>
            %rev3A_2744 = tpu.iota {dimensions = array<i32: 0>} : vector<16xi32>
            %rev3A_2745 = arith.subi %rev3A_2743, %rev3A_2744 : vector<16xi32>
            %rev3A_2746 = tpu.dynamic_gather %masked_sort3A_2633[%rev3A_2745] in [0] : vector<16xi32>, vector<16xi32> -> vector<16xi32>
            %ge3A_2747 = arith.cmpf oge, %masked_sort3A_2624, %rev3A_2741 : vector<16xf32>
            %select_n3A_2748 = arith.select %ge3A_2747, %masked_sort3A_2624, %rev3A_2741 : vector<16xi1>, vector<16xf32>
            %select_n3A_2749 = arith.select %ge3A_2747, %masked_sort3A_2625, %rev3A_2746 : vector<16xi1>, vector<16xi32>
            %select_n3A_2750 = arith.select %ge3A_2747, %rev3A_2741, %masked_sort3A_2624 : vector<16xi1>, vector<16xf32>
            %select_n3A_2751 = arith.select %ge3A_2747, %rev3A_2746, %masked_sort3A_2625 : vector<16xi1>, vector<16xi32>
            %masked_sort3A_2752 = arith.constant dense<true> : vector<16xi1>
            %masked_sort3A_2753, %masked_sort3A_2754, %masked_sort3A_2755 = tpu.sort %select_n3A_2748, %select_n3A_2749 masked %masked_sort3A_2752 {descending = true} : (vector<16xf32>, vector<16xi32>, vector<16xi1>) -> (vector<16xi1>, vector<16xf32>, vector<16xi32>)
            %masked_sort3A_2756 = arith.constant dense<true> : vector<16xi1>
            %masked_sort3A_2757, %masked_sort3A_2758, %masked_sort3A_2759 = tpu.sort %select_n3A_2750, %select_n3A_2751 masked %masked_sort3A_2756 {descending = true} : (vector<16xf32>, vector<16xi32>, vector<16xi1>) -> (vector<16xi1>, vector<16xf32>, vector<16xi32>)
            %rev3A_2760 = arith.constant 15 : i32
            %rev3A_2761 = vector.broadcast %rev3A_2760 : i32 to vector<16xi32>
            %rev3A_2762 = tpu.iota {dimensions = array<i32: 0>} : vector<16xi32>
            %rev3A_2763 = arith.subi %rev3A_2761, %rev3A_2762 : vector<16xi32>
            %rev3A_2764 = tpu.dynamic_gather %masked_sort3A_2648[%rev3A_2763] in [0] : vector<16xf32>, vector<16xi32> -> vector<16xf32>
            %rev3A_2765 = arith.constant 15 : i32
            %rev3A_2766 = vector.broadcast %rev3A_2765 : i32 to vector<16xi32>
            %rev3A_2767 = tpu.iota {dimensions = array<i32: 0>} : vector<16xi32>
            %rev3A_2768 = arith.subi %rev3A_2766, %rev3A_2767 : vector<16xi32>
            %rev3A_2769 = tpu.dynamic_gather %masked_sort3A_2649[%rev3A_2768] in [0] : vector<16xi32>, vector<16xi32> -> vector<16xi32>
            %ge3A_2770 = arith.cmpf oge, %masked_sort3A_2640, %rev3A_2764 : vector<16xf32>
            %select_n3A_2771 = arith.select %ge3A_2770, %masked_sort3A_2640, %rev3A_2764 : vector<16xi1>, vector<16xf32>
            %select_n3A_2772 = arith.select %ge3A_2770, %masked_sort3A_2641, %rev3A_2769 : vector<16xi1>, vector<16xi32>
            %select_n3A_2773 = arith.select %ge3A_2770, %rev3A_2764, %masked_sort3A_2640 : vector<16xi1>, vector<16xf32>
            %select_n3A_2774 = arith.select %ge3A_2770, %rev3A_2769, %masked_sort3A_2641 : vector<16xi1>, vector<16xi32>
            %masked_sort3A_2775 = arith.constant dense<true> : vector<16xi1>
            %masked_sort3A_2776, %masked_sort3A_2777, %masked_sort3A_2778 = tpu.sort %select_n3A_2771, %select_n3A_2772 masked %masked_sort3A_2775 {descending = true} : (vector<16xf32>, vector<16xi32>, vector<16xi1>) -> (vector<16xi1>, vector<16xf32>, vector<16xi32>)
            %masked_sort3A_2779 = arith.constant dense<true> : vector<16xi1>
            %masked_sort3A_2780, %masked_sort3A_2781, %masked_sort3A_2782 = tpu.sort %select_n3A_2773, %select_n3A_2774 masked %masked_sort3A_2779 {descending = true} : (vector<16xf32>, vector<16xi32>, vector<16xi1>) -> (vector<16xi1>, vector<16xf32>, vector<16xi32>)
            %rev3A_2783 = arith.constant 15 : i32
            %rev3A_2784 = vector.broadcast %rev3A_2783 : i32 to vector<16xi32>
            %rev3A_2785 = tpu.iota {dimensions = array<i32: 0>} : vector<16xi32>
            %rev3A_2786 = arith.subi %rev3A_2784, %rev3A_2785 : vector<16xi32>
            %rev3A_2787 = tpu.dynamic_gather %masked_sort3A_2664[%rev3A_2786] in [0] : vector<16xf32>, vector<16xi32> -> vector<16xf32>
            %rev3A_2788 = arith.constant 15 : i32
            %rev3A_2789 = vector.broadcast %rev3A_2788 : i32 to vector<16xi32>
            %rev3A_2790 = tpu.iota {dimensions = array<i32: 0>} : vector<16xi32>
            %rev3A_2791 = arith.subi %rev3A_2789, %rev3A_2790 : vector<16xi32>
            %rev3A_2792 = tpu.dynamic_gather %masked_sort3A_2665[%rev3A_2791] in [0] : vector<16xi32>, vector<16xi32> -> vector<16xi32>
            %ge3A_2793 = arith.cmpf oge, %masked_sort3A_2656, %rev3A_2787 : vector<16xf32>
            %select_n3A_2794 = arith.select %ge3A_2793, %masked_sort3A_2656, %rev3A_2787 : vector<16xi1>, vector<16xf32>
            %select_n3A_2795 = arith.select %ge3A_2793, %masked_sort3A_2657, %rev3A_2792 : vector<16xi1>, vector<16xi32>
            %select_n3A_2796 = arith.select %ge3A_2793, %rev3A_2787, %masked_sort3A_2656 : vector<16xi1>, vector<16xf32>
            %select_n3A_2797 = arith.select %ge3A_2793, %rev3A_2792, %masked_sort3A_2657 : vector<16xi1>, vector<16xi32>
            %masked_sort3A_2798 = arith.constant dense<true> : vector<16xi1>
            %masked_sort3A_2799, %masked_sort3A_2800, %masked_sort3A_2801 = tpu.sort %select_n3A_2794, %select_n3A_2795 masked %masked_sort3A_2798 {descending = true} : (vector<16xf32>, vector<16xi32>, vector<16xi1>) -> (vector<16xi1>, vector<16xf32>, vector<16xi32>)
            %masked_sort3A_2802 = arith.constant dense<true> : vector<16xi1>
            %masked_sort3A_2803, %masked_sort3A_2804, %masked_sort3A_2805 = tpu.sort %select_n3A_2796, %select_n3A_2797 masked %masked_sort3A_2802 {descending = true} : (vector<16xf32>, vector<16xi32>, vector<16xi1>) -> (vector<16xi1>, vector<16xf32>, vector<16xi32>)
            %rev3A_2806 = arith.constant 15 : i32
            %rev3A_2807 = vector.broadcast %rev3A_2806 : i32 to vector<16xi32>
            %rev3A_2808 = tpu.iota {dimensions = array<i32: 0>} : vector<16xi32>
            %rev3A_2809 = arith.subi %rev3A_2807, %rev3A_2808 : vector<16xi32>
            %rev3A_2810 = tpu.dynamic_gather %masked_sort3A_2680[%rev3A_2809] in [0] : vector<16xf32>, vector<16xi32> -> vector<16xf32>
            %rev3A_2811 = arith.constant 15 : i32
            %rev3A_2812 = vector.broadcast %rev3A_2811 : i32 to vector<16xi32>
            %rev3A_2813 = tpu.iota {dimensions = array<i32: 0>} : vector<16xi32>
            %rev3A_2814 = arith.subi %rev3A_2812, %rev3A_2813 : vector<16xi32>
            %rev3A_2815 = tpu.dynamic_gather %masked_sort3A_2681[%rev3A_2814] in [0] : vector<16xi32>, vector<16xi32> -> vector<16xi32>
            %ge3A_2816 = arith.cmpf oge, %masked_sort3A_2672, %rev3A_2810 : vector<16xf32>
            %select_n3A_2817 = arith.select %ge3A_2816, %masked_sort3A_2672, %rev3A_2810 : vector<16xi1>, vector<16xf32>
            %select_n3A_2818 = arith.select %ge3A_2816, %masked_sort3A_2673, %rev3A_2815 : vector<16xi1>, vector<16xi32>
            %select_n3A_2819 = arith.select %ge3A_2816, %rev3A_2810, %masked_sort3A_2672 : vector<16xi1>, vector<16xf32>
            %select_n3A_2820 = arith.select %ge3A_2816, %rev3A_2815, %masked_sort3A_2673 : vector<16xi1>, vector<16xi32>
            %masked_sort3A_2821 = arith.constant dense<true> : vector<16xi1>
            %masked_sort3A_2822, %masked_sort3A_2823, %masked_sort3A_2824 = tpu.sort %select_n3A_2817, %select_n3A_2818 masked %masked_sort3A_2821 {descending = true} : (vector<16xf32>, vector<16xi32>, vector<16xi1>) -> (vector<16xi1>, vector<16xf32>, vector<16xi32>)
            %masked_sort3A_2825 = arith.constant dense<true> : vector<16xi1>
            %masked_sort3A_2826, %masked_sort3A_2827, %masked_sort3A_2828 = tpu.sort %select_n3A_2819, %select_n3A_2820 masked %masked_sort3A_2825 {descending = true} : (vector<16xf32>, vector<16xi32>, vector<16xi1>) -> (vector<16xi1>, vector<16xf32>, vector<16xi32>)
            %rev3A_2829 = arith.constant 15 : i32
            %rev3A_2830 = vector.broadcast %rev3A_2829 : i32 to vector<16xi32>
            %rev3A_2831 = tpu.iota {dimensions = array<i32: 0>} : vector<16xi32>
            %rev3A_2832 = arith.subi %rev3A_2830, %rev3A_2831 : vector<16xi32>
            %rev3A_2833 = tpu.dynamic_gather %masked_sort3A_2696[%rev3A_2832] in [0] : vector<16xf32>, vector<16xi32> -> vector<16xf32>
            %rev3A_2834 = arith.constant 15 : i32
            %rev3A_2835 = vector.broadcast %rev3A_2834 : i32 to vector<16xi32>
            %rev3A_2836 = tpu.iota {dimensions = array<i32: 0>} : vector<16xi32>
            %rev3A_2837 = arith.subi %rev3A_2835, %rev3A_2836 : vector<16xi32>
            %rev3A_2838 = tpu.dynamic_gather %masked_sort3A_2697[%rev3A_2837] in [0] : vector<16xi32>, vector<16xi32> -> vector<16xi32>
            %ge3A_2839 = arith.cmpf oge, %masked_sort3A_2688, %rev3A_2833 : vector<16xf32>
            %select_n3A_2840 = arith.select %ge3A_2839, %masked_sort3A_2688, %rev3A_2833 : vector<16xi1>, vector<16xf32>
            %select_n3A_2841 = arith.select %ge3A_2839, %masked_sort3A_2689, %rev3A_2838 : vector<16xi1>, vector<16xi32>
            %select_n3A_2842 = arith.select %ge3A_2839, %rev3A_2833, %masked_sort3A_2688 : vector<16xi1>, vector<16xf32>
            %select_n3A_2843 = arith.select %ge3A_2839, %rev3A_2838, %masked_sort3A_2689 : vector<16xi1>, vector<16xi32>
            %masked_sort3A_2844 = arith.constant dense<true> : vector<16xi1>
            %masked_sort3A_2845, %masked_sort3A_2846, %masked_sort3A_2847 = tpu.sort %select_n3A_2840, %select_n3A_2841 masked %masked_sort3A_2844 {descending = true} : (vector<16xf32>, vector<16xi32>, vector<16xi1>) -> (vector<16xi1>, vector<16xf32>, vector<16xi32>)
            %masked_sort3A_2848 = arith.constant dense<true> : vector<16xi1>
            %masked_sort3A_2849, %masked_sort3A_2850, %masked_sort3A_2851 = tpu.sort %select_n3A_2842, %select_n3A_2843 masked %masked_sort3A_2848 {descending = true} : (vector<16xf32>, vector<16xi32>, vector<16xi1>) -> (vector<16xi1>, vector<16xf32>, vector<16xi32>)
            %rev3A_2852 = arith.constant 15 : i32
            %rev3A_2853 = vector.broadcast %rev3A_2852 : i32 to vector<16xi32>
            %rev3A_2854 = tpu.iota {dimensions = array<i32: 0>} : vector<16xi32>
            %rev3A_2855 = arith.subi %rev3A_2853, %rev3A_2854 : vector<16xi32>
            %rev3A_2856 = tpu.dynamic_gather %masked_sort3A_2712[%rev3A_2855] in [0] : vector<16xf32>, vector<16xi32> -> vector<16xf32>
            %rev3A_2857 = arith.constant 15 : i32
            %rev3A_2858 = vector.broadcast %rev3A_2857 : i32 to vector<16xi32>
            %rev3A_2859 = tpu.iota {dimensions = array<i32: 0>} : vector<16xi32>
            %rev3A_2860 = arith.subi %rev3A_2858, %rev3A_2859 : vector<16xi32>
            %rev3A_2861 = tpu.dynamic_gather %masked_sort3A_2713[%rev3A_2860] in [0] : vector<16xi32>, vector<16xi32> -> vector<16xi32>
            %ge3A_2862 = arith.cmpf oge, %masked_sort3A_2704, %rev3A_2856 : vector<16xf32>
            %select_n3A_2863 = arith.select %ge3A_2862, %masked_sort3A_2704, %rev3A_2856 : vector<16xi1>, vector<16xf32>
            %select_n3A_2864 = arith.select %ge3A_2862, %masked_sort3A_2705, %rev3A_2861 : vector<16xi1>, vector<16xi32>
            %select_n3A_2865 = arith.select %ge3A_2862, %rev3A_2856, %masked_sort3A_2704 : vector<16xi1>, vector<16xf32>
            %select_n3A_2866 = arith.select %ge3A_2862, %rev3A_2861, %masked_sort3A_2705 : vector<16xi1>, vector<16xi32>
            %masked_sort3A_2867 = arith.constant dense<true> : vector<16xi1>
            %masked_sort3A_2868, %masked_sort3A_2869, %masked_sort3A_2870 = tpu.sort %select_n3A_2863, %select_n3A_2864 masked %masked_sort3A_2867 {descending = true} : (vector<16xf32>, vector<16xi32>, vector<16xi1>) -> (vector<16xi1>, vector<16xf32>, vector<16xi32>)
            %masked_sort3A_2871 = arith.constant dense<true> : vector<16xi1>
            %masked_sort3A_2872, %masked_sort3A_2873, %masked_sort3A_2874 = tpu.sort %select_n3A_2865, %select_n3A_2866 masked %masked_sort3A_2871 {descending = true} : (vector<16xf32>, vector<16xi32>, vector<16xi1>) -> (vector<16xi1>, vector<16xf32>, vector<16xi32>)
            %rev3A_2875 = arith.constant 15 : i32
            %rev3A_2876 = vector.broadcast %rev3A_2875 : i32 to vector<16xi32>
            %rev3A_2877 = tpu.iota {dimensions = array<i32: 0>} : vector<16xi32>
            %rev3A_2878 = arith.subi %rev3A_2876, %rev3A_2877 : vector<16xi32>
            %rev3A_2879 = tpu.dynamic_gather %masked_sort3A_2754[%rev3A_2878] in [0] : vector<16xf32>, vector<16xi32> -> vector<16xf32>
            %rev3A_2880 = arith.constant 15 : i32
            %rev3A_2881 = vector.broadcast %rev3A_2880 : i32 to vector<16xi32>
            %rev3A_2882 = tpu.iota {dimensions = array<i32: 0>} : vector<16xi32>
            %rev3A_2883 = arith.subi %rev3A_2881, %rev3A_2882 : vector<16xi32>
            %rev3A_2884 = tpu.dynamic_gather %masked_sort3A_2755[%rev3A_2883] in [0] : vector<16xi32>, vector<16xi32> -> vector<16xi32>
            %rev3A_2885 = arith.constant 15 : i32
            %rev3A_2886 = vector.broadcast %rev3A_2885 : i32 to vector<16xi32>
            %rev3A_2887 = tpu.iota {dimensions = array<i32: 0>} : vector<16xi32>
            %rev3A_2888 = arith.subi %rev3A_2886, %rev3A_2887 : vector<16xi32>
            %rev3A_2889 = tpu.dynamic_gather %masked_sort3A_2758[%rev3A_2888] in [0] : vector<16xf32>, vector<16xi32> -> vector<16xf32>
            %rev3A_2890 = arith.constant 15 : i32
            %rev3A_2891 = vector.broadcast %rev3A_2890 : i32 to vector<16xi32>
            %rev3A_2892 = tpu.iota {dimensions = array<i32: 0>} : vector<16xi32>
            %rev3A_2893 = arith.subi %rev3A_2891, %rev3A_2892 : vector<16xi32>
            %rev3A_2894 = tpu.dynamic_gather %masked_sort3A_2759[%rev3A_2893] in [0] : vector<16xi32>, vector<16xi32> -> vector<16xi32>
            %ge3A_2895 = arith.cmpf oge, %masked_sort3A_2731, %rev3A_2889 : vector<16xf32>
            %select_n3A_2896 = arith.select %ge3A_2895, %masked_sort3A_2731, %rev3A_2889 : vector<16xi1>, vector<16xf32>
            %select_n3A_2897 = arith.select %ge3A_2895, %masked_sort3A_2732, %rev3A_2894 : vector<16xi1>, vector<16xi32>
            %ge3A_2898 = arith.cmpf oge, %masked_sort3A_2735, %rev3A_2879 : vector<16xf32>
            %select_n3A_2899 = arith.select %ge3A_2898, %masked_sort3A_2735, %rev3A_2879 : vector<16xi1>, vector<16xf32>
            %select_n3A_2900 = arith.select %ge3A_2898, %masked_sort3A_2736, %rev3A_2884 : vector<16xi1>, vector<16xi32>
            %ge3A_2901 = arith.cmpf oge, %select_n3A_2896, %select_n3A_2899 : vector<16xf32>
            %select_n3A_2902 = arith.select %ge3A_2901, %select_n3A_2896, %select_n3A_2899 : vector<16xi1>, vector<16xf32>
            %select_n3A_2903 = arith.select %ge3A_2901, %select_n3A_2897, %select_n3A_2900 : vector<16xi1>, vector<16xi32>
            %select_n3A_2904 = arith.select %ge3A_2901, %select_n3A_2899, %select_n3A_2896 : vector<16xi1>, vector<16xf32>
            %select_n3A_2905 = arith.select %ge3A_2901, %select_n3A_2900, %select_n3A_2897 : vector<16xi1>, vector<16xi32>
            %masked_sort3A_2906 = arith.constant dense<true> : vector<16xi1>
            %masked_sort3A_2907, %masked_sort3A_2908, %masked_sort3A_2909 = tpu.sort %select_n3A_2902, %select_n3A_2903 masked %masked_sort3A_2906 {descending = true} : (vector<16xf32>, vector<16xi32>, vector<16xi1>) -> (vector<16xi1>, vector<16xf32>, vector<16xi32>)
            %masked_sort3A_2910 = arith.constant dense<true> : vector<16xi1>
            %masked_sort3A_2911, %masked_sort3A_2912, %masked_sort3A_2913 = tpu.sort %select_n3A_2904, %select_n3A_2905 masked %masked_sort3A_2910 {descending = true} : (vector<16xf32>, vector<16xi32>, vector<16xi1>) -> (vector<16xi1>, vector<16xf32>, vector<16xi32>)
            %rev3A_2914 = arith.constant 15 : i32
            %rev3A_2915 = vector.broadcast %rev3A_2914 : i32 to vector<16xi32>
            %rev3A_2916 = tpu.iota {dimensions = array<i32: 0>} : vector<16xi32>
            %rev3A_2917 = arith.subi %rev3A_2915, %rev3A_2916 : vector<16xi32>
            %rev3A_2918 = tpu.dynamic_gather %masked_sort3A_2777[%rev3A_2917] in [0] : vector<16xf32>, vector<16xi32> -> vector<16xf32>
            %rev3A_2919 = arith.constant 15 : i32
            %rev3A_2920 = vector.broadcast %rev3A_2919 : i32 to vector<16xi32>
            %rev3A_2921 = tpu.iota {dimensions = array<i32: 0>} : vector<16xi32>
            %rev3A_2922 = arith.subi %rev3A_2920, %rev3A_2921 : vector<16xi32>
            %rev3A_2923 = tpu.dynamic_gather %masked_sort3A_2778[%rev3A_2922] in [0] : vector<16xi32>, vector<16xi32> -> vector<16xi32>
            %rev3A_2924 = arith.constant 15 : i32
            %rev3A_2925 = vector.broadcast %rev3A_2924 : i32 to vector<16xi32>
            %rev3A_2926 = tpu.iota {dimensions = array<i32: 0>} : vector<16xi32>
            %rev3A_2927 = arith.subi %rev3A_2925, %rev3A_2926 : vector<16xi32>
            %rev3A_2928 = tpu.dynamic_gather %masked_sort3A_2781[%rev3A_2927] in [0] : vector<16xf32>, vector<16xi32> -> vector<16xf32>
            %rev3A_2929 = arith.constant 15 : i32
            %rev3A_2930 = vector.broadcast %rev3A_2929 : i32 to vector<16xi32>
            %rev3A_2931 = tpu.iota {dimensions = array<i32: 0>} : vector<16xi32>
            %rev3A_2932 = arith.subi %rev3A_2930, %rev3A_2931 : vector<16xi32>
            %rev3A_2933 = tpu.dynamic_gather %masked_sort3A_2782[%rev3A_2932] in [0] : vector<16xi32>, vector<16xi32> -> vector<16xi32>
            %ge3A_2934 = arith.cmpf oge, %masked_sort3A_2908, %rev3A_2928 : vector<16xf32>
            %select_n3A_2935 = arith.select %ge3A_2934, %masked_sort3A_2908, %rev3A_2928 : vector<16xi1>, vector<16xf32>
            %select_n3A_2936 = arith.select %ge3A_2934, %masked_sort3A_2909, %rev3A_2933 : vector<16xi1>, vector<16xi32>
            %ge3A_2937 = arith.cmpf oge, %masked_sort3A_2912, %rev3A_2918 : vector<16xf32>
            %select_n3A_2938 = arith.select %ge3A_2937, %masked_sort3A_2912, %rev3A_2918 : vector<16xi1>, vector<16xf32>
            %select_n3A_2939 = arith.select %ge3A_2937, %masked_sort3A_2913, %rev3A_2923 : vector<16xi1>, vector<16xi32>
            %ge3A_2940 = arith.cmpf oge, %select_n3A_2935, %select_n3A_2938 : vector<16xf32>
            %select_n3A_2941 = arith.select %ge3A_2940, %select_n3A_2935, %select_n3A_2938 : vector<16xi1>, vector<16xf32>
            %select_n3A_2942 = arith.select %ge3A_2940, %select_n3A_2936, %select_n3A_2939 : vector<16xi1>, vector<16xi32>
            %select_n3A_2943 = arith.select %ge3A_2940, %select_n3A_2938, %select_n3A_2935 : vector<16xi1>, vector<16xf32>
            %select_n3A_2944 = arith.select %ge3A_2940, %select_n3A_2939, %select_n3A_2936 : vector<16xi1>, vector<16xi32>
            %masked_sort3A_2945 = arith.constant dense<true> : vector<16xi1>
            %masked_sort3A_2946, %masked_sort3A_2947, %masked_sort3A_2948 = tpu.sort %select_n3A_2941, %select_n3A_2942 masked %masked_sort3A_2945 {descending = true} : (vector<16xf32>, vector<16xi32>, vector<16xi1>) -> (vector<16xi1>, vector<16xf32>, vector<16xi32>)
            %masked_sort3A_2949 = arith.constant dense<true> : vector<16xi1>
            %masked_sort3A_2950, %masked_sort3A_2951, %masked_sort3A_2952 = tpu.sort %select_n3A_2943, %select_n3A_2944 masked %masked_sort3A_2949 {descending = true} : (vector<16xf32>, vector<16xi32>, vector<16xi1>) -> (vector<16xi1>, vector<16xf32>, vector<16xi32>)
            %rev3A_2953 = arith.constant 15 : i32
            %rev3A_2954 = vector.broadcast %rev3A_2953 : i32 to vector<16xi32>
            %rev3A_2955 = tpu.iota {dimensions = array<i32: 0>} : vector<16xi32>
            %rev3A_2956 = arith.subi %rev3A_2954, %rev3A_2955 : vector<16xi32>
            %rev3A_2957 = tpu.dynamic_gather %masked_sort3A_2800[%rev3A_2956] in [0] : vector<16xf32>, vector<16xi32> -> vector<16xf32>
            %rev3A_2958 = arith.constant 15 : i32
            %rev3A_2959 = vector.broadcast %rev3A_2958 : i32 to vector<16xi32>
            %rev3A_2960 = tpu.iota {dimensions = array<i32: 0>} : vector<16xi32>
            %rev3A_2961 = arith.subi %rev3A_2959, %rev3A_2960 : vector<16xi32>
            %rev3A_2962 = tpu.dynamic_gather %masked_sort3A_2801[%rev3A_2961] in [0] : vector<16xi32>, vector<16xi32> -> vector<16xi32>
            %rev3A_2963 = arith.constant 15 : i32
            %rev3A_2964 = vector.broadcast %rev3A_2963 : i32 to vector<16xi32>
            %rev3A_2965 = tpu.iota {dimensions = array<i32: 0>} : vector<16xi32>
            %rev3A_2966 = arith.subi %rev3A_2964, %rev3A_2965 : vector<16xi32>
            %rev3A_2967 = tpu.dynamic_gather %masked_sort3A_2804[%rev3A_2966] in [0] : vector<16xf32>, vector<16xi32> -> vector<16xf32>
            %rev3A_2968 = arith.constant 15 : i32
            %rev3A_2969 = vector.broadcast %rev3A_2968 : i32 to vector<16xi32>
            %rev3A_2970 = tpu.iota {dimensions = array<i32: 0>} : vector<16xi32>
            %rev3A_2971 = arith.subi %rev3A_2969, %rev3A_2970 : vector<16xi32>
            %rev3A_2972 = tpu.dynamic_gather %masked_sort3A_2805[%rev3A_2971] in [0] : vector<16xi32>, vector<16xi32> -> vector<16xi32>
            %ge3A_2973 = arith.cmpf oge, %masked_sort3A_2947, %rev3A_2967 : vector<16xf32>
            %select_n3A_2974 = arith.select %ge3A_2973, %masked_sort3A_2947, %rev3A_2967 : vector<16xi1>, vector<16xf32>
            %select_n3A_2975 = arith.select %ge3A_2973, %masked_sort3A_2948, %rev3A_2972 : vector<16xi1>, vector<16xi32>
            %ge3A_2976 = arith.cmpf oge, %masked_sort3A_2951, %rev3A_2957 : vector<16xf32>
            %select_n3A_2977 = arith.select %ge3A_2976, %masked_sort3A_2951, %rev3A_2957 : vector<16xi1>, vector<16xf32>
            %select_n3A_2978 = arith.select %ge3A_2976, %masked_sort3A_2952, %rev3A_2962 : vector<16xi1>, vector<16xi32>
            %ge3A_2979 = arith.cmpf oge, %select_n3A_2974, %select_n3A_2977 : vector<16xf32>
            %select_n3A_2980 = arith.select %ge3A_2979, %select_n3A_2974, %select_n3A_2977 : vector<16xi1>, vector<16xf32>
            %select_n3A_2981 = arith.select %ge3A_2979, %select_n3A_2975, %select_n3A_2978 : vector<16xi1>, vector<16xi32>
            %select_n3A_2982 = arith.select %ge3A_2979, %select_n3A_2977, %select_n3A_2974 : vector<16xi1>, vector<16xf32>
            %select_n3A_2983 = arith.select %ge3A_2979, %select_n3A_2978, %select_n3A_2975 : vector<16xi1>, vector<16xi32>
            %masked_sort3A_2984 = arith.constant dense<true> : vector<16xi1>
            %masked_sort3A_2985, %masked_sort3A_2986, %masked_sort3A_2987 = tpu.sort %select_n3A_2980, %select_n3A_2981 masked %masked_sort3A_2984 {descending = true} : (vector<16xf32>, vector<16xi32>, vector<16xi1>) -> (vector<16xi1>, vector<16xf32>, vector<16xi32>)
            %masked_sort3A_2988 = arith.constant dense<true> : vector<16xi1>
            %masked_sort3A_2989, %masked_sort3A_2990, %masked_sort3A_2991 = tpu.sort %select_n3A_2982, %select_n3A_2983 masked %masked_sort3A_2988 {descending = true} : (vector<16xf32>, vector<16xi32>, vector<16xi1>) -> (vector<16xi1>, vector<16xf32>, vector<16xi32>)
            %rev3A_2992 = arith.constant 15 : i32
            %rev3A_2993 = vector.broadcast %rev3A_2992 : i32 to vector<16xi32>
            %rev3A_2994 = tpu.iota {dimensions = array<i32: 0>} : vector<16xi32>
            %rev3A_2995 = arith.subi %rev3A_2993, %rev3A_2994 : vector<16xi32>
            %rev3A_2996 = tpu.dynamic_gather %masked_sort3A_2823[%rev3A_2995] in [0] : vector<16xf32>, vector<16xi32> -> vector<16xf32>
            %rev3A_2997 = arith.constant 15 : i32
            %rev3A_2998 = vector.broadcast %rev3A_2997 : i32 to vector<16xi32>
            %rev3A_2999 = tpu.iota {dimensions = array<i32: 0>} : vector<16xi32>
            %rev3A_3000 = arith.subi %rev3A_2998, %rev3A_2999 : vector<16xi32>
            %rev3A_3001 = tpu.dynamic_gather %masked_sort3A_2824[%rev3A_3000] in [0] : vector<16xi32>, vector<16xi32> -> vector<16xi32>
            %rev3A_3002 = arith.constant 15 : i32
            %rev3A_3003 = vector.broadcast %rev3A_3002 : i32 to vector<16xi32>
            %rev3A_3004 = tpu.iota {dimensions = array<i32: 0>} : vector<16xi32>
            %rev3A_3005 = arith.subi %rev3A_3003, %rev3A_3004 : vector<16xi32>
            %rev3A_3006 = tpu.dynamic_gather %masked_sort3A_2827[%rev3A_3005] in [0] : vector<16xf32>, vector<16xi32> -> vector<16xf32>
            %rev3A_3007 = arith.constant 15 : i32
            %rev3A_3008 = vector.broadcast %rev3A_3007 : i32 to vector<16xi32>
            %rev3A_3009 = tpu.iota {dimensions = array<i32: 0>} : vector<16xi32>
            %rev3A_3010 = arith.subi %rev3A_3008, %rev3A_3009 : vector<16xi32>
            %rev3A_3011 = tpu.dynamic_gather %masked_sort3A_2828[%rev3A_3010] in [0] : vector<16xi32>, vector<16xi32> -> vector<16xi32>
            %ge3A_3012 = arith.cmpf oge, %masked_sort3A_2986, %rev3A_3006 : vector<16xf32>
            %select_n3A_3013 = arith.select %ge3A_3012, %masked_sort3A_2986, %rev3A_3006 : vector<16xi1>, vector<16xf32>
            %select_n3A_3014 = arith.select %ge3A_3012, %masked_sort3A_2987, %rev3A_3011 : vector<16xi1>, vector<16xi32>
            %ge3A_3015 = arith.cmpf oge, %masked_sort3A_2990, %rev3A_2996 : vector<16xf32>
            %select_n3A_3016 = arith.select %ge3A_3015, %masked_sort3A_2990, %rev3A_2996 : vector<16xi1>, vector<16xf32>
            %select_n3A_3017 = arith.select %ge3A_3015, %masked_sort3A_2991, %rev3A_3001 : vector<16xi1>, vector<16xi32>
            %ge3A_3018 = arith.cmpf oge, %select_n3A_3013, %select_n3A_3016 : vector<16xf32>
            %select_n3A_3019 = arith.select %ge3A_3018, %select_n3A_3013, %select_n3A_3016 : vector<16xi1>, vector<16xf32>
            %select_n3A_3020 = arith.select %ge3A_3018, %select_n3A_3014, %select_n3A_3017 : vector<16xi1>, vector<16xi32>
            %select_n3A_3021 = arith.select %ge3A_3018, %select_n3A_3016, %select_n3A_3013 : vector<16xi1>, vector<16xf32>
            %select_n3A_3022 = arith.select %ge3A_3018, %select_n3A_3017, %select_n3A_3014 : vector<16xi1>, vector<16xi32>
            %masked_sort3A_3023 = arith.constant dense<true> : vector<16xi1>
            %masked_sort3A_3024, %masked_sort3A_3025, %masked_sort3A_3026 = tpu.sort %select_n3A_3019, %select_n3A_3020 masked %masked_sort3A_3023 {descending = true} : (vector<16xf32>, vector<16xi32>, vector<16xi1>) -> (vector<16xi1>, vector<16xf32>, vector<16xi32>)
            %masked_sort3A_3027 = arith.constant dense<true> : vector<16xi1>
            %masked_sort3A_3028, %masked_sort3A_3029, %masked_sort3A_3030 = tpu.sort %select_n3A_3021, %select_n3A_3022 masked %masked_sort3A_3027 {descending = true} : (vector<16xf32>, vector<16xi32>, vector<16xi1>) -> (vector<16xi1>, vector<16xf32>, vector<16xi32>)
            %rev3A_3031 = arith.constant 15 : i32
            %rev3A_3032 = vector.broadcast %rev3A_3031 : i32 to vector<16xi32>
            %rev3A_3033 = tpu.iota {dimensions = array<i32: 0>} : vector<16xi32>
            %rev3A_3034 = arith.subi %rev3A_3032, %rev3A_3033 : vector<16xi32>
            %rev3A_3035 = tpu.dynamic_gather %masked_sort3A_2846[%rev3A_3034] in [0] : vector<16xf32>, vector<16xi32> -> vector<16xf32>
            %rev3A_3036 = arith.constant 15 : i32
            %rev3A_3037 = vector.broadcast %rev3A_3036 : i32 to vector<16xi32>
            %rev3A_3038 = tpu.iota {dimensions = array<i32: 0>} : vector<16xi32>
            %rev3A_3039 = arith.subi %rev3A_3037, %rev3A_3038 : vector<16xi32>
            %rev3A_3040 = tpu.dynamic_gather %masked_sort3A_2847[%rev3A_3039] in [0] : vector<16xi32>, vector<16xi32> -> vector<16xi32>
            %rev3A_3041 = arith.constant 15 : i32
            %rev3A_3042 = vector.broadcast %rev3A_3041 : i32 to vector<16xi32>
            %rev3A_3043 = tpu.iota {dimensions = array<i32: 0>} : vector<16xi32>
            %rev3A_3044 = arith.subi %rev3A_3042, %rev3A_3043 : vector<16xi32>
            %rev3A_3045 = tpu.dynamic_gather %masked_sort3A_2850[%rev3A_3044] in [0] : vector<16xf32>, vector<16xi32> -> vector<16xf32>
            %rev3A_3046 = arith.constant 15 : i32
            %rev3A_3047 = vector.broadcast %rev3A_3046 : i32 to vector<16xi32>
            %rev3A_3048 = tpu.iota {dimensions = array<i32: 0>} : vector<16xi32>
            %rev3A_3049 = arith.subi %rev3A_3047, %rev3A_3048 : vector<16xi32>
            %rev3A_3050 = tpu.dynamic_gather %masked_sort3A_2851[%rev3A_3049] in [0] : vector<16xi32>, vector<16xi32> -> vector<16xi32>
            %ge3A_3051 = arith.cmpf oge, %masked_sort3A_3025, %rev3A_3045 : vector<16xf32>
            %select_n3A_3052 = arith.select %ge3A_3051, %masked_sort3A_3025, %rev3A_3045 : vector<16xi1>, vector<16xf32>
            %select_n3A_3053 = arith.select %ge3A_3051, %masked_sort3A_3026, %rev3A_3050 : vector<16xi1>, vector<16xi32>
            %ge3A_3054 = arith.cmpf oge, %masked_sort3A_3029, %rev3A_3035 : vector<16xf32>
            %select_n3A_3055 = arith.select %ge3A_3054, %masked_sort3A_3029, %rev3A_3035 : vector<16xi1>, vector<16xf32>
            %select_n3A_3056 = arith.select %ge3A_3054, %masked_sort3A_3030, %rev3A_3040 : vector<16xi1>, vector<16xi32>
            %ge3A_3057 = arith.cmpf oge, %select_n3A_3052, %select_n3A_3055 : vector<16xf32>
            %select_n3A_3058 = arith.select %ge3A_3057, %select_n3A_3052, %select_n3A_3055 : vector<16xi1>, vector<16xf32>
            %select_n3A_3059 = arith.select %ge3A_3057, %select_n3A_3053, %select_n3A_3056 : vector<16xi1>, vector<16xi32>
            %select_n3A_3060 = arith.select %ge3A_3057, %select_n3A_3055, %select_n3A_3052 : vector<16xi1>, vector<16xf32>
            %select_n3A_3061 = arith.select %ge3A_3057, %select_n3A_3056, %select_n3A_3053 : vector<16xi1>, vector<16xi32>
            %masked_sort3A_3062 = arith.constant dense<true> : vector<16xi1>
            %masked_sort3A_3063, %masked_sort3A_3064, %masked_sort3A_3065 = tpu.sort %select_n3A_3058, %select_n3A_3059 masked %masked_sort3A_3062 {descending = true} : (vector<16xf32>, vector<16xi32>, vector<16xi1>) -> (vector<16xi1>, vector<16xf32>, vector<16xi32>)
            %masked_sort3A_3066 = arith.constant dense<true> : vector<16xi1>
            %masked_sort3A_3067, %masked_sort3A_3068, %masked_sort3A_3069 = tpu.sort %select_n3A_3060, %select_n3A_3061 masked %masked_sort3A_3066 {descending = true} : (vector<16xf32>, vector<16xi32>, vector<16xi1>) -> (vector<16xi1>, vector<16xf32>, vector<16xi32>)
            %rev3A_3070 = arith.constant 15 : i32
            %rev3A_3071 = vector.broadcast %rev3A_3070 : i32 to vector<16xi32>
            %rev3A_3072 = tpu.iota {dimensions = array<i32: 0>} : vector<16xi32>
            %rev3A_3073 = arith.subi %rev3A_3071, %rev3A_3072 : vector<16xi32>
            %rev3A_3074 = tpu.dynamic_gather %masked_sort3A_2869[%rev3A_3073] in [0] : vector<16xf32>, vector<16xi32> -> vector<16xf32>
            %rev3A_3075 = arith.constant 15 : i32
            %rev3A_3076 = vector.broadcast %rev3A_3075 : i32 to vector<16xi32>
            %rev3A_3077 = tpu.iota {dimensions = array<i32: 0>} : vector<16xi32>
            %rev3A_3078 = arith.subi %rev3A_3076, %rev3A_3077 : vector<16xi32>
            %rev3A_3079 = tpu.dynamic_gather %masked_sort3A_2870[%rev3A_3078] in [0] : vector<16xi32>, vector<16xi32> -> vector<16xi32>
            %rev3A_3080 = arith.constant 15 : i32
            %rev3A_3081 = vector.broadcast %rev3A_3080 : i32 to vector<16xi32>
            %rev3A_3082 = tpu.iota {dimensions = array<i32: 0>} : vector<16xi32>
            %rev3A_3083 = arith.subi %rev3A_3081, %rev3A_3082 : vector<16xi32>
            %rev3A_3084 = tpu.dynamic_gather %masked_sort3A_2873[%rev3A_3083] in [0] : vector<16xf32>, vector<16xi32> -> vector<16xf32>
            %rev3A_3085 = arith.constant 15 : i32
            %rev3A_3086 = vector.broadcast %rev3A_3085 : i32 to vector<16xi32>
            %rev3A_3087 = tpu.iota {dimensions = array<i32: 0>} : vector<16xi32>
            %rev3A_3088 = arith.subi %rev3A_3086, %rev3A_3087 : vector<16xi32>
            %rev3A_3089 = tpu.dynamic_gather %masked_sort3A_2874[%rev3A_3088] in [0] : vector<16xi32>, vector<16xi32> -> vector<16xi32>
            %ge3A_3090 = arith.cmpf oge, %masked_sort3A_3064, %rev3A_3084 : vector<16xf32>
            %select_n3A_3091 = arith.select %ge3A_3090, %masked_sort3A_3064, %rev3A_3084 : vector<16xi1>, vector<16xf32>
            %select_n3A_3092 = arith.select %ge3A_3090, %masked_sort3A_3065, %rev3A_3089 : vector<16xi1>, vector<16xi32>
            %ge3A_3093 = arith.cmpf oge, %masked_sort3A_3068, %rev3A_3074 : vector<16xf32>
            %select_n3A_3094 = arith.select %ge3A_3093, %masked_sort3A_3068, %rev3A_3074 : vector<16xi1>, vector<16xf32>
            %select_n3A_3095 = arith.select %ge3A_3093, %masked_sort3A_3069, %rev3A_3079 : vector<16xi1>, vector<16xi32>
            %ge3A_3096 = arith.cmpf oge, %select_n3A_3091, %select_n3A_3094 : vector<16xf32>
            %select_n3A_3097 = arith.select %ge3A_3096, %select_n3A_3091, %select_n3A_3094 : vector<16xi1>, vector<16xf32>
            %select_n3A_3098 = arith.select %ge3A_3096, %select_n3A_3092, %select_n3A_3095 : vector<16xi1>, vector<16xi32>
            %select_n3A_3099 = arith.select %ge3A_3096, %select_n3A_3094, %select_n3A_3091 : vector<16xi1>, vector<16xf32>
            %select_n3A_3100 = arith.select %ge3A_3096, %select_n3A_3095, %select_n3A_3092 : vector<16xi1>, vector<16xi32>
            %masked_sort3A_3101 = arith.constant dense<true> : vector<16xi1>
            %masked_sort3A_3102, %masked_sort3A_3103, %masked_sort3A_3104 = tpu.sort %select_n3A_3097, %select_n3A_3098 masked %masked_sort3A_3101 {descending = true} : (vector<16xf32>, vector<16xi32>, vector<16xi1>) -> (vector<16xi1>, vector<16xf32>, vector<16xi32>)
            %masked_sort3A_3105 = arith.constant dense<true> : vector<16xi1>
            %masked_sort3A_3106, %masked_sort3A_3107, %masked_sort3A_3108 = tpu.sort %select_n3A_3099, %select_n3A_3100 masked %masked_sort3A_3105 {descending = true} : (vector<16xf32>, vector<16xi32>, vector<16xi1>) -> (vector<16xi1>, vector<16xf32>, vector<16xi32>)
            %swap3A_3109 = arith.constant 0 : index
            %swap3A_3110 = tpu.vector_load %arg16[%swap3A_3109] {strides = array<i32>} : memref<224xf32, #tpu.memory_space<vmem>>, vector<16xf32>,
            tpu.vector_store %arg16[%swap3A_3109], %masked_sort3A_3103 {strides = array<i32>} : memref<224xf32, #tpu.memory_space<vmem>>, vector<16xf32>,
            %swap3A_3111 = arith.constant 0 : index
            %swap3A_3112 = tpu.vector_load %arg17[%swap3A_3111] {strides = array<i32>} : memref<224xi32, #tpu.memory_space<vmem>>, vector<16xi32>,
            tpu.vector_store %arg17[%swap3A_3111], %masked_sort3A_3104 {strides = array<i32>} : memref<224xi32, #tpu.memory_space<vmem>>, vector<16xi32>,
            %swap3A_3113 = arith.constant 16 : index
            %swap3A_3114 = tpu.vector_load %arg16[%swap3A_3113] {strides = array<i32>} : memref<224xf32, #tpu.memory_space<vmem>>, vector<16xf32>,
            tpu.vector_store %arg16[%swap3A_3113], %masked_sort3A_3107 {strides = array<i32>} : memref<224xf32, #tpu.memory_space<vmem>>, vector<16xf32>,
            %swap3A_3115 = arith.constant 16 : index
            %swap3A_3116 = tpu.vector_load %arg17[%swap3A_3115] {strides = array<i32>} : memref<224xi32, #tpu.memory_space<vmem>>, vector<16xi32>,
            tpu.vector_store %arg17[%swap3A_3115], %masked_sort3A_3108 {strides = array<i32>} : memref<224xi32, #tpu.memory_space<vmem>>, vector<16xi32>,
            %swap3A_3117 = arith.constant 32 : index
            %swap3A_3118 = tpu.vector_load %arg16[%swap3A_3117] {strides = array<i32>} : memref<224xf32, #tpu.memory_space<vmem>>, vector<16xf32>,
            tpu.vector_store %arg16[%swap3A_3117], %broadcast_in_dim3A_95 {strides = array<i32>} : memref<224xf32, #tpu.memory_space<vmem>>, vector<16xf32>,
            %swap3A_3119 = arith.constant 32 : index
            %swap3A_3120 = tpu.vector_load %arg17[%swap3A_3119] {strides = array<i32>} : memref<224xi32, #tpu.memory_space<vmem>>, vector<16xi32>,
            tpu.vector_store %arg17[%swap3A_3119], %broadcast_in_dim3A_97 {strides = array<i32>} : memref<224xi32, #tpu.memory_space<vmem>>, vector<16xi32>,
            %swap3A_3121 = arith.constant 48 : index
            %swap3A_3122 = tpu.vector_load %arg16[%swap3A_3121] {strides = array<i32>} : memref<224xf32, #tpu.memory_space<vmem>>, vector<16xf32>,
            tpu.vector_store %arg16[%swap3A_3121], %broadcast_in_dim3A_95 {strides = array<i32>} : memref<224xf32, #tpu.memory_space<vmem>>, vector<16xf32>,
            %swap3A_3123 = arith.constant 48 : index
            %swap3A_3124 = tpu.vector_load %arg17[%swap3A_3123] {strides = array<i32>} : memref<224xi32, #tpu.memory_space<vmem>>, vector<16xi32>,
            tpu.vector_store %arg17[%swap3A_3123], %broadcast_in_dim3A_97 {strides = array<i32>} : memref<224xi32, #tpu.memory_space<vmem>>, vector<16xi32>,
            %swap3A_3125 = arith.constant 64 : index
            %swap3A_3126 = tpu.vector_load %arg16[%swap3A_3125] {strides = array<i32>} : memref<224xf32, #tpu.memory_space<vmem>>, vector<16xf32>,
            tpu.vector_store %arg16[%swap3A_3125], %broadcast_in_dim3A_95 {strides = array<i32>} : memref<224xf32, #tpu.memory_space<vmem>>, vector<16xf32>,
            %swap3A_3127 = arith.constant 64 : index
            %swap3A_3128 = tpu.vector_load %arg17[%swap3A_3127] {strides = array<i32>} : memref<224xi32, #tpu.memory_space<vmem>>, vector<16xi32>,
            tpu.vector_store %arg17[%swap3A_3127], %broadcast_in_dim3A_97 {strides = array<i32>} : memref<224xi32, #tpu.memory_space<vmem>>, vector<16xi32>,
            %swap3A_3129 = arith.constant 80 : index
            %swap3A_3130 = tpu.vector_load %arg16[%swap3A_3129] {strides = array<i32>} : memref<224xf32, #tpu.memory_space<vmem>>, vector<16xf32>,
            tpu.vector_store %arg16[%swap3A_3129], %broadcast_in_dim3A_95 {strides = array<i32>} : memref<224xf32, #tpu.memory_space<vmem>>, vector<16xf32>,
            %swap3A_3131 = arith.constant 80 : index
            %swap3A_3132 = tpu.vector_load %arg17[%swap3A_3131] {strides = array<i32>} : memref<224xi32, #tpu.memory_space<vmem>>, vector<16xi32>,
            tpu.vector_store %arg17[%swap3A_3131], %broadcast_in_dim3A_97 {strides = array<i32>} : memref<224xi32, #tpu.memory_space<vmem>>, vector<16xi32>,
            %swap3A_3133 = arith.constant 96 : index
            %swap3A_3134 = tpu.vector_load %arg16[%swap3A_3133] {strides = array<i32>} : memref<224xf32, #tpu.memory_space<vmem>>, vector<16xf32>,
            tpu.vector_store %arg16[%swap3A_3133], %broadcast_in_dim3A_95 {strides = array<i32>} : memref<224xf32, #tpu.memory_space<vmem>>, vector<16xf32>,
            %swap3A_3135 = arith.constant 96 : index
            %swap3A_3136 = tpu.vector_load %arg17[%swap3A_3135] {strides = array<i32>} : memref<224xi32, #tpu.memory_space<vmem>>, vector<16xi32>,
            tpu.vector_store %arg17[%swap3A_3135], %broadcast_in_dim3A_97 {strides = array<i32>} : memref<224xi32, #tpu.memory_space<vmem>>, vector<16xi32>,
            %swap3A_3137 = arith.constant 112 : index
            %swap3A_3138 = tpu.vector_load %arg16[%swap3A_3137] {strides = array<i32>} : memref<224xf32, #tpu.memory_space<vmem>>, vector<16xf32>,
            tpu.vector_store %arg16[%swap3A_3137], %broadcast_in_dim3A_95 {strides = array<i32>} : memref<224xf32, #tpu.memory_space<vmem>>, vector<16xf32>,
            %swap3A_3139 = arith.constant 112 : index
            %swap3A_3140 = tpu.vector_load %arg17[%swap3A_3139] {strides = array<i32>} : memref<224xi32, #tpu.memory_space<vmem>>, vector<16xi32>,
            tpu.vector_store %arg17[%swap3A_3139], %broadcast_in_dim3A_97 {strides = array<i32>} : memref<224xi32, #tpu.memory_space<vmem>>, vector<16xi32>,
            %swap3A_3141 = arith.constant 128 : index
            %swap3A_3142 = tpu.vector_load %arg16[%swap3A_3141] {strides = array<i32>} : memref<224xf32, #tpu.memory_space<vmem>>, vector<16xf32>,
            tpu.vector_store %arg16[%swap3A_3141], %broadcast_in_dim3A_95 {strides = array<i32>} : memref<224xf32, #tpu.memory_space<vmem>>, vector<16xf32>,
            %swap3A_3143 = arith.constant 128 : index
            %swap3A_3144 = tpu.vector_load %arg17[%swap3A_3143] {strides = array<i32>} : memref<224xi32, #tpu.memory_space<vmem>>, vector<16xi32>,
            tpu.vector_store %arg17[%swap3A_3143], %broadcast_in_dim3A_97 {strides = array<i32>} : memref<224xi32, #tpu.memory_space<vmem>>, vector<16xi32>,
            %swap3A_3145 = arith.constant 144 : index
            %swap3A_3146 = tpu.vector_load %arg16[%swap3A_3145] {strides = array<i32>} : memref<224xf32, #tpu.memory_space<vmem>>, vector<16xf32>,
            tpu.vector_store %arg16[%swap3A_3145], %broadcast_in_dim3A_95 {strides = array<i32>} : memref<224xf32, #tpu.memory_space<vmem>>, vector<16xf32>,
            %swap3A_3147 = arith.constant 144 : index
            %swap3A_3148 = tpu.vector_load %arg17[%swap3A_3147] {strides = array<i32>} : memref<224xi32, #tpu.memory_space<vmem>>, vector<16xi32>,
            tpu.vector_store %arg17[%swap3A_3147], %broadcast_in_dim3A_97 {strides = array<i32>} : memref<224xi32, #tpu.memory_space<vmem>>, vector<16xi32>,
            %swap3A_3149 = arith.constant 160 : index
            %swap3A_3150 = tpu.vector_load %arg16[%swap3A_3149] {strides = array<i32>} : memref<224xf32, #tpu.memory_space<vmem>>, vector<16xf32>,
            tpu.vector_store %arg16[%swap3A_3149], %broadcast_in_dim3A_95 {strides = array<i32>} : memref<224xf32, #tpu.memory_space<vmem>>, vector<16xf32>,
            %swap3A_3151 = arith.constant 160 : index
            %swap3A_3152 = tpu.vector_load %arg17[%swap3A_3151] {strides = array<i32>} : memref<224xi32, #tpu.memory_space<vmem>>, vector<16xi32>,
            tpu.vector_store %arg17[%swap3A_3151], %broadcast_in_dim3A_97 {strides = array<i32>} : memref<224xi32, #tpu.memory_space<vmem>>, vector<16xi32>,
            %swap3A_3153 = arith.constant 176 : index
            %swap3A_3154 = tpu.vector_load %arg16[%swap3A_3153] {strides = array<i32>} : memref<224xf32, #tpu.memory_space<vmem>>, vector<16xf32>,
            tpu.vector_store %arg16[%swap3A_3153], %broadcast_in_dim3A_95 {strides = array<i32>} : memref<224xf32, #tpu.memory_space<vmem>>, vector<16xf32>,
            %swap3A_3155 = arith.constant 176 : index
            %swap3A_3156 = tpu.vector_load %arg17[%swap3A_3155] {strides = array<i32>} : memref<224xi32, #tpu.memory_space<vmem>>, vector<16xi32>,
            tpu.vector_store %arg17[%swap3A_3155], %broadcast_in_dim3A_97 {strides = array<i32>} : memref<224xi32, #tpu.memory_space<vmem>>, vector<16xi32>,
            %swap3A_3157 = arith.constant 192 : index
            %swap3A_3158 = tpu.vector_load %arg16[%swap3A_3157] {strides = array<i32>} : memref<224xf32, #tpu.memory_space<vmem>>, vector<16xf32>,
            tpu.vector_store %arg16[%swap3A_3157], %broadcast_in_dim3A_95 {strides = array<i32>} : memref<224xf32, #tpu.memory_space<vmem>>, vector<16xf32>,
            %swap3A_3159 = arith.constant 192 : index
            %swap3A_3160 = tpu.vector_load %arg17[%swap3A_3159] {strides = array<i32>} : memref<224xi32, #tpu.memory_space<vmem>>, vector<16xi32>,
            tpu.vector_store %arg17[%swap3A_3159], %broadcast_in_dim3A_97 {strides = array<i32>} : memref<224xi32, #tpu.memory_space<vmem>>, vector<16xi32>,
            %swap3A_3161 = arith.constant 208 : index
            %swap3A_3162 = tpu.vector_load %arg16[%swap3A_3161] {strides = array<i32>} : memref<224xf32, #tpu.memory_space<vmem>>, vector<16xf32>,
            tpu.vector_store %arg16[%swap3A_3161], %broadcast_in_dim3A_95 {strides = array<i32>} : memref<224xf32, #tpu.memory_space<vmem>>, vector<16xf32>,
            %swap3A_3163 = arith.constant 208 : index
            %swap3A_3164 = tpu.vector_load %arg17[%swap3A_3163] {strides = array<i32>} : memref<224xi32, #tpu.memory_space<vmem>>, vector<16xi32>,
            tpu.vector_store %arg17[%swap3A_3163], %broadcast_in_dim3A_97 {strides = array<i32>} : memref<224xi32, #tpu.memory_space<vmem>>, vector<16xi32>,
            %reduce_min3A_3165 = arith.constant true
            %reduce_min3A_3166 = vector.broadcast %reduce_min3A_3165 : i1 to vector<16xi1>
            %reduce_min3A_3167 = tpu.scan <min>, %masked_sort3A_3107 masked %reduce_min3A_3166 : vector<16xf32>, vector<16xi1> -> vector<16xf32>
            %reduce_min3A_3168 = vector.extract %reduce_min3A_3167[15] : f32 from vector<16xf32>
            %cond3A_3169 = arith.constant 32 : i32
            scf.yield %cond3A_3169, %reduce_min3A_3168 : i32, f32
          } else {
            scf.yield %add3A_2597, %scan3A_2437 : i32, f32
          }
          scf.yield %cond3A_2601#0, %cond3A_2601#1 : i32, f32
        }
        %scan3A_262 = arith.constant 31 : i32
        %get3A_263 = arith.constant 2016 : index
        %get3A_264 = tpu.vector_load %arg12[%get3A_263] {strides = array<i32>} : memref<2048xf32, #tpu.memory_space<vmem>>, vector<16xf32>,
        %get3A_265 = arith.constant 2016 : index
        %get3A_266 = tpu.vector_load %arg13[%get3A_265] {strides = array<i32>} : memref<2048xf32, #tpu.memory_space<vmem>>, vector<16xf32>,
        %get3A_267 = arith.constant 2016 : index
        %get3A_268 = tpu.vector_load %arg14[%get3A_267] {strides = array<i32>} : memref<2048xf32, #tpu.memory_space<vmem>>, vector<16xf32>,
        %get3A_269 = arith.constant 2016 : index
        %get3A_270 = tpu.vector_load %arg15[%get3A_269] {strides = array<i32>} : memref<2048xf32, #tpu.memory_space<vmem>>, vector<16xf32>,
        %mul3A_271 = arith.mulf %gather3A, %get3A_264 : vector<16xf32>
        %mul3A_272 = arith.mulf %gather3A_135, %get3A_266 : vector<16xf32>
        %add3A_273 = arith.addf %mul3A_271, %mul3A_272 : vector<16xf32>
        %mul3A_274 = arith.mulf %gather3A_136, %get3A_268 : vector<16xf32>
        %add3A_275 = arith.addf %add3A_273, %mul3A_274 : vector<16xf32>
        %add3A_276 = arith.addf %add3A_275, %add3A_275 : vector<16xf32>
        %sub3A_277 = arith.subf %add3A_276, %get3A_270 : vector<16xf32>
        %gt3A = vector.broadcast %scan3A_261#1 : f32 to vector<16xf32>
        %gt3A_278 = arith.cmpf ogt, %sub3A_277, %gt3A : vector<16xf32>
        %swap3A_279 = arith.index_cast %scan3A_261#0 : i32 to index
        %swap3A_280 = tpu.vector_load %arg16[%swap3A_279] masked %gt3A_278 {strides = array<i32>} : memref<224xf32, #tpu.memory_space<vmem>>, vector<16xf32>, vector<16xi1>
        tpu.vector_store %arg16[%swap3A_279], %sub3A_277 masked %gt3A_278 {strides = array<i32>} : memref<224xf32, #tpu.memory_space<vmem>>, vector<16xf32>, vector<16xi1>
        %add3A_281 = arith.constant 2016 : i32
        %add3A_282 = vector.broadcast %add3A_281 : i32 to vector<16xi32>
        %add3A_283 = arith.addi %iota3A, %add3A_282 : vector<16xi32>
        %swap3A_284 = arith.index_cast %scan3A_261#0 : i32 to index
        %swap3A_285 = tpu.vector_load %arg17[%swap3A_284] masked %gt3A_278 {strides = array<i32>} : memref<224xi32, #tpu.memory_space<vmem>>, vector<16xi32>, vector<16xi1>
        tpu.vector_store %arg17[%swap3A_284], %add3A_283 masked %gt3A_278 {strides = array<i32>} : memref<224xi32, #tpu.memory_space<vmem>>, vector<16xi32>, vector<16xi1>
        %all_reduce_population_count3A = tpu.all_reduce %gt3A_278 {dim = 0 : i64, kind = #tpu.reduction_kind<sum>} : vector<16xi1> -> vector<16xi32>
        %slice3A = vector.extract_strided_slice %all_reduce_population_count3A {offsets = [0], sizes = [1], strides = [1]} : vector<16xi32> to vector<1xi32>
        %squeeze3A = vector.extract %slice3A[0] : i32 from vector<1xi32>
        %add3A_286 = arith.addi %scan3A_261#0, %squeeze3A : i32
        %get3A_287 = arith.constant 2032 : index
        %get3A_288 = tpu.vector_load %arg12[%get3A_287] {strides = array<i32>} : memref<2048xf32, #tpu.memory_space<vmem>>, vector<16xf32>,
        %get3A_289 = arith.constant 2032 : index
        %get3A_290 = tpu.vector_load %arg13[%get3A_289] {strides = array<i32>} : memref<2048xf32, #tpu.memory_space<vmem>>, vector<16xf32>,
        %get3A_291 = arith.constant 2032 : index
        %get3A_292 = tpu.vector_load %arg14[%get3A_291] {strides = array<i32>} : memref<2048xf32, #tpu.memory_space<vmem>>, vector<16xf32>,
        %get3A_293 = arith.constant 2032 : index
        %get3A_294 = tpu.vector_load %arg15[%get3A_293] {strides = array<i32>} : memref<2048xf32, #tpu.memory_space<vmem>>, vector<16xf32>,
        %mul3A_295 = arith.mulf %gather3A, %get3A_288 : vector<16xf32>
        %mul3A_296 = arith.mulf %gather3A_135, %get3A_290 : vector<16xf32>
        %add3A_297 = arith.addf %mul3A_295, %mul3A_296 : vector<16xf32>
        %mul3A_298 = arith.mulf %gather3A_136, %get3A_292 : vector<16xf32>
        %add3A_299 = arith.addf %add3A_297, %mul3A_298 : vector<16xf32>
        %add3A_300 = arith.addf %add3A_299, %add3A_299 : vector<16xf32>
        %sub3A_301 = arith.subf %add3A_300, %get3A_294 : vector<16xf32>
        %gt3A_302 = vector.broadcast %scan3A_261#1 : f32 to vector<16xf32>
        %gt3A_303 = arith.cmpf ogt, %sub3A_301, %gt3A_302 : vector<16xf32>
        %swap3A_304 = arith.index_cast %add3A_286 : i32 to index
        %swap3A_305 = tpu.vector_load %arg16[%swap3A_304] masked %gt3A_303 {strides = array<i32>} : memref<224xf32, #tpu.memory_space<vmem>>, vector<16xf32>, vector<16xi1>
        tpu.vector_store %arg16[%swap3A_304], %sub3A_301 masked %gt3A_303 {strides = array<i32>} : memref<224xf32, #tpu.memory_space<vmem>>, vector<16xf32>, vector<16xi1>
        %add3A_306 = arith.constant 2032 : i32
        %add3A_307 = vector.broadcast %add3A_306 : i32 to vector<16xi32>
        %add3A_308 = arith.addi %iota3A, %add3A_307 : vector<16xi32>
        %swap3A_309 = arith.index_cast %add3A_286 : i32 to index
        %swap3A_310 = tpu.vector_load %arg17[%swap3A_309] masked %gt3A_303 {strides = array<i32>} : memref<224xi32, #tpu.memory_space<vmem>>, vector<16xi32>, vector<16xi1>
        tpu.vector_store %arg17[%swap3A_309], %add3A_308 masked %gt3A_303 {strides = array<i32>} : memref<224xi32, #tpu.memory_space<vmem>>, vector<16xi32>, vector<16xi1>
        %all_reduce_population_count3A_311 = tpu.all_reduce %gt3A_303 {dim = 0 : i64, kind = #tpu.reduction_kind<sum>} : vector<16xi1> -> vector<16xi32>
        %slice3A_312 = vector.extract_strided_slice %all_reduce_population_count3A_311 {offsets = [0], sizes = [1], strides = [1]} : vector<16xi32> to vector<1xi32>
        %squeeze3A_313 = vector.extract %slice3A_312[0] : i32 from vector<1xi32>
        %add3A_314 = arith.addi %add3A_286, %squeeze3A_313 : i32
        %get3A_315 = arith.constant 0 : index
        %get3A_316 = tpu.vector_load %arg16[%get3A_315] {strides = array<i32>} : memref<224xf32, #tpu.memory_space<vmem>>, vector<16xf32>,
        %get3A_317 = arith.constant 0 : index
        %get3A_318 = tpu.vector_load %arg17[%get3A_317] {strides = array<i32>} : memref<224xi32, #tpu.memory_space<vmem>>, vector<16xi32>,
        %masked_sort3A_319 = arith.constant dense<true> : vector<16xi1>
        %masked_sort3A_320, %masked_sort3A_321, %masked_sort3A_322 = tpu.sort %get3A_316, %get3A_318 masked %masked_sort3A_319 {descending = true} : (vector<16xf32>, vector<16xi32>, vector<16xi1>) -> (vector<16xi1>, vector<16xf32>, vector<16xi32>)
        %get3A_323 = arith.constant 16 : index
        %get3A_324 = tpu.vector_load %arg16[%get3A_323] {strides = array<i32>} : memref<224xf32, #tpu.memory_space<vmem>>, vector<16xf32>,
        %get3A_325 = arith.constant 16 : index
        %get3A_326 = tpu.vector_load %arg17[%get3A_325] {strides = array<i32>} : memref<224xi32, #tpu.memory_space<vmem>>, vector<16xi32>,
        %masked_sort3A_327 = arith.constant dense<true> : vector<16xi1>
        %masked_sort3A_328, %masked_sort3A_329, %masked_sort3A_330 = tpu.sort %get3A_324, %get3A_326 masked %masked_sort3A_327 {descending = true} : (vector<16xf32>, vector<16xi32>, vector<16xi1>) -> (vector<16xi1>, vector<16xf32>, vector<16xi32>)
        %get3A_331 = arith.constant 32 : index
        %get3A_332 = tpu.vector_load %arg16[%get3A_331] {strides = array<i32>} : memref<224xf32, #tpu.memory_space<vmem>>, vector<16xf32>,
        %get3A_333 = arith.constant 32 : index
        %get3A_334 = tpu.vector_load %arg17[%get3A_333] {strides = array<i32>} : memref<224xi32, #tpu.memory_space<vmem>>, vector<16xi32>,
        %masked_sort3A_335 = arith.constant dense<true> : vector<16xi1>
        %masked_sort3A_336, %masked_sort3A_337, %masked_sort3A_338 = tpu.sort %get3A_332, %get3A_334 masked %masked_sort3A_335 {descending = true} : (vector<16xf32>, vector<16xi32>, vector<16xi1>) -> (vector<16xi1>, vector<16xf32>, vector<16xi32>)
        %get3A_339 = arith.constant 48 : index
        %get3A_340 = tpu.vector_load %arg16[%get3A_339] {strides = array<i32>} : memref<224xf32, #tpu.memory_space<vmem>>, vector<16xf32>,
        %get3A_341 = arith.constant 48 : index
        %get3A_342 = tpu.vector_load %arg17[%get3A_341] {strides = array<i32>} : memref<224xi32, #tpu.memory_space<vmem>>, vector<16xi32>,
        %masked_sort3A_343 = arith.constant dense<true> : vector<16xi1>
        %masked_sort3A_344, %masked_sort3A_345, %masked_sort3A_346 = tpu.sort %get3A_340, %get3A_342 masked %masked_sort3A_343 {descending = true} : (vector<16xf32>, vector<16xi32>, vector<16xi1>) -> (vector<16xi1>, vector<16xf32>, vector<16xi32>)
        %get3A_347 = arith.constant 64 : index
        %get3A_348 = tpu.vector_load %arg16[%get3A_347] {strides = array<i32>} : memref<224xf32, #tpu.memory_space<vmem>>, vector<16xf32>,
        %get3A_349 = arith.constant 64 : index
        %get3A_350 = tpu.vector_load %arg17[%get3A_349] {strides = array<i32>} : memref<224xi32, #tpu.memory_space<vmem>>, vector<16xi32>,
        %masked_sort3A_351 = arith.constant dense<true> : vector<16xi1>
        %masked_sort3A_352, %masked_sort3A_353, %masked_sort3A_354 = tpu.sort %get3A_348, %get3A_350 masked %masked_sort3A_351 {descending = true} : (vector<16xf32>, vector<16xi32>, vector<16xi1>) -> (vector<16xi1>, vector<16xf32>, vector<16xi32>)
        %get3A_355 = arith.constant 80 : index
        %get3A_356 = tpu.vector_load %arg16[%get3A_355] {strides = array<i32>} : memref<224xf32, #tpu.memory_space<vmem>>, vector<16xf32>,
        %get3A_357 = arith.constant 80 : index
        %get3A_358 = tpu.vector_load %arg17[%get3A_357] {strides = array<i32>} : memref<224xi32, #tpu.memory_space<vmem>>, vector<16xi32>,
        %masked_sort3A_359 = arith.constant dense<true> : vector<16xi1>
        %masked_sort3A_360, %masked_sort3A_361, %masked_sort3A_362 = tpu.sort %get3A_356, %get3A_358 masked %masked_sort3A_359 {descending = true} : (vector<16xf32>, vector<16xi32>, vector<16xi1>) -> (vector<16xi1>, vector<16xf32>, vector<16xi32>)
        %get3A_363 = arith.constant 96 : index
        %get3A_364 = tpu.vector_load %arg16[%get3A_363] {strides = array<i32>} : memref<224xf32, #tpu.memory_space<vmem>>, vector<16xf32>,
        %get3A_365 = arith.constant 96 : index
        %get3A_366 = tpu.vector_load %arg17[%get3A_365] {strides = array<i32>} : memref<224xi32, #tpu.memory_space<vmem>>, vector<16xi32>,
        %masked_sort3A_367 = arith.constant dense<true> : vector<16xi1>
        %masked_sort3A_368, %masked_sort3A_369, %masked_sort3A_370 = tpu.sort %get3A_364, %get3A_366 masked %masked_sort3A_367 {descending = true} : (vector<16xf32>, vector<16xi32>, vector<16xi1>) -> (vector<16xi1>, vector<16xf32>, vector<16xi32>)
        %get3A_371 = arith.constant 112 : index
        %get3A_372 = tpu.vector_load %arg16[%get3A_371] {strides = array<i32>} : memref<224xf32, #tpu.memory_space<vmem>>, vector<16xf32>,
        %get3A_373 = arith.constant 112 : index
        %get3A_374 = tpu.vector_load %arg17[%get3A_373] {strides = array<i32>} : memref<224xi32, #tpu.memory_space<vmem>>, vector<16xi32>,
        %masked_sort3A_375 = arith.constant dense<true> : vector<16xi1>
        %masked_sort3A_376, %masked_sort3A_377, %masked_sort3A_378 = tpu.sort %get3A_372, %get3A_374 masked %masked_sort3A_375 {descending = true} : (vector<16xf32>, vector<16xi32>, vector<16xi1>) -> (vector<16xi1>, vector<16xf32>, vector<16xi32>)
        %get3A_379 = arith.constant 128 : index
        %get3A_380 = tpu.vector_load %arg16[%get3A_379] {strides = array<i32>} : memref<224xf32, #tpu.memory_space<vmem>>, vector<16xf32>,
        %get3A_381 = arith.constant 128 : index
        %get3A_382 = tpu.vector_load %arg17[%get3A_381] {strides = array<i32>} : memref<224xi32, #tpu.memory_space<vmem>>, vector<16xi32>,
        %masked_sort3A_383 = arith.constant dense<true> : vector<16xi1>
        %masked_sort3A_384, %masked_sort3A_385, %masked_sort3A_386 = tpu.sort %get3A_380, %get3A_382 masked %masked_sort3A_383 {descending = true} : (vector<16xf32>, vector<16xi32>, vector<16xi1>) -> (vector<16xi1>, vector<16xf32>, vector<16xi32>)
        %get3A_387 = arith.constant 144 : index
        %get3A_388 = tpu.vector_load %arg16[%get3A_387] {strides = array<i32>} : memref<224xf32, #tpu.memory_space<vmem>>, vector<16xf32>,
        %get3A_389 = arith.constant 144 : index
        %get3A_390 = tpu.vector_load %arg17[%get3A_389] {strides = array<i32>} : memref<224xi32, #tpu.memory_space<vmem>>, vector<16xi32>,
        %masked_sort3A_391 = arith.constant dense<true> : vector<16xi1>
        %masked_sort3A_392, %masked_sort3A_393, %masked_sort3A_394 = tpu.sort %get3A_388, %get3A_390 masked %masked_sort3A_391 {descending = true} : (vector<16xf32>, vector<16xi32>, vector<16xi1>) -> (vector<16xi1>, vector<16xf32>, vector<16xi32>)
        %get3A_395 = arith.constant 160 : index
        %get3A_396 = tpu.vector_load %arg16[%get3A_395] {strides = array<i32>} : memref<224xf32, #tpu.memory_space<vmem>>, vector<16xf32>,
        %get3A_397 = arith.constant 160 : index
        %get3A_398 = tpu.vector_load %arg17[%get3A_397] {strides = array<i32>} : memref<224xi32, #tpu.memory_space<vmem>>, vector<16xi32>,
        %masked_sort3A_399 = arith.constant dense<true> : vector<16xi1>
        %masked_sort3A_400, %masked_sort3A_401, %masked_sort3A_402 = tpu.sort %get3A_396, %get3A_398 masked %masked_sort3A_399 {descending = true} : (vector<16xf32>, vector<16xi32>, vector<16xi1>) -> (vector<16xi1>, vector<16xf32>, vector<16xi32>)
        %get3A_403 = arith.constant 176 : index
        %get3A_404 = tpu.vector_load %arg16[%get3A_403] {strides = array<i32>} : memref<224xf32, #tpu.memory_space<vmem>>, vector<16xf32>,
        %get3A_405 = arith.constant 176 : index
        %get3A_406 = tpu.vector_load %arg17[%get3A_405] {strides = array<i32>} : memref<224xi32, #tpu.memory_space<vmem>>, vector<16xi32>,
        %masked_sort3A_407 = arith.constant dense<true> : vector<16xi1>
        %masked_sort3A_408, %masked_sort3A_409, %masked_sort3A_410 = tpu.sort %get3A_404, %get3A_406 masked %masked_sort3A_407 {descending = true} : (vector<16xf32>, vector<16xi32>, vector<16xi1>) -> (vector<16xi1>, vector<16xf32>, vector<16xi32>)
        %get3A_411 = arith.constant 192 : index
        %get3A_412 = tpu.vector_load %arg16[%get3A_411] {strides = array<i32>} : memref<224xf32, #tpu.memory_space<vmem>>, vector<16xf32>,
        %get3A_413 = arith.constant 192 : index
        %get3A_414 = tpu.vector_load %arg17[%get3A_413] {strides = array<i32>} : memref<224xi32, #tpu.memory_space<vmem>>, vector<16xi32>,
        %masked_sort3A_415 = arith.constant dense<true> : vector<16xi1>
        %masked_sort3A_416, %masked_sort3A_417, %masked_sort3A_418 = tpu.sort %get3A_412, %get3A_414 masked %masked_sort3A_415 {descending = true} : (vector<16xf32>, vector<16xi32>, vector<16xi1>) -> (vector<16xi1>, vector<16xf32>, vector<16xi32>)
        %get3A_419 = arith.constant 208 : index
        %get3A_420 = tpu.vector_load %arg16[%get3A_419] {strides = array<i32>} : memref<224xf32, #tpu.memory_space<vmem>>, vector<16xf32>,
        %get3A_421 = arith.constant 208 : index
        %get3A_422 = tpu.vector_load %arg17[%get3A_421] {strides = array<i32>} : memref<224xi32, #tpu.memory_space<vmem>>, vector<16xi32>,
        %masked_sort3A_423 = arith.constant dense<true> : vector<16xi1>
        %masked_sort3A_424, %masked_sort3A_425, %masked_sort3A_426 = tpu.sort %get3A_420, %get3A_422 masked %masked_sort3A_423 {descending = true} : (vector<16xf32>, vector<16xi32>, vector<16xi1>) -> (vector<16xi1>, vector<16xf32>, vector<16xi32>)
        %rev3A_427 = arith.constant 15 : i32
        %rev3A_428 = vector.broadcast %rev3A_427 : i32 to vector<16xi32>
        %rev3A_429 = tpu.iota {dimensions = array<i32: 0>} : vector<16xi32>
        %rev3A_430 = arith.subi %rev3A_428, %rev3A_429 : vector<16xi32>
        %rev3A_431 = tpu.dynamic_gather %masked_sort3A_329[%rev3A_430] in [0] : vector<16xf32>, vector<16xi32> -> vector<16xf32>
        %rev3A_432 = arith.constant 15 : i32
        %rev3A_433 = vector.broadcast %rev3A_432 : i32 to vector<16xi32>
        %rev3A_434 = tpu.iota {dimensions = array<i32: 0>} : vector<16xi32>
        %rev3A_435 = arith.subi %rev3A_433, %rev3A_434 : vector<16xi32>
        %rev3A_436 = tpu.dynamic_gather %masked_sort3A_330[%rev3A_435] in [0] : vector<16xi32>, vector<16xi32> -> vector<16xi32>
        %ge3A_437 = arith.cmpf oge, %masked_sort3A_321, %rev3A_431 : vector<16xf32>
        %select_n3A_438 = arith.select %ge3A_437, %masked_sort3A_321, %rev3A_431 : vector<16xi1>, vector<16xf32>
        %select_n3A_439 = arith.select %ge3A_437, %masked_sort3A_322, %rev3A_436 : vector<16xi1>, vector<16xi32>
        %select_n3A_440 = arith.select %ge3A_437, %rev3A_431, %masked_sort3A_321 : vector<16xi1>, vector<16xf32>
        %select_n3A_441 = arith.select %ge3A_437, %rev3A_436, %masked_sort3A_322 : vector<16xi1>, vector<16xi32>
        %masked_sort3A_442 = arith.constant dense<true> : vector<16xi1>
        %masked_sort3A_443, %masked_sort3A_444, %masked_sort3A_445 = tpu.sort %select_n3A_438, %select_n3A_439 masked %masked_sort3A_442 {descending = true} : (vector<16xf32>, vector<16xi32>, vector<16xi1>) -> (vector<16xi1>, vector<16xf32>, vector<16xi32>)
        %masked_sort3A_446 = arith.constant dense<true> : vector<16xi1>
        %masked_sort3A_447, %masked_sort3A_448, %masked_sort3A_449 = tpu.sort %select_n3A_440, %select_n3A_441 masked %masked_sort3A_446 {descending = true} : (vector<16xf32>, vector<16xi32>, vector<16xi1>) -> (vector<16xi1>, vector<16xf32>, vector<16xi32>)
        %rev3A_450 = arith.constant 15 : i32
        %rev3A_451 = vector.broadcast %rev3A_450 : i32 to vector<16xi32>
        %rev3A_452 = tpu.iota {dimensions = array<i32: 0>} : vector<16xi32>
        %rev3A_453 = arith.subi %rev3A_451, %rev3A_452 : vector<16xi32>
        %rev3A_454 = tpu.dynamic_gather %masked_sort3A_345[%rev3A_453] in [0] : vector<16xf32>, vector<16xi32> -> vector<16xf32>
        %rev3A_455 = arith.constant 15 : i32
        %rev3A_456 = vector.broadcast %rev3A_455 : i32 to vector<16xi32>
        %rev3A_457 = tpu.iota {dimensions = array<i32: 0>} : vector<16xi32>
        %rev3A_458 = arith.subi %rev3A_456, %rev3A_457 : vector<16xi32>
        %rev3A_459 = tpu.dynamic_gather %masked_sort3A_346[%rev3A_458] in [0] : vector<16xi32>, vector<16xi32> -> vector<16xi32>
        %ge3A_460 = arith.cmpf oge, %masked_sort3A_337, %rev3A_454 : vector<16xf32>
        %select_n3A_461 = arith.select %ge3A_460, %masked_sort3A_337, %rev3A_454 : vector<16xi1>, vector<16xf32>
        %select_n3A_462 = arith.select %ge3A_460, %masked_sort3A_338, %rev3A_459 : vector<16xi1>, vector<16xi32>
        %select_n3A_463 = arith.select %ge3A_460, %rev3A_454, %masked_sort3A_337 : vector<16xi1>, vector<16xf32>
        %select_n3A_464 = arith.select %ge3A_460, %rev3A_459, %masked_sort3A_338 : vector<16xi1>, vector<16xi32>
        %masked_sort3A_465 = arith.constant dense<true> : vector<16xi1>
        %masked_sort3A_466, %masked_sort3A_467, %masked_sort3A_468 = tpu.sort %select_n3A_461, %select_n3A_462 masked %masked_sort3A_465 {descending = true} : (vector<16xf32>, vector<16xi32>, vector<16xi1>) -> (vector<16xi1>, vector<16xf32>, vector<16xi32>)
        %masked_sort3A_469 = arith.constant dense<true> : vector<16xi1>
        %masked_sort3A_470, %masked_sort3A_471, %masked_sort3A_472 = tpu.sort %select_n3A_463, %select_n3A_464 masked %masked_sort3A_469 {descending = true} : (vector<16xf32>, vector<16xi32>, vector<16xi1>) -> (vector<16xi1>, vector<16xf32>, vector<16xi32>)
        %rev3A_473 = arith.constant 15 : i32
        %rev3A_474 = vector.broadcast %rev3A_473 : i32 to vector<16xi32>
        %rev3A_475 = tpu.iota {dimensions = array<i32: 0>} : vector<16xi32>
        %rev3A_476 = arith.subi %rev3A_474, %rev3A_475 : vector<16xi32>
        %rev3A_477 = tpu.dynamic_gather %masked_sort3A_361[%rev3A_476] in [0] : vector<16xf32>, vector<16xi32> -> vector<16xf32>
        %rev3A_478 = arith.constant 15 : i32
        %rev3A_479 = vector.broadcast %rev3A_478 : i32 to vector<16xi32>
        %rev3A_480 = tpu.iota {dimensions = array<i32: 0>} : vector<16xi32>
        %rev3A_481 = arith.subi %rev3A_479, %rev3A_480 : vector<16xi32>
        %rev3A_482 = tpu.dynamic_gather %masked_sort3A_362[%rev3A_481] in [0] : vector<16xi32>, vector<16xi32> -> vector<16xi32>
        %ge3A_483 = arith.cmpf oge, %masked_sort3A_353, %rev3A_477 : vector<16xf32>
        %select_n3A_484 = arith.select %ge3A_483, %masked_sort3A_353, %rev3A_477 : vector<16xi1>, vector<16xf32>
        %select_n3A_485 = arith.select %ge3A_483, %masked_sort3A_354, %rev3A_482 : vector<16xi1>, vector<16xi32>
        %select_n3A_486 = arith.select %ge3A_483, %rev3A_477, %masked_sort3A_353 : vector<16xi1>, vector<16xf32>
        %select_n3A_487 = arith.select %ge3A_483, %rev3A_482, %masked_sort3A_354 : vector<16xi1>, vector<16xi32>
        %masked_sort3A_488 = arith.constant dense<true> : vector<16xi1>
        %masked_sort3A_489, %masked_sort3A_490, %masked_sort3A_491 = tpu.sort %select_n3A_484, %select_n3A_485 masked %masked_sort3A_488 {descending = true} : (vector<16xf32>, vector<16xi32>, vector<16xi1>) -> (vector<16xi1>, vector<16xf32>, vector<16xi32>)
        %masked_sort3A_492 = arith.constant dense<true> : vector<16xi1>
        %masked_sort3A_493, %masked_sort3A_494, %masked_sort3A_495 = tpu.sort %select_n3A_486, %select_n3A_487 masked %masked_sort3A_492 {descending = true} : (vector<16xf32>, vector<16xi32>, vector<16xi1>) -> (vector<16xi1>, vector<16xf32>, vector<16xi32>)
        %rev3A_496 = arith.constant 15 : i32
        %rev3A_497 = vector.broadcast %rev3A_496 : i32 to vector<16xi32>
        %rev3A_498 = tpu.iota {dimensions = array<i32: 0>} : vector<16xi32>
        %rev3A_499 = arith.subi %rev3A_497, %rev3A_498 : vector<16xi32>
        %rev3A_500 = tpu.dynamic_gather %masked_sort3A_377[%rev3A_499] in [0] : vector<16xf32>, vector<16xi32> -> vector<16xf32>
        %rev3A_501 = arith.constant 15 : i32
        %rev3A_502 = vector.broadcast %rev3A_501 : i32 to vector<16xi32>
        %rev3A_503 = tpu.iota {dimensions = array<i32: 0>} : vector<16xi32>
        %rev3A_504 = arith.subi %rev3A_502, %rev3A_503 : vector<16xi32>
        %rev3A_505 = tpu.dynamic_gather %masked_sort3A_378[%rev3A_504] in [0] : vector<16xi32>, vector<16xi32> -> vector<16xi32>
        %ge3A_506 = arith.cmpf oge, %masked_sort3A_369, %rev3A_500 : vector<16xf32>
        %select_n3A_507 = arith.select %ge3A_506, %masked_sort3A_369, %rev3A_500 : vector<16xi1>, vector<16xf32>
        %select_n3A_508 = arith.select %ge3A_506, %masked_sort3A_370, %rev3A_505 : vector<16xi1>, vector<16xi32>
        %select_n3A_509 = arith.select %ge3A_506, %rev3A_500, %masked_sort3A_369 : vector<16xi1>, vector<16xf32>
        %select_n3A_510 = arith.select %ge3A_506, %rev3A_505, %masked_sort3A_370 : vector<16xi1>, vector<16xi32>
        %masked_sort3A_511 = arith.constant dense<true> : vector<16xi1>
        %masked_sort3A_512, %masked_sort3A_513, %masked_sort3A_514 = tpu.sort %select_n3A_507, %select_n3A_508 masked %masked_sort3A_511 {descending = true} : (vector<16xf32>, vector<16xi32>, vector<16xi1>) -> (vector<16xi1>, vector<16xf32>, vector<16xi32>)
        %masked_sort3A_515 = arith.constant dense<true> : vector<16xi1>
        %masked_sort3A_516, %masked_sort3A_517, %masked_sort3A_518 = tpu.sort %select_n3A_509, %select_n3A_510 masked %masked_sort3A_515 {descending = true} : (vector<16xf32>, vector<16xi32>, vector<16xi1>) -> (vector<16xi1>, vector<16xf32>, vector<16xi32>)
        %rev3A_519 = arith.constant 15 : i32
        %rev3A_520 = vector.broadcast %rev3A_519 : i32 to vector<16xi32>
        %rev3A_521 = tpu.iota {dimensions = array<i32: 0>} : vector<16xi32>
        %rev3A_522 = arith.subi %rev3A_520, %rev3A_521 : vector<16xi32>
        %rev3A_523 = tpu.dynamic_gather %masked_sort3A_393[%rev3A_522] in [0] : vector<16xf32>, vector<16xi32> -> vector<16xf32>
        %rev3A_524 = arith.constant 15 : i32
        %rev3A_525 = vector.broadcast %rev3A_524 : i32 to vector<16xi32>
        %rev3A_526 = tpu.iota {dimensions = array<i32: 0>} : vector<16xi32>
        %rev3A_527 = arith.subi %rev3A_525, %rev3A_526 : vector<16xi32>
        %rev3A_528 = tpu.dynamic_gather %masked_sort3A_394[%rev3A_527] in [0] : vector<16xi32>, vector<16xi32> -> vector<16xi32>
        %ge3A_529 = arith.cmpf oge, %masked_sort3A_385, %rev3A_523 : vector<16xf32>
        %select_n3A_530 = arith.select %ge3A_529, %masked_sort3A_385, %rev3A_523 : vector<16xi1>, vector<16xf32>
        %select_n3A_531 = arith.select %ge3A_529, %masked_sort3A_386, %rev3A_528 : vector<16xi1>, vector<16xi32>
        %select_n3A_532 = arith.select %ge3A_529, %rev3A_523, %masked_sort3A_385 : vector<16xi1>, vector<16xf32>
        %select_n3A_533 = arith.select %ge3A_529, %rev3A_528, %masked_sort3A_386 : vector<16xi1>, vector<16xi32>
        %masked_sort3A_534 = arith.constant dense<true> : vector<16xi1>
        %masked_sort3A_535, %masked_sort3A_536, %masked_sort3A_537 = tpu.sort %select_n3A_530, %select_n3A_531 masked %masked_sort3A_534 {descending = true} : (vector<16xf32>, vector<16xi32>, vector<16xi1>) -> (vector<16xi1>, vector<16xf32>, vector<16xi32>)
        %masked_sort3A_538 = arith.constant dense<true> : vector<16xi1>
        %masked_sort3A_539, %masked_sort3A_540, %masked_sort3A_541 = tpu.sort %select_n3A_532, %select_n3A_533 masked %masked_sort3A_538 {descending = true} : (vector<16xf32>, vector<16xi32>, vector<16xi1>) -> (vector<16xi1>, vector<16xf32>, vector<16xi32>)
        %rev3A_542 = arith.constant 15 : i32
        %rev3A_543 = vector.broadcast %rev3A_542 : i32 to vector<16xi32>
        %rev3A_544 = tpu.iota {dimensions = array<i32: 0>} : vector<16xi32>
        %rev3A_545 = arith.subi %rev3A_543, %rev3A_544 : vector<16xi32>
        %rev3A_546 = tpu.dynamic_gather %masked_sort3A_409[%rev3A_545] in [0] : vector<16xf32>, vector<16xi32> -> vector<16xf32>
        %rev3A_547 = arith.constant 15 : i32
        %rev3A_548 = vector.broadcast %rev3A_547 : i32 to vector<16xi32>
        %rev3A_549 = tpu.iota {dimensions = array<i32: 0>} : vector<16xi32>
        %rev3A_550 = arith.subi %rev3A_548, %rev3A_549 : vector<16xi32>
        %rev3A_551 = tpu.dynamic_gather %masked_sort3A_410[%rev3A_550] in [0] : vector<16xi32>, vector<16xi32> -> vector<16xi32>
        %ge3A_552 = arith.cmpf oge, %masked_sort3A_401, %rev3A_546 : vector<16xf32>
        %select_n3A_553 = arith.select %ge3A_552, %masked_sort3A_401, %rev3A_546 : vector<16xi1>, vector<16xf32>
        %select_n3A_554 = arith.select %ge3A_552, %masked_sort3A_402, %rev3A_551 : vector<16xi1>, vector<16xi32>
        %select_n3A_555 = arith.select %ge3A_552, %rev3A_546, %masked_sort3A_401 : vector<16xi1>, vector<16xf32>
        %select_n3A_556 = arith.select %ge3A_552, %rev3A_551, %masked_sort3A_402 : vector<16xi1>, vector<16xi32>
        %masked_sort3A_557 = arith.constant dense<true> : vector<16xi1>
        %masked_sort3A_558, %masked_sort3A_559, %masked_sort3A_560 = tpu.sort %select_n3A_553, %select_n3A_554 masked %masked_sort3A_557 {descending = true} : (vector<16xf32>, vector<16xi32>, vector<16xi1>) -> (vector<16xi1>, vector<16xf32>, vector<16xi32>)
        %masked_sort3A_561 = arith.constant dense<true> : vector<16xi1>
        %masked_sort3A_562, %masked_sort3A_563, %masked_sort3A_564 = tpu.sort %select_n3A_555, %select_n3A_556 masked %masked_sort3A_561 {descending = true} : (vector<16xf32>, vector<16xi32>, vector<16xi1>) -> (vector<16xi1>, vector<16xf32>, vector<16xi32>)
        %rev3A_565 = arith.constant 15 : i32
        %rev3A_566 = vector.broadcast %rev3A_565 : i32 to vector<16xi32>
        %rev3A_567 = tpu.iota {dimensions = array<i32: 0>} : vector<16xi32>
        %rev3A_568 = arith.subi %rev3A_566, %rev3A_567 : vector<16xi32>
        %rev3A_569 = tpu.dynamic_gather %masked_sort3A_425[%rev3A_568] in [0] : vector<16xf32>, vector<16xi32> -> vector<16xf32>
        %rev3A_570 = arith.constant 15 : i32
        %rev3A_571 = vector.broadcast %rev3A_570 : i32 to vector<16xi32>
        %rev3A_572 = tpu.iota {dimensions = array<i32: 0>} : vector<16xi32>
        %rev3A_573 = arith.subi %rev3A_571, %rev3A_572 : vector<16xi32>
        %rev3A_574 = tpu.dynamic_gather %masked_sort3A_426[%rev3A_573] in [0] : vector<16xi32>, vector<16xi32> -> vector<16xi32>
        %ge3A_575 = arith.cmpf oge, %masked_sort3A_417, %rev3A_569 : vector<16xf32>
        %select_n3A_576 = arith.select %ge3A_575, %masked_sort3A_417, %rev3A_569 : vector<16xi1>, vector<16xf32>
        %select_n3A_577 = arith.select %ge3A_575, %masked_sort3A_418, %rev3A_574 : vector<16xi1>, vector<16xi32>
        %select_n3A_578 = arith.select %ge3A_575, %rev3A_569, %masked_sort3A_417 : vector<16xi1>, vector<16xf32>
        %select_n3A_579 = arith.select %ge3A_575, %rev3A_574, %masked_sort3A_418 : vector<16xi1>, vector<16xi32>
        %masked_sort3A_580 = arith.constant dense<true> : vector<16xi1>
        %masked_sort3A_581, %masked_sort3A_582, %masked_sort3A_583 = tpu.sort %select_n3A_576, %select_n3A_577 masked %masked_sort3A_580 {descending = true} : (vector<16xf32>, vector<16xi32>, vector<16xi1>) -> (vector<16xi1>, vector<16xf32>, vector<16xi32>)
        %masked_sort3A_584 = arith.constant dense<true> : vector<16xi1>
        %masked_sort3A_585, %masked_sort3A_586, %masked_sort3A_587 = tpu.sort %select_n3A_578, %select_n3A_579 masked %masked_sort3A_584 {descending = true} : (vector<16xf32>, vector<16xi32>, vector<16xi1>) -> (vector<16xi1>, vector<16xf32>, vector<16xi32>)
        %rev3A_588 = arith.constant 15 : i32
        %rev3A_589 = vector.broadcast %rev3A_588 : i32 to vector<16xi32>
        %rev3A_590 = tpu.iota {dimensions = array<i32: 0>} : vector<16xi32>
        %rev3A_591 = arith.subi %rev3A_589, %rev3A_590 : vector<16xi32>
        %rev3A_592 = tpu.dynamic_gather %masked_sort3A_467[%rev3A_591] in [0] : vector<16xf32>, vector<16xi32> -> vector<16xf32>
        %rev3A_593 = arith.constant 15 : i32
        %rev3A_594 = vector.broadcast %rev3A_593 : i32 to vector<16xi32>
        %rev3A_595 = tpu.iota {dimensions = array<i32: 0>} : vector<16xi32>
        %rev3A_596 = arith.subi %rev3A_594, %rev3A_595 : vector<16xi32>
        %rev3A_597 = tpu.dynamic_gather %masked_sort3A_468[%rev3A_596] in [0] : vector<16xi32>, vector<16xi32> -> vector<16xi32>
        %rev3A_598 = arith.constant 15 : i32
        %rev3A_599 = vector.broadcast %rev3A_598 : i32 to vector<16xi32>
        %rev3A_600 = tpu.iota {dimensions = array<i32: 0>} : vector<16xi32>
        %rev3A_601 = arith.subi %rev3A_599, %rev3A_600 : vector<16xi32>
        %rev3A_602 = tpu.dynamic_gather %masked_sort3A_471[%rev3A_601] in [0] : vector<16xf32>, vector<16xi32> -> vector<16xf32>
        %rev3A_603 = arith.constant 15 : i32
        %rev3A_604 = vector.broadcast %rev3A_603 : i32 to vector<16xi32>
        %rev3A_605 = tpu.iota {dimensions = array<i32: 0>} : vector<16xi32>
        %rev3A_606 = arith.subi %rev3A_604, %rev3A_605 : vector<16xi32>
        %rev3A_607 = tpu.dynamic_gather %masked_sort3A_472[%rev3A_606] in [0] : vector<16xi32>, vector<16xi32> -> vector<16xi32>
        %ge3A_608 = arith.cmpf oge, %masked_sort3A_444, %rev3A_602 : vector<16xf32>
        %select_n3A_609 = arith.select %ge3A_608, %masked_sort3A_444, %rev3A_602 : vector<16xi1>, vector<16xf32>
        %select_n3A_610 = arith.select %ge3A_608, %masked_sort3A_445, %rev3A_607 : vector<16xi1>, vector<16xi32>
        %ge3A_611 = arith.cmpf oge, %masked_sort3A_448, %rev3A_592 : vector<16xf32>
        %select_n3A_612 = arith.select %ge3A_611, %masked_sort3A_448, %rev3A_592 : vector<16xi1>, vector<16xf32>
        %select_n3A_613 = arith.select %ge3A_611, %masked_sort3A_449, %rev3A_597 : vector<16xi1>, vector<16xi32>
        %ge3A_614 = arith.cmpf oge, %select_n3A_609, %select_n3A_612 : vector<16xf32>
        %select_n3A_615 = arith.select %ge3A_614, %select_n3A_609, %select_n3A_612 : vector<16xi1>, vector<16xf32>
        %select_n3A_616 = arith.select %ge3A_614, %select_n3A_610, %select_n3A_613 : vector<16xi1>, vector<16xi32>
        %select_n3A_617 = arith.select %ge3A_614, %select_n3A_612, %select_n3A_609 : vector<16xi1>, vector<16xf32>
        %select_n3A_618 = arith.select %ge3A_614, %select_n3A_613, %select_n3A_610 : vector<16xi1>, vector<16xi32>
        %masked_sort3A_619 = arith.constant dense<true> : vector<16xi1>
        %masked_sort3A_620, %masked_sort3A_621, %masked_sort3A_622 = tpu.sort %select_n3A_615, %select_n3A_616 masked %masked_sort3A_619 {descending = true} : (vector<16xf32>, vector<16xi32>, vector<16xi1>) -> (vector<16xi1>, vector<16xf32>, vector<16xi32>)
        %masked_sort3A_623 = arith.constant dense<true> : vector<16xi1>
        %masked_sort3A_624, %masked_sort3A_625, %masked_sort3A_626 = tpu.sort %select_n3A_617, %select_n3A_618 masked %masked_sort3A_623 {descending = true} : (vector<16xf32>, vector<16xi32>, vector<16xi1>) -> (vector<16xi1>, vector<16xf32>, vector<16xi32>)
        %rev3A_627 = arith.constant 15 : i32
        %rev3A_628 = vector.broadcast %rev3A_627 : i32 to vector<16xi32>
        %rev3A_629 = tpu.iota {dimensions = array<i32: 0>} : vector<16xi32>
        %rev3A_630 = arith.subi %rev3A_628, %rev3A_629 : vector<16xi32>
        %rev3A_631 = tpu.dynamic_gather %masked_sort3A_490[%rev3A_630] in [0] : vector<16xf32>, vector<16xi32> -> vector<16xf32>
        %rev3A_632 = arith.constant 15 : i32
        %rev3A_633 = vector.broadcast %rev3A_632 : i32 to vector<16xi32>
        %rev3A_634 = tpu.iota {dimensions = array<i32: 0>} : vector<16xi32>
        %rev3A_635 = arith.subi %rev3A_633, %rev3A_634 : vector<16xi32>
        %rev3A_636 = tpu.dynamic_gather %masked_sort3A_491[%rev3A_635] in [0] : vector<16xi32>, vector<16xi32> -> vector<16xi32>
        %rev3A_637 = arith.constant 15 : i32
        %rev3A_638 = vector.broadcast %rev3A_637 : i32 to vector<16xi32>
        %rev3A_639 = tpu.iota {dimensions = array<i32: 0>} : vector<16xi32>
        %rev3A_640 = arith.subi %rev3A_638, %rev3A_639 : vector<16xi32>
        %rev3A_641 = tpu.dynamic_gather %masked_sort3A_494[%rev3A_640] in [0] : vector<16xf32>, vector<16xi32> -> vector<16xf32>
        %rev3A_642 = arith.constant 15 : i32
        %rev3A_643 = vector.broadcast %rev3A_642 : i32 to vector<16xi32>
        %rev3A_644 = tpu.iota {dimensions = array<i32: 0>} : vector<16xi32>
        %rev3A_645 = arith.subi %rev3A_643, %rev3A_644 : vector<16xi32>
        %rev3A_646 = tpu.dynamic_gather %masked_sort3A_495[%rev3A_645] in [0] : vector<16xi32>, vector<16xi32> -> vector<16xi32>
        %ge3A_647 = arith.cmpf oge, %masked_sort3A_621, %rev3A_641 : vector<16xf32>
        %select_n3A_648 = arith.select %ge3A_647, %masked_sort3A_621, %rev3A_641 : vector<16xi1>, vector<16xf32>
        %select_n3A_649 = arith.select %ge3A_647, %masked_sort3A_622, %rev3A_646 : vector<16xi1>, vector<16xi32>
        %ge3A_650 = arith.cmpf oge, %masked_sort3A_625, %rev3A_631 : vector<16xf32>
        %select_n3A_651 = arith.select %ge3A_650, %masked_sort3A_625, %rev3A_631 : vector<16xi1>, vector<16xf32>
        %select_n3A_652 = arith.select %ge3A_650, %masked_sort3A_626, %rev3A_636 : vector<16xi1>, vector<16xi32>
        %ge3A_653 = arith.cmpf oge, %select_n3A_648, %select_n3A_651 : vector<16xf32>
        %select_n3A_654 = arith.select %ge3A_653, %select_n3A_648, %select_n3A_651 : vector<16xi1>, vector<16xf32>
        %select_n3A_655 = arith.select %ge3A_653, %select_n3A_649, %select_n3A_652 : vector<16xi1>, vector<16xi32>
        %select_n3A_656 = arith.select %ge3A_653, %select_n3A_651, %select_n3A_648 : vector<16xi1>, vector<16xf32>
        %select_n3A_657 = arith.select %ge3A_653, %select_n3A_652, %select_n3A_649 : vector<16xi1>, vector<16xi32>
        %masked_sort3A_658 = arith.constant dense<true> : vector<16xi1>
        %masked_sort3A_659, %masked_sort3A_660, %masked_sort3A_661 = tpu.sort %select_n3A_654, %select_n3A_655 masked %masked_sort3A_658 {descending = true} : (vector<16xf32>, vector<16xi32>, vector<16xi1>) -> (vector<16xi1>, vector<16xf32>, vector<16xi32>)
        %masked_sort3A_662 = arith.constant dense<true> : vector<16xi1>
        %masked_sort3A_663, %masked_sort3A_664, %masked_sort3A_665 = tpu.sort %select_n3A_656, %select_n3A_657 masked %masked_sort3A_662 {descending = true} : (vector<16xf32>, vector<16xi32>, vector<16xi1>) -> (vector<16xi1>, vector<16xf32>, vector<16xi32>)
        %rev3A_666 = arith.constant 15 : i32
        %rev3A_667 = vector.broadcast %rev3A_666 : i32 to vector<16xi32>
        %rev3A_668 = tpu.iota {dimensions = array<i32: 0>} : vector<16xi32>
        %rev3A_669 = arith.subi %rev3A_667, %rev3A_668 : vector<16xi32>
        %rev3A_670 = tpu.dynamic_gather %masked_sort3A_513[%rev3A_669] in [0] : vector<16xf32>, vector<16xi32> -> vector<16xf32>
        %rev3A_671 = arith.constant 15 : i32
        %rev3A_672 = vector.broadcast %rev3A_671 : i32 to vector<16xi32>
        %rev3A_673 = tpu.iota {dimensions = array<i32: 0>} : vector<16xi32>
        %rev3A_674 = arith.subi %rev3A_672, %rev3A_673 : vector<16xi32>
        %rev3A_675 = tpu.dynamic_gather %masked_sort3A_514[%rev3A_674] in [0] : vector<16xi32>, vector<16xi32> -> vector<16xi32>
        %rev3A_676 = arith.constant 15 : i32
        %rev3A_677 = vector.broadcast %rev3A_676 : i32 to vector<16xi32>
        %rev3A_678 = tpu.iota {dimensions = array<i32: 0>} : vector<16xi32>
        %rev3A_679 = arith.subi %rev3A_677, %rev3A_678 : vector<16xi32>
        %rev3A_680 = tpu.dynamic_gather %masked_sort3A_517[%rev3A_679] in [0] : vector<16xf32>, vector<16xi32> -> vector<16xf32>
        %rev3A_681 = arith.constant 15 : i32
        %rev3A_682 = vector.broadcast %rev3A_681 : i32 to vector<16xi32>
        %rev3A_683 = tpu.iota {dimensions = array<i32: 0>} : vector<16xi32>
        %rev3A_684 = arith.subi %rev3A_682, %rev3A_683 : vector<16xi32>
        %rev3A_685 = tpu.dynamic_gather %masked_sort3A_518[%rev3A_684] in [0] : vector<16xi32>, vector<16xi32> -> vector<16xi32>
        %ge3A_686 = arith.cmpf oge, %masked_sort3A_660, %rev3A_680 : vector<16xf32>
        %select_n3A_687 = arith.select %ge3A_686, %masked_sort3A_660, %rev3A_680 : vector<16xi1>, vector<16xf32>
        %select_n3A_688 = arith.select %ge3A_686, %masked_sort3A_661, %rev3A_685 : vector<16xi1>, vector<16xi32>
        %ge3A_689 = arith.cmpf oge, %masked_sort3A_664, %rev3A_670 : vector<16xf32>
        %select_n3A_690 = arith.select %ge3A_689, %masked_sort3A_664, %rev3A_670 : vector<16xi1>, vector<16xf32>
        %select_n3A_691 = arith.select %ge3A_689, %masked_sort3A_665, %rev3A_675 : vector<16xi1>, vector<16xi32>
        %ge3A_692 = arith.cmpf oge, %select_n3A_687, %select_n3A_690 : vector<16xf32>
        %select_n3A_693 = arith.select %ge3A_692, %select_n3A_687, %select_n3A_690 : vector<16xi1>, vector<16xf32>
        %select_n3A_694 = arith.select %ge3A_692, %select_n3A_688, %select_n3A_691 : vector<16xi1>, vector<16xi32>
        %select_n3A_695 = arith.select %ge3A_692, %select_n3A_690, %select_n3A_687 : vector<16xi1>, vector<16xf32>
        %select_n3A_696 = arith.select %ge3A_692, %select_n3A_691, %select_n3A_688 : vector<16xi1>, vector<16xi32>
        %masked_sort3A_697 = arith.constant dense<true> : vector<16xi1>
        %masked_sort3A_698, %masked_sort3A_699, %masked_sort3A_700 = tpu.sort %select_n3A_693, %select_n3A_694 masked %masked_sort3A_697 {descending = true} : (vector<16xf32>, vector<16xi32>, vector<16xi1>) -> (vector<16xi1>, vector<16xf32>, vector<16xi32>)
        %masked_sort3A_701 = arith.constant dense<true> : vector<16xi1>
        %masked_sort3A_702, %masked_sort3A_703, %masked_sort3A_704 = tpu.sort %select_n3A_695, %select_n3A_696 masked %masked_sort3A_701 {descending = true} : (vector<16xf32>, vector<16xi32>, vector<16xi1>) -> (vector<16xi1>, vector<16xf32>, vector<16xi32>)
        %rev3A_705 = arith.constant 15 : i32
        %rev3A_706 = vector.broadcast %rev3A_705 : i32 to vector<16xi32>
        %rev3A_707 = tpu.iota {dimensions = array<i32: 0>} : vector<16xi32>
        %rev3A_708 = arith.subi %rev3A_706, %rev3A_707 : vector<16xi32>
        %rev3A_709 = tpu.dynamic_gather %masked_sort3A_536[%rev3A_708] in [0] : vector<16xf32>, vector<16xi32> -> vector<16xf32>
        %rev3A_710 = arith.constant 15 : i32
        %rev3A_711 = vector.broadcast %rev3A_710 : i32 to vector<16xi32>
        %rev3A_712 = tpu.iota {dimensions = array<i32: 0>} : vector<16xi32>
        %rev3A_713 = arith.subi %rev3A_711, %rev3A_712 : vector<16xi32>
        %rev3A_714 = tpu.dynamic_gather %masked_sort3A_537[%rev3A_713] in [0] : vector<16xi32>, vector<16xi32> -> vector<16xi32>
        %rev3A_715 = arith.constant 15 : i32
        %rev3A_716 = vector.broadcast %rev3A_715 : i32 to vector<16xi32>
        %rev3A_717 = tpu.iota {dimensions = array<i32: 0>} : vector<16xi32>
        %rev3A_718 = arith.subi %rev3A_716, %rev3A_717 : vector<16xi32>
        %rev3A_719 = tpu.dynamic_gather %masked_sort3A_540[%rev3A_718] in [0] : vector<16xf32>, vector<16xi32> -> vector<16xf32>
        %rev3A_720 = arith.constant 15 : i32
        %rev3A_721 = vector.broadcast %rev3A_720 : i32 to vector<16xi32>
        %rev3A_722 = tpu.iota {dimensions = array<i32: 0>} : vector<16xi32>
        %rev3A_723 = arith.subi %rev3A_721, %rev3A_722 : vector<16xi32>
        %rev3A_724 = tpu.dynamic_gather %masked_sort3A_541[%rev3A_723] in [0] : vector<16xi32>, vector<16xi32> -> vector<16xi32>
        %ge3A_725 = arith.cmpf oge, %masked_sort3A_699, %rev3A_719 : vector<16xf32>
        %select_n3A_726 = arith.select %ge3A_725, %masked_sort3A_699, %rev3A_719 : vector<16xi1>, vector<16xf32>
        %select_n3A_727 = arith.select %ge3A_725, %masked_sort3A_700, %rev3A_724 : vector<16xi1>, vector<16xi32>
        %ge3A_728 = arith.cmpf oge, %masked_sort3A_703, %rev3A_709 : vector<16xf32>
        %select_n3A_729 = arith.select %ge3A_728, %masked_sort3A_703, %rev3A_709 : vector<16xi1>, vector<16xf32>
        %select_n3A_730 = arith.select %ge3A_728, %masked_sort3A_704, %rev3A_714 : vector<16xi1>, vector<16xi32>
        %ge3A_731 = arith.cmpf oge, %select_n3A_726, %select_n3A_729 : vector<16xf32>
        %select_n3A_732 = arith.select %ge3A_731, %select_n3A_726, %select_n3A_729 : vector<16xi1>, vector<16xf32>
        %select_n3A_733 = arith.select %ge3A_731, %select_n3A_727, %select_n3A_730 : vector<16xi1>, vector<16xi32>
        %select_n3A_734 = arith.select %ge3A_731, %select_n3A_729, %select_n3A_726 : vector<16xi1>, vector<16xf32>
        %select_n3A_735 = arith.select %ge3A_731, %select_n3A_730, %select_n3A_727 : vector<16xi1>, vector<16xi32>
        %masked_sort3A_736 = arith.constant dense<true> : vector<16xi1>
        %masked_sort3A_737, %masked_sort3A_738, %masked_sort3A_739 = tpu.sort %select_n3A_732, %select_n3A_733 masked %masked_sort3A_736 {descending = true} : (vector<16xf32>, vector<16xi32>, vector<16xi1>) -> (vector<16xi1>, vector<16xf32>, vector<16xi32>)
        %masked_sort3A_740 = arith.constant dense<true> : vector<16xi1>
        %masked_sort3A_741, %masked_sort3A_742, %masked_sort3A_743 = tpu.sort %select_n3A_734, %select_n3A_735 masked %masked_sort3A_740 {descending = true} : (vector<16xf32>, vector<16xi32>, vector<16xi1>) -> (vector<16xi1>, vector<16xf32>, vector<16xi32>)
        %rev3A_744 = arith.constant 15 : i32
        %rev3A_745 = vector.broadcast %rev3A_744 : i32 to vector<16xi32>
        %rev3A_746 = tpu.iota {dimensions = array<i32: 0>} : vector<16xi32>
        %rev3A_747 = arith.subi %rev3A_745, %rev3A_746 : vector<16xi32>
        %rev3A_748 = tpu.dynamic_gather %masked_sort3A_559[%rev3A_747] in [0] : vector<16xf32>, vector<16xi32> -> vector<16xf32>
        %rev3A_749 = arith.constant 15 : i32
        %rev3A_750 = vector.broadcast %rev3A_749 : i32 to vector<16xi32>
        %rev3A_751 = tpu.iota {dimensions = array<i32: 0>} : vector<16xi32>
        %rev3A_752 = arith.subi %rev3A_750, %rev3A_751 : vector<16xi32>
        %rev3A_753 = tpu.dynamic_gather %masked_sort3A_560[%rev3A_752] in [0] : vector<16xi32>, vector<16xi32> -> vector<16xi32>
        %rev3A_754 = arith.constant 15 : i32
        %rev3A_755 = vector.broadcast %rev3A_754 : i32 to vector<16xi32>
        %rev3A_756 = tpu.iota {dimensions = array<i32: 0>} : vector<16xi32>
        %rev3A_757 = arith.subi %rev3A_755, %rev3A_756 : vector<16xi32>
        %rev3A_758 = tpu.dynamic_gather %masked_sort3A_563[%rev3A_757] in [0] : vector<16xf32>, vector<16xi32> -> vector<16xf32>
        %rev3A_759 = arith.constant 15 : i32
        %rev3A_760 = vector.broadcast %rev3A_759 : i32 to vector<16xi32>
        %rev3A_761 = tpu.iota {dimensions = array<i32: 0>} : vector<16xi32>
        %rev3A_762 = arith.subi %rev3A_760, %rev3A_761 : vector<16xi32>
        %rev3A_763 = tpu.dynamic_gather %masked_sort3A_564[%rev3A_762] in [0] : vector<16xi32>, vector<16xi32> -> vector<16xi32>
        %ge3A_764 = arith.cmpf oge, %masked_sort3A_738, %rev3A_758 : vector<16xf32>
        %select_n3A_765 = arith.select %ge3A_764, %masked_sort3A_738, %rev3A_758 : vector<16xi1>, vector<16xf32>
        %select_n3A_766 = arith.select %ge3A_764, %masked_sort3A_739, %rev3A_763 : vector<16xi1>, vector<16xi32>
        %ge3A_767 = arith.cmpf oge, %masked_sort3A_742, %rev3A_748 : vector<16xf32>
        %select_n3A_768 = arith.select %ge3A_767, %masked_sort3A_742, %rev3A_748 : vector<16xi1>, vector<16xf32>
        %select_n3A_769 = arith.select %ge3A_767, %masked_sort3A_743, %rev3A_753 : vector<16xi1>, vector<16xi32>
        %ge3A_770 = arith.cmpf oge, %select_n3A_765, %select_n3A_768 : vector<16xf32>
        %select_n3A_771 = arith.select %ge3A_770, %select_n3A_765, %select_n3A_768 : vector<16xi1>, vector<16xf32>
        %select_n3A_772 = arith.select %ge3A_770, %select_n3A_766, %select_n3A_769 : vector<16xi1>, vector<16xi32>
        %select_n3A_773 = arith.select %ge3A_770, %select_n3A_768, %select_n3A_765 : vector<16xi1>, vector<16xf32>
        %select_n3A_774 = arith.select %ge3A_770, %select_n3A_769, %select_n3A_766 : vector<16xi1>, vector<16xi32>
        %masked_sort3A_775 = arith.constant dense<true> : vector<16xi1>
        %masked_sort3A_776, %masked_sort3A_777, %masked_sort3A_778 = tpu.sort %select_n3A_771, %select_n3A_772 masked %masked_sort3A_775 {descending = true} : (vector<16xf32>, vector<16xi32>, vector<16xi1>) -> (vector<16xi1>, vector<16xf32>, vector<16xi32>)
        %masked_sort3A_779 = arith.constant dense<true> : vector<16xi1>
        %masked_sort3A_780, %masked_sort3A_781, %masked_sort3A_782 = tpu.sort %select_n3A_773, %select_n3A_774 masked %masked_sort3A_779 {descending = true} : (vector<16xf32>, vector<16xi32>, vector<16xi1>) -> (vector<16xi1>, vector<16xf32>, vector<16xi32>)
        %rev3A_783 = arith.constant 15 : i32
        %rev3A_784 = vector.broadcast %rev3A_783 : i32 to vector<16xi32>
        %rev3A_785 = tpu.iota {dimensions = array<i32: 0>} : vector<16xi32>
        %rev3A_786 = arith.subi %rev3A_784, %rev3A_785 : vector<16xi32>
        %rev3A_787 = tpu.dynamic_gather %masked_sort3A_582[%rev3A_786] in [0] : vector<16xf32>, vector<16xi32> -> vector<16xf32>
        %rev3A_788 = arith.constant 15 : i32
        %rev3A_789 = vector.broadcast %rev3A_788 : i32 to vector<16xi32>
        %rev3A_790 = tpu.iota {dimensions = array<i32: 0>} : vector<16xi32>
        %rev3A_791 = arith.subi %rev3A_789, %rev3A_790 : vector<16xi32>
        %rev3A_792 = tpu.dynamic_gather %masked_sort3A_583[%rev3A_791] in [0] : vector<16xi32>, vector<16xi32> -> vector<16xi32>
        %rev3A_793 = arith.constant 15 : i32
        %rev3A_794 = vector.broadcast %rev3A_793 : i32 to vector<16xi32>
        %rev3A_795 = tpu.iota {dimensions = array<i32: 0>} : vector<16xi32>
        %rev3A_796 = arith.subi %rev3A_794, %rev3A_795 : vector<16xi32>
        %rev3A_797 = tpu.dynamic_gather %masked_sort3A_586[%rev3A_796] in [0] : vector<16xf32>, vector<16xi32> -> vector<16xf32>
        %rev3A_798 = arith.constant 15 : i32
        %rev3A_799 = vector.broadcast %rev3A_798 : i32 to vector<16xi32>
        %rev3A_800 = tpu.iota {dimensions = array<i32: 0>} : vector<16xi32>
        %rev3A_801 = arith.subi %rev3A_799, %rev3A_800 : vector<16xi32>
        %rev3A_802 = tpu.dynamic_gather %masked_sort3A_587[%rev3A_801] in [0] : vector<16xi32>, vector<16xi32> -> vector<16xi32>
        %ge3A_803 = arith.cmpf oge, %masked_sort3A_777, %rev3A_797 : vector<16xf32>
        %select_n3A_804 = arith.select %ge3A_803, %masked_sort3A_777, %rev3A_797 : vector<16xi1>, vector<16xf32>
        %select_n3A_805 = arith.select %ge3A_803, %masked_sort3A_778, %rev3A_802 : vector<16xi1>, vector<16xi32>
        %ge3A_806 = arith.cmpf oge, %masked_sort3A_781, %rev3A_787 : vector<16xf32>
        %select_n3A_807 = arith.select %ge3A_806, %masked_sort3A_781, %rev3A_787 : vector<16xi1>, vector<16xf32>
        %select_n3A_808 = arith.select %ge3A_806, %masked_sort3A_782, %rev3A_792 : vector<16xi1>, vector<16xi32>
        %ge3A_809 = arith.cmpf oge, %select_n3A_804, %select_n3A_807 : vector<16xf32>
        %select_n3A_810 = arith.select %ge3A_809, %select_n3A_804, %select_n3A_807 : vector<16xi1>, vector<16xf32>
        %select_n3A_811 = arith.select %ge3A_809, %select_n3A_805, %select_n3A_808 : vector<16xi1>, vector<16xi32>
        %select_n3A_812 = arith.select %ge3A_809, %select_n3A_807, %select_n3A_804 : vector<16xi1>, vector<16xf32>
        %select_n3A_813 = arith.select %ge3A_809, %select_n3A_808, %select_n3A_805 : vector<16xi1>, vector<16xi32>
        %masked_sort3A_814 = arith.constant dense<true> : vector<16xi1>
        %masked_sort3A_815, %masked_sort3A_816, %masked_sort3A_817 = tpu.sort %select_n3A_810, %select_n3A_811 masked %masked_sort3A_814 {descending = true} : (vector<16xf32>, vector<16xi32>, vector<16xi1>) -> (vector<16xi1>, vector<16xf32>, vector<16xi32>)
        %masked_sort3A_818 = arith.constant dense<true> : vector<16xi1>
        %masked_sort3A_819, %masked_sort3A_820, %masked_sort3A_821 = tpu.sort %select_n3A_812, %select_n3A_813 masked %masked_sort3A_818 {descending = true} : (vector<16xf32>, vector<16xi32>, vector<16xi1>) -> (vector<16xi1>, vector<16xf32>, vector<16xi32>)
        %add3A_822 = vector.broadcast %mul3A_99 : i32 to vector<16xi32>
        %add3A_823 = arith.addi %masked_sort3A_817, %add3A_822 : vector<16xi32>
        %mul3A_824 = arith.constant 32 : i32
        %mul3A_825 = arith.muli %scan3A_128, %mul3A_824 : i32
        %swap3A_826 = arith.index_cast %mul3A_825 : i32 to index
        %swap3A_827 = tpu.vector_load %arg19[%swap3A_826] {strides = array<i32>} : memref<512xi32, #tpu.memory_space<vmem>>, vector<16xi32>,
        tpu.vector_store %arg19[%swap3A_826], %add3A_823 {strides = array<i32>} : memref<512xi32, #tpu.memory_space<vmem>>, vector<16xi32>,
        %add3A_828 = vector.broadcast %mul3A_99 : i32 to vector<16xi32>
        %add3A_829 = arith.addi %masked_sort3A_821, %add3A_828 : vector<16xi32>
        %mul3A_830 = arith.constant 32 : i32
        %mul3A_831 = arith.muli %scan3A_128, %mul3A_830 : i32
        %add3A_832 = arith.constant 16 : i32
        %add3A_833 = arith.addi %mul3A_831, %add3A_832 : i32
        %swap3A_834 = arith.index_cast %add3A_833 : i32 to index
        %swap3A_835 = tpu.vector_load %arg19[%swap3A_834] {strides = array<i32>} : memref<512xi32, #tpu.memory_space<vmem>>, vector<16xi32>,
        tpu.vector_store %arg19[%swap3A_834], %add3A_829 {strides = array<i32>} : memref<512xi32, #tpu.memory_space<vmem>>, vector<16xi32>,
        %gather3A_836 = tpu.vector_load_idx %arg9[%masked_sort3A_817] : memref<2048xf32, #tpu.memory_space<vmem>>[vector<16xi32>], vector<16xf32>,
        %gather3A_837 = tpu.vector_load_idx %arg10[%masked_sort3A_817] : memref<2048xf32, #tpu.memory_space<vmem>>[vector<16xi32>], vector<16xf32>,
        %gather3A_838 = tpu.vector_load_idx %arg11[%masked_sort3A_817] : memref<2048xf32, #tpu.memory_space<vmem>>[vector<16xi32>], vector<16xf32>,
        %gather3A_839 = tpu.vector_load_idx %arg9[%masked_sort3A_821] : memref<2048xf32, #tpu.memory_space<vmem>>[vector<16xi32>], vector<16xf32>,
        %gather3A_840 = tpu.vector_load_idx %arg10[%masked_sort3A_821] : memref<2048xf32, #tpu.memory_space<vmem>>[vector<16xi32>], vector<16xf32>,
        %gather3A_841 = tpu.vector_load_idx %arg11[%masked_sort3A_821] : memref<2048xf32, #tpu.memory_space<vmem>>[vector<16xi32>], vector<16xf32>,
        %reshape3A = vector.shape_cast %broadcast_in_dim3A_97 : vector<16xi32> to vector<16x1xi32>
        %gather3A_842 = vector.shape_cast %reshape3A : vector<16x1xi32> to vector<16xi32>
        %gather3A_843 = tpu.dynamic_gather %gather3A_836[%gather3A_842] in [0] : vector<16xf32>, vector<16xi32> -> vector<16xf32>
        %reshape3A_844 = vector.shape_cast %broadcast_in_dim3A_97 : vector<16xi32> to vector<16x1xi32>
        %gather3A_845 = vector.shape_cast %reshape3A_844 : vector<16x1xi32> to vector<16xi32>
        %gather3A_846 = tpu.dynamic_gather %gather3A_837[%gather3A_845] in [0] : vector<16xf32>, vector<16xi32> -> vector<16xf32>
        %reshape3A_847 = vector.shape_cast %broadcast_in_dim3A_97 : vector<16xi32> to vector<16x1xi32>
        %gather3A_848 = vector.shape_cast %reshape3A_847 : vector<16x1xi32> to vector<16xi32>
        %gather3A_849 = tpu.dynamic_gather %gather3A_838[%gather3A_848] in [0] : vector<16xf32>, vector<16xi32> -> vector<16xf32>
        %sub3A_850 = arith.subf %gather3A_836, %gather3A_843 : vector<16xf32>
        %bitcast3A_851 = vector.bitcast %sub3A_850 : vector<16xf32> to vector<16xi32>
        %add3A_852 = arith.constant 32767 : i32
        %add3A_853 = vector.broadcast %add3A_852 : i32 to vector<16xi32>
        %add3A_854 = arith.addi %bitcast3A_851, %add3A_853 : vector<16xi32>
        %shift_right_logical3A_855 = arith.constant 16 : i32
        %shift_right_logical3A_856 = vector.broadcast %shift_right_logical3A_855 : i32 to vector<16xi32>
        %shift_right_logical3A_857 = arith.shrui %bitcast3A_851, %shift_right_logical3A_856 : vector<16xi32>
        %and3A_858 = arith.constant 1 : i32
        %and3A_859 = vector.broadcast %and3A_858 : i32 to vector<16xi32>
        %and3A_860 = arith.andi %shift_right_logical3A_857, %and3A_859 : vector<16xi32>
        %add3A_861 = arith.addi %add3A_854, %and3A_860 : vector<16xi32>
        %and3A_862 = arith.constant -65536 : i32
        %and3A_863 = vector.broadcast %and3A_862 : i32 to vector<16xi32>
        %and3A_864 = arith.andi %add3A_861, %and3A_863 : vector<16xi32>
        %bitcast3A_865 = vector.bitcast %and3A_864 : vector<16xi32> to vector<16xf32>
        %sub3A_866 = arith.subf %gather3A_839, %gather3A_843 : vector<16xf32>
        %bitcast3A_867 = vector.bitcast %sub3A_866 : vector<16xf32> to vector<16xi32>
        %add3A_868 = arith.constant 32767 : i32
        %add3A_869 = vector.broadcast %add3A_868 : i32 to vector<16xi32>
        %add3A_870 = arith.addi %bitcast3A_867, %add3A_869 : vector<16xi32>
        %shift_right_logical3A_871 = arith.constant 16 : i32
        %shift_right_logical3A_872 = vector.broadcast %shift_right_logical3A_871 : i32 to vector<16xi32>
        %shift_right_logical3A_873 = arith.shrui %bitcast3A_867, %shift_right_logical3A_872 : vector<16xi32>
        %and3A_874 = arith.constant 1 : i32
        %and3A_875 = vector.broadcast %and3A_874 : i32 to vector<16xi32>
        %and3A_876 = arith.andi %shift_right_logical3A_873, %and3A_875 : vector<16xi32>
        %add3A_877 = arith.addi %add3A_870, %and3A_876 : vector<16xi32>
        %and3A_878 = arith.constant -65536 : i32
        %and3A_879 = vector.broadcast %and3A_878 : i32 to vector<16xi32>
        %and3A_880 = arith.andi %add3A_877, %and3A_879 : vector<16xi32>
        %bitcast3A_881 = vector.bitcast %and3A_880 : vector<16xi32> to vector<16xf32>
        %sub3A_882 = arith.subf %gather3A_837, %gather3A_846 : vector<16xf32>
        %bitcast3A_883 = vector.bitcast %sub3A_882 : vector<16xf32> to vector<16xi32>
        %add3A_884 = arith.constant 32767 : i32
        %add3A_885 = vector.broadcast %add3A_884 : i32 to vector<16xi32>
        %add3A_886 = arith.addi %bitcast3A_883, %add3A_885 : vector<16xi32>
        %shift_right_logical3A_887 = arith.constant 16 : i32
        %shift_right_logical3A_888 = vector.broadcast %shift_right_logical3A_887 : i32 to vector<16xi32>
        %shift_right_logical3A_889 = arith.shrui %bitcast3A_883, %shift_right_logical3A_888 : vector<16xi32>
        %and3A_890 = arith.constant 1 : i32
        %and3A_891 = vector.broadcast %and3A_890 : i32 to vector<16xi32>
        %and3A_892 = arith.andi %shift_right_logical3A_889, %and3A_891 : vector<16xi32>
        %add3A_893 = arith.addi %add3A_886, %and3A_892 : vector<16xi32>
        %and3A_894 = arith.constant -65536 : i32
        %and3A_895 = vector.broadcast %and3A_894 : i32 to vector<16xi32>
        %and3A_896 = arith.andi %add3A_893, %and3A_895 : vector<16xi32>
        %bitcast3A_897 = vector.bitcast %and3A_896 : vector<16xi32> to vector<16xf32>
        %sub3A_898 = arith.subf %gather3A_840, %gather3A_846 : vector<16xf32>
        %bitcast3A_899 = vector.bitcast %sub3A_898 : vector<16xf32> to vector<16xi32>
        %add3A_900 = arith.constant 32767 : i32
        %add3A_901 = vector.broadcast %add3A_900 : i32 to vector<16xi32>
        %add3A_902 = arith.addi %bitcast3A_899, %add3A_901 : vector<16xi32>
        %shift_right_logical3A_903 = arith.constant 16 : i32
        %shift_right_logical3A_904 = vector.broadcast %shift_right_logical3A_903 : i32 to vector<16xi32>
        %shift_right_logical3A_905 = arith.shrui %bitcast3A_899, %shift_right_logical3A_904 : vector<16xi32>
        %and3A_906 = arith.constant 1 : i32
        %and3A_907 = vector.broadcast %and3A_906 : i32 to vector<16xi32>
        %and3A_908 = arith.andi %shift_right_logical3A_905, %and3A_907 : vector<16xi32>
        %add3A_909 = arith.addi %add3A_902, %and3A_908 : vector<16xi32>
        %and3A_910 = arith.constant -65536 : i32
        %and3A_911 = vector.broadcast %and3A_910 : i32 to vector<16xi32>
        %and3A_912 = arith.andi %add3A_909, %and3A_911 : vector<16xi32>
        %bitcast3A_913 = vector.bitcast %and3A_912 : vector<16xi32> to vector<16xf32>
        %sub3A_914 = arith.subf %gather3A_838, %gather3A_849 : vector<16xf32>
        %bitcast3A_915 = vector.bitcast %sub3A_914 : vector<16xf32> to vector<16xi32>
        %add3A_916 = arith.constant 32767 : i32
        %add3A_917 = vector.broadcast %add3A_916 : i32 to vector<16xi32>
        %add3A_918 = arith.addi %bitcast3A_915, %add3A_917 : vector<16xi32>
        %shift_right_logical3A_919 = arith.constant 16 : i32
        %shift_right_logical3A_920 = vector.broadcast %shift_right_logical3A_919 : i32 to vector<16xi32>
        %shift_right_logical3A_921 = arith.shrui %bitcast3A_915, %shift_right_logical3A_920 : vector<16xi32>
        %and3A_922 = arith.constant 1 : i32
        %and3A_923 = vector.broadcast %and3A_922 : i32 to vector<16xi32>
        %and3A_924 = arith.andi %shift_right_logical3A_921, %and3A_923 : vector<16xi32>
        %add3A_925 = arith.addi %add3A_918, %and3A_924 : vector<16xi32>
        %and3A_926 = arith.constant -65536 : i32
        %and3A_927 = vector.broadcast %and3A_926 : i32 to vector<16xi32>
        %and3A_928 = arith.andi %add3A_925, %and3A_927 : vector<16xi32>
        %bitcast3A_929 = vector.bitcast %and3A_928 : vector<16xi32> to vector<16xf32>
        %sub3A_930 = arith.subf %gather3A_841, %gather3A_849 : vector<16xf32>
        %bitcast3A_931 = vector.bitcast %sub3A_930 : vector<16xf32> to vector<16xi32>
        %add3A_932 = arith.constant 32767 : i32
        %add3A_933 = vector.broadcast %add3A_932 : i32 to vector<16xi32>
        %add3A_934 = arith.addi %bitcast3A_931, %add3A_933 : vector<16xi32>
        %shift_right_logical3A_935 = arith.constant 16 : i32
        %shift_right_logical3A_936 = vector.broadcast %shift_right_logical3A_935 : i32 to vector<16xi32>
        %shift_right_logical3A_937 = arith.shrui %bitcast3A_931, %shift_right_logical3A_936 : vector<16xi32>
        %and3A_938 = arith.constant 1 : i32
        %and3A_939 = vector.broadcast %and3A_938 : i32 to vector<16xi32>
        %and3A_940 = arith.andi %shift_right_logical3A_937, %and3A_939 : vector<16xi32>
        %add3A_941 = arith.addi %add3A_934, %and3A_940 : vector<16xi32>
        %and3A_942 = arith.constant -65536 : i32
        %and3A_943 = vector.broadcast %and3A_942 : i32 to vector<16xi32>
        %and3A_944 = arith.andi %add3A_941, %and3A_943 : vector<16xi32>
        %bitcast3A_945 = vector.bitcast %and3A_944 : vector<16xi32> to vector<16xf32>
        %broadcast_in_dim3A_946 = arith.constant 0.000000e+00 : f32
        %broadcast_in_dim3A_947 = vector.broadcast %broadcast_in_dim3A_946 : f32 to vector<16xf32>
        %broadcast_in_dim3A_948 = arith.constant 0 : i32
        %broadcast_in_dim3A_949 = vector.broadcast %broadcast_in_dim3A_948 : i32 to vector<16xi32>
        %reshape3A_950 = vector.shape_cast %broadcast_in_dim3A_949 : vector<16xi32> to vector<16x1xi32>
        %gather3A_951 = vector.shape_cast %reshape3A_950 : vector<16x1xi32> to vector<16xi32>
        %gather3A_952 = tpu.dynamic_gather %bitcast3A_865[%gather3A_951] in [0] : vector<16xf32>, vector<16xi32> -> vector<16xf32>
        %reshape3A_953 = vector.shape_cast %broadcast_in_dim3A_949 : vector<16xi32> to vector<16x1xi32>
        %gather3A_954 = vector.shape_cast %reshape3A_953 : vector<16x1xi32> to vector<16xi32>
        %gather3A_955 = tpu.dynamic_gather %bitcast3A_897[%gather3A_954] in [0] : vector<16xf32>, vector<16xi32> -> vector<16xf32>
        %reshape3A_956 = vector.shape_cast %broadcast_in_dim3A_949 : vector<16xi32> to vector<16x1xi32>
        %gather3A_957 = vector.shape_cast %reshape3A_956 : vector<16x1xi32> to vector<16xi32>
        %gather3A_958 = tpu.dynamic_gather %bitcast3A_929[%gather3A_957] in [0] : vector<16xf32>, vector<16xi32> -> vector<16xf32>
        %mul3A_959 = arith.mulf %gather3A_952, %bitcast3A_58 : vector<16xf32>
        %mul3A_960 = arith.mulf %gather3A_955, %bitcast3A_75 : vector<16xf32>
        %add3A_961 = arith.addf %mul3A_959, %mul3A_960 : vector<16xf32>
        %mul3A_962 = arith.mulf %gather3A_958, %bitcast3A_92 : vector<16xf32>
        %add3A_963 = arith.addf %add3A_961, %mul3A_962 : vector<16xf32>
        %add3A_964 = arith.addf %add3A_963, %get3A_94 : vector<16xf32>
        %max3A = arith.constant 0.000000e+00 : f32
        %max3A_965 = vector.broadcast %max3A : f32 to vector<16xf32>
        %max3A_966 = arith.maximumf %add3A_964, %max3A_965 : vector<16xf32>
        %add3A_967 = arith.addf %broadcast_in_dim3A_947, %max3A_966 : vector<16xf32>
        %swap3A_968 = arith.constant 0 : index
        %swap3A_969 = tpu.vector_load %arg18[%swap3A_968] {strides = array<i32>} : memref<512xf32, #tpu.memory_space<vmem>>, vector<16xf32>,
        tpu.vector_store %arg18[%swap3A_968], %max3A_966 {strides = array<i32>} : memref<512xf32, #tpu.memory_space<vmem>>, vector<16xf32>,
        %broadcast_in_dim3A_970 = arith.constant 1 : i32
        %broadcast_in_dim3A_971 = vector.broadcast %broadcast_in_dim3A_970 : i32 to vector<16xi32>
        %reshape3A_972 = vector.shape_cast %broadcast_in_dim3A_971 : vector<16xi32> to vector<16x1xi32>
        %gather3A_973 = vector.shape_cast %reshape3A_972 : vector<16x1xi32> to vector<16xi32>
        %gather3A_974 = tpu.dynamic_gather %bitcast3A_865[%gather3A_973] in [0] : vector<16xf32>, vector<16xi32> -> vector<16xf32>
        %reshape3A_975 = vector.shape_cast %broadcast_in_dim3A_971 : vector<16xi32> to vector<16x1xi32>
        %gather3A_976 = vector.shape_cast %reshape3A_975 : vector<16x1xi32> to vector<16xi32>
        %gather3A_977 = tpu.dynamic_gather %bitcast3A_897[%gather3A_976] in [0] : vector<16xf32>, vector<16xi32> -> vector<16xf32>
        %reshape3A_978 = vector.shape_cast %broadcast_in_dim3A_971 : vector<16xi32> to vector<16x1xi32>
        %gather3A_979 = vector.shape_cast %reshape3A_978 : vector<16x1xi32> to vector<16xi32>
        %gather3A_980 = tpu.dynamic_gather %bitcast3A_929[%gather3A_979] in [0] : vector<16xf32>, vector<16xi32> -> vector<16xf32>
        %mul3A_981 = arith.mulf %gather3A_974, %bitcast3A_58 : vector<16xf32>
        %mul3A_982 = arith.mulf %gather3A_977, %bitcast3A_75 : vector<16xf32>
        %add3A_983 = arith.addf %mul3A_981, %mul3A_982 : vector<16xf32>
        %mul3A_984 = arith.mulf %gather3A_980, %bitcast3A_92 : vector<16xf32>
        %add3A_985 = arith.addf %add3A_983, %mul3A_984 : vector<16xf32>
        %max3A_986 = arith.constant 0.000000e+00 : f32
        %max3A_987 = vector.broadcast %max3A_986 : f32 to vector<16xf32>
        %max3A_988 = arith.maximumf %add3A_985, %max3A_987 : vector<16xf32>
        %add3A_989 = arith.addf %add3A_967, %max3A_988 : vector<16xf32>
        %swap3A_990 = arith.constant 16 : index
        %swap3A_991 = tpu.vector_load %arg18[%swap3A_990] {strides = array<i32>} : memref<512xf32, #tpu.memory_space<vmem>>, vector<16xf32>,
        tpu.vector_store %arg18[%swap3A_990], %max3A_988 {strides = array<i32>} : memref<512xf32, #tpu.memory_space<vmem>>, vector<16xf32>,
        %broadcast_in_dim3A_992 = arith.constant 2 : i32
        %broadcast_in_dim3A_993 = vector.broadcast %broadcast_in_dim3A_992 : i32 to vector<16xi32>
        %reshape3A_994 = vector.shape_cast %broadcast_in_dim3A_993 : vector<16xi32> to vector<16x1xi32>
        %gather3A_995 = vector.shape_cast %reshape3A_994 : vector<16x1xi32> to vector<16xi32>
        %gather3A_996 = tpu.dynamic_gather %bitcast3A_865[%gather3A_995] in [0] : vector<16xf32>, vector<16xi32> -> vector<16xf32>
        %reshape3A_997 = vector.shape_cast %broadcast_in_dim3A_993 : vector<16xi32> to vector<16x1xi32>
        %gather3A_998 = vector.shape_cast %reshape3A_997 : vector<16x1xi32> to vector<16xi32>
        %gather3A_999 = tpu.dynamic_gather %bitcast3A_897[%gather3A_998] in [0] : vector<16xf32>, vector<16xi32> -> vector<16xf32>
        %reshape3A_1000 = vector.shape_cast %broadcast_in_dim3A_993 : vector<16xi32> to vector<16x1xi32>
        %gather3A_1001 = vector.shape_cast %reshape3A_1000 : vector<16x1xi32> to vector<16xi32>
        %gather3A_1002 = tpu.dynamic_gather %bitcast3A_929[%gather3A_1001] in [0] : vector<16xf32>, vector<16xi32> -> vector<16xf32>
        %mul3A_1003 = arith.mulf %gather3A_996, %bitcast3A_58 : vector<16xf32>
        %mul3A_1004 = arith.mulf %gather3A_999, %bitcast3A_75 : vector<16xf32>
        %add3A_1005 = arith.addf %mul3A_1003, %mul3A_1004 : vector<16xf32>
        %mul3A_1006 = arith.mulf %gather3A_1002, %bitcast3A_92 : vector<16xf32>
        %add3A_1007 = arith.addf %add3A_1005, %mul3A_1006 : vector<16xf32>
        %max3A_1008 = arith.constant 0.000000e+00 : f32
        %max3A_1009 = vector.broadcast %max3A_1008 : f32 to vector<16xf32>
        %max3A_1010 = arith.maximumf %add3A_1007, %max3A_1009 : vector<16xf32>
        %add3A_1011 = arith.addf %add3A_989, %max3A_1010 : vector<16xf32>
        %swap3A_1012 = arith.constant 32 : index
        %swap3A_1013 = tpu.vector_load %arg18[%swap3A_1012] {strides = array<i32>} : memref<512xf32, #tpu.memory_space<vmem>>, vector<16xf32>,
        tpu.vector_store %arg18[%swap3A_1012], %max3A_1010 {strides = array<i32>} : memref<512xf32, #tpu.memory_space<vmem>>, vector<16xf32>,
        %broadcast_in_dim3A_1014 = arith.constant 3 : i32
        %broadcast_in_dim3A_1015 = vector.broadcast %broadcast_in_dim3A_1014 : i32 to vector<16xi32>
        %reshape3A_1016 = vector.shape_cast %broadcast_in_dim3A_1015 : vector<16xi32> to vector<16x1xi32>
        %gather3A_1017 = vector.shape_cast %reshape3A_1016 : vector<16x1xi32> to vector<16xi32>
        %gather3A_1018 = tpu.dynamic_gather %bitcast3A_865[%gather3A_1017] in [0] : vector<16xf32>, vector<16xi32> -> vector<16xf32>
        %reshape3A_1019 = vector.shape_cast %broadcast_in_dim3A_1015 : vector<16xi32> to vector<16x1xi32>
        %gather3A_1020 = vector.shape_cast %reshape3A_1019 : vector<16x1xi32> to vector<16xi32>
        %gather3A_1021 = tpu.dynamic_gather %bitcast3A_897[%gather3A_1020] in [0] : vector<16xf32>, vector<16xi32> -> vector<16xf32>
        %reshape3A_1022 = vector.shape_cast %broadcast_in_dim3A_1015 : vector<16xi32> to vector<16x1xi32>
        %gather3A_1023 = vector.shape_cast %reshape3A_1022 : vector<16x1xi32> to vector<16xi32>
        %gather3A_1024 = tpu.dynamic_gather %bitcast3A_929[%gather3A_1023] in [0] : vector<16xf32>, vector<16xi32> -> vector<16xf32>
        %mul3A_1025 = arith.mulf %gather3A_1018, %bitcast3A_58 : vector<16xf32>
        %mul3A_1026 = arith.mulf %gather3A_1021, %bitcast3A_75 : vector<16xf32>
        %add3A_1027 = arith.addf %mul3A_1025, %mul3A_1026 : vector<16xf32>
        %mul3A_1028 = arith.mulf %gather3A_1024, %bitcast3A_92 : vector<16xf32>
        %add3A_1029 = arith.addf %add3A_1027, %mul3A_1028 : vector<16xf32>
        %max3A_1030 = arith.constant 0.000000e+00 : f32
        %max3A_1031 = vector.broadcast %max3A_1030 : f32 to vector<16xf32>
        %max3A_1032 = arith.maximumf %add3A_1029, %max3A_1031 : vector<16xf32>
        %add3A_1033 = arith.addf %add3A_1011, %max3A_1032 : vector<16xf32>
        %swap3A_1034 = arith.constant 48 : index
        %swap3A_1035 = tpu.vector_load %arg18[%swap3A_1034] {strides = array<i32>} : memref<512xf32, #tpu.memory_space<vmem>>, vector<16xf32>,
        tpu.vector_store %arg18[%swap3A_1034], %max3A_1032 {strides = array<i32>} : memref<512xf32, #tpu.memory_space<vmem>>, vector<16xf32>,
        %broadcast_in_dim3A_1036 = arith.constant 4 : i32
        %broadcast_in_dim3A_1037 = vector.broadcast %broadcast_in_dim3A_1036 : i32 to vector<16xi32>
        %reshape3A_1038 = vector.shape_cast %broadcast_in_dim3A_1037 : vector<16xi32> to vector<16x1xi32>
        %gather3A_1039 = vector.shape_cast %reshape3A_1038 : vector<16x1xi32> to vector<16xi32>
        %gather3A_1040 = tpu.dynamic_gather %bitcast3A_865[%gather3A_1039] in [0] : vector<16xf32>, vector<16xi32> -> vector<16xf32>
        %reshape3A_1041 = vector.shape_cast %broadcast_in_dim3A_1037 : vector<16xi32> to vector<16x1xi32>
        %gather3A_1042 = vector.shape_cast %reshape3A_1041 : vector<16x1xi32> to vector<16xi32>
        %gather3A_1043 = tpu.dynamic_gather %bitcast3A_897[%gather3A_1042] in [0] : vector<16xf32>, vector<16xi32> -> vector<16xf32>
        %reshape3A_1044 = vector.shape_cast %broadcast_in_dim3A_1037 : vector<16xi32> to vector<16x1xi32>
        %gather3A_1045 = vector.shape_cast %reshape3A_1044 : vector<16x1xi32> to vector<16xi32>
        %gather3A_1046 = tpu.dynamic_gather %bitcast3A_929[%gather3A_1045] in [0] : vector<16xf32>, vector<16xi32> -> vector<16xf32>
        %mul3A_1047 = arith.mulf %gather3A_1040, %bitcast3A_58 : vector<16xf32>
        %mul3A_1048 = arith.mulf %gather3A_1043, %bitcast3A_75 : vector<16xf32>
        %add3A_1049 = arith.addf %mul3A_1047, %mul3A_1048 : vector<16xf32>
        %mul3A_1050 = arith.mulf %gather3A_1046, %bitcast3A_92 : vector<16xf32>
        %add3A_1051 = arith.addf %add3A_1049, %mul3A_1050 : vector<16xf32>
        %max3A_1052 = arith.constant 0.000000e+00 : f32
        %max3A_1053 = vector.broadcast %max3A_1052 : f32 to vector<16xf32>
        %max3A_1054 = arith.maximumf %add3A_1051, %max3A_1053 : vector<16xf32>
        %add3A_1055 = arith.addf %add3A_1033, %max3A_1054 : vector<16xf32>
        %swap3A_1056 = arith.constant 64 : index
        %swap3A_1057 = tpu.vector_load %arg18[%swap3A_1056] {strides = array<i32>} : memref<512xf32, #tpu.memory_space<vmem>>, vector<16xf32>,
        tpu.vector_store %arg18[%swap3A_1056], %max3A_1054 {strides = array<i32>} : memref<512xf32, #tpu.memory_space<vmem>>, vector<16xf32>,
        %broadcast_in_dim3A_1058 = arith.constant 5 : i32
        %broadcast_in_dim3A_1059 = vector.broadcast %broadcast_in_dim3A_1058 : i32 to vector<16xi32>
        %reshape3A_1060 = vector.shape_cast %broadcast_in_dim3A_1059 : vector<16xi32> to vector<16x1xi32>
        %gather3A_1061 = vector.shape_cast %reshape3A_1060 : vector<16x1xi32> to vector<16xi32>
        %gather3A_1062 = tpu.dynamic_gather %bitcast3A_865[%gather3A_1061] in [0] : vector<16xf32>, vector<16xi32> -> vector<16xf32>
        %reshape3A_1063 = vector.shape_cast %broadcast_in_dim3A_1059 : vector<16xi32> to vector<16x1xi32>
        %gather3A_1064 = vector.shape_cast %reshape3A_1063 : vector<16x1xi32> to vector<16xi32>
        %gather3A_1065 = tpu.dynamic_gather %bitcast3A_897[%gather3A_1064] in [0] : vector<16xf32>, vector<16xi32> -> vector<16xf32>
        %reshape3A_1066 = vector.shape_cast %broadcast_in_dim3A_1059 : vector<16xi32> to vector<16x1xi32>
        %gather3A_1067 = vector.shape_cast %reshape3A_1066 : vector<16x1xi32> to vector<16xi32>
        %gather3A_1068 = tpu.dynamic_gather %bitcast3A_929[%gather3A_1067] in [0] : vector<16xf32>, vector<16xi32> -> vector<16xf32>
        %mul3A_1069 = arith.mulf %gather3A_1062, %bitcast3A_58 : vector<16xf32>
        %mul3A_1070 = arith.mulf %gather3A_1065, %bitcast3A_75 : vector<16xf32>
        %add3A_1071 = arith.addf %mul3A_1069, %mul3A_1070 : vector<16xf32>
        %mul3A_1072 = arith.mulf %gather3A_1068, %bitcast3A_92 : vector<16xf32>
        %add3A_1073 = arith.addf %add3A_1071, %mul3A_1072 : vector<16xf32>
        %max3A_1074 = arith.constant 0.000000e+00 : f32
        %max3A_1075 = vector.broadcast %max3A_1074 : f32 to vector<16xf32>
        %max3A_1076 = arith.maximumf %add3A_1073, %max3A_1075 : vector<16xf32>
        %add3A_1077 = arith.addf %add3A_1055, %max3A_1076 : vector<16xf32>
        %swap3A_1078 = arith.constant 80 : index
        %swap3A_1079 = tpu.vector_load %arg18[%swap3A_1078] {strides = array<i32>} : memref<512xf32, #tpu.memory_space<vmem>>, vector<16xf32>,
        tpu.vector_store %arg18[%swap3A_1078], %max3A_1076 {strides = array<i32>} : memref<512xf32, #tpu.memory_space<vmem>>, vector<16xf32>,
        %broadcast_in_dim3A_1080 = arith.constant 6 : i32
        %broadcast_in_dim3A_1081 = vector.broadcast %broadcast_in_dim3A_1080 : i32 to vector<16xi32>
        %reshape3A_1082 = vector.shape_cast %broadcast_in_dim3A_1081 : vector<16xi32> to vector<16x1xi32>
        %gather3A_1083 = vector.shape_cast %reshape3A_1082 : vector<16x1xi32> to vector<16xi32>
        %gather3A_1084 = tpu.dynamic_gather %bitcast3A_865[%gather3A_1083] in [0] : vector<16xf32>, vector<16xi32> -> vector<16xf32>
        %reshape3A_1085 = vector.shape_cast %broadcast_in_dim3A_1081 : vector<16xi32> to vector<16x1xi32>
        %gather3A_1086 = vector.shape_cast %reshape3A_1085 : vector<16x1xi32> to vector<16xi32>
        %gather3A_1087 = tpu.dynamic_gather %bitcast3A_897[%gather3A_1086] in [0] : vector<16xf32>, vector<16xi32> -> vector<16xf32>
        %reshape3A_1088 = vector.shape_cast %broadcast_in_dim3A_1081 : vector<16xi32> to vector<16x1xi32>
        %gather3A_1089 = vector.shape_cast %reshape3A_1088 : vector<16x1xi32> to vector<16xi32>
        %gather3A_1090 = tpu.dynamic_gather %bitcast3A_929[%gather3A_1089] in [0] : vector<16xf32>, vector<16xi32> -> vector<16xf32>
        %mul3A_1091 = arith.mulf %gather3A_1084, %bitcast3A_58 : vector<16xf32>
        %mul3A_1092 = arith.mulf %gather3A_1087, %bitcast3A_75 : vector<16xf32>
        %add3A_1093 = arith.addf %mul3A_1091, %mul3A_1092 : vector<16xf32>
        %mul3A_1094 = arith.mulf %gather3A_1090, %bitcast3A_92 : vector<16xf32>
        %add3A_1095 = arith.addf %add3A_1093, %mul3A_1094 : vector<16xf32>
        %max3A_1096 = arith.constant 0.000000e+00 : f32
        %max3A_1097 = vector.broadcast %max3A_1096 : f32 to vector<16xf32>
        %max3A_1098 = arith.maximumf %add3A_1095, %max3A_1097 : vector<16xf32>
        %add3A_1099 = arith.addf %add3A_1077, %max3A_1098 : vector<16xf32>
        %swap3A_1100 = arith.constant 96 : index
        %swap3A_1101 = tpu.vector_load %arg18[%swap3A_1100] {strides = array<i32>} : memref<512xf32, #tpu.memory_space<vmem>>, vector<16xf32>,
        tpu.vector_store %arg18[%swap3A_1100], %max3A_1098 {strides = array<i32>} : memref<512xf32, #tpu.memory_space<vmem>>, vector<16xf32>,
        %broadcast_in_dim3A_1102 = arith.constant 7 : i32
        %broadcast_in_dim3A_1103 = vector.broadcast %broadcast_in_dim3A_1102 : i32 to vector<16xi32>
        %reshape3A_1104 = vector.shape_cast %broadcast_in_dim3A_1103 : vector<16xi32> to vector<16x1xi32>
        %gather3A_1105 = vector.shape_cast %reshape3A_1104 : vector<16x1xi32> to vector<16xi32>
        %gather3A_1106 = tpu.dynamic_gather %bitcast3A_865[%gather3A_1105] in [0] : vector<16xf32>, vector<16xi32> -> vector<16xf32>
        %reshape3A_1107 = vector.shape_cast %broadcast_in_dim3A_1103 : vector<16xi32> to vector<16x1xi32>
        %gather3A_1108 = vector.shape_cast %reshape3A_1107 : vector<16x1xi32> to vector<16xi32>
        %gather3A_1109 = tpu.dynamic_gather %bitcast3A_897[%gather3A_1108] in [0] : vector<16xf32>, vector<16xi32> -> vector<16xf32>
        %reshape3A_1110 = vector.shape_cast %broadcast_in_dim3A_1103 : vector<16xi32> to vector<16x1xi32>
        %gather3A_1111 = vector.shape_cast %reshape3A_1110 : vector<16x1xi32> to vector<16xi32>
        %gather3A_1112 = tpu.dynamic_gather %bitcast3A_929[%gather3A_1111] in [0] : vector<16xf32>, vector<16xi32> -> vector<16xf32>
        %mul3A_1113 = arith.mulf %gather3A_1106, %bitcast3A_58 : vector<16xf32>
        %mul3A_1114 = arith.mulf %gather3A_1109, %bitcast3A_75 : vector<16xf32>
        %add3A_1115 = arith.addf %mul3A_1113, %mul3A_1114 : vector<16xf32>
        %mul3A_1116 = arith.mulf %gather3A_1112, %bitcast3A_92 : vector<16xf32>
        %add3A_1117 = arith.addf %add3A_1115, %mul3A_1116 : vector<16xf32>
        %max3A_1118 = arith.constant 0.000000e+00 : f32
        %max3A_1119 = vector.broadcast %max3A_1118 : f32 to vector<16xf32>
        %max3A_1120 = arith.maximumf %add3A_1117, %max3A_1119 : vector<16xf32>
        %add3A_1121 = arith.addf %add3A_1099, %max3A_1120 : vector<16xf32>
        %swap3A_1122 = arith.constant 112 : index
        %swap3A_1123 = tpu.vector_load %arg18[%swap3A_1122] {strides = array<i32>} : memref<512xf32, #tpu.memory_space<vmem>>, vector<16xf32>,
        tpu.vector_store %arg18[%swap3A_1122], %max3A_1120 {strides = array<i32>} : memref<512xf32, #tpu.memory_space<vmem>>, vector<16xf32>,
        %broadcast_in_dim3A_1124 = arith.constant 8 : i32
        %broadcast_in_dim3A_1125 = vector.broadcast %broadcast_in_dim3A_1124 : i32 to vector<16xi32>
        %reshape3A_1126 = vector.shape_cast %broadcast_in_dim3A_1125 : vector<16xi32> to vector<16x1xi32>
        %gather3A_1127 = vector.shape_cast %reshape3A_1126 : vector<16x1xi32> to vector<16xi32>
        %gather3A_1128 = tpu.dynamic_gather %bitcast3A_865[%gather3A_1127] in [0] : vector<16xf32>, vector<16xi32> -> vector<16xf32>
        %reshape3A_1129 = vector.shape_cast %broadcast_in_dim3A_1125 : vector<16xi32> to vector<16x1xi32>
        %gather3A_1130 = vector.shape_cast %reshape3A_1129 : vector<16x1xi32> to vector<16xi32>
        %gather3A_1131 = tpu.dynamic_gather %bitcast3A_897[%gather3A_1130] in [0] : vector<16xf32>, vector<16xi32> -> vector<16xf32>
        %reshape3A_1132 = vector.shape_cast %broadcast_in_dim3A_1125 : vector<16xi32> to vector<16x1xi32>
        %gather3A_1133 = vector.shape_cast %reshape3A_1132 : vector<16x1xi32> to vector<16xi32>
        %gather3A_1134 = tpu.dynamic_gather %bitcast3A_929[%gather3A_1133] in [0] : vector<16xf32>, vector<16xi32> -> vector<16xf32>
        %mul3A_1135 = arith.mulf %gather3A_1128, %bitcast3A_58 : vector<16xf32>
        %mul3A_1136 = arith.mulf %gather3A_1131, %bitcast3A_75 : vector<16xf32>
        %add3A_1137 = arith.addf %mul3A_1135, %mul3A_1136 : vector<16xf32>
        %mul3A_1138 = arith.mulf %gather3A_1134, %bitcast3A_92 : vector<16xf32>
        %add3A_1139 = arith.addf %add3A_1137, %mul3A_1138 : vector<16xf32>
        %max3A_1140 = arith.constant 0.000000e+00 : f32
        %max3A_1141 = vector.broadcast %max3A_1140 : f32 to vector<16xf32>
        %max3A_1142 = arith.maximumf %add3A_1139, %max3A_1141 : vector<16xf32>
        %add3A_1143 = arith.addf %add3A_1121, %max3A_1142 : vector<16xf32>
        %swap3A_1144 = arith.constant 128 : index
        %swap3A_1145 = tpu.vector_load %arg18[%swap3A_1144] {strides = array<i32>} : memref<512xf32, #tpu.memory_space<vmem>>, vector<16xf32>,
        tpu.vector_store %arg18[%swap3A_1144], %max3A_1142 {strides = array<i32>} : memref<512xf32, #tpu.memory_space<vmem>>, vector<16xf32>,
        %broadcast_in_dim3A_1146 = arith.constant 9 : i32
        %broadcast_in_dim3A_1147 = vector.broadcast %broadcast_in_dim3A_1146 : i32 to vector<16xi32>
        %reshape3A_1148 = vector.shape_cast %broadcast_in_dim3A_1147 : vector<16xi32> to vector<16x1xi32>
        %gather3A_1149 = vector.shape_cast %reshape3A_1148 : vector<16x1xi32> to vector<16xi32>
        %gather3A_1150 = tpu.dynamic_gather %bitcast3A_865[%gather3A_1149] in [0] : vector<16xf32>, vector<16xi32> -> vector<16xf32>
        %reshape3A_1151 = vector.shape_cast %broadcast_in_dim3A_1147 : vector<16xi32> to vector<16x1xi32>
        %gather3A_1152 = vector.shape_cast %reshape3A_1151 : vector<16x1xi32> to vector<16xi32>
        %gather3A_1153 = tpu.dynamic_gather %bitcast3A_897[%gather3A_1152] in [0] : vector<16xf32>, vector<16xi32> -> vector<16xf32>
        %reshape3A_1154 = vector.shape_cast %broadcast_in_dim3A_1147 : vector<16xi32> to vector<16x1xi32>
        %gather3A_1155 = vector.shape_cast %reshape3A_1154 : vector<16x1xi32> to vector<16xi32>
        %gather3A_1156 = tpu.dynamic_gather %bitcast3A_929[%gather3A_1155] in [0] : vector<16xf32>, vector<16xi32> -> vector<16xf32>
        %mul3A_1157 = arith.mulf %gather3A_1150, %bitcast3A_58 : vector<16xf32>
        %mul3A_1158 = arith.mulf %gather3A_1153, %bitcast3A_75 : vector<16xf32>
        %add3A_1159 = arith.addf %mul3A_1157, %mul3A_1158 : vector<16xf32>
        %mul3A_1160 = arith.mulf %gather3A_1156, %bitcast3A_92 : vector<16xf32>
        %add3A_1161 = arith.addf %add3A_1159, %mul3A_1160 : vector<16xf32>
        %max3A_1162 = arith.constant 0.000000e+00 : f32
        %max3A_1163 = vector.broadcast %max3A_1162 : f32 to vector<16xf32>
        %max3A_1164 = arith.maximumf %add3A_1161, %max3A_1163 : vector<16xf32>
        %add3A_1165 = arith.addf %add3A_1143, %max3A_1164 : vector<16xf32>
        %swap3A_1166 = arith.constant 144 : index
        %swap3A_1167 = tpu.vector_load %arg18[%swap3A_1166] {strides = array<i32>} : memref<512xf32, #tpu.memory_space<vmem>>, vector<16xf32>,
        tpu.vector_store %arg18[%swap3A_1166], %max3A_1164 {strides = array<i32>} : memref<512xf32, #tpu.memory_space<vmem>>, vector<16xf32>,
        %broadcast_in_dim3A_1168 = arith.constant 10 : i32
        %broadcast_in_dim3A_1169 = vector.broadcast %broadcast_in_dim3A_1168 : i32 to vector<16xi32>
        %reshape3A_1170 = vector.shape_cast %broadcast_in_dim3A_1169 : vector<16xi32> to vector<16x1xi32>
        %gather3A_1171 = vector.shape_cast %reshape3A_1170 : vector<16x1xi32> to vector<16xi32>
        %gather3A_1172 = tpu.dynamic_gather %bitcast3A_865[%gather3A_1171] in [0] : vector<16xf32>, vector<16xi32> -> vector<16xf32>
        %reshape3A_1173 = vector.shape_cast %broadcast_in_dim3A_1169 : vector<16xi32> to vector<16x1xi32>
        %gather3A_1174 = vector.shape_cast %reshape3A_1173 : vector<16x1xi32> to vector<16xi32>
        %gather3A_1175 = tpu.dynamic_gather %bitcast3A_897[%gather3A_1174] in [0] : vector<16xf32>, vector<16xi32> -> vector<16xf32>
        %reshape3A_1176 = vector.shape_cast %broadcast_in_dim3A_1169 : vector<16xi32> to vector<16x1xi32>
        %gather3A_1177 = vector.shape_cast %reshape3A_1176 : vector<16x1xi32> to vector<16xi32>
        %gather3A_1178 = tpu.dynamic_gather %bitcast3A_929[%gather3A_1177] in [0] : vector<16xf32>, vector<16xi32> -> vector<16xf32>
        %mul3A_1179 = arith.mulf %gather3A_1172, %bitcast3A_58 : vector<16xf32>
        %mul3A_1180 = arith.mulf %gather3A_1175, %bitcast3A_75 : vector<16xf32>
        %add3A_1181 = arith.addf %mul3A_1179, %mul3A_1180 : vector<16xf32>
        %mul3A_1182 = arith.mulf %gather3A_1178, %bitcast3A_92 : vector<16xf32>
        %add3A_1183 = arith.addf %add3A_1181, %mul3A_1182 : vector<16xf32>
        %max3A_1184 = arith.constant 0.000000e+00 : f32
        %max3A_1185 = vector.broadcast %max3A_1184 : f32 to vector<16xf32>
        %max3A_1186 = arith.maximumf %add3A_1183, %max3A_1185 : vector<16xf32>
        %add3A_1187 = arith.addf %add3A_1165, %max3A_1186 : vector<16xf32>
        %swap3A_1188 = arith.constant 160 : index
        %swap3A_1189 = tpu.vector_load %arg18[%swap3A_1188] {strides = array<i32>} : memref<512xf32, #tpu.memory_space<vmem>>, vector<16xf32>,
        tpu.vector_store %arg18[%swap3A_1188], %max3A_1186 {strides = array<i32>} : memref<512xf32, #tpu.memory_space<vmem>>, vector<16xf32>,
        %broadcast_in_dim3A_1190 = arith.constant 11 : i32
        %broadcast_in_dim3A_1191 = vector.broadcast %broadcast_in_dim3A_1190 : i32 to vector<16xi32>
        %reshape3A_1192 = vector.shape_cast %broadcast_in_dim3A_1191 : vector<16xi32> to vector<16x1xi32>
        %gather3A_1193 = vector.shape_cast %reshape3A_1192 : vector<16x1xi32> to vector<16xi32>
        %gather3A_1194 = tpu.dynamic_gather %bitcast3A_865[%gather3A_1193] in [0] : vector<16xf32>, vector<16xi32> -> vector<16xf32>
        %reshape3A_1195 = vector.shape_cast %broadcast_in_dim3A_1191 : vector<16xi32> to vector<16x1xi32>
        %gather3A_1196 = vector.shape_cast %reshape3A_1195 : vector<16x1xi32> to vector<16xi32>
        %gather3A_1197 = tpu.dynamic_gather %bitcast3A_897[%gather3A_1196] in [0] : vector<16xf32>, vector<16xi32> -> vector<16xf32>
        %reshape3A_1198 = vector.shape_cast %broadcast_in_dim3A_1191 : vector<16xi32> to vector<16x1xi32>
        %gather3A_1199 = vector.shape_cast %reshape3A_1198 : vector<16x1xi32> to vector<16xi32>
        %gather3A_1200 = tpu.dynamic_gather %bitcast3A_929[%gather3A_1199] in [0] : vector<16xf32>, vector<16xi32> -> vector<16xf32>
        %mul3A_1201 = arith.mulf %gather3A_1194, %bitcast3A_58 : vector<16xf32>
        %mul3A_1202 = arith.mulf %gather3A_1197, %bitcast3A_75 : vector<16xf32>
        %add3A_1203 = arith.addf %mul3A_1201, %mul3A_1202 : vector<16xf32>
        %mul3A_1204 = arith.mulf %gather3A_1200, %bitcast3A_92 : vector<16xf32>
        %add3A_1205 = arith.addf %add3A_1203, %mul3A_1204 : vector<16xf32>
        %max3A_1206 = arith.constant 0.000000e+00 : f32
        %max3A_1207 = vector.broadcast %max3A_1206 : f32 to vector<16xf32>
        %max3A_1208 = arith.maximumf %add3A_1205, %max3A_1207 : vector<16xf32>
        %add3A_1209 = arith.addf %add3A_1187, %max3A_1208 : vector<16xf32>
        %swap3A_1210 = arith.constant 176 : index
        %swap3A_1211 = tpu.vector_load %arg18[%swap3A_1210] {strides = array<i32>} : memref<512xf32, #tpu.memory_space<vmem>>, vector<16xf32>,
        tpu.vector_store %arg18[%swap3A_1210], %max3A_1208 {strides = array<i32>} : memref<512xf32, #tpu.memory_space<vmem>>, vector<16xf32>,
        %broadcast_in_dim3A_1212 = arith.constant 12 : i32
        %broadcast_in_dim3A_1213 = vector.broadcast %broadcast_in_dim3A_1212 : i32 to vector<16xi32>
        %reshape3A_1214 = vector.shape_cast %broadcast_in_dim3A_1213 : vector<16xi32> to vector<16x1xi32>
        %gather3A_1215 = vector.shape_cast %reshape3A_1214 : vector<16x1xi32> to vector<16xi32>
        %gather3A_1216 = tpu.dynamic_gather %bitcast3A_865[%gather3A_1215] in [0] : vector<16xf32>, vector<16xi32> -> vector<16xf32>
        %reshape3A_1217 = vector.shape_cast %broadcast_in_dim3A_1213 : vector<16xi32> to vector<16x1xi32>
        %gather3A_1218 = vector.shape_cast %reshape3A_1217 : vector<16x1xi32> to vector<16xi32>
        %gather3A_1219 = tpu.dynamic_gather %bitcast3A_897[%gather3A_1218] in [0] : vector<16xf32>, vector<16xi32> -> vector<16xf32>
        %reshape3A_1220 = vector.shape_cast %broadcast_in_dim3A_1213 : vector<16xi32> to vector<16x1xi32>
        %gather3A_1221 = vector.shape_cast %reshape3A_1220 : vector<16x1xi32> to vector<16xi32>
        %gather3A_1222 = tpu.dynamic_gather %bitcast3A_929[%gather3A_1221] in [0] : vector<16xf32>, vector<16xi32> -> vector<16xf32>
        %mul3A_1223 = arith.mulf %gather3A_1216, %bitcast3A_58 : vector<16xf32>
        %mul3A_1224 = arith.mulf %gather3A_1219, %bitcast3A_75 : vector<16xf32>
        %add3A_1225 = arith.addf %mul3A_1223, %mul3A_1224 : vector<16xf32>
        %mul3A_1226 = arith.mulf %gather3A_1222, %bitcast3A_92 : vector<16xf32>
        %add3A_1227 = arith.addf %add3A_1225, %mul3A_1226 : vector<16xf32>
        %max3A_1228 = arith.constant 0.000000e+00 : f32
        %max3A_1229 = vector.broadcast %max3A_1228 : f32 to vector<16xf32>
        %max3A_1230 = arith.maximumf %add3A_1227, %max3A_1229 : vector<16xf32>
        %add3A_1231 = arith.addf %add3A_1209, %max3A_1230 : vector<16xf32>
        %swap3A_1232 = arith.constant 192 : index
        %swap3A_1233 = tpu.vector_load %arg18[%swap3A_1232] {strides = array<i32>} : memref<512xf32, #tpu.memory_space<vmem>>, vector<16xf32>,
        tpu.vector_store %arg18[%swap3A_1232], %max3A_1230 {strides = array<i32>} : memref<512xf32, #tpu.memory_space<vmem>>, vector<16xf32>,
        %broadcast_in_dim3A_1234 = arith.constant 13 : i32
        %broadcast_in_dim3A_1235 = vector.broadcast %broadcast_in_dim3A_1234 : i32 to vector<16xi32>
        %reshape3A_1236 = vector.shape_cast %broadcast_in_dim3A_1235 : vector<16xi32> to vector<16x1xi32>
        %gather3A_1237 = vector.shape_cast %reshape3A_1236 : vector<16x1xi32> to vector<16xi32>
        %gather3A_1238 = tpu.dynamic_gather %bitcast3A_865[%gather3A_1237] in [0] : vector<16xf32>, vector<16xi32> -> vector<16xf32>
        %reshape3A_1239 = vector.shape_cast %broadcast_in_dim3A_1235 : vector<16xi32> to vector<16x1xi32>
        %gather3A_1240 = vector.shape_cast %reshape3A_1239 : vector<16x1xi32> to vector<16xi32>
        %gather3A_1241 = tpu.dynamic_gather %bitcast3A_897[%gather3A_1240] in [0] : vector<16xf32>, vector<16xi32> -> vector<16xf32>
        %reshape3A_1242 = vector.shape_cast %broadcast_in_dim3A_1235 : vector<16xi32> to vector<16x1xi32>
        %gather3A_1243 = vector.shape_cast %reshape3A_1242 : vector<16x1xi32> to vector<16xi32>
        %gather3A_1244 = tpu.dynamic_gather %bitcast3A_929[%gather3A_1243] in [0] : vector<16xf32>, vector<16xi32> -> vector<16xf32>
        %mul3A_1245 = arith.mulf %gather3A_1238, %bitcast3A_58 : vector<16xf32>
        %mul3A_1246 = arith.mulf %gather3A_1241, %bitcast3A_75 : vector<16xf32>
        %add3A_1247 = arith.addf %mul3A_1245, %mul3A_1246 : vector<16xf32>
        %mul3A_1248 = arith.mulf %gather3A_1244, %bitcast3A_92 : vector<16xf32>
        %add3A_1249 = arith.addf %add3A_1247, %mul3A_1248 : vector<16xf32>
        %max3A_1250 = arith.constant 0.000000e+00 : f32
        %max3A_1251 = vector.broadcast %max3A_1250 : f32 to vector<16xf32>
        %max3A_1252 = arith.maximumf %add3A_1249, %max3A_1251 : vector<16xf32>
        %add3A_1253 = arith.addf %add3A_1231, %max3A_1252 : vector<16xf32>
        %swap3A_1254 = arith.constant 208 : index
        %swap3A_1255 = tpu.vector_load %arg18[%swap3A_1254] {strides = array<i32>} : memref<512xf32, #tpu.memory_space<vmem>>, vector<16xf32>,
        tpu.vector_store %arg18[%swap3A_1254], %max3A_1252 {strides = array<i32>} : memref<512xf32, #tpu.memory_space<vmem>>, vector<16xf32>,
        %broadcast_in_dim3A_1256 = arith.constant 14 : i32
        %broadcast_in_dim3A_1257 = vector.broadcast %broadcast_in_dim3A_1256 : i32 to vector<16xi32>
        %reshape3A_1258 = vector.shape_cast %broadcast_in_dim3A_1257 : vector<16xi32> to vector<16x1xi32>
        %gather3A_1259 = vector.shape_cast %reshape3A_1258 : vector<16x1xi32> to vector<16xi32>
        %gather3A_1260 = tpu.dynamic_gather %bitcast3A_865[%gather3A_1259] in [0] : vector<16xf32>, vector<16xi32> -> vector<16xf32>
        %reshape3A_1261 = vector.shape_cast %broadcast_in_dim3A_1257 : vector<16xi32> to vector<16x1xi32>
        %gather3A_1262 = vector.shape_cast %reshape3A_1261 : vector<16x1xi32> to vector<16xi32>
        %gather3A_1263 = tpu.dynamic_gather %bitcast3A_897[%gather3A_1262] in [0] : vector<16xf32>, vector<16xi32> -> vector<16xf32>
        %reshape3A_1264 = vector.shape_cast %broadcast_in_dim3A_1257 : vector<16xi32> to vector<16x1xi32>
        %gather3A_1265 = vector.shape_cast %reshape3A_1264 : vector<16x1xi32> to vector<16xi32>
        %gather3A_1266 = tpu.dynamic_gather %bitcast3A_929[%gather3A_1265] in [0] : vector<16xf32>, vector<16xi32> -> vector<16xf32>
        %mul3A_1267 = arith.mulf %gather3A_1260, %bitcast3A_58 : vector<16xf32>
        %mul3A_1268 = arith.mulf %gather3A_1263, %bitcast3A_75 : vector<16xf32>
        %add3A_1269 = arith.addf %mul3A_1267, %mul3A_1268 : vector<16xf32>
        %mul3A_1270 = arith.mulf %gather3A_1266, %bitcast3A_92 : vector<16xf32>
        %add3A_1271 = arith.addf %add3A_1269, %mul3A_1270 : vector<16xf32>
        %max3A_1272 = arith.constant 0.000000e+00 : f32
        %max3A_1273 = vector.broadcast %max3A_1272 : f32 to vector<16xf32>
        %max3A_1274 = arith.maximumf %add3A_1271, %max3A_1273 : vector<16xf32>
        %add3A_1275 = arith.addf %add3A_1253, %max3A_1274 : vector<16xf32>
        %swap3A_1276 = arith.constant 224 : index
        %swap3A_1277 = tpu.vector_load %arg18[%swap3A_1276] {strides = array<i32>} : memref<512xf32, #tpu.memory_space<vmem>>, vector<16xf32>,
        tpu.vector_store %arg18[%swap3A_1276], %max3A_1274 {strides = array<i32>} : memref<512xf32, #tpu.memory_space<vmem>>, vector<16xf32>,
        %broadcast_in_dim3A_1278 = arith.constant 15 : i32
        %broadcast_in_dim3A_1279 = vector.broadcast %broadcast_in_dim3A_1278 : i32 to vector<16xi32>
        %reshape3A_1280 = vector.shape_cast %broadcast_in_dim3A_1279 : vector<16xi32> to vector<16x1xi32>
        %gather3A_1281 = vector.shape_cast %reshape3A_1280 : vector<16x1xi32> to vector<16xi32>
        %gather3A_1282 = tpu.dynamic_gather %bitcast3A_865[%gather3A_1281] in [0] : vector<16xf32>, vector<16xi32> -> vector<16xf32>
        %reshape3A_1283 = vector.shape_cast %broadcast_in_dim3A_1279 : vector<16xi32> to vector<16x1xi32>
        %gather3A_1284 = vector.shape_cast %reshape3A_1283 : vector<16x1xi32> to vector<16xi32>
        %gather3A_1285 = tpu.dynamic_gather %bitcast3A_897[%gather3A_1284] in [0] : vector<16xf32>, vector<16xi32> -> vector<16xf32>
        %reshape3A_1286 = vector.shape_cast %broadcast_in_dim3A_1279 : vector<16xi32> to vector<16x1xi32>
        %gather3A_1287 = vector.shape_cast %reshape3A_1286 : vector<16x1xi32> to vector<16xi32>
        %gather3A_1288 = tpu.dynamic_gather %bitcast3A_929[%gather3A_1287] in [0] : vector<16xf32>, vector<16xi32> -> vector<16xf32>
        %mul3A_1289 = arith.mulf %gather3A_1282, %bitcast3A_58 : vector<16xf32>
        %mul3A_1290 = arith.mulf %gather3A_1285, %bitcast3A_75 : vector<16xf32>
        %add3A_1291 = arith.addf %mul3A_1289, %mul3A_1290 : vector<16xf32>
        %mul3A_1292 = arith.mulf %gather3A_1288, %bitcast3A_92 : vector<16xf32>
        %add3A_1293 = arith.addf %add3A_1291, %mul3A_1292 : vector<16xf32>
        %max3A_1294 = arith.constant 0.000000e+00 : f32
        %max3A_1295 = vector.broadcast %max3A_1294 : f32 to vector<16xf32>
        %max3A_1296 = arith.maximumf %add3A_1293, %max3A_1295 : vector<16xf32>
        %add3A_1297 = arith.addf %add3A_1275, %max3A_1296 : vector<16xf32>
        %swap3A_1298 = arith.constant 240 : index
        %swap3A_1299 = tpu.vector_load %arg18[%swap3A_1298] {strides = array<i32>} : memref<512xf32, #tpu.memory_space<vmem>>, vector<16xf32>,
        tpu.vector_store %arg18[%swap3A_1298], %max3A_1296 {strides = array<i32>} : memref<512xf32, #tpu.memory_space<vmem>>, vector<16xf32>,
        %broadcast_in_dim3A_1300 = arith.constant 0 : i32
        %broadcast_in_dim3A_1301 = vector.broadcast %broadcast_in_dim3A_1300 : i32 to vector<16xi32>
        %reshape3A_1302 = vector.shape_cast %broadcast_in_dim3A_1301 : vector<16xi32> to vector<16x1xi32>
        %gather3A_1303 = vector.shape_cast %reshape3A_1302 : vector<16x1xi32> to vector<16xi32>
        %gather3A_1304 = tpu.dynamic_gather %bitcast3A_881[%gather3A_1303] in [0] : vector<16xf32>, vector<16xi32> -> vector<16xf32>
        %reshape3A_1305 = vector.shape_cast %broadcast_in_dim3A_1301 : vector<16xi32> to vector<16x1xi32>
        %gather3A_1306 = vector.shape_cast %reshape3A_1305 : vector<16x1xi32> to vector<16xi32>
        %gather3A_1307 = tpu.dynamic_gather %bitcast3A_913[%gather3A_1306] in [0] : vector<16xf32>, vector<16xi32> -> vector<16xf32>
        %reshape3A_1308 = vector.shape_cast %broadcast_in_dim3A_1301 : vector<16xi32> to vector<16x1xi32>
        %gather3A_1309 = vector.shape_cast %reshape3A_1308 : vector<16x1xi32> to vector<16xi32>
        %gather3A_1310 = tpu.dynamic_gather %bitcast3A_945[%gather3A_1309] in [0] : vector<16xf32>, vector<16xi32> -> vector<16xf32>
        %mul3A_1311 = arith.mulf %gather3A_1304, %bitcast3A_58 : vector<16xf32>
        %mul3A_1312 = arith.mulf %gather3A_1307, %bitcast3A_75 : vector<16xf32>
        %add3A_1313 = arith.addf %mul3A_1311, %mul3A_1312 : vector<16xf32>
        %mul3A_1314 = arith.mulf %gather3A_1310, %bitcast3A_92 : vector<16xf32>
        %add3A_1315 = arith.addf %add3A_1313, %mul3A_1314 : vector<16xf32>
        %max3A_1316 = arith.constant 0.000000e+00 : f32
        %max3A_1317 = vector.broadcast %max3A_1316 : f32 to vector<16xf32>
        %max3A_1318 = arith.maximumf %add3A_1315, %max3A_1317 : vector<16xf32>
        %add3A_1319 = arith.addf %add3A_1297, %max3A_1318 : vector<16xf32>
        %swap3A_1320 = arith.constant 256 : index
        %swap3A_1321 = tpu.vector_load %arg18[%swap3A_1320] {strides = array<i32>} : memref<512xf32, #tpu.memory_space<vmem>>, vector<16xf32>,
        tpu.vector_store %arg18[%swap3A_1320], %max3A_1318 {strides = array<i32>} : memref<512xf32, #tpu.memory_space<vmem>>, vector<16xf32>,
        %broadcast_in_dim3A_1322 = arith.constant 1 : i32
        %broadcast_in_dim3A_1323 = vector.broadcast %broadcast_in_dim3A_1322 : i32 to vector<16xi32>
        %reshape3A_1324 = vector.shape_cast %broadcast_in_dim3A_1323 : vector<16xi32> to vector<16x1xi32>
        %gather3A_1325 = vector.shape_cast %reshape3A_1324 : vector<16x1xi32> to vector<16xi32>
        %gather3A_1326 = tpu.dynamic_gather %bitcast3A_881[%gather3A_1325] in [0] : vector<16xf32>, vector<16xi32> -> vector<16xf32>
        %reshape3A_1327 = vector.shape_cast %broadcast_in_dim3A_1323 : vector<16xi32> to vector<16x1xi32>
        %gather3A_1328 = vector.shape_cast %reshape3A_1327 : vector<16x1xi32> to vector<16xi32>
        %gather3A_1329 = tpu.dynamic_gather %bitcast3A_913[%gather3A_1328] in [0] : vector<16xf32>, vector<16xi32> -> vector<16xf32>
        %reshape3A_1330 = vector.shape_cast %broadcast_in_dim3A_1323 : vector<16xi32> to vector<16x1xi32>
        %gather3A_1331 = vector.shape_cast %reshape3A_1330 : vector<16x1xi32> to vector<16xi32>
        %gather3A_1332 = tpu.dynamic_gather %bitcast3A_945[%gather3A_1331] in [0] : vector<16xf32>, vector<16xi32> -> vector<16xf32>
        %mul3A_1333 = arith.mulf %gather3A_1326, %bitcast3A_58 : vector<16xf32>
        %mul3A_1334 = arith.mulf %gather3A_1329, %bitcast3A_75 : vector<16xf32>
        %add3A_1335 = arith.addf %mul3A_1333, %mul3A_1334 : vector<16xf32>
        %mul3A_1336 = arith.mulf %gather3A_1332, %bitcast3A_92 : vector<16xf32>
        %add3A_1337 = arith.addf %add3A_1335, %mul3A_1336 : vector<16xf32>
        %max3A_1338 = arith.constant 0.000000e+00 : f32
        %max3A_1339 = vector.broadcast %max3A_1338 : f32 to vector<16xf32>
        %max3A_1340 = arith.maximumf %add3A_1337, %max3A_1339 : vector<16xf32>
        %add3A_1341 = arith.addf %add3A_1319, %max3A_1340 : vector<16xf32>
        %swap3A_1342 = arith.constant 272 : index
        %swap3A_1343 = tpu.vector_load %arg18[%swap3A_1342] {strides = array<i32>} : memref<512xf32, #tpu.memory_space<vmem>>, vector<16xf32>,
        tpu.vector_store %arg18[%swap3A_1342], %max3A_1340 {strides = array<i32>} : memref<512xf32, #tpu.memory_space<vmem>>, vector<16xf32>,
        %broadcast_in_dim3A_1344 = arith.constant 2 : i32
        %broadcast_in_dim3A_1345 = vector.broadcast %broadcast_in_dim3A_1344 : i32 to vector<16xi32>
        %reshape3A_1346 = vector.shape_cast %broadcast_in_dim3A_1345 : vector<16xi32> to vector<16x1xi32>
        %gather3A_1347 = vector.shape_cast %reshape3A_1346 : vector<16x1xi32> to vector<16xi32>
        %gather3A_1348 = tpu.dynamic_gather %bitcast3A_881[%gather3A_1347] in [0] : vector<16xf32>, vector<16xi32> -> vector<16xf32>
        %reshape3A_1349 = vector.shape_cast %broadcast_in_dim3A_1345 : vector<16xi32> to vector<16x1xi32>
        %gather3A_1350 = vector.shape_cast %reshape3A_1349 : vector<16x1xi32> to vector<16xi32>
        %gather3A_1351 = tpu.dynamic_gather %bitcast3A_913[%gather3A_1350] in [0] : vector<16xf32>, vector<16xi32> -> vector<16xf32>
        %reshape3A_1352 = vector.shape_cast %broadcast_in_dim3A_1345 : vector<16xi32> to vector<16x1xi32>
        %gather3A_1353 = vector.shape_cast %reshape3A_1352 : vector<16x1xi32> to vector<16xi32>
        %gather3A_1354 = tpu.dynamic_gather %bitcast3A_945[%gather3A_1353] in [0] : vector<16xf32>, vector<16xi32> -> vector<16xf32>
        %mul3A_1355 = arith.mulf %gather3A_1348, %bitcast3A_58 : vector<16xf32>
        %mul3A_1356 = arith.mulf %gather3A_1351, %bitcast3A_75 : vector<16xf32>
        %add3A_1357 = arith.addf %mul3A_1355, %mul3A_1356 : vector<16xf32>
        %mul3A_1358 = arith.mulf %gather3A_1354, %bitcast3A_92 : vector<16xf32>
        %add3A_1359 = arith.addf %add3A_1357, %mul3A_1358 : vector<16xf32>
        %max3A_1360 = arith.constant 0.000000e+00 : f32
        %max3A_1361 = vector.broadcast %max3A_1360 : f32 to vector<16xf32>
        %max3A_1362 = arith.maximumf %add3A_1359, %max3A_1361 : vector<16xf32>
        %add3A_1363 = arith.addf %add3A_1341, %max3A_1362 : vector<16xf32>
        %swap3A_1364 = arith.constant 288 : index
        %swap3A_1365 = tpu.vector_load %arg18[%swap3A_1364] {strides = array<i32>} : memref<512xf32, #tpu.memory_space<vmem>>, vector<16xf32>,
        tpu.vector_store %arg18[%swap3A_1364], %max3A_1362 {strides = array<i32>} : memref<512xf32, #tpu.memory_space<vmem>>, vector<16xf32>,
        %broadcast_in_dim3A_1366 = arith.constant 3 : i32
        %broadcast_in_dim3A_1367 = vector.broadcast %broadcast_in_dim3A_1366 : i32 to vector<16xi32>
        %reshape3A_1368 = vector.shape_cast %broadcast_in_dim3A_1367 : vector<16xi32> to vector<16x1xi32>
        %gather3A_1369 = vector.shape_cast %reshape3A_1368 : vector<16x1xi32> to vector<16xi32>
        %gather3A_1370 = tpu.dynamic_gather %bitcast3A_881[%gather3A_1369] in [0] : vector<16xf32>, vector<16xi32> -> vector<16xf32>
        %reshape3A_1371 = vector.shape_cast %broadcast_in_dim3A_1367 : vector<16xi32> to vector<16x1xi32>
        %gather3A_1372 = vector.shape_cast %reshape3A_1371 : vector<16x1xi32> to vector<16xi32>
        %gather3A_1373 = tpu.dynamic_gather %bitcast3A_913[%gather3A_1372] in [0] : vector<16xf32>, vector<16xi32> -> vector<16xf32>
        %reshape3A_1374 = vector.shape_cast %broadcast_in_dim3A_1367 : vector<16xi32> to vector<16x1xi32>
        %gather3A_1375 = vector.shape_cast %reshape3A_1374 : vector<16x1xi32> to vector<16xi32>
        %gather3A_1376 = tpu.dynamic_gather %bitcast3A_945[%gather3A_1375] in [0] : vector<16xf32>, vector<16xi32> -> vector<16xf32>
        %mul3A_1377 = arith.mulf %gather3A_1370, %bitcast3A_58 : vector<16xf32>
        %mul3A_1378 = arith.mulf %gather3A_1373, %bitcast3A_75 : vector<16xf32>
        %add3A_1379 = arith.addf %mul3A_1377, %mul3A_1378 : vector<16xf32>
        %mul3A_1380 = arith.mulf %gather3A_1376, %bitcast3A_92 : vector<16xf32>
        %add3A_1381 = arith.addf %add3A_1379, %mul3A_1380 : vector<16xf32>
        %max3A_1382 = arith.constant 0.000000e+00 : f32
        %max3A_1383 = vector.broadcast %max3A_1382 : f32 to vector<16xf32>
        %max3A_1384 = arith.maximumf %add3A_1381, %max3A_1383 : vector<16xf32>
        %add3A_1385 = arith.addf %add3A_1363, %max3A_1384 : vector<16xf32>
        %swap3A_1386 = arith.constant 304 : index
        %swap3A_1387 = tpu.vector_load %arg18[%swap3A_1386] {strides = array<i32>} : memref<512xf32, #tpu.memory_space<vmem>>, vector<16xf32>,
        tpu.vector_store %arg18[%swap3A_1386], %max3A_1384 {strides = array<i32>} : memref<512xf32, #tpu.memory_space<vmem>>, vector<16xf32>,
        %broadcast_in_dim3A_1388 = arith.constant 4 : i32
        %broadcast_in_dim3A_1389 = vector.broadcast %broadcast_in_dim3A_1388 : i32 to vector<16xi32>
        %reshape3A_1390 = vector.shape_cast %broadcast_in_dim3A_1389 : vector<16xi32> to vector<16x1xi32>
        %gather3A_1391 = vector.shape_cast %reshape3A_1390 : vector<16x1xi32> to vector<16xi32>
        %gather3A_1392 = tpu.dynamic_gather %bitcast3A_881[%gather3A_1391] in [0] : vector<16xf32>, vector<16xi32> -> vector<16xf32>
        %reshape3A_1393 = vector.shape_cast %broadcast_in_dim3A_1389 : vector<16xi32> to vector<16x1xi32>
        %gather3A_1394 = vector.shape_cast %reshape3A_1393 : vector<16x1xi32> to vector<16xi32>
        %gather3A_1395 = tpu.dynamic_gather %bitcast3A_913[%gather3A_1394] in [0] : vector<16xf32>, vector<16xi32> -> vector<16xf32>
        %reshape3A_1396 = vector.shape_cast %broadcast_in_dim3A_1389 : vector<16xi32> to vector<16x1xi32>
        %gather3A_1397 = vector.shape_cast %reshape3A_1396 : vector<16x1xi32> to vector<16xi32>
        %gather3A_1398 = tpu.dynamic_gather %bitcast3A_945[%gather3A_1397] in [0] : vector<16xf32>, vector<16xi32> -> vector<16xf32>
        %mul3A_1399 = arith.mulf %gather3A_1392, %bitcast3A_58 : vector<16xf32>
        %mul3A_1400 = arith.mulf %gather3A_1395, %bitcast3A_75 : vector<16xf32>
        %add3A_1401 = arith.addf %mul3A_1399, %mul3A_1400 : vector<16xf32>
        %mul3A_1402 = arith.mulf %gather3A_1398, %bitcast3A_92 : vector<16xf32>
        %add3A_1403 = arith.addf %add3A_1401, %mul3A_1402 : vector<16xf32>
        %max3A_1404 = arith.constant 0.000000e+00 : f32
        %max3A_1405 = vector.broadcast %max3A_1404 : f32 to vector<16xf32>
        %max3A_1406 = arith.maximumf %add3A_1403, %max3A_1405 : vector<16xf32>
        %add3A_1407 = arith.addf %add3A_1385, %max3A_1406 : vector<16xf32>
        %swap3A_1408 = arith.constant 320 : index
        %swap3A_1409 = tpu.vector_load %arg18[%swap3A_1408] {strides = array<i32>} : memref<512xf32, #tpu.memory_space<vmem>>, vector<16xf32>,
        tpu.vector_store %arg18[%swap3A_1408], %max3A_1406 {strides = array<i32>} : memref<512xf32, #tpu.memory_space<vmem>>, vector<16xf32>,
        %broadcast_in_dim3A_1410 = arith.constant 5 : i32
        %broadcast_in_dim3A_1411 = vector.broadcast %broadcast_in_dim3A_1410 : i32 to vector<16xi32>
        %reshape3A_1412 = vector.shape_cast %broadcast_in_dim3A_1411 : vector<16xi32> to vector<16x1xi32>
        %gather3A_1413 = vector.shape_cast %reshape3A_1412 : vector<16x1xi32> to vector<16xi32>
        %gather3A_1414 = tpu.dynamic_gather %bitcast3A_881[%gather3A_1413] in [0] : vector<16xf32>, vector<16xi32> -> vector<16xf32>
        %reshape3A_1415 = vector.shape_cast %broadcast_in_dim3A_1411 : vector<16xi32> to vector<16x1xi32>
        %gather3A_1416 = vector.shape_cast %reshape3A_1415 : vector<16x1xi32> to vector<16xi32>
        %gather3A_1417 = tpu.dynamic_gather %bitcast3A_913[%gather3A_1416] in [0] : vector<16xf32>, vector<16xi32> -> vector<16xf32>
        %reshape3A_1418 = vector.shape_cast %broadcast_in_dim3A_1411 : vector<16xi32> to vector<16x1xi32>
        %gather3A_1419 = vector.shape_cast %reshape3A_1418 : vector<16x1xi32> to vector<16xi32>
        %gather3A_1420 = tpu.dynamic_gather %bitcast3A_945[%gather3A_1419] in [0] : vector<16xf32>, vector<16xi32> -> vector<16xf32>
        %mul3A_1421 = arith.mulf %gather3A_1414, %bitcast3A_58 : vector<16xf32>
        %mul3A_1422 = arith.mulf %gather3A_1417, %bitcast3A_75 : vector<16xf32>
        %add3A_1423 = arith.addf %mul3A_1421, %mul3A_1422 : vector<16xf32>
        %mul3A_1424 = arith.mulf %gather3A_1420, %bitcast3A_92 : vector<16xf32>
        %add3A_1425 = arith.addf %add3A_1423, %mul3A_1424 : vector<16xf32>
        %max3A_1426 = arith.constant 0.000000e+00 : f32
        %max3A_1427 = vector.broadcast %max3A_1426 : f32 to vector<16xf32>
        %max3A_1428 = arith.maximumf %add3A_1425, %max3A_1427 : vector<16xf32>
        %add3A_1429 = arith.addf %add3A_1407, %max3A_1428 : vector<16xf32>
        %swap3A_1430 = arith.constant 336 : index
        %swap3A_1431 = tpu.vector_load %arg18[%swap3A_1430] {strides = array<i32>} : memref<512xf32, #tpu.memory_space<vmem>>, vector<16xf32>,
        tpu.vector_store %arg18[%swap3A_1430], %max3A_1428 {strides = array<i32>} : memref<512xf32, #tpu.memory_space<vmem>>, vector<16xf32>,
        %broadcast_in_dim3A_1432 = arith.constant 6 : i32
        %broadcast_in_dim3A_1433 = vector.broadcast %broadcast_in_dim3A_1432 : i32 to vector<16xi32>
        %reshape3A_1434 = vector.shape_cast %broadcast_in_dim3A_1433 : vector<16xi32> to vector<16x1xi32>
        %gather3A_1435 = vector.shape_cast %reshape3A_1434 : vector<16x1xi32> to vector<16xi32>
        %gather3A_1436 = tpu.dynamic_gather %bitcast3A_881[%gather3A_1435] in [0] : vector<16xf32>, vector<16xi32> -> vector<16xf32>
        %reshape3A_1437 = vector.shape_cast %broadcast_in_dim3A_1433 : vector<16xi32> to vector<16x1xi32>
        %gather3A_1438 = vector.shape_cast %reshape3A_1437 : vector<16x1xi32> to vector<16xi32>
        %gather3A_1439 = tpu.dynamic_gather %bitcast3A_913[%gather3A_1438] in [0] : vector<16xf32>, vector<16xi32> -> vector<16xf32>
        %reshape3A_1440 = vector.shape_cast %broadcast_in_dim3A_1433 : vector<16xi32> to vector<16x1xi32>
        %gather3A_1441 = vector.shape_cast %reshape3A_1440 : vector<16x1xi32> to vector<16xi32>
        %gather3A_1442 = tpu.dynamic_gather %bitcast3A_945[%gather3A_1441] in [0] : vector<16xf32>, vector<16xi32> -> vector<16xf32>
        %mul3A_1443 = arith.mulf %gather3A_1436, %bitcast3A_58 : vector<16xf32>
        %mul3A_1444 = arith.mulf %gather3A_1439, %bitcast3A_75 : vector<16xf32>
        %add3A_1445 = arith.addf %mul3A_1443, %mul3A_1444 : vector<16xf32>
        %mul3A_1446 = arith.mulf %gather3A_1442, %bitcast3A_92 : vector<16xf32>
        %add3A_1447 = arith.addf %add3A_1445, %mul3A_1446 : vector<16xf32>
        %max3A_1448 = arith.constant 0.000000e+00 : f32
        %max3A_1449 = vector.broadcast %max3A_1448 : f32 to vector<16xf32>
        %max3A_1450 = arith.maximumf %add3A_1447, %max3A_1449 : vector<16xf32>
        %add3A_1451 = arith.addf %add3A_1429, %max3A_1450 : vector<16xf32>
        %swap3A_1452 = arith.constant 352 : index
        %swap3A_1453 = tpu.vector_load %arg18[%swap3A_1452] {strides = array<i32>} : memref<512xf32, #tpu.memory_space<vmem>>, vector<16xf32>,
        tpu.vector_store %arg18[%swap3A_1452], %max3A_1450 {strides = array<i32>} : memref<512xf32, #tpu.memory_space<vmem>>, vector<16xf32>,
        %broadcast_in_dim3A_1454 = arith.constant 7 : i32
        %broadcast_in_dim3A_1455 = vector.broadcast %broadcast_in_dim3A_1454 : i32 to vector<16xi32>
        %reshape3A_1456 = vector.shape_cast %broadcast_in_dim3A_1455 : vector<16xi32> to vector<16x1xi32>
        %gather3A_1457 = vector.shape_cast %reshape3A_1456 : vector<16x1xi32> to vector<16xi32>
        %gather3A_1458 = tpu.dynamic_gather %bitcast3A_881[%gather3A_1457] in [0] : vector<16xf32>, vector<16xi32> -> vector<16xf32>
        %reshape3A_1459 = vector.shape_cast %broadcast_in_dim3A_1455 : vector<16xi32> to vector<16x1xi32>
        %gather3A_1460 = vector.shape_cast %reshape3A_1459 : vector<16x1xi32> to vector<16xi32>
        %gather3A_1461 = tpu.dynamic_gather %bitcast3A_913[%gather3A_1460] in [0] : vector<16xf32>, vector<16xi32> -> vector<16xf32>
        %reshape3A_1462 = vector.shape_cast %broadcast_in_dim3A_1455 : vector<16xi32> to vector<16x1xi32>
        %gather3A_1463 = vector.shape_cast %reshape3A_1462 : vector<16x1xi32> to vector<16xi32>
        %gather3A_1464 = tpu.dynamic_gather %bitcast3A_945[%gather3A_1463] in [0] : vector<16xf32>, vector<16xi32> -> vector<16xf32>
        %mul3A_1465 = arith.mulf %gather3A_1458, %bitcast3A_58 : vector<16xf32>
        %mul3A_1466 = arith.mulf %gather3A_1461, %bitcast3A_75 : vector<16xf32>
        %add3A_1467 = arith.addf %mul3A_1465, %mul3A_1466 : vector<16xf32>
        %mul3A_1468 = arith.mulf %gather3A_1464, %bitcast3A_92 : vector<16xf32>
        %add3A_1469 = arith.addf %add3A_1467, %mul3A_1468 : vector<16xf32>
        %max3A_1470 = arith.constant 0.000000e+00 : f32
        %max3A_1471 = vector.broadcast %max3A_1470 : f32 to vector<16xf32>
        %max3A_1472 = arith.maximumf %add3A_1469, %max3A_1471 : vector<16xf32>
        %add3A_1473 = arith.addf %add3A_1451, %max3A_1472 : vector<16xf32>
        %swap3A_1474 = arith.constant 368 : index
        %swap3A_1475 = tpu.vector_load %arg18[%swap3A_1474] {strides = array<i32>} : memref<512xf32, #tpu.memory_space<vmem>>, vector<16xf32>,
        tpu.vector_store %arg18[%swap3A_1474], %max3A_1472 {strides = array<i32>} : memref<512xf32, #tpu.memory_space<vmem>>, vector<16xf32>,
        %broadcast_in_dim3A_1476 = arith.constant 8 : i32
        %broadcast_in_dim3A_1477 = vector.broadcast %broadcast_in_dim3A_1476 : i32 to vector<16xi32>
        %reshape3A_1478 = vector.shape_cast %broadcast_in_dim3A_1477 : vector<16xi32> to vector<16x1xi32>
        %gather3A_1479 = vector.shape_cast %reshape3A_1478 : vector<16x1xi32> to vector<16xi32>
        %gather3A_1480 = tpu.dynamic_gather %bitcast3A_881[%gather3A_1479] in [0] : vector<16xf32>, vector<16xi32> -> vector<16xf32>
        %reshape3A_1481 = vector.shape_cast %broadcast_in_dim3A_1477 : vector<16xi32> to vector<16x1xi32>
        %gather3A_1482 = vector.shape_cast %reshape3A_1481 : vector<16x1xi32> to vector<16xi32>
        %gather3A_1483 = tpu.dynamic_gather %bitcast3A_913[%gather3A_1482] in [0] : vector<16xf32>, vector<16xi32> -> vector<16xf32>
        %reshape3A_1484 = vector.shape_cast %broadcast_in_dim3A_1477 : vector<16xi32> to vector<16x1xi32>
        %gather3A_1485 = vector.shape_cast %reshape3A_1484 : vector<16x1xi32> to vector<16xi32>
        %gather3A_1486 = tpu.dynamic_gather %bitcast3A_945[%gather3A_1485] in [0] : vector<16xf32>, vector<16xi32> -> vector<16xf32>
        %mul3A_1487 = arith.mulf %gather3A_1480, %bitcast3A_58 : vector<16xf32>
        %mul3A_1488 = arith.mulf %gather3A_1483, %bitcast3A_75 : vector<16xf32>
        %add3A_1489 = arith.addf %mul3A_1487, %mul3A_1488 : vector<16xf32>
        %mul3A_1490 = arith.mulf %gather3A_1486, %bitcast3A_92 : vector<16xf32>
        %add3A_1491 = arith.addf %add3A_1489, %mul3A_1490 : vector<16xf32>
        %max3A_1492 = arith.constant 0.000000e+00 : f32
        %max3A_1493 = vector.broadcast %max3A_1492 : f32 to vector<16xf32>
        %max3A_1494 = arith.maximumf %add3A_1491, %max3A_1493 : vector<16xf32>
        %add3A_1495 = arith.addf %add3A_1473, %max3A_1494 : vector<16xf32>
        %swap3A_1496 = arith.constant 384 : index
        %swap3A_1497 = tpu.vector_load %arg18[%swap3A_1496] {strides = array<i32>} : memref<512xf32, #tpu.memory_space<vmem>>, vector<16xf32>,
        tpu.vector_store %arg18[%swap3A_1496], %max3A_1494 {strides = array<i32>} : memref<512xf32, #tpu.memory_space<vmem>>, vector<16xf32>,
        %broadcast_in_dim3A_1498 = arith.constant 9 : i32
        %broadcast_in_dim3A_1499 = vector.broadcast %broadcast_in_dim3A_1498 : i32 to vector<16xi32>
        %reshape3A_1500 = vector.shape_cast %broadcast_in_dim3A_1499 : vector<16xi32> to vector<16x1xi32>
        %gather3A_1501 = vector.shape_cast %reshape3A_1500 : vector<16x1xi32> to vector<16xi32>
        %gather3A_1502 = tpu.dynamic_gather %bitcast3A_881[%gather3A_1501] in [0] : vector<16xf32>, vector<16xi32> -> vector<16xf32>
        %reshape3A_1503 = vector.shape_cast %broadcast_in_dim3A_1499 : vector<16xi32> to vector<16x1xi32>
        %gather3A_1504 = vector.shape_cast %reshape3A_1503 : vector<16x1xi32> to vector<16xi32>
        %gather3A_1505 = tpu.dynamic_gather %bitcast3A_913[%gather3A_1504] in [0] : vector<16xf32>, vector<16xi32> -> vector<16xf32>
        %reshape3A_1506 = vector.shape_cast %broadcast_in_dim3A_1499 : vector<16xi32> to vector<16x1xi32>
        %gather3A_1507 = vector.shape_cast %reshape3A_1506 : vector<16x1xi32> to vector<16xi32>
        %gather3A_1508 = tpu.dynamic_gather %bitcast3A_945[%gather3A_1507] in [0] : vector<16xf32>, vector<16xi32> -> vector<16xf32>
        %mul3A_1509 = arith.mulf %gather3A_1502, %bitcast3A_58 : vector<16xf32>
        %mul3A_1510 = arith.mulf %gather3A_1505, %bitcast3A_75 : vector<16xf32>
        %add3A_1511 = arith.addf %mul3A_1509, %mul3A_1510 : vector<16xf32>
        %mul3A_1512 = arith.mulf %gather3A_1508, %bitcast3A_92 : vector<16xf32>
        %add3A_1513 = arith.addf %add3A_1511, %mul3A_1512 : vector<16xf32>
        %max3A_1514 = arith.constant 0.000000e+00 : f32
        %max3A_1515 = vector.broadcast %max3A_1514 : f32 to vector<16xf32>
        %max3A_1516 = arith.maximumf %add3A_1513, %max3A_1515 : vector<16xf32>
        %add3A_1517 = arith.addf %add3A_1495, %max3A_1516 : vector<16xf32>
        %swap3A_1518 = arith.constant 400 : index
        %swap3A_1519 = tpu.vector_load %arg18[%swap3A_1518] {strides = array<i32>} : memref<512xf32, #tpu.memory_space<vmem>>, vector<16xf32>,
        tpu.vector_store %arg18[%swap3A_1518], %max3A_1516 {strides = array<i32>} : memref<512xf32, #tpu.memory_space<vmem>>, vector<16xf32>,
        %broadcast_in_dim3A_1520 = arith.constant 10 : i32
        %broadcast_in_dim3A_1521 = vector.broadcast %broadcast_in_dim3A_1520 : i32 to vector<16xi32>
        %reshape3A_1522 = vector.shape_cast %broadcast_in_dim3A_1521 : vector<16xi32> to vector<16x1xi32>
        %gather3A_1523 = vector.shape_cast %reshape3A_1522 : vector<16x1xi32> to vector<16xi32>
        %gather3A_1524 = tpu.dynamic_gather %bitcast3A_881[%gather3A_1523] in [0] : vector<16xf32>, vector<16xi32> -> vector<16xf32>
        %reshape3A_1525 = vector.shape_cast %broadcast_in_dim3A_1521 : vector<16xi32> to vector<16x1xi32>
        %gather3A_1526 = vector.shape_cast %reshape3A_1525 : vector<16x1xi32> to vector<16xi32>
        %gather3A_1527 = tpu.dynamic_gather %bitcast3A_913[%gather3A_1526] in [0] : vector<16xf32>, vector<16xi32> -> vector<16xf32>
        %reshape3A_1528 = vector.shape_cast %broadcast_in_dim3A_1521 : vector<16xi32> to vector<16x1xi32>
        %gather3A_1529 = vector.shape_cast %reshape3A_1528 : vector<16x1xi32> to vector<16xi32>
        %gather3A_1530 = tpu.dynamic_gather %bitcast3A_945[%gather3A_1529] in [0] : vector<16xf32>, vector<16xi32> -> vector<16xf32>
        %mul3A_1531 = arith.mulf %gather3A_1524, %bitcast3A_58 : vector<16xf32>
        %mul3A_1532 = arith.mulf %gather3A_1527, %bitcast3A_75 : vector<16xf32>
        %add3A_1533 = arith.addf %mul3A_1531, %mul3A_1532 : vector<16xf32>
        %mul3A_1534 = arith.mulf %gather3A_1530, %bitcast3A_92 : vector<16xf32>
        %add3A_1535 = arith.addf %add3A_1533, %mul3A_1534 : vector<16xf32>
        %max3A_1536 = arith.constant 0.000000e+00 : f32
        %max3A_1537 = vector.broadcast %max3A_1536 : f32 to vector<16xf32>
        %max3A_1538 = arith.maximumf %add3A_1535, %max3A_1537 : vector<16xf32>
        %add3A_1539 = arith.addf %add3A_1517, %max3A_1538 : vector<16xf32>
        %swap3A_1540 = arith.constant 416 : index
        %swap3A_1541 = tpu.vector_load %arg18[%swap3A_1540] {strides = array<i32>} : memref<512xf32, #tpu.memory_space<vmem>>, vector<16xf32>,
        tpu.vector_store %arg18[%swap3A_1540], %max3A_1538 {strides = array<i32>} : memref<512xf32, #tpu.memory_space<vmem>>, vector<16xf32>,
        %broadcast_in_dim3A_1542 = arith.constant 11 : i32
        %broadcast_in_dim3A_1543 = vector.broadcast %broadcast_in_dim3A_1542 : i32 to vector<16xi32>
        %reshape3A_1544 = vector.shape_cast %broadcast_in_dim3A_1543 : vector<16xi32> to vector<16x1xi32>
        %gather3A_1545 = vector.shape_cast %reshape3A_1544 : vector<16x1xi32> to vector<16xi32>
        %gather3A_1546 = tpu.dynamic_gather %bitcast3A_881[%gather3A_1545] in [0] : vector<16xf32>, vector<16xi32> -> vector<16xf32>
        %reshape3A_1547 = vector.shape_cast %broadcast_in_dim3A_1543 : vector<16xi32> to vector<16x1xi32>
        %gather3A_1548 = vector.shape_cast %reshape3A_1547 : vector<16x1xi32> to vector<16xi32>
        %gather3A_1549 = tpu.dynamic_gather %bitcast3A_913[%gather3A_1548] in [0] : vector<16xf32>, vector<16xi32> -> vector<16xf32>
        %reshape3A_1550 = vector.shape_cast %broadcast_in_dim3A_1543 : vector<16xi32> to vector<16x1xi32>
        %gather3A_1551 = vector.shape_cast %reshape3A_1550 : vector<16x1xi32> to vector<16xi32>
        %gather3A_1552 = tpu.dynamic_gather %bitcast3A_945[%gather3A_1551] in [0] : vector<16xf32>, vector<16xi32> -> vector<16xf32>
        %mul3A_1553 = arith.mulf %gather3A_1546, %bitcast3A_58 : vector<16xf32>
        %mul3A_1554 = arith.mulf %gather3A_1549, %bitcast3A_75 : vector<16xf32>
        %add3A_1555 = arith.addf %mul3A_1553, %mul3A_1554 : vector<16xf32>
        %mul3A_1556 = arith.mulf %gather3A_1552, %bitcast3A_92 : vector<16xf32>
        %add3A_1557 = arith.addf %add3A_1555, %mul3A_1556 : vector<16xf32>
        %max3A_1558 = arith.constant 0.000000e+00 : f32
        %max3A_1559 = vector.broadcast %max3A_1558 : f32 to vector<16xf32>
        %max3A_1560 = arith.maximumf %add3A_1557, %max3A_1559 : vector<16xf32>
        %add3A_1561 = arith.addf %add3A_1539, %max3A_1560 : vector<16xf32>
        %swap3A_1562 = arith.constant 432 : index
        %swap3A_1563 = tpu.vector_load %arg18[%swap3A_1562] {strides = array<i32>} : memref<512xf32, #tpu.memory_space<vmem>>, vector<16xf32>,
        tpu.vector_store %arg18[%swap3A_1562], %max3A_1560 {strides = array<i32>} : memref<512xf32, #tpu.memory_space<vmem>>, vector<16xf32>,
        %broadcast_in_dim3A_1564 = arith.constant 12 : i32
        %broadcast_in_dim3A_1565 = vector.broadcast %broadcast_in_dim3A_1564 : i32 to vector<16xi32>
        %reshape3A_1566 = vector.shape_cast %broadcast_in_dim3A_1565 : vector<16xi32> to vector<16x1xi32>
        %gather3A_1567 = vector.shape_cast %reshape3A_1566 : vector<16x1xi32> to vector<16xi32>
        %gather3A_1568 = tpu.dynamic_gather %bitcast3A_881[%gather3A_1567] in [0] : vector<16xf32>, vector<16xi32> -> vector<16xf32>
        %reshape3A_1569 = vector.shape_cast %broadcast_in_dim3A_1565 : vector<16xi32> to vector<16x1xi32>
        %gather3A_1570 = vector.shape_cast %reshape3A_1569 : vector<16x1xi32> to vector<16xi32>
        %gather3A_1571 = tpu.dynamic_gather %bitcast3A_913[%gather3A_1570] in [0] : vector<16xf32>, vector<16xi32> -> vector<16xf32>
        %reshape3A_1572 = vector.shape_cast %broadcast_in_dim3A_1565 : vector<16xi32> to vector<16x1xi32>
        %gather3A_1573 = vector.shape_cast %reshape3A_1572 : vector<16x1xi32> to vector<16xi32>
        %gather3A_1574 = tpu.dynamic_gather %bitcast3A_945[%gather3A_1573] in [0] : vector<16xf32>, vector<16xi32> -> vector<16xf32>
        %mul3A_1575 = arith.mulf %gather3A_1568, %bitcast3A_58 : vector<16xf32>
        %mul3A_1576 = arith.mulf %gather3A_1571, %bitcast3A_75 : vector<16xf32>
        %add3A_1577 = arith.addf %mul3A_1575, %mul3A_1576 : vector<16xf32>
        %mul3A_1578 = arith.mulf %gather3A_1574, %bitcast3A_92 : vector<16xf32>
        %add3A_1579 = arith.addf %add3A_1577, %mul3A_1578 : vector<16xf32>
        %max3A_1580 = arith.constant 0.000000e+00 : f32
        %max3A_1581 = vector.broadcast %max3A_1580 : f32 to vector<16xf32>
        %max3A_1582 = arith.maximumf %add3A_1579, %max3A_1581 : vector<16xf32>
        %add3A_1583 = arith.addf %add3A_1561, %max3A_1582 : vector<16xf32>
        %swap3A_1584 = arith.constant 448 : index
        %swap3A_1585 = tpu.vector_load %arg18[%swap3A_1584] {strides = array<i32>} : memref<512xf32, #tpu.memory_space<vmem>>, vector<16xf32>,
        tpu.vector_store %arg18[%swap3A_1584], %max3A_1582 {strides = array<i32>} : memref<512xf32, #tpu.memory_space<vmem>>, vector<16xf32>,
        %broadcast_in_dim3A_1586 = arith.constant 13 : i32
        %broadcast_in_dim3A_1587 = vector.broadcast %broadcast_in_dim3A_1586 : i32 to vector<16xi32>
        %reshape3A_1588 = vector.shape_cast %broadcast_in_dim3A_1587 : vector<16xi32> to vector<16x1xi32>
        %gather3A_1589 = vector.shape_cast %reshape3A_1588 : vector<16x1xi32> to vector<16xi32>
        %gather3A_1590 = tpu.dynamic_gather %bitcast3A_881[%gather3A_1589] in [0] : vector<16xf32>, vector<16xi32> -> vector<16xf32>
        %reshape3A_1591 = vector.shape_cast %broadcast_in_dim3A_1587 : vector<16xi32> to vector<16x1xi32>
        %gather3A_1592 = vector.shape_cast %reshape3A_1591 : vector<16x1xi32> to vector<16xi32>
        %gather3A_1593 = tpu.dynamic_gather %bitcast3A_913[%gather3A_1592] in [0] : vector<16xf32>, vector<16xi32> -> vector<16xf32>
        %reshape3A_1594 = vector.shape_cast %broadcast_in_dim3A_1587 : vector<16xi32> to vector<16x1xi32>
        %gather3A_1595 = vector.shape_cast %reshape3A_1594 : vector<16x1xi32> to vector<16xi32>
        %gather3A_1596 = tpu.dynamic_gather %bitcast3A_945[%gather3A_1595] in [0] : vector<16xf32>, vector<16xi32> -> vector<16xf32>
        %mul3A_1597 = arith.mulf %gather3A_1590, %bitcast3A_58 : vector<16xf32>
        %mul3A_1598 = arith.mulf %gather3A_1593, %bitcast3A_75 : vector<16xf32>
        %add3A_1599 = arith.addf %mul3A_1597, %mul3A_1598 : vector<16xf32>
        %mul3A_1600 = arith.mulf %gather3A_1596, %bitcast3A_92 : vector<16xf32>
        %add3A_1601 = arith.addf %add3A_1599, %mul3A_1600 : vector<16xf32>
        %max3A_1602 = arith.constant 0.000000e+00 : f32
        %max3A_1603 = vector.broadcast %max3A_1602 : f32 to vector<16xf32>
        %max3A_1604 = arith.maximumf %add3A_1601, %max3A_1603 : vector<16xf32>
        %add3A_1605 = arith.addf %add3A_1583, %max3A_1604 : vector<16xf32>
        %swap3A_1606 = arith.constant 464 : index
        %swap3A_1607 = tpu.vector_load %arg18[%swap3A_1606] {strides = array<i32>} : memref<512xf32, #tpu.memory_space<vmem>>, vector<16xf32>,
        tpu.vector_store %arg18[%swap3A_1606], %max3A_1604 {strides = array<i32>} : memref<512xf32, #tpu.memory_space<vmem>>, vector<16xf32>,
        %broadcast_in_dim3A_1608 = arith.constant 14 : i32
        %broadcast_in_dim3A_1609 = vector.broadcast %broadcast_in_dim3A_1608 : i32 to vector<16xi32>
        %reshape3A_1610 = vector.shape_cast %broadcast_in_dim3A_1609 : vector<16xi32> to vector<16x1xi32>
        %gather3A_1611 = vector.shape_cast %reshape3A_1610 : vector<16x1xi32> to vector<16xi32>
        %gather3A_1612 = tpu.dynamic_gather %bitcast3A_881[%gather3A_1611] in [0] : vector<16xf32>, vector<16xi32> -> vector<16xf32>
        %reshape3A_1613 = vector.shape_cast %broadcast_in_dim3A_1609 : vector<16xi32> to vector<16x1xi32>
        %gather3A_1614 = vector.shape_cast %reshape3A_1613 : vector<16x1xi32> to vector<16xi32>
        %gather3A_1615 = tpu.dynamic_gather %bitcast3A_913[%gather3A_1614] in [0] : vector<16xf32>, vector<16xi32> -> vector<16xf32>
        %reshape3A_1616 = vector.shape_cast %broadcast_in_dim3A_1609 : vector<16xi32> to vector<16x1xi32>
        %gather3A_1617 = vector.shape_cast %reshape3A_1616 : vector<16x1xi32> to vector<16xi32>
        %gather3A_1618 = tpu.dynamic_gather %bitcast3A_945[%gather3A_1617] in [0] : vector<16xf32>, vector<16xi32> -> vector<16xf32>
        %mul3A_1619 = arith.mulf %gather3A_1612, %bitcast3A_58 : vector<16xf32>
        %mul3A_1620 = arith.mulf %gather3A_1615, %bitcast3A_75 : vector<16xf32>
        %add3A_1621 = arith.addf %mul3A_1619, %mul3A_1620 : vector<16xf32>
        %mul3A_1622 = arith.mulf %gather3A_1618, %bitcast3A_92 : vector<16xf32>
        %add3A_1623 = arith.addf %add3A_1621, %mul3A_1622 : vector<16xf32>
        %max3A_1624 = arith.constant 0.000000e+00 : f32
        %max3A_1625 = vector.broadcast %max3A_1624 : f32 to vector<16xf32>
        %max3A_1626 = arith.maximumf %add3A_1623, %max3A_1625 : vector<16xf32>
        %add3A_1627 = arith.addf %add3A_1605, %max3A_1626 : vector<16xf32>
        %swap3A_1628 = arith.constant 480 : index
        %swap3A_1629 = tpu.vector_load %arg18[%swap3A_1628] {strides = array<i32>} : memref<512xf32, #tpu.memory_space<vmem>>, vector<16xf32>,
        tpu.vector_store %arg18[%swap3A_1628], %max3A_1626 {strides = array<i32>} : memref<512xf32, #tpu.memory_space<vmem>>, vector<16xf32>,
        %broadcast_in_dim3A_1630 = arith.constant 15 : i32
        %broadcast_in_dim3A_1631 = vector.broadcast %broadcast_in_dim3A_1630 : i32 to vector<16xi32>
        %reshape3A_1632 = vector.shape_cast %broadcast_in_dim3A_1631 : vector<16xi32> to vector<16x1xi32>
        %gather3A_1633 = vector.shape_cast %reshape3A_1632 : vector<16x1xi32> to vector<16xi32>
        %gather3A_1634 = tpu.dynamic_gather %bitcast3A_881[%gather3A_1633] in [0] : vector<16xf32>, vector<16xi32> -> vector<16xf32>
        %reshape3A_1635 = vector.shape_cast %broadcast_in_dim3A_1631 : vector<16xi32> to vector<16x1xi32>
        %gather3A_1636 = vector.shape_cast %reshape3A_1635 : vector<16x1xi32> to vector<16xi32>
        %gather3A_1637 = tpu.dynamic_gather %bitcast3A_913[%gather3A_1636] in [0] : vector<16xf32>, vector<16xi32> -> vector<16xf32>
        %reshape3A_1638 = vector.shape_cast %broadcast_in_dim3A_1631 : vector<16xi32> to vector<16x1xi32>
        %gather3A_1639 = vector.shape_cast %reshape3A_1638 : vector<16x1xi32> to vector<16xi32>
        %gather3A_1640 = tpu.dynamic_gather %bitcast3A_945[%gather3A_1639] in [0] : vector<16xf32>, vector<16xi32> -> vector<16xf32>
        %mul3A_1641 = arith.mulf %gather3A_1634, %bitcast3A_58 : vector<16xf32>
        %mul3A_1642 = arith.mulf %gather3A_1637, %bitcast3A_75 : vector<16xf32>
        %add3A_1643 = arith.addf %mul3A_1641, %mul3A_1642 : vector<16xf32>
        %mul3A_1644 = arith.mulf %gather3A_1640, %bitcast3A_92 : vector<16xf32>
        %add3A_1645 = arith.addf %add3A_1643, %mul3A_1644 : vector<16xf32>
        %max3A_1646 = arith.constant 0.000000e+00 : f32
        %max3A_1647 = vector.broadcast %max3A_1646 : f32 to vector<16xf32>
        %max3A_1648 = arith.maximumf %add3A_1645, %max3A_1647 : vector<16xf32>
        %add3A_1649 = arith.addf %add3A_1627, %max3A_1648 : vector<16xf32>
        %swap3A_1650 = arith.constant 496 : index
        %swap3A_1651 = tpu.vector_load %arg18[%swap3A_1650] {strides = array<i32>} : memref<512xf32, #tpu.memory_space<vmem>>, vector<16xf32>,
        tpu.vector_store %arg18[%swap3A_1650], %max3A_1648 {strides = array<i32>} : memref<512xf32, #tpu.memory_space<vmem>>, vector<16xf32>,
        %add3A_1652 = arith.constant 9.99999997E-7 : f32
        %add3A_1653 = vector.broadcast %add3A_1652 : f32 to vector<16xf32>
        %add3A_1654 = arith.addf %add3A_1649, %add3A_1653 : vector<16xf32>
        %div3A_1655 = arith.constant 1.000000e+00 : f32
        %div3A_1656 = vector.broadcast %div3A_1655 : f32 to vector<16xf32>
        %div3A_1657 = arith.divf %div3A_1656, %add3A_1654 : vector<16xf32>
        %broadcast_in_dim3A_1658 = arith.constant 0.000000e+00 : f32
        %broadcast_in_dim3A_1659 = vector.broadcast %broadcast_in_dim3A_1658 : f32 to vector<16xf32>
        %get3A_1660 = arith.constant 0 : index
        %get3A_1661 = tpu.vector_load %arg18[%get3A_1660] {strides = array<i32>} : memref<512xf32, #tpu.memory_space<vmem>>, vector<16xf32>,
        %mul3A_1662 = arith.mulf %get3A_1661, %div3A_1657 : vector<16xf32>
        %mul3A_1663 = arith.mulf %mul3A_1662, %mul3A_1662 : vector<16xf32>
        %add3A_1664 = arith.addf %broadcast_in_dim3A_1659, %mul3A_1663 : vector<16xf32>
        %swap3A_1665 = arith.constant 0 : index
        %swap3A_1666 = tpu.vector_load %arg18[%swap3A_1665] {strides = array<i32>} : memref<512xf32, #tpu.memory_space<vmem>>, vector<16xf32>,
        tpu.vector_store %arg18[%swap3A_1665], %mul3A_1663 {strides = array<i32>} : memref<512xf32, #tpu.memory_space<vmem>>, vector<16xf32>,
        %get3A_1667 = arith.constant 16 : index
        %get3A_1668 = tpu.vector_load %arg18[%get3A_1667] {strides = array<i32>} : memref<512xf32, #tpu.memory_space<vmem>>, vector<16xf32>,
        %mul3A_1669 = arith.mulf %get3A_1668, %div3A_1657 : vector<16xf32>
        %mul3A_1670 = arith.mulf %mul3A_1669, %mul3A_1669 : vector<16xf32>
        %add3A_1671 = arith.addf %add3A_1664, %mul3A_1670 : vector<16xf32>
        %swap3A_1672 = arith.constant 16 : index
        %swap3A_1673 = tpu.vector_load %arg18[%swap3A_1672] {strides = array<i32>} : memref<512xf32, #tpu.memory_space<vmem>>, vector<16xf32>,
        tpu.vector_store %arg18[%swap3A_1672], %mul3A_1670 {strides = array<i32>} : memref<512xf32, #tpu.memory_space<vmem>>, vector<16xf32>,
        %get3A_1674 = arith.constant 32 : index
        %get3A_1675 = tpu.vector_load %arg18[%get3A_1674] {strides = array<i32>} : memref<512xf32, #tpu.memory_space<vmem>>, vector<16xf32>,
        %mul3A_1676 = arith.mulf %get3A_1675, %div3A_1657 : vector<16xf32>
        %mul3A_1677 = arith.mulf %mul3A_1676, %mul3A_1676 : vector<16xf32>
        %add3A_1678 = arith.addf %add3A_1671, %mul3A_1677 : vector<16xf32>
        %swap3A_1679 = arith.constant 32 : index
        %swap3A_1680 = tpu.vector_load %arg18[%swap3A_1679] {strides = array<i32>} : memref<512xf32, #tpu.memory_space<vmem>>, vector<16xf32>,
        tpu.vector_store %arg18[%swap3A_1679], %mul3A_1677 {strides = array<i32>} : memref<512xf32, #tpu.memory_space<vmem>>, vector<16xf32>,
        %get3A_1681 = arith.constant 48 : index
        %get3A_1682 = tpu.vector_load %arg18[%get3A_1681] {strides = array<i32>} : memref<512xf32, #tpu.memory_space<vmem>>, vector<16xf32>,
        %mul3A_1683 = arith.mulf %get3A_1682, %div3A_1657 : vector<16xf32>
        %mul3A_1684 = arith.mulf %mul3A_1683, %mul3A_1683 : vector<16xf32>
        %add3A_1685 = arith.addf %add3A_1678, %mul3A_1684 : vector<16xf32>
        %swap3A_1686 = arith.constant 48 : index
        %swap3A_1687 = tpu.vector_load %arg18[%swap3A_1686] {strides = array<i32>} : memref<512xf32, #tpu.memory_space<vmem>>, vector<16xf32>,
        tpu.vector_store %arg18[%swap3A_1686], %mul3A_1684 {strides = array<i32>} : memref<512xf32, #tpu.memory_space<vmem>>, vector<16xf32>,
        %get3A_1688 = arith.constant 64 : index
        %get3A_1689 = tpu.vector_load %arg18[%get3A_1688] {strides = array<i32>} : memref<512xf32, #tpu.memory_space<vmem>>, vector<16xf32>,
        %mul3A_1690 = arith.mulf %get3A_1689, %div3A_1657 : vector<16xf32>
        %mul3A_1691 = arith.mulf %mul3A_1690, %mul3A_1690 : vector<16xf32>
        %add3A_1692 = arith.addf %add3A_1685, %mul3A_1691 : vector<16xf32>
        %swap3A_1693 = arith.constant 64 : index
        %swap3A_1694 = tpu.vector_load %arg18[%swap3A_1693] {strides = array<i32>} : memref<512xf32, #tpu.memory_space<vmem>>, vector<16xf32>,
        tpu.vector_store %arg18[%swap3A_1693], %mul3A_1691 {strides = array<i32>} : memref<512xf32, #tpu.memory_space<vmem>>, vector<16xf32>,
        %get3A_1695 = arith.constant 80 : index
        %get3A_1696 = tpu.vector_load %arg18[%get3A_1695] {strides = array<i32>} : memref<512xf32, #tpu.memory_space<vmem>>, vector<16xf32>,
        %mul3A_1697 = arith.mulf %get3A_1696, %div3A_1657 : vector<16xf32>
        %mul3A_1698 = arith.mulf %mul3A_1697, %mul3A_1697 : vector<16xf32>
        %add3A_1699 = arith.addf %add3A_1692, %mul3A_1698 : vector<16xf32>
        %swap3A_1700 = arith.constant 80 : index
        %swap3A_1701 = tpu.vector_load %arg18[%swap3A_1700] {strides = array<i32>} : memref<512xf32, #tpu.memory_space<vmem>>, vector<16xf32>,
        tpu.vector_store %arg18[%swap3A_1700], %mul3A_1698 {strides = array<i32>} : memref<512xf32, #tpu.memory_space<vmem>>, vector<16xf32>,
        %get3A_1702 = arith.constant 96 : index
        %get3A_1703 = tpu.vector_load %arg18[%get3A_1702] {strides = array<i32>} : memref<512xf32, #tpu.memory_space<vmem>>, vector<16xf32>,
        %mul3A_1704 = arith.mulf %get3A_1703, %div3A_1657 : vector<16xf32>
        %mul3A_1705 = arith.mulf %mul3A_1704, %mul3A_1704 : vector<16xf32>
        %add3A_1706 = arith.addf %add3A_1699, %mul3A_1705 : vector<16xf32>
        %swap3A_1707 = arith.constant 96 : index
        %swap3A_1708 = tpu.vector_load %arg18[%swap3A_1707] {strides = array<i32>} : memref<512xf32, #tpu.memory_space<vmem>>, vector<16xf32>,
        tpu.vector_store %arg18[%swap3A_1707], %mul3A_1705 {strides = array<i32>} : memref<512xf32, #tpu.memory_space<vmem>>, vector<16xf32>,
        %get3A_1709 = arith.constant 112 : index
        %get3A_1710 = tpu.vector_load %arg18[%get3A_1709] {strides = array<i32>} : memref<512xf32, #tpu.memory_space<vmem>>, vector<16xf32>,
        %mul3A_1711 = arith.mulf %get3A_1710, %div3A_1657 : vector<16xf32>
        %mul3A_1712 = arith.mulf %mul3A_1711, %mul3A_1711 : vector<16xf32>
        %add3A_1713 = arith.addf %add3A_1706, %mul3A_1712 : vector<16xf32>
        %swap3A_1714 = arith.constant 112 : index
        %swap3A_1715 = tpu.vector_load %arg18[%swap3A_1714] {strides = array<i32>} : memref<512xf32, #tpu.memory_space<vmem>>, vector<16xf32>,
        tpu.vector_store %arg18[%swap3A_1714], %mul3A_1712 {strides = array<i32>} : memref<512xf32, #tpu.memory_space<vmem>>, vector<16xf32>,
        %get3A_1716 = arith.constant 128 : index
        %get3A_1717 = tpu.vector_load %arg18[%get3A_1716] {strides = array<i32>} : memref<512xf32, #tpu.memory_space<vmem>>, vector<16xf32>,
        %mul3A_1718 = arith.mulf %get3A_1717, %div3A_1657 : vector<16xf32>
        %mul3A_1719 = arith.mulf %mul3A_1718, %mul3A_1718 : vector<16xf32>
        %add3A_1720 = arith.addf %add3A_1713, %mul3A_1719 : vector<16xf32>
        %swap3A_1721 = arith.constant 128 : index
        %swap3A_1722 = tpu.vector_load %arg18[%swap3A_1721] {strides = array<i32>} : memref<512xf32, #tpu.memory_space<vmem>>, vector<16xf32>,
        tpu.vector_store %arg18[%swap3A_1721], %mul3A_1719 {strides = array<i32>} : memref<512xf32, #tpu.memory_space<vmem>>, vector<16xf32>,
        %get3A_1723 = arith.constant 144 : index
        %get3A_1724 = tpu.vector_load %arg18[%get3A_1723] {strides = array<i32>} : memref<512xf32, #tpu.memory_space<vmem>>, vector<16xf32>,
        %mul3A_1725 = arith.mulf %get3A_1724, %div3A_1657 : vector<16xf32>
        %mul3A_1726 = arith.mulf %mul3A_1725, %mul3A_1725 : vector<16xf32>
        %add3A_1727 = arith.addf %add3A_1720, %mul3A_1726 : vector<16xf32>
        %swap3A_1728 = arith.constant 144 : index
        %swap3A_1729 = tpu.vector_load %arg18[%swap3A_1728] {strides = array<i32>} : memref<512xf32, #tpu.memory_space<vmem>>, vector<16xf32>,
        tpu.vector_store %arg18[%swap3A_1728], %mul3A_1726 {strides = array<i32>} : memref<512xf32, #tpu.memory_space<vmem>>, vector<16xf32>,
        %get3A_1730 = arith.constant 160 : index
        %get3A_1731 = tpu.vector_load %arg18[%get3A_1730] {strides = array<i32>} : memref<512xf32, #tpu.memory_space<vmem>>, vector<16xf32>,
        %mul3A_1732 = arith.mulf %get3A_1731, %div3A_1657 : vector<16xf32>
        %mul3A_1733 = arith.mulf %mul3A_1732, %mul3A_1732 : vector<16xf32>
        %add3A_1734 = arith.addf %add3A_1727, %mul3A_1733 : vector<16xf32>
        %swap3A_1735 = arith.constant 160 : index
        %swap3A_1736 = tpu.vector_load %arg18[%swap3A_1735] {strides = array<i32>} : memref<512xf32, #tpu.memory_space<vmem>>, vector<16xf32>,
        tpu.vector_store %arg18[%swap3A_1735], %mul3A_1733 {strides = array<i32>} : memref<512xf32, #tpu.memory_space<vmem>>, vector<16xf32>,
        %get3A_1737 = arith.constant 176 : index
        %get3A_1738 = tpu.vector_load %arg18[%get3A_1737] {strides = array<i32>} : memref<512xf32, #tpu.memory_space<vmem>>, vector<16xf32>,
        %mul3A_1739 = arith.mulf %get3A_1738, %div3A_1657 : vector<16xf32>
        %mul3A_1740 = arith.mulf %mul3A_1739, %mul3A_1739 : vector<16xf32>
        %add3A_1741 = arith.addf %add3A_1734, %mul3A_1740 : vector<16xf32>
        %swap3A_1742 = arith.constant 176 : index
        %swap3A_1743 = tpu.vector_load %arg18[%swap3A_1742] {strides = array<i32>} : memref<512xf32, #tpu.memory_space<vmem>>, vector<16xf32>,
        tpu.vector_store %arg18[%swap3A_1742], %mul3A_1740 {strides = array<i32>} : memref<512xf32, #tpu.memory_space<vmem>>, vector<16xf32>,
        %get3A_1744 = arith.constant 192 : index
        %get3A_1745 = tpu.vector_load %arg18[%get3A_1744] {strides = array<i32>} : memref<512xf32, #tpu.memory_space<vmem>>, vector<16xf32>,
        %mul3A_1746 = arith.mulf %get3A_1745, %div3A_1657 : vector<16xf32>
        %mul3A_1747 = arith.mulf %mul3A_1746, %mul3A_1746 : vector<16xf32>
        %add3A_1748 = arith.addf %add3A_1741, %mul3A_1747 : vector<16xf32>
        %swap3A_1749 = arith.constant 192 : index
        %swap3A_1750 = tpu.vector_load %arg18[%swap3A_1749] {strides = array<i32>} : memref<512xf32, #tpu.memory_space<vmem>>, vector<16xf32>,
        tpu.vector_store %arg18[%swap3A_1749], %mul3A_1747 {strides = array<i32>} : memref<512xf32, #tpu.memory_space<vmem>>, vector<16xf32>,
        %get3A_1751 = arith.constant 208 : index
        %get3A_1752 = tpu.vector_load %arg18[%get3A_1751] {strides = array<i32>} : memref<512xf32, #tpu.memory_space<vmem>>, vector<16xf32>,
        %mul3A_1753 = arith.mulf %get3A_1752, %div3A_1657 : vector<16xf32>
        %mul3A_1754 = arith.mulf %mul3A_1753, %mul3A_1753 : vector<16xf32>
        %add3A_1755 = arith.addf %add3A_1748, %mul3A_1754 : vector<16xf32>
        %swap3A_1756 = arith.constant 208 : index
        %swap3A_1757 = tpu.vector_load %arg18[%swap3A_1756] {strides = array<i32>} : memref<512xf32, #tpu.memory_space<vmem>>, vector<16xf32>,
        tpu.vector_store %arg18[%swap3A_1756], %mul3A_1754 {strides = array<i32>} : memref<512xf32, #tpu.memory_space<vmem>>, vector<16xf32>,
        %get3A_1758 = arith.constant 224 : index
        %get3A_1759 = tpu.vector_load %arg18[%get3A_1758] {strides = array<i32>} : memref<512xf32, #tpu.memory_space<vmem>>, vector<16xf32>,
        %mul3A_1760 = arith.mulf %get3A_1759, %div3A_1657 : vector<16xf32>
        %mul3A_1761 = arith.mulf %mul3A_1760, %mul3A_1760 : vector<16xf32>
        %add3A_1762 = arith.addf %add3A_1755, %mul3A_1761 : vector<16xf32>
        %swap3A_1763 = arith.constant 224 : index
        %swap3A_1764 = tpu.vector_load %arg18[%swap3A_1763] {strides = array<i32>} : memref<512xf32, #tpu.memory_space<vmem>>, vector<16xf32>,
        tpu.vector_store %arg18[%swap3A_1763], %mul3A_1761 {strides = array<i32>} : memref<512xf32, #tpu.memory_space<vmem>>, vector<16xf32>,
        %get3A_1765 = arith.constant 240 : index
        %get3A_1766 = tpu.vector_load %arg18[%get3A_1765] {strides = array<i32>} : memref<512xf32, #tpu.memory_space<vmem>>, vector<16xf32>,
        %mul3A_1767 = arith.mulf %get3A_1766, %div3A_1657 : vector<16xf32>
        %mul3A_1768 = arith.mulf %mul3A_1767, %mul3A_1767 : vector<16xf32>
        %add3A_1769 = arith.addf %add3A_1762, %mul3A_1768 : vector<16xf32>
        %swap3A_1770 = arith.constant 240 : index
        %swap3A_1771 = tpu.vector_load %arg18[%swap3A_1770] {strides = array<i32>} : memref<512xf32, #tpu.memory_space<vmem>>, vector<16xf32>,
        tpu.vector_store %arg18[%swap3A_1770], %mul3A_1768 {strides = array<i32>} : memref<512xf32, #tpu.memory_space<vmem>>, vector<16xf32>,
        %get3A_1772 = arith.constant 256 : index
        %get3A_1773 = tpu.vector_load %arg18[%get3A_1772] {strides = array<i32>} : memref<512xf32, #tpu.memory_space<vmem>>, vector<16xf32>,
        %mul3A_1774 = arith.mulf %get3A_1773, %div3A_1657 : vector<16xf32>
        %mul3A_1775 = arith.mulf %mul3A_1774, %mul3A_1774 : vector<16xf32>
        %add3A_1776 = arith.addf %add3A_1769, %mul3A_1775 : vector<16xf32>
        %swap3A_1777 = arith.constant 256 : index
        %swap3A_1778 = tpu.vector_load %arg18[%swap3A_1777] {strides = array<i32>} : memref<512xf32, #tpu.memory_space<vmem>>, vector<16xf32>,
        tpu.vector_store %arg18[%swap3A_1777], %mul3A_1775 {strides = array<i32>} : memref<512xf32, #tpu.memory_space<vmem>>, vector<16xf32>,
        %get3A_1779 = arith.constant 272 : index
        %get3A_1780 = tpu.vector_load %arg18[%get3A_1779] {strides = array<i32>} : memref<512xf32, #tpu.memory_space<vmem>>, vector<16xf32>,
        %mul3A_1781 = arith.mulf %get3A_1780, %div3A_1657 : vector<16xf32>
        %mul3A_1782 = arith.mulf %mul3A_1781, %mul3A_1781 : vector<16xf32>
        %add3A_1783 = arith.addf %add3A_1776, %mul3A_1782 : vector<16xf32>
        %swap3A_1784 = arith.constant 272 : index
        %swap3A_1785 = tpu.vector_load %arg18[%swap3A_1784] {strides = array<i32>} : memref<512xf32, #tpu.memory_space<vmem>>, vector<16xf32>,
        tpu.vector_store %arg18[%swap3A_1784], %mul3A_1782 {strides = array<i32>} : memref<512xf32, #tpu.memory_space<vmem>>, vector<16xf32>,
        %get3A_1786 = arith.constant 288 : index
        %get3A_1787 = tpu.vector_load %arg18[%get3A_1786] {strides = array<i32>} : memref<512xf32, #tpu.memory_space<vmem>>, vector<16xf32>,
        %mul3A_1788 = arith.mulf %get3A_1787, %div3A_1657 : vector<16xf32>
        %mul3A_1789 = arith.mulf %mul3A_1788, %mul3A_1788 : vector<16xf32>
        %add3A_1790 = arith.addf %add3A_1783, %mul3A_1789 : vector<16xf32>
        %swap3A_1791 = arith.constant 288 : index
        %swap3A_1792 = tpu.vector_load %arg18[%swap3A_1791] {strides = array<i32>} : memref<512xf32, #tpu.memory_space<vmem>>, vector<16xf32>,
        tpu.vector_store %arg18[%swap3A_1791], %mul3A_1789 {strides = array<i32>} : memref<512xf32, #tpu.memory_space<vmem>>, vector<16xf32>,
        %get3A_1793 = arith.constant 304 : index
        %get3A_1794 = tpu.vector_load %arg18[%get3A_1793] {strides = array<i32>} : memref<512xf32, #tpu.memory_space<vmem>>, vector<16xf32>,
        %mul3A_1795 = arith.mulf %get3A_1794, %div3A_1657 : vector<16xf32>
        %mul3A_1796 = arith.mulf %mul3A_1795, %mul3A_1795 : vector<16xf32>
        %add3A_1797 = arith.addf %add3A_1790, %mul3A_1796 : vector<16xf32>
        %swap3A_1798 = arith.constant 304 : index
        %swap3A_1799 = tpu.vector_load %arg18[%swap3A_1798] {strides = array<i32>} : memref<512xf32, #tpu.memory_space<vmem>>, vector<16xf32>,
        tpu.vector_store %arg18[%swap3A_1798], %mul3A_1796 {strides = array<i32>} : memref<512xf32, #tpu.memory_space<vmem>>, vector<16xf32>,
        %get3A_1800 = arith.constant 320 : index
        %get3A_1801 = tpu.vector_load %arg18[%get3A_1800] {strides = array<i32>} : memref<512xf32, #tpu.memory_space<vmem>>, vector<16xf32>,
        %mul3A_1802 = arith.mulf %get3A_1801, %div3A_1657 : vector<16xf32>
        %mul3A_1803 = arith.mulf %mul3A_1802, %mul3A_1802 : vector<16xf32>
        %add3A_1804 = arith.addf %add3A_1797, %mul3A_1803 : vector<16xf32>
        %swap3A_1805 = arith.constant 320 : index
        %swap3A_1806 = tpu.vector_load %arg18[%swap3A_1805] {strides = array<i32>} : memref<512xf32, #tpu.memory_space<vmem>>, vector<16xf32>,
        tpu.vector_store %arg18[%swap3A_1805], %mul3A_1803 {strides = array<i32>} : memref<512xf32, #tpu.memory_space<vmem>>, vector<16xf32>,
        %get3A_1807 = arith.constant 336 : index
        %get3A_1808 = tpu.vector_load %arg18[%get3A_1807] {strides = array<i32>} : memref<512xf32, #tpu.memory_space<vmem>>, vector<16xf32>,
        %mul3A_1809 = arith.mulf %get3A_1808, %div3A_1657 : vector<16xf32>
        %mul3A_1810 = arith.mulf %mul3A_1809, %mul3A_1809 : vector<16xf32>
        %add3A_1811 = arith.addf %add3A_1804, %mul3A_1810 : vector<16xf32>
        %swap3A_1812 = arith.constant 336 : index
        %swap3A_1813 = tpu.vector_load %arg18[%swap3A_1812] {strides = array<i32>} : memref<512xf32, #tpu.memory_space<vmem>>, vector<16xf32>,
        tpu.vector_store %arg18[%swap3A_1812], %mul3A_1810 {strides = array<i32>} : memref<512xf32, #tpu.memory_space<vmem>>, vector<16xf32>,
        %get3A_1814 = arith.constant 352 : index
        %get3A_1815 = tpu.vector_load %arg18[%get3A_1814] {strides = array<i32>} : memref<512xf32, #tpu.memory_space<vmem>>, vector<16xf32>,
        %mul3A_1816 = arith.mulf %get3A_1815, %div3A_1657 : vector<16xf32>
        %mul3A_1817 = arith.mulf %mul3A_1816, %mul3A_1816 : vector<16xf32>
        %add3A_1818 = arith.addf %add3A_1811, %mul3A_1817 : vector<16xf32>
        %swap3A_1819 = arith.constant 352 : index
        %swap3A_1820 = tpu.vector_load %arg18[%swap3A_1819] {strides = array<i32>} : memref<512xf32, #tpu.memory_space<vmem>>, vector<16xf32>,
        tpu.vector_store %arg18[%swap3A_1819], %mul3A_1817 {strides = array<i32>} : memref<512xf32, #tpu.memory_space<vmem>>, vector<16xf32>,
        %get3A_1821 = arith.constant 368 : index
        %get3A_1822 = tpu.vector_load %arg18[%get3A_1821] {strides = array<i32>} : memref<512xf32, #tpu.memory_space<vmem>>, vector<16xf32>,
        %mul3A_1823 = arith.mulf %get3A_1822, %div3A_1657 : vector<16xf32>
        %mul3A_1824 = arith.mulf %mul3A_1823, %mul3A_1823 : vector<16xf32>
        %add3A_1825 = arith.addf %add3A_1818, %mul3A_1824 : vector<16xf32>
        %swap3A_1826 = arith.constant 368 : index
        %swap3A_1827 = tpu.vector_load %arg18[%swap3A_1826] {strides = array<i32>} : memref<512xf32, #tpu.memory_space<vmem>>, vector<16xf32>,
        tpu.vector_store %arg18[%swap3A_1826], %mul3A_1824 {strides = array<i32>} : memref<512xf32, #tpu.memory_space<vmem>>, vector<16xf32>,
        %get3A_1828 = arith.constant 384 : index
        %get3A_1829 = tpu.vector_load %arg18[%get3A_1828] {strides = array<i32>} : memref<512xf32, #tpu.memory_space<vmem>>, vector<16xf32>,
        %mul3A_1830 = arith.mulf %get3A_1829, %div3A_1657 : vector<16xf32>
        %mul3A_1831 = arith.mulf %mul3A_1830, %mul3A_1830 : vector<16xf32>
        %add3A_1832 = arith.addf %add3A_1825, %mul3A_1831 : vector<16xf32>
        %swap3A_1833 = arith.constant 384 : index
        %swap3A_1834 = tpu.vector_load %arg18[%swap3A_1833] {strides = array<i32>} : memref<512xf32, #tpu.memory_space<vmem>>, vector<16xf32>,
        tpu.vector_store %arg18[%swap3A_1833], %mul3A_1831 {strides = array<i32>} : memref<512xf32, #tpu.memory_space<vmem>>, vector<16xf32>,
        %get3A_1835 = arith.constant 400 : index
        %get3A_1836 = tpu.vector_load %arg18[%get3A_1835] {strides = array<i32>} : memref<512xf32, #tpu.memory_space<vmem>>, vector<16xf32>,
        %mul3A_1837 = arith.mulf %get3A_1836, %div3A_1657 : vector<16xf32>
        %mul3A_1838 = arith.mulf %mul3A_1837, %mul3A_1837 : vector<16xf32>
        %add3A_1839 = arith.addf %add3A_1832, %mul3A_1838 : vector<16xf32>
        %swap3A_1840 = arith.constant 400 : index
        %swap3A_1841 = tpu.vector_load %arg18[%swap3A_1840] {strides = array<i32>} : memref<512xf32, #tpu.memory_space<vmem>>, vector<16xf32>,
        tpu.vector_store %arg18[%swap3A_1840], %mul3A_1838 {strides = array<i32>} : memref<512xf32, #tpu.memory_space<vmem>>, vector<16xf32>,
        %get3A_1842 = arith.constant 416 : index
        %get3A_1843 = tpu.vector_load %arg18[%get3A_1842] {strides = array<i32>} : memref<512xf32, #tpu.memory_space<vmem>>, vector<16xf32>,
        %mul3A_1844 = arith.mulf %get3A_1843, %div3A_1657 : vector<16xf32>
        %mul3A_1845 = arith.mulf %mul3A_1844, %mul3A_1844 : vector<16xf32>
        %add3A_1846 = arith.addf %add3A_1839, %mul3A_1845 : vector<16xf32>
        %swap3A_1847 = arith.constant 416 : index
        %swap3A_1848 = tpu.vector_load %arg18[%swap3A_1847] {strides = array<i32>} : memref<512xf32, #tpu.memory_space<vmem>>, vector<16xf32>,
        tpu.vector_store %arg18[%swap3A_1847], %mul3A_1845 {strides = array<i32>} : memref<512xf32, #tpu.memory_space<vmem>>, vector<16xf32>,
        %get3A_1849 = arith.constant 432 : index
        %get3A_1850 = tpu.vector_load %arg18[%get3A_1849] {strides = array<i32>} : memref<512xf32, #tpu.memory_space<vmem>>, vector<16xf32>,
        %mul3A_1851 = arith.mulf %get3A_1850, %div3A_1657 : vector<16xf32>
        %mul3A_1852 = arith.mulf %mul3A_1851, %mul3A_1851 : vector<16xf32>
        %add3A_1853 = arith.addf %add3A_1846, %mul3A_1852 : vector<16xf32>
        %swap3A_1854 = arith.constant 432 : index
        %swap3A_1855 = tpu.vector_load %arg18[%swap3A_1854] {strides = array<i32>} : memref<512xf32, #tpu.memory_space<vmem>>, vector<16xf32>,
        tpu.vector_store %arg18[%swap3A_1854], %mul3A_1852 {strides = array<i32>} : memref<512xf32, #tpu.memory_space<vmem>>, vector<16xf32>,
        %get3A_1856 = arith.constant 448 : index
        %get3A_1857 = tpu.vector_load %arg18[%get3A_1856] {strides = array<i32>} : memref<512xf32, #tpu.memory_space<vmem>>, vector<16xf32>,
        %mul3A_1858 = arith.mulf %get3A_1857, %div3A_1657 : vector<16xf32>
        %mul3A_1859 = arith.mulf %mul3A_1858, %mul3A_1858 : vector<16xf32>
        %add3A_1860 = arith.addf %add3A_1853, %mul3A_1859 : vector<16xf32>
        %swap3A_1861 = arith.constant 448 : index
        %swap3A_1862 = tpu.vector_load %arg18[%swap3A_1861] {strides = array<i32>} : memref<512xf32, #tpu.memory_space<vmem>>, vector<16xf32>,
        tpu.vector_store %arg18[%swap3A_1861], %mul3A_1859 {strides = array<i32>} : memref<512xf32, #tpu.memory_space<vmem>>, vector<16xf32>,
        %get3A_1863 = arith.constant 464 : index
        %get3A_1864 = tpu.vector_load %arg18[%get3A_1863] {strides = array<i32>} : memref<512xf32, #tpu.memory_space<vmem>>, vector<16xf32>,
        %mul3A_1865 = arith.mulf %get3A_1864, %div3A_1657 : vector<16xf32>
        %mul3A_1866 = arith.mulf %mul3A_1865, %mul3A_1865 : vector<16xf32>
        %add3A_1867 = arith.addf %add3A_1860, %mul3A_1866 : vector<16xf32>
        %swap3A_1868 = arith.constant 464 : index
        %swap3A_1869 = tpu.vector_load %arg18[%swap3A_1868] {strides = array<i32>} : memref<512xf32, #tpu.memory_space<vmem>>, vector<16xf32>,
        tpu.vector_store %arg18[%swap3A_1868], %mul3A_1866 {strides = array<i32>} : memref<512xf32, #tpu.memory_space<vmem>>, vector<16xf32>,
        %get3A_1870 = arith.constant 480 : index
        %get3A_1871 = tpu.vector_load %arg18[%get3A_1870] {strides = array<i32>} : memref<512xf32, #tpu.memory_space<vmem>>, vector<16xf32>,
        %mul3A_1872 = arith.mulf %get3A_1871, %div3A_1657 : vector<16xf32>
        %mul3A_1873 = arith.mulf %mul3A_1872, %mul3A_1872 : vector<16xf32>
        %add3A_1874 = arith.addf %add3A_1867, %mul3A_1873 : vector<16xf32>
        %swap3A_1875 = arith.constant 480 : index
        %swap3A_1876 = tpu.vector_load %arg18[%swap3A_1875] {strides = array<i32>} : memref<512xf32, #tpu.memory_space<vmem>>, vector<16xf32>,
        tpu.vector_store %arg18[%swap3A_1875], %mul3A_1873 {strides = array<i32>} : memref<512xf32, #tpu.memory_space<vmem>>, vector<16xf32>,
        %get3A_1877 = arith.constant 496 : index
        %get3A_1878 = tpu.vector_load %arg18[%get3A_1877] {strides = array<i32>} : memref<512xf32, #tpu.memory_space<vmem>>, vector<16xf32>,
        %mul3A_1879 = arith.mulf %get3A_1878, %div3A_1657 : vector<16xf32>
        %mul3A_1880 = arith.mulf %mul3A_1879, %mul3A_1879 : vector<16xf32>
        %add3A_1881 = arith.addf %add3A_1874, %mul3A_1880 : vector<16xf32>
        %swap3A_1882 = arith.constant 496 : index
        %swap3A_1883 = tpu.vector_load %arg18[%swap3A_1882] {strides = array<i32>} : memref<512xf32, #tpu.memory_space<vmem>>, vector<16xf32>,
        tpu.vector_store %arg18[%swap3A_1882], %mul3A_1880 {strides = array<i32>} : memref<512xf32, #tpu.memory_space<vmem>>, vector<16xf32>,
        %add3A_1884 = arith.constant 9.99999997E-7 : f32
        %add3A_1885 = vector.broadcast %add3A_1884 : f32 to vector<16xf32>
        %add3A_1886 = arith.addf %add3A_1881, %add3A_1885 : vector<16xf32>
        %div3A_1887 = arith.constant 1.000000e+00 : f32
        %div3A_1888 = vector.broadcast %div3A_1887 : f32 to vector<16xf32>
        %div3A_1889 = arith.divf %div3A_1888, %add3A_1886 : vector<16xf32>
        %get3A_1890 = arith.constant 0 : index
        %get3A_1891 = tpu.vector_load %arg18[%get3A_1890] {strides = array<i32>} : memref<512xf32, #tpu.memory_space<vmem>>, vector<16xf32>,
        %mul3A_1892 = arith.mulf %get3A_1891, %div3A_1889 : vector<16xf32>
        %gt3A_1893 = arith.constant 1.000000e-01 : f32
        %gt3A_1894 = vector.broadcast %gt3A_1893 : f32 to vector<16xf32>
        %gt3A_1895 = arith.cmpf ogt, %mul3A_1892, %gt3A_1894 : vector<16xf32>
        %jit3A_1896 = arith.constant 0.000000e+00 : f32
        %broadcast_in_dim3A_1897 = vector.broadcast %jit3A_1896 : f32 to vector<16xf32>
        %select_n3A_1898 = arith.select %gt3A_1895, %mul3A_1892, %broadcast_in_dim3A_1897 : vector<16xi1>, vector<16xf32>
        %mul3A_1899 = arith.constant 32 : i32
        %mul3A_1900 = arith.muli %scan3A_128, %mul3A_1899 : i32
        %add3A_1901 = arith.constant 0 : i32
        %add3A_1902 = arith.addi %mul3A_1900, %add3A_1901 : i32
        %mul3A_1903 = arith.constant 16 : i32
        %mul3A_1904 = arith.muli %add3A_1902, %mul3A_1903 : i32
        %swap3A_1905 = arith.index_cast %mul3A_1904 : i32 to index
        %swap3A_1906 = tpu.vector_load %arg20[%swap3A_1905] {strides = array<i32>} : memref<8192xf32, #tpu.memory_space<vmem>>, vector<16xf32>,
        tpu.vector_store %arg20[%swap3A_1905], %select_n3A_1898 {strides = array<i32>} : memref<8192xf32, #tpu.memory_space<vmem>>, vector<16xf32>,
        %get3A_1907 = arith.constant 16 : index
        %get3A_1908 = tpu.vector_load %arg18[%get3A_1907] {strides = array<i32>} : memref<512xf32, #tpu.memory_space<vmem>>, vector<16xf32>,
        %mul3A_1909 = arith.mulf %get3A_1908, %div3A_1889 : vector<16xf32>
        %gt3A_1910 = arith.constant 1.000000e-01 : f32
        %gt3A_1911 = vector.broadcast %gt3A_1910 : f32 to vector<16xf32>
        %gt3A_1912 = arith.cmpf ogt, %mul3A_1909, %gt3A_1911 : vector<16xf32>
        %jit3A_1913 = arith.constant 0.000000e+00 : f32
        %broadcast_in_dim3A_1914 = vector.broadcast %jit3A_1913 : f32 to vector<16xf32>
        %select_n3A_1915 = arith.select %gt3A_1912, %mul3A_1909, %broadcast_in_dim3A_1914 : vector<16xi1>, vector<16xf32>
        %mul3A_1916 = arith.constant 32 : i32
        %mul3A_1917 = arith.muli %scan3A_128, %mul3A_1916 : i32
        %add3A_1918 = arith.constant 1 : i32
        %add3A_1919 = arith.addi %mul3A_1917, %add3A_1918 : i32
        %mul3A_1920 = arith.constant 16 : i32
        %mul3A_1921 = arith.muli %add3A_1919, %mul3A_1920 : i32
        %swap3A_1922 = arith.index_cast %mul3A_1921 : i32 to index
        %swap3A_1923 = tpu.vector_load %arg20[%swap3A_1922] {strides = array<i32>} : memref<8192xf32, #tpu.memory_space<vmem>>, vector<16xf32>,
        tpu.vector_store %arg20[%swap3A_1922], %select_n3A_1915 {strides = array<i32>} : memref<8192xf32, #tpu.memory_space<vmem>>, vector<16xf32>,
        %get3A_1924 = arith.constant 32 : index
        %get3A_1925 = tpu.vector_load %arg18[%get3A_1924] {strides = array<i32>} : memref<512xf32, #tpu.memory_space<vmem>>, vector<16xf32>,
        %mul3A_1926 = arith.mulf %get3A_1925, %div3A_1889 : vector<16xf32>
        %gt3A_1927 = arith.constant 1.000000e-01 : f32
        %gt3A_1928 = vector.broadcast %gt3A_1927 : f32 to vector<16xf32>
        %gt3A_1929 = arith.cmpf ogt, %mul3A_1926, %gt3A_1928 : vector<16xf32>
        %jit3A_1930 = arith.constant 0.000000e+00 : f32
        %broadcast_in_dim3A_1931 = vector.broadcast %jit3A_1930 : f32 to vector<16xf32>
        %select_n3A_1932 = arith.select %gt3A_1929, %mul3A_1926, %broadcast_in_dim3A_1931 : vector<16xi1>, vector<16xf32>
        %mul3A_1933 = arith.constant 32 : i32
        %mul3A_1934 = arith.muli %scan3A_128, %mul3A_1933 : i32
        %add3A_1935 = arith.constant 2 : i32
        %add3A_1936 = arith.addi %mul3A_1934, %add3A_1935 : i32
        %mul3A_1937 = arith.constant 16 : i32
        %mul3A_1938 = arith.muli %add3A_1936, %mul3A_1937 : i32
        %swap3A_1939 = arith.index_cast %mul3A_1938 : i32 to index
        %swap3A_1940 = tpu.vector_load %arg20[%swap3A_1939] {strides = array<i32>} : memref<8192xf32, #tpu.memory_space<vmem>>, vector<16xf32>,
        tpu.vector_store %arg20[%swap3A_1939], %select_n3A_1932 {strides = array<i32>} : memref<8192xf32, #tpu.memory_space<vmem>>, vector<16xf32>,
        %get3A_1941 = arith.constant 48 : index
        %get3A_1942 = tpu.vector_load %arg18[%get3A_1941] {strides = array<i32>} : memref<512xf32, #tpu.memory_space<vmem>>, vector<16xf32>,
        %mul3A_1943 = arith.mulf %get3A_1942, %div3A_1889 : vector<16xf32>
        %gt3A_1944 = arith.constant 1.000000e-01 : f32
        %gt3A_1945 = vector.broadcast %gt3A_1944 : f32 to vector<16xf32>
        %gt3A_1946 = arith.cmpf ogt, %mul3A_1943, %gt3A_1945 : vector<16xf32>
        %jit3A_1947 = arith.constant 0.000000e+00 : f32
        %broadcast_in_dim3A_1948 = vector.broadcast %jit3A_1947 : f32 to vector<16xf32>
        %select_n3A_1949 = arith.select %gt3A_1946, %mul3A_1943, %broadcast_in_dim3A_1948 : vector<16xi1>, vector<16xf32>
        %mul3A_1950 = arith.constant 32 : i32
        %mul3A_1951 = arith.muli %scan3A_128, %mul3A_1950 : i32
        %add3A_1952 = arith.constant 3 : i32
        %add3A_1953 = arith.addi %mul3A_1951, %add3A_1952 : i32
        %mul3A_1954 = arith.constant 16 : i32
        %mul3A_1955 = arith.muli %add3A_1953, %mul3A_1954 : i32
        %swap3A_1956 = arith.index_cast %mul3A_1955 : i32 to index
        %swap3A_1957 = tpu.vector_load %arg20[%swap3A_1956] {strides = array<i32>} : memref<8192xf32, #tpu.memory_space<vmem>>, vector<16xf32>,
        tpu.vector_store %arg20[%swap3A_1956], %select_n3A_1949 {strides = array<i32>} : memref<8192xf32, #tpu.memory_space<vmem>>, vector<16xf32>,
        %get3A_1958 = arith.constant 64 : index
        %get3A_1959 = tpu.vector_load %arg18[%get3A_1958] {strides = array<i32>} : memref<512xf32, #tpu.memory_space<vmem>>, vector<16xf32>,
        %mul3A_1960 = arith.mulf %get3A_1959, %div3A_1889 : vector<16xf32>
        %gt3A_1961 = arith.constant 1.000000e-01 : f32
        %gt3A_1962 = vector.broadcast %gt3A_1961 : f32 to vector<16xf32>
        %gt3A_1963 = arith.cmpf ogt, %mul3A_1960, %gt3A_1962 : vector<16xf32>
        %jit3A_1964 = arith.constant 0.000000e+00 : f32
        %broadcast_in_dim3A_1965 = vector.broadcast %jit3A_1964 : f32 to vector<16xf32>
        %select_n3A_1966 = arith.select %gt3A_1963, %mul3A_1960, %broadcast_in_dim3A_1965 : vector<16xi1>, vector<16xf32>
        %mul3A_1967 = arith.constant 32 : i32
        %mul3A_1968 = arith.muli %scan3A_128, %mul3A_1967 : i32
        %add3A_1969 = arith.constant 4 : i32
        %add3A_1970 = arith.addi %mul3A_1968, %add3A_1969 : i32
        %mul3A_1971 = arith.constant 16 : i32
        %mul3A_1972 = arith.muli %add3A_1970, %mul3A_1971 : i32
        %swap3A_1973 = arith.index_cast %mul3A_1972 : i32 to index
        %swap3A_1974 = tpu.vector_load %arg20[%swap3A_1973] {strides = array<i32>} : memref<8192xf32, #tpu.memory_space<vmem>>, vector<16xf32>,
        tpu.vector_store %arg20[%swap3A_1973], %select_n3A_1966 {strides = array<i32>} : memref<8192xf32, #tpu.memory_space<vmem>>, vector<16xf32>,
        %get3A_1975 = arith.constant 80 : index
        %get3A_1976 = tpu.vector_load %arg18[%get3A_1975] {strides = array<i32>} : memref<512xf32, #tpu.memory_space<vmem>>, vector<16xf32>,
        %mul3A_1977 = arith.mulf %get3A_1976, %div3A_1889 : vector<16xf32>
        %gt3A_1978 = arith.constant 1.000000e-01 : f32
        %gt3A_1979 = vector.broadcast %gt3A_1978 : f32 to vector<16xf32>
        %gt3A_1980 = arith.cmpf ogt, %mul3A_1977, %gt3A_1979 : vector<16xf32>
        %jit3A_1981 = arith.constant 0.000000e+00 : f32
        %broadcast_in_dim3A_1982 = vector.broadcast %jit3A_1981 : f32 to vector<16xf32>
        %select_n3A_1983 = arith.select %gt3A_1980, %mul3A_1977, %broadcast_in_dim3A_1982 : vector<16xi1>, vector<16xf32>
        %mul3A_1984 = arith.constant 32 : i32
        %mul3A_1985 = arith.muli %scan3A_128, %mul3A_1984 : i32
        %add3A_1986 = arith.constant 5 : i32
        %add3A_1987 = arith.addi %mul3A_1985, %add3A_1986 : i32
        %mul3A_1988 = arith.constant 16 : i32
        %mul3A_1989 = arith.muli %add3A_1987, %mul3A_1988 : i32
        %swap3A_1990 = arith.index_cast %mul3A_1989 : i32 to index
        %swap3A_1991 = tpu.vector_load %arg20[%swap3A_1990] {strides = array<i32>} : memref<8192xf32, #tpu.memory_space<vmem>>, vector<16xf32>,
        tpu.vector_store %arg20[%swap3A_1990], %select_n3A_1983 {strides = array<i32>} : memref<8192xf32, #tpu.memory_space<vmem>>, vector<16xf32>,
        %get3A_1992 = arith.constant 96 : index
        %get3A_1993 = tpu.vector_load %arg18[%get3A_1992] {strides = array<i32>} : memref<512xf32, #tpu.memory_space<vmem>>, vector<16xf32>,
        %mul3A_1994 = arith.mulf %get3A_1993, %div3A_1889 : vector<16xf32>
        %gt3A_1995 = arith.constant 1.000000e-01 : f32
        %gt3A_1996 = vector.broadcast %gt3A_1995 : f32 to vector<16xf32>
        %gt3A_1997 = arith.cmpf ogt, %mul3A_1994, %gt3A_1996 : vector<16xf32>
        %jit3A_1998 = arith.constant 0.000000e+00 : f32
        %broadcast_in_dim3A_1999 = vector.broadcast %jit3A_1998 : f32 to vector<16xf32>
        %select_n3A_2000 = arith.select %gt3A_1997, %mul3A_1994, %broadcast_in_dim3A_1999 : vector<16xi1>, vector<16xf32>
        %mul3A_2001 = arith.constant 32 : i32
        %mul3A_2002 = arith.muli %scan3A_128, %mul3A_2001 : i32
        %add3A_2003 = arith.constant 6 : i32
        %add3A_2004 = arith.addi %mul3A_2002, %add3A_2003 : i32
        %mul3A_2005 = arith.constant 16 : i32
        %mul3A_2006 = arith.muli %add3A_2004, %mul3A_2005 : i32
        %swap3A_2007 = arith.index_cast %mul3A_2006 : i32 to index
        %swap3A_2008 = tpu.vector_load %arg20[%swap3A_2007] {strides = array<i32>} : memref<8192xf32, #tpu.memory_space<vmem>>, vector<16xf32>,
        tpu.vector_store %arg20[%swap3A_2007], %select_n3A_2000 {strides = array<i32>} : memref<8192xf32, #tpu.memory_space<vmem>>, vector<16xf32>,
        %get3A_2009 = arith.constant 112 : index
        %get3A_2010 = tpu.vector_load %arg18[%get3A_2009] {strides = array<i32>} : memref<512xf32, #tpu.memory_space<vmem>>, vector<16xf32>,
        %mul3A_2011 = arith.mulf %get3A_2010, %div3A_1889 : vector<16xf32>
        %gt3A_2012 = arith.constant 1.000000e-01 : f32
        %gt3A_2013 = vector.broadcast %gt3A_2012 : f32 to vector<16xf32>
        %gt3A_2014 = arith.cmpf ogt, %mul3A_2011, %gt3A_2013 : vector<16xf32>
        %jit3A_2015 = arith.constant 0.000000e+00 : f32
        %broadcast_in_dim3A_2016 = vector.broadcast %jit3A_2015 : f32 to vector<16xf32>
        %select_n3A_2017 = arith.select %gt3A_2014, %mul3A_2011, %broadcast_in_dim3A_2016 : vector<16xi1>, vector<16xf32>
        %mul3A_2018 = arith.constant 32 : i32
        %mul3A_2019 = arith.muli %scan3A_128, %mul3A_2018 : i32
        %add3A_2020 = arith.constant 7 : i32
        %add3A_2021 = arith.addi %mul3A_2019, %add3A_2020 : i32
        %mul3A_2022 = arith.constant 16 : i32
        %mul3A_2023 = arith.muli %add3A_2021, %mul3A_2022 : i32
        %swap3A_2024 = arith.index_cast %mul3A_2023 : i32 to index
        %swap3A_2025 = tpu.vector_load %arg20[%swap3A_2024] {strides = array<i32>} : memref<8192xf32, #tpu.memory_space<vmem>>, vector<16xf32>,
        tpu.vector_store %arg20[%swap3A_2024], %select_n3A_2017 {strides = array<i32>} : memref<8192xf32, #tpu.memory_space<vmem>>, vector<16xf32>,
        %get3A_2026 = arith.constant 128 : index
        %get3A_2027 = tpu.vector_load %arg18[%get3A_2026] {strides = array<i32>} : memref<512xf32, #tpu.memory_space<vmem>>, vector<16xf32>,
        %mul3A_2028 = arith.mulf %get3A_2027, %div3A_1889 : vector<16xf32>
        %gt3A_2029 = arith.constant 1.000000e-01 : f32
        %gt3A_2030 = vector.broadcast %gt3A_2029 : f32 to vector<16xf32>
        %gt3A_2031 = arith.cmpf ogt, %mul3A_2028, %gt3A_2030 : vector<16xf32>
        %jit3A_2032 = arith.constant 0.000000e+00 : f32
        %broadcast_in_dim3A_2033 = vector.broadcast %jit3A_2032 : f32 to vector<16xf32>
        %select_n3A_2034 = arith.select %gt3A_2031, %mul3A_2028, %broadcast_in_dim3A_2033 : vector<16xi1>, vector<16xf32>
        %mul3A_2035 = arith.constant 32 : i32
        %mul3A_2036 = arith.muli %scan3A_128, %mul3A_2035 : i32
        %add3A_2037 = arith.constant 8 : i32
        %add3A_2038 = arith.addi %mul3A_2036, %add3A_2037 : i32
        %mul3A_2039 = arith.constant 16 : i32
        %mul3A_2040 = arith.muli %add3A_2038, %mul3A_2039 : i32
        %swap3A_2041 = arith.index_cast %mul3A_2040 : i32 to index
        %swap3A_2042 = tpu.vector_load %arg20[%swap3A_2041] {strides = array<i32>} : memref<8192xf32, #tpu.memory_space<vmem>>, vector<16xf32>,
        tpu.vector_store %arg20[%swap3A_2041], %select_n3A_2034 {strides = array<i32>} : memref<8192xf32, #tpu.memory_space<vmem>>, vector<16xf32>,
        %get3A_2043 = arith.constant 144 : index
        %get3A_2044 = tpu.vector_load %arg18[%get3A_2043] {strides = array<i32>} : memref<512xf32, #tpu.memory_space<vmem>>, vector<16xf32>,
        %mul3A_2045 = arith.mulf %get3A_2044, %div3A_1889 : vector<16xf32>
        %gt3A_2046 = arith.constant 1.000000e-01 : f32
        %gt3A_2047 = vector.broadcast %gt3A_2046 : f32 to vector<16xf32>
        %gt3A_2048 = arith.cmpf ogt, %mul3A_2045, %gt3A_2047 : vector<16xf32>
        %jit3A_2049 = arith.constant 0.000000e+00 : f32
        %broadcast_in_dim3A_2050 = vector.broadcast %jit3A_2049 : f32 to vector<16xf32>
        %select_n3A_2051 = arith.select %gt3A_2048, %mul3A_2045, %broadcast_in_dim3A_2050 : vector<16xi1>, vector<16xf32>
        %mul3A_2052 = arith.constant 32 : i32
        %mul3A_2053 = arith.muli %scan3A_128, %mul3A_2052 : i32
        %add3A_2054 = arith.constant 9 : i32
        %add3A_2055 = arith.addi %mul3A_2053, %add3A_2054 : i32
        %mul3A_2056 = arith.constant 16 : i32
        %mul3A_2057 = arith.muli %add3A_2055, %mul3A_2056 : i32
        %swap3A_2058 = arith.index_cast %mul3A_2057 : i32 to index
        %swap3A_2059 = tpu.vector_load %arg20[%swap3A_2058] {strides = array<i32>} : memref<8192xf32, #tpu.memory_space<vmem>>, vector<16xf32>,
        tpu.vector_store %arg20[%swap3A_2058], %select_n3A_2051 {strides = array<i32>} : memref<8192xf32, #tpu.memory_space<vmem>>, vector<16xf32>,
        %get3A_2060 = arith.constant 160 : index
        %get3A_2061 = tpu.vector_load %arg18[%get3A_2060] {strides = array<i32>} : memref<512xf32, #tpu.memory_space<vmem>>, vector<16xf32>,
        %mul3A_2062 = arith.mulf %get3A_2061, %div3A_1889 : vector<16xf32>
        %gt3A_2063 = arith.constant 1.000000e-01 : f32
        %gt3A_2064 = vector.broadcast %gt3A_2063 : f32 to vector<16xf32>
        %gt3A_2065 = arith.cmpf ogt, %mul3A_2062, %gt3A_2064 : vector<16xf32>
        %jit3A_2066 = arith.constant 0.000000e+00 : f32
        %broadcast_in_dim3A_2067 = vector.broadcast %jit3A_2066 : f32 to vector<16xf32>
        %select_n3A_2068 = arith.select %gt3A_2065, %mul3A_2062, %broadcast_in_dim3A_2067 : vector<16xi1>, vector<16xf32>
        %mul3A_2069 = arith.constant 32 : i32
        %mul3A_2070 = arith.muli %scan3A_128, %mul3A_2069 : i32
        %add3A_2071 = arith.constant 10 : i32
        %add3A_2072 = arith.addi %mul3A_2070, %add3A_2071 : i32
        %mul3A_2073 = arith.constant 16 : i32
        %mul3A_2074 = arith.muli %add3A_2072, %mul3A_2073 : i32
        %swap3A_2075 = arith.index_cast %mul3A_2074 : i32 to index
        %swap3A_2076 = tpu.vector_load %arg20[%swap3A_2075] {strides = array<i32>} : memref<8192xf32, #tpu.memory_space<vmem>>, vector<16xf32>,
        tpu.vector_store %arg20[%swap3A_2075], %select_n3A_2068 {strides = array<i32>} : memref<8192xf32, #tpu.memory_space<vmem>>, vector<16xf32>,
        %get3A_2077 = arith.constant 176 : index
        %get3A_2078 = tpu.vector_load %arg18[%get3A_2077] {strides = array<i32>} : memref<512xf32, #tpu.memory_space<vmem>>, vector<16xf32>,
        %mul3A_2079 = arith.mulf %get3A_2078, %div3A_1889 : vector<16xf32>
        %gt3A_2080 = arith.constant 1.000000e-01 : f32
        %gt3A_2081 = vector.broadcast %gt3A_2080 : f32 to vector<16xf32>
        %gt3A_2082 = arith.cmpf ogt, %mul3A_2079, %gt3A_2081 : vector<16xf32>
        %jit3A_2083 = arith.constant 0.000000e+00 : f32
        %broadcast_in_dim3A_2084 = vector.broadcast %jit3A_2083 : f32 to vector<16xf32>
        %select_n3A_2085 = arith.select %gt3A_2082, %mul3A_2079, %broadcast_in_dim3A_2084 : vector<16xi1>, vector<16xf32>
        %mul3A_2086 = arith.constant 32 : i32
        %mul3A_2087 = arith.muli %scan3A_128, %mul3A_2086 : i32
        %add3A_2088 = arith.constant 11 : i32
        %add3A_2089 = arith.addi %mul3A_2087, %add3A_2088 : i32
        %mul3A_2090 = arith.constant 16 : i32
        %mul3A_2091 = arith.muli %add3A_2089, %mul3A_2090 : i32
        %swap3A_2092 = arith.index_cast %mul3A_2091 : i32 to index
        %swap3A_2093 = tpu.vector_load %arg20[%swap3A_2092] {strides = array<i32>} : memref<8192xf32, #tpu.memory_space<vmem>>, vector<16xf32>,
        tpu.vector_store %arg20[%swap3A_2092], %select_n3A_2085 {strides = array<i32>} : memref<8192xf32, #tpu.memory_space<vmem>>, vector<16xf32>,
        %get3A_2094 = arith.constant 192 : index
        %get3A_2095 = tpu.vector_load %arg18[%get3A_2094] {strides = array<i32>} : memref<512xf32, #tpu.memory_space<vmem>>, vector<16xf32>,
        %mul3A_2096 = arith.mulf %get3A_2095, %div3A_1889 : vector<16xf32>
        %gt3A_2097 = arith.constant 1.000000e-01 : f32
        %gt3A_2098 = vector.broadcast %gt3A_2097 : f32 to vector<16xf32>
        %gt3A_2099 = arith.cmpf ogt, %mul3A_2096, %gt3A_2098 : vector<16xf32>
        %jit3A_2100 = arith.constant 0.000000e+00 : f32
        %broadcast_in_dim3A_2101 = vector.broadcast %jit3A_2100 : f32 to vector<16xf32>
        %select_n3A_2102 = arith.select %gt3A_2099, %mul3A_2096, %broadcast_in_dim3A_2101 : vector<16xi1>, vector<16xf32>
        %mul3A_2103 = arith.constant 32 : i32
        %mul3A_2104 = arith.muli %scan3A_128, %mul3A_2103 : i32
        %add3A_2105 = arith.constant 12 : i32
        %add3A_2106 = arith.addi %mul3A_2104, %add3A_2105 : i32
        %mul3A_2107 = arith.constant 16 : i32
        %mul3A_2108 = arith.muli %add3A_2106, %mul3A_2107 : i32
        %swap3A_2109 = arith.index_cast %mul3A_2108 : i32 to index
        %swap3A_2110 = tpu.vector_load %arg20[%swap3A_2109] {strides = array<i32>} : memref<8192xf32, #tpu.memory_space<vmem>>, vector<16xf32>,
        tpu.vector_store %arg20[%swap3A_2109], %select_n3A_2102 {strides = array<i32>} : memref<8192xf32, #tpu.memory_space<vmem>>, vector<16xf32>,
        %get3A_2111 = arith.constant 208 : index
        %get3A_2112 = tpu.vector_load %arg18[%get3A_2111] {strides = array<i32>} : memref<512xf32, #tpu.memory_space<vmem>>, vector<16xf32>,
        %mul3A_2113 = arith.mulf %get3A_2112, %div3A_1889 : vector<16xf32>
        %gt3A_2114 = arith.constant 1.000000e-01 : f32
        %gt3A_2115 = vector.broadcast %gt3A_2114 : f32 to vector<16xf32>
        %gt3A_2116 = arith.cmpf ogt, %mul3A_2113, %gt3A_2115 : vector<16xf32>
        %jit3A_2117 = arith.constant 0.000000e+00 : f32
        %broadcast_in_dim3A_2118 = vector.broadcast %jit3A_2117 : f32 to vector<16xf32>
        %select_n3A_2119 = arith.select %gt3A_2116, %mul3A_2113, %broadcast_in_dim3A_2118 : vector<16xi1>, vector<16xf32>
        %mul3A_2120 = arith.constant 32 : i32
        %mul3A_2121 = arith.muli %scan3A_128, %mul3A_2120 : i32
        %add3A_2122 = arith.constant 13 : i32
        %add3A_2123 = arith.addi %mul3A_2121, %add3A_2122 : i32
        %mul3A_2124 = arith.constant 16 : i32
        %mul3A_2125 = arith.muli %add3A_2123, %mul3A_2124 : i32
        %swap3A_2126 = arith.index_cast %mul3A_2125 : i32 to index
        %swap3A_2127 = tpu.vector_load %arg20[%swap3A_2126] {strides = array<i32>} : memref<8192xf32, #tpu.memory_space<vmem>>, vector<16xf32>,
        tpu.vector_store %arg20[%swap3A_2126], %select_n3A_2119 {strides = array<i32>} : memref<8192xf32, #tpu.memory_space<vmem>>, vector<16xf32>,
        %get3A_2128 = arith.constant 224 : index
        %get3A_2129 = tpu.vector_load %arg18[%get3A_2128] {strides = array<i32>} : memref<512xf32, #tpu.memory_space<vmem>>, vector<16xf32>,
        %mul3A_2130 = arith.mulf %get3A_2129, %div3A_1889 : vector<16xf32>
        %gt3A_2131 = arith.constant 1.000000e-01 : f32
        %gt3A_2132 = vector.broadcast %gt3A_2131 : f32 to vector<16xf32>
        %gt3A_2133 = arith.cmpf ogt, %mul3A_2130, %gt3A_2132 : vector<16xf32>
        %jit3A_2134 = arith.constant 0.000000e+00 : f32
        %broadcast_in_dim3A_2135 = vector.broadcast %jit3A_2134 : f32 to vector<16xf32>
        %select_n3A_2136 = arith.select %gt3A_2133, %mul3A_2130, %broadcast_in_dim3A_2135 : vector<16xi1>, vector<16xf32>
        %mul3A_2137 = arith.constant 32 : i32
        %mul3A_2138 = arith.muli %scan3A_128, %mul3A_2137 : i32
        %add3A_2139 = arith.constant 14 : i32
        %add3A_2140 = arith.addi %mul3A_2138, %add3A_2139 : i32
        %mul3A_2141 = arith.constant 16 : i32
        %mul3A_2142 = arith.muli %add3A_2140, %mul3A_2141 : i32
        %swap3A_2143 = arith.index_cast %mul3A_2142 : i32 to index
        %swap3A_2144 = tpu.vector_load %arg20[%swap3A_2143] {strides = array<i32>} : memref<8192xf32, #tpu.memory_space<vmem>>, vector<16xf32>,
        tpu.vector_store %arg20[%swap3A_2143], %select_n3A_2136 {strides = array<i32>} : memref<8192xf32, #tpu.memory_space<vmem>>, vector<16xf32>,
        %get3A_2145 = arith.constant 240 : index
        %get3A_2146 = tpu.vector_load %arg18[%get3A_2145] {strides = array<i32>} : memref<512xf32, #tpu.memory_space<vmem>>, vector<16xf32>,
        %mul3A_2147 = arith.mulf %get3A_2146, %div3A_1889 : vector<16xf32>
        %gt3A_2148 = arith.constant 1.000000e-01 : f32
        %gt3A_2149 = vector.broadcast %gt3A_2148 : f32 to vector<16xf32>
        %gt3A_2150 = arith.cmpf ogt, %mul3A_2147, %gt3A_2149 : vector<16xf32>
        %jit3A_2151 = arith.constant 0.000000e+00 : f32
        %broadcast_in_dim3A_2152 = vector.broadcast %jit3A_2151 : f32 to vector<16xf32>
        %select_n3A_2153 = arith.select %gt3A_2150, %mul3A_2147, %broadcast_in_dim3A_2152 : vector<16xi1>, vector<16xf32>
        %mul3A_2154 = arith.constant 32 : i32
        %mul3A_2155 = arith.muli %scan3A_128, %mul3A_2154 : i32
        %add3A_2156 = arith.constant 15 : i32
        %add3A_2157 = arith.addi %mul3A_2155, %add3A_2156 : i32
        %mul3A_2158 = arith.constant 16 : i32
        %mul3A_2159 = arith.muli %add3A_2157, %mul3A_2158 : i32
        %swap3A_2160 = arith.index_cast %mul3A_2159 : i32 to index
        %swap3A_2161 = tpu.vector_load %arg20[%swap3A_2160] {strides = array<i32>} : memref<8192xf32, #tpu.memory_space<vmem>>, vector<16xf32>,
        tpu.vector_store %arg20[%swap3A_2160], %select_n3A_2153 {strides = array<i32>} : memref<8192xf32, #tpu.memory_space<vmem>>, vector<16xf32>,
        %get3A_2162 = arith.constant 256 : index
        %get3A_2163 = tpu.vector_load %arg18[%get3A_2162] {strides = array<i32>} : memref<512xf32, #tpu.memory_space<vmem>>, vector<16xf32>,
        %mul3A_2164 = arith.mulf %get3A_2163, %div3A_1889 : vector<16xf32>
        %gt3A_2165 = arith.constant 1.000000e-01 : f32
        %gt3A_2166 = vector.broadcast %gt3A_2165 : f32 to vector<16xf32>
        %gt3A_2167 = arith.cmpf ogt, %mul3A_2164, %gt3A_2166 : vector<16xf32>
        %jit3A_2168 = arith.constant 0.000000e+00 : f32
        %broadcast_in_dim3A_2169 = vector.broadcast %jit3A_2168 : f32 to vector<16xf32>
        %select_n3A_2170 = arith.select %gt3A_2167, %mul3A_2164, %broadcast_in_dim3A_2169 : vector<16xi1>, vector<16xf32>
        %mul3A_2171 = arith.constant 32 : i32
        %mul3A_2172 = arith.muli %scan3A_128, %mul3A_2171 : i32
        %add3A_2173 = arith.constant 16 : i32
        %add3A_2174 = arith.addi %mul3A_2172, %add3A_2173 : i32
        %mul3A_2175 = arith.constant 16 : i32
        %mul3A_2176 = arith.muli %add3A_2174, %mul3A_2175 : i32
        %swap3A_2177 = arith.index_cast %mul3A_2176 : i32 to index
        %swap3A_2178 = tpu.vector_load %arg20[%swap3A_2177] {strides = array<i32>} : memref<8192xf32, #tpu.memory_space<vmem>>, vector<16xf32>,
        tpu.vector_store %arg20[%swap3A_2177], %select_n3A_2170 {strides = array<i32>} : memref<8192xf32, #tpu.memory_space<vmem>>, vector<16xf32>,
        %get3A_2179 = arith.constant 272 : index
        %get3A_2180 = tpu.vector_load %arg18[%get3A_2179] {strides = array<i32>} : memref<512xf32, #tpu.memory_space<vmem>>, vector<16xf32>,
        %mul3A_2181 = arith.mulf %get3A_2180, %div3A_1889 : vector<16xf32>
        %gt3A_2182 = arith.constant 1.000000e-01 : f32
        %gt3A_2183 = vector.broadcast %gt3A_2182 : f32 to vector<16xf32>
        %gt3A_2184 = arith.cmpf ogt, %mul3A_2181, %gt3A_2183 : vector<16xf32>
        %jit3A_2185 = arith.constant 0.000000e+00 : f32
        %broadcast_in_dim3A_2186 = vector.broadcast %jit3A_2185 : f32 to vector<16xf32>
        %select_n3A_2187 = arith.select %gt3A_2184, %mul3A_2181, %broadcast_in_dim3A_2186 : vector<16xi1>, vector<16xf32>
        %mul3A_2188 = arith.constant 32 : i32
        %mul3A_2189 = arith.muli %scan3A_128, %mul3A_2188 : i32
        %add3A_2190 = arith.constant 17 : i32
        %add3A_2191 = arith.addi %mul3A_2189, %add3A_2190 : i32
        %mul3A_2192 = arith.constant 16 : i32
        %mul3A_2193 = arith.muli %add3A_2191, %mul3A_2192 : i32
        %swap3A_2194 = arith.index_cast %mul3A_2193 : i32 to index
        %swap3A_2195 = tpu.vector_load %arg20[%swap3A_2194] {strides = array<i32>} : memref<8192xf32, #tpu.memory_space<vmem>>, vector<16xf32>,
        tpu.vector_store %arg20[%swap3A_2194], %select_n3A_2187 {strides = array<i32>} : memref<8192xf32, #tpu.memory_space<vmem>>, vector<16xf32>,
        %get3A_2196 = arith.constant 288 : index
        %get3A_2197 = tpu.vector_load %arg18[%get3A_2196] {strides = array<i32>} : memref<512xf32, #tpu.memory_space<vmem>>, vector<16xf32>,
        %mul3A_2198 = arith.mulf %get3A_2197, %div3A_1889 : vector<16xf32>
        %gt3A_2199 = arith.constant 1.000000e-01 : f32
        %gt3A_2200 = vector.broadcast %gt3A_2199 : f32 to vector<16xf32>
        %gt3A_2201 = arith.cmpf ogt, %mul3A_2198, %gt3A_2200 : vector<16xf32>
        %jit3A_2202 = arith.constant 0.000000e+00 : f32
        %broadcast_in_dim3A_2203 = vector.broadcast %jit3A_2202 : f32 to vector<16xf32>
        %select_n3A_2204 = arith.select %gt3A_2201, %mul3A_2198, %broadcast_in_dim3A_2203 : vector<16xi1>, vector<16xf32>
        %mul3A_2205 = arith.constant 32 : i32
        %mul3A_2206 = arith.muli %scan3A_128, %mul3A_2205 : i32
        %add3A_2207 = arith.constant 18 : i32
        %add3A_2208 = arith.addi %mul3A_2206, %add3A_2207 : i32
        %mul3A_2209 = arith.constant 16 : i32
        %mul3A_2210 = arith.muli %add3A_2208, %mul3A_2209 : i32
        %swap3A_2211 = arith.index_cast %mul3A_2210 : i32 to index
        %swap3A_2212 = tpu.vector_load %arg20[%swap3A_2211] {strides = array<i32>} : memref<8192xf32, #tpu.memory_space<vmem>>, vector<16xf32>,
        tpu.vector_store %arg20[%swap3A_2211], %select_n3A_2204 {strides = array<i32>} : memref<8192xf32, #tpu.memory_space<vmem>>, vector<16xf32>,
        %get3A_2213 = arith.constant 304 : index
        %get3A_2214 = tpu.vector_load %arg18[%get3A_2213] {strides = array<i32>} : memref<512xf32, #tpu.memory_space<vmem>>, vector<16xf32>,
        %mul3A_2215 = arith.mulf %get3A_2214, %div3A_1889 : vector<16xf32>
        %gt3A_2216 = arith.constant 1.000000e-01 : f32
        %gt3A_2217 = vector.broadcast %gt3A_2216 : f32 to vector<16xf32>
        %gt3A_2218 = arith.cmpf ogt, %mul3A_2215, %gt3A_2217 : vector<16xf32>
        %jit3A_2219 = arith.constant 0.000000e+00 : f32
        %broadcast_in_dim3A_2220 = vector.broadcast %jit3A_2219 : f32 to vector<16xf32>
        %select_n3A_2221 = arith.select %gt3A_2218, %mul3A_2215, %broadcast_in_dim3A_2220 : vector<16xi1>, vector<16xf32>
        %mul3A_2222 = arith.constant 32 : i32
        %mul3A_2223 = arith.muli %scan3A_128, %mul3A_2222 : i32
        %add3A_2224 = arith.constant 19 : i32
        %add3A_2225 = arith.addi %mul3A_2223, %add3A_2224 : i32
        %mul3A_2226 = arith.constant 16 : i32
        %mul3A_2227 = arith.muli %add3A_2225, %mul3A_2226 : i32
        %swap3A_2228 = arith.index_cast %mul3A_2227 : i32 to index
        %swap3A_2229 = tpu.vector_load %arg20[%swap3A_2228] {strides = array<i32>} : memref<8192xf32, #tpu.memory_space<vmem>>, vector<16xf32>,
        tpu.vector_store %arg20[%swap3A_2228], %select_n3A_2221 {strides = array<i32>} : memref<8192xf32, #tpu.memory_space<vmem>>, vector<16xf32>,
        %get3A_2230 = arith.constant 320 : index
        %get3A_2231 = tpu.vector_load %arg18[%get3A_2230] {strides = array<i32>} : memref<512xf32, #tpu.memory_space<vmem>>, vector<16xf32>,
        %mul3A_2232 = arith.mulf %get3A_2231, %div3A_1889 : vector<16xf32>
        %gt3A_2233 = arith.constant 1.000000e-01 : f32
        %gt3A_2234 = vector.broadcast %gt3A_2233 : f32 to vector<16xf32>
        %gt3A_2235 = arith.cmpf ogt, %mul3A_2232, %gt3A_2234 : vector<16xf32>
        %jit3A_2236 = arith.constant 0.000000e+00 : f32
        %broadcast_in_dim3A_2237 = vector.broadcast %jit3A_2236 : f32 to vector<16xf32>
        %select_n3A_2238 = arith.select %gt3A_2235, %mul3A_2232, %broadcast_in_dim3A_2237 : vector<16xi1>, vector<16xf32>
        %mul3A_2239 = arith.constant 32 : i32
        %mul3A_2240 = arith.muli %scan3A_128, %mul3A_2239 : i32
        %add3A_2241 = arith.constant 20 : i32
        %add3A_2242 = arith.addi %mul3A_2240, %add3A_2241 : i32
        %mul3A_2243 = arith.constant 16 : i32
        %mul3A_2244 = arith.muli %add3A_2242, %mul3A_2243 : i32
        %swap3A_2245 = arith.index_cast %mul3A_2244 : i32 to index
        %swap3A_2246 = tpu.vector_load %arg20[%swap3A_2245] {strides = array<i32>} : memref<8192xf32, #tpu.memory_space<vmem>>, vector<16xf32>,
        tpu.vector_store %arg20[%swap3A_2245], %select_n3A_2238 {strides = array<i32>} : memref<8192xf32, #tpu.memory_space<vmem>>, vector<16xf32>,
        %get3A_2247 = arith.constant 336 : index
        %get3A_2248 = tpu.vector_load %arg18[%get3A_2247] {strides = array<i32>} : memref<512xf32, #tpu.memory_space<vmem>>, vector<16xf32>,
        %mul3A_2249 = arith.mulf %get3A_2248, %div3A_1889 : vector<16xf32>
        %gt3A_2250 = arith.constant 1.000000e-01 : f32
        %gt3A_2251 = vector.broadcast %gt3A_2250 : f32 to vector<16xf32>
        %gt3A_2252 = arith.cmpf ogt, %mul3A_2249, %gt3A_2251 : vector<16xf32>
        %jit3A_2253 = arith.constant 0.000000e+00 : f32
        %broadcast_in_dim3A_2254 = vector.broadcast %jit3A_2253 : f32 to vector<16xf32>
        %select_n3A_2255 = arith.select %gt3A_2252, %mul3A_2249, %broadcast_in_dim3A_2254 : vector<16xi1>, vector<16xf32>
        %mul3A_2256 = arith.constant 32 : i32
        %mul3A_2257 = arith.muli %scan3A_128, %mul3A_2256 : i32
        %add3A_2258 = arith.constant 21 : i32
        %add3A_2259 = arith.addi %mul3A_2257, %add3A_2258 : i32
        %mul3A_2260 = arith.constant 16 : i32
        %mul3A_2261 = arith.muli %add3A_2259, %mul3A_2260 : i32
        %swap3A_2262 = arith.index_cast %mul3A_2261 : i32 to index
        %swap3A_2263 = tpu.vector_load %arg20[%swap3A_2262] {strides = array<i32>} : memref<8192xf32, #tpu.memory_space<vmem>>, vector<16xf32>,
        tpu.vector_store %arg20[%swap3A_2262], %select_n3A_2255 {strides = array<i32>} : memref<8192xf32, #tpu.memory_space<vmem>>, vector<16xf32>,
        %get3A_2264 = arith.constant 352 : index
        %get3A_2265 = tpu.vector_load %arg18[%get3A_2264] {strides = array<i32>} : memref<512xf32, #tpu.memory_space<vmem>>, vector<16xf32>,
        %mul3A_2266 = arith.mulf %get3A_2265, %div3A_1889 : vector<16xf32>
        %gt3A_2267 = arith.constant 1.000000e-01 : f32
        %gt3A_2268 = vector.broadcast %gt3A_2267 : f32 to vector<16xf32>
        %gt3A_2269 = arith.cmpf ogt, %mul3A_2266, %gt3A_2268 : vector<16xf32>
        %jit3A_2270 = arith.constant 0.000000e+00 : f32
        %broadcast_in_dim3A_2271 = vector.broadcast %jit3A_2270 : f32 to vector<16xf32>
        %select_n3A_2272 = arith.select %gt3A_2269, %mul3A_2266, %broadcast_in_dim3A_2271 : vector<16xi1>, vector<16xf32>
        %mul3A_2273 = arith.constant 32 : i32
        %mul3A_2274 = arith.muli %scan3A_128, %mul3A_2273 : i32
        %add3A_2275 = arith.constant 22 : i32
        %add3A_2276 = arith.addi %mul3A_2274, %add3A_2275 : i32
        %mul3A_2277 = arith.constant 16 : i32
        %mul3A_2278 = arith.muli %add3A_2276, %mul3A_2277 : i32
        %swap3A_2279 = arith.index_cast %mul3A_2278 : i32 to index
        %swap3A_2280 = tpu.vector_load %arg20[%swap3A_2279] {strides = array<i32>} : memref<8192xf32, #tpu.memory_space<vmem>>, vector<16xf32>,
        tpu.vector_store %arg20[%swap3A_2279], %select_n3A_2272 {strides = array<i32>} : memref<8192xf32, #tpu.memory_space<vmem>>, vector<16xf32>,
        %get3A_2281 = arith.constant 368 : index
        %get3A_2282 = tpu.vector_load %arg18[%get3A_2281] {strides = array<i32>} : memref<512xf32, #tpu.memory_space<vmem>>, vector<16xf32>,
        %mul3A_2283 = arith.mulf %get3A_2282, %div3A_1889 : vector<16xf32>
        %gt3A_2284 = arith.constant 1.000000e-01 : f32
        %gt3A_2285 = vector.broadcast %gt3A_2284 : f32 to vector<16xf32>
        %gt3A_2286 = arith.cmpf ogt, %mul3A_2283, %gt3A_2285 : vector<16xf32>
        %jit3A_2287 = arith.constant 0.000000e+00 : f32
        %broadcast_in_dim3A_2288 = vector.broadcast %jit3A_2287 : f32 to vector<16xf32>
        %select_n3A_2289 = arith.select %gt3A_2286, %mul3A_2283, %broadcast_in_dim3A_2288 : vector<16xi1>, vector<16xf32>
        %mul3A_2290 = arith.constant 32 : i32
        %mul3A_2291 = arith.muli %scan3A_128, %mul3A_2290 : i32
        %add3A_2292 = arith.constant 23 : i32
        %add3A_2293 = arith.addi %mul3A_2291, %add3A_2292 : i32
        %mul3A_2294 = arith.constant 16 : i32
        %mul3A_2295 = arith.muli %add3A_2293, %mul3A_2294 : i32
        %swap3A_2296 = arith.index_cast %mul3A_2295 : i32 to index
        %swap3A_2297 = tpu.vector_load %arg20[%swap3A_2296] {strides = array<i32>} : memref<8192xf32, #tpu.memory_space<vmem>>, vector<16xf32>,
        tpu.vector_store %arg20[%swap3A_2296], %select_n3A_2289 {strides = array<i32>} : memref<8192xf32, #tpu.memory_space<vmem>>, vector<16xf32>,
        %get3A_2298 = arith.constant 384 : index
        %get3A_2299 = tpu.vector_load %arg18[%get3A_2298] {strides = array<i32>} : memref<512xf32, #tpu.memory_space<vmem>>, vector<16xf32>,
        %mul3A_2300 = arith.mulf %get3A_2299, %div3A_1889 : vector<16xf32>
        %gt3A_2301 = arith.constant 1.000000e-01 : f32
        %gt3A_2302 = vector.broadcast %gt3A_2301 : f32 to vector<16xf32>
        %gt3A_2303 = arith.cmpf ogt, %mul3A_2300, %gt3A_2302 : vector<16xf32>
        %jit3A_2304 = arith.constant 0.000000e+00 : f32
        %broadcast_in_dim3A_2305 = vector.broadcast %jit3A_2304 : f32 to vector<16xf32>
        %select_n3A_2306 = arith.select %gt3A_2303, %mul3A_2300, %broadcast_in_dim3A_2305 : vector<16xi1>, vector<16xf32>
        %mul3A_2307 = arith.constant 32 : i32
        %mul3A_2308 = arith.muli %scan3A_128, %mul3A_2307 : i32
        %add3A_2309 = arith.constant 24 : i32
        %add3A_2310 = arith.addi %mul3A_2308, %add3A_2309 : i32
        %mul3A_2311 = arith.constant 16 : i32
        %mul3A_2312 = arith.muli %add3A_2310, %mul3A_2311 : i32
        %swap3A_2313 = arith.index_cast %mul3A_2312 : i32 to index
        %swap3A_2314 = tpu.vector_load %arg20[%swap3A_2313] {strides = array<i32>} : memref<8192xf32, #tpu.memory_space<vmem>>, vector<16xf32>,
        tpu.vector_store %arg20[%swap3A_2313], %select_n3A_2306 {strides = array<i32>} : memref<8192xf32, #tpu.memory_space<vmem>>, vector<16xf32>,
        %get3A_2315 = arith.constant 400 : index
        %get3A_2316 = tpu.vector_load %arg18[%get3A_2315] {strides = array<i32>} : memref<512xf32, #tpu.memory_space<vmem>>, vector<16xf32>,
        %mul3A_2317 = arith.mulf %get3A_2316, %div3A_1889 : vector<16xf32>
        %gt3A_2318 = arith.constant 1.000000e-01 : f32
        %gt3A_2319 = vector.broadcast %gt3A_2318 : f32 to vector<16xf32>
        %gt3A_2320 = arith.cmpf ogt, %mul3A_2317, %gt3A_2319 : vector<16xf32>
        %jit3A_2321 = arith.constant 0.000000e+00 : f32
        %broadcast_in_dim3A_2322 = vector.broadcast %jit3A_2321 : f32 to vector<16xf32>
        %select_n3A_2323 = arith.select %gt3A_2320, %mul3A_2317, %broadcast_in_dim3A_2322 : vector<16xi1>, vector<16xf32>
        %mul3A_2324 = arith.constant 32 : i32
        %mul3A_2325 = arith.muli %scan3A_128, %mul3A_2324 : i32
        %add3A_2326 = arith.constant 25 : i32
        %add3A_2327 = arith.addi %mul3A_2325, %add3A_2326 : i32
        %mul3A_2328 = arith.constant 16 : i32
        %mul3A_2329 = arith.muli %add3A_2327, %mul3A_2328 : i32
        %swap3A_2330 = arith.index_cast %mul3A_2329 : i32 to index
        %swap3A_2331 = tpu.vector_load %arg20[%swap3A_2330] {strides = array<i32>} : memref<8192xf32, #tpu.memory_space<vmem>>, vector<16xf32>,
        tpu.vector_store %arg20[%swap3A_2330], %select_n3A_2323 {strides = array<i32>} : memref<8192xf32, #tpu.memory_space<vmem>>, vector<16xf32>,
        %get3A_2332 = arith.constant 416 : index
        %get3A_2333 = tpu.vector_load %arg18[%get3A_2332] {strides = array<i32>} : memref<512xf32, #tpu.memory_space<vmem>>, vector<16xf32>,
        %mul3A_2334 = arith.mulf %get3A_2333, %div3A_1889 : vector<16xf32>
        %gt3A_2335 = arith.constant 1.000000e-01 : f32
        %gt3A_2336 = vector.broadcast %gt3A_2335 : f32 to vector<16xf32>
        %gt3A_2337 = arith.cmpf ogt, %mul3A_2334, %gt3A_2336 : vector<16xf32>
        %jit3A_2338 = arith.constant 0.000000e+00 : f32
        %broadcast_in_dim3A_2339 = vector.broadcast %jit3A_2338 : f32 to vector<16xf32>
        %select_n3A_2340 = arith.select %gt3A_2337, %mul3A_2334, %broadcast_in_dim3A_2339 : vector<16xi1>, vector<16xf32>
        %mul3A_2341 = arith.constant 32 : i32
        %mul3A_2342 = arith.muli %scan3A_128, %mul3A_2341 : i32
        %add3A_2343 = arith.constant 26 : i32
        %add3A_2344 = arith.addi %mul3A_2342, %add3A_2343 : i32
        %mul3A_2345 = arith.constant 16 : i32
        %mul3A_2346 = arith.muli %add3A_2344, %mul3A_2345 : i32
        %swap3A_2347 = arith.index_cast %mul3A_2346 : i32 to index
        %swap3A_2348 = tpu.vector_load %arg20[%swap3A_2347] {strides = array<i32>} : memref<8192xf32, #tpu.memory_space<vmem>>, vector<16xf32>,
        tpu.vector_store %arg20[%swap3A_2347], %select_n3A_2340 {strides = array<i32>} : memref<8192xf32, #tpu.memory_space<vmem>>, vector<16xf32>,
        %get3A_2349 = arith.constant 432 : index
        %get3A_2350 = tpu.vector_load %arg18[%get3A_2349] {strides = array<i32>} : memref<512xf32, #tpu.memory_space<vmem>>, vector<16xf32>,
        %mul3A_2351 = arith.mulf %get3A_2350, %div3A_1889 : vector<16xf32>
        %gt3A_2352 = arith.constant 1.000000e-01 : f32
        %gt3A_2353 = vector.broadcast %gt3A_2352 : f32 to vector<16xf32>
        %gt3A_2354 = arith.cmpf ogt, %mul3A_2351, %gt3A_2353 : vector<16xf32>
        %jit3A_2355 = arith.constant 0.000000e+00 : f32
        %broadcast_in_dim3A_2356 = vector.broadcast %jit3A_2355 : f32 to vector<16xf32>
        %select_n3A_2357 = arith.select %gt3A_2354, %mul3A_2351, %broadcast_in_dim3A_2356 : vector<16xi1>, vector<16xf32>
        %mul3A_2358 = arith.constant 32 : i32
        %mul3A_2359 = arith.muli %scan3A_128, %mul3A_2358 : i32
        %add3A_2360 = arith.constant 27 : i32
        %add3A_2361 = arith.addi %mul3A_2359, %add3A_2360 : i32
        %mul3A_2362 = arith.constant 16 : i32
        %mul3A_2363 = arith.muli %add3A_2361, %mul3A_2362 : i32
        %swap3A_2364 = arith.index_cast %mul3A_2363 : i32 to index
        %swap3A_2365 = tpu.vector_load %arg20[%swap3A_2364] {strides = array<i32>} : memref<8192xf32, #tpu.memory_space<vmem>>, vector<16xf32>,
        tpu.vector_store %arg20[%swap3A_2364], %select_n3A_2357 {strides = array<i32>} : memref<8192xf32, #tpu.memory_space<vmem>>, vector<16xf32>,
        %get3A_2366 = arith.constant 448 : index
        %get3A_2367 = tpu.vector_load %arg18[%get3A_2366] {strides = array<i32>} : memref<512xf32, #tpu.memory_space<vmem>>, vector<16xf32>,
        %mul3A_2368 = arith.mulf %get3A_2367, %div3A_1889 : vector<16xf32>
        %gt3A_2369 = arith.constant 1.000000e-01 : f32
        %gt3A_2370 = vector.broadcast %gt3A_2369 : f32 to vector<16xf32>
        %gt3A_2371 = arith.cmpf ogt, %mul3A_2368, %gt3A_2370 : vector<16xf32>
        %jit3A_2372 = arith.constant 0.000000e+00 : f32
        %broadcast_in_dim3A_2373 = vector.broadcast %jit3A_2372 : f32 to vector<16xf32>
        %select_n3A_2374 = arith.select %gt3A_2371, %mul3A_2368, %broadcast_in_dim3A_2373 : vector<16xi1>, vector<16xf32>
        %mul3A_2375 = arith.constant 32 : i32
        %mul3A_2376 = arith.muli %scan3A_128, %mul3A_2375 : i32
        %add3A_2377 = arith.constant 28 : i32
        %add3A_2378 = arith.addi %mul3A_2376, %add3A_2377 : i32
        %mul3A_2379 = arith.constant 16 : i32
        %mul3A_2380 = arith.muli %add3A_2378, %mul3A_2379 : i32
        %swap3A_2381 = arith.index_cast %mul3A_2380 : i32 to index
        %swap3A_2382 = tpu.vector_load %arg20[%swap3A_2381] {strides = array<i32>} : memref<8192xf32, #tpu.memory_space<vmem>>, vector<16xf32>,
        tpu.vector_store %arg20[%swap3A_2381], %select_n3A_2374 {strides = array<i32>} : memref<8192xf32, #tpu.memory_space<vmem>>, vector<16xf32>,
        %get3A_2383 = arith.constant 464 : index
        %get3A_2384 = tpu.vector_load %arg18[%get3A_2383] {strides = array<i32>} : memref<512xf32, #tpu.memory_space<vmem>>, vector<16xf32>,
        %mul3A_2385 = arith.mulf %get3A_2384, %div3A_1889 : vector<16xf32>
        %gt3A_2386 = arith.constant 1.000000e-01 : f32
        %gt3A_2387 = vector.broadcast %gt3A_2386 : f32 to vector<16xf32>
        %gt3A_2388 = arith.cmpf ogt, %mul3A_2385, %gt3A_2387 : vector<16xf32>
        %jit3A_2389 = arith.constant 0.000000e+00 : f32
        %broadcast_in_dim3A_2390 = vector.broadcast %jit3A_2389 : f32 to vector<16xf32>
        %select_n3A_2391 = arith.select %gt3A_2388, %mul3A_2385, %broadcast_in_dim3A_2390 : vector<16xi1>, vector<16xf32>
        %mul3A_2392 = arith.constant 32 : i32
        %mul3A_2393 = arith.muli %scan3A_128, %mul3A_2392 : i32
        %add3A_2394 = arith.constant 29 : i32
        %add3A_2395 = arith.addi %mul3A_2393, %add3A_2394 : i32
        %mul3A_2396 = arith.constant 16 : i32
        %mul3A_2397 = arith.muli %add3A_2395, %mul3A_2396 : i32
        %swap3A_2398 = arith.index_cast %mul3A_2397 : i32 to index
        %swap3A_2399 = tpu.vector_load %arg20[%swap3A_2398] {strides = array<i32>} : memref<8192xf32, #tpu.memory_space<vmem>>, vector<16xf32>,
        tpu.vector_store %arg20[%swap3A_2398], %select_n3A_2391 {strides = array<i32>} : memref<8192xf32, #tpu.memory_space<vmem>>, vector<16xf32>,
        %get3A_2400 = arith.constant 480 : index
        %get3A_2401 = tpu.vector_load %arg18[%get3A_2400] {strides = array<i32>} : memref<512xf32, #tpu.memory_space<vmem>>, vector<16xf32>,
        %mul3A_2402 = arith.mulf %get3A_2401, %div3A_1889 : vector<16xf32>
        %gt3A_2403 = arith.constant 1.000000e-01 : f32
        %gt3A_2404 = vector.broadcast %gt3A_2403 : f32 to vector<16xf32>
        %gt3A_2405 = arith.cmpf ogt, %mul3A_2402, %gt3A_2404 : vector<16xf32>
        %jit3A_2406 = arith.constant 0.000000e+00 : f32
        %broadcast_in_dim3A_2407 = vector.broadcast %jit3A_2406 : f32 to vector<16xf32>
        %select_n3A_2408 = arith.select %gt3A_2405, %mul3A_2402, %broadcast_in_dim3A_2407 : vector<16xi1>, vector<16xf32>
        %mul3A_2409 = arith.constant 32 : i32
        %mul3A_2410 = arith.muli %scan3A_128, %mul3A_2409 : i32
        %add3A_2411 = arith.constant 30 : i32
        %add3A_2412 = arith.addi %mul3A_2410, %add3A_2411 : i32
        %mul3A_2413 = arith.constant 16 : i32
        %mul3A_2414 = arith.muli %add3A_2412, %mul3A_2413 : i32
        %swap3A_2415 = arith.index_cast %mul3A_2414 : i32 to index
        %swap3A_2416 = tpu.vector_load %arg20[%swap3A_2415] {strides = array<i32>} : memref<8192xf32, #tpu.memory_space<vmem>>, vector<16xf32>,
        tpu.vector_store %arg20[%swap3A_2415], %select_n3A_2408 {strides = array<i32>} : memref<8192xf32, #tpu.memory_space<vmem>>, vector<16xf32>,
        %get3A_2417 = arith.constant 496 : index
        %get3A_2418 = tpu.vector_load %arg18[%get3A_2417] {strides = array<i32>} : memref<512xf32, #tpu.memory_space<vmem>>, vector<16xf32>,
        %mul3A_2419 = arith.mulf %get3A_2418, %div3A_1889 : vector<16xf32>
        %gt3A_2420 = arith.constant 1.000000e-01 : f32
        %gt3A_2421 = vector.broadcast %gt3A_2420 : f32 to vector<16xf32>
        %gt3A_2422 = arith.cmpf ogt, %mul3A_2419, %gt3A_2421 : vector<16xf32>
        %jit3A_2423 = arith.constant 0.000000e+00 : f32
        %broadcast_in_dim3A_2424 = vector.broadcast %jit3A_2423 : f32 to vector<16xf32>
        %select_n3A_2425 = arith.select %gt3A_2422, %mul3A_2419, %broadcast_in_dim3A_2424 : vector<16xi1>, vector<16xf32>
        %mul3A_2426 = arith.constant 32 : i32
        %mul3A_2427 = arith.muli %scan3A_128, %mul3A_2426 : i32
        %add3A_2428 = arith.constant 31 : i32
        %add3A_2429 = arith.addi %mul3A_2427, %add3A_2428 : i32
        %mul3A_2430 = arith.constant 16 : i32
        %mul3A_2431 = arith.muli %add3A_2429, %mul3A_2430 : i32
        %swap3A_2432 = arith.index_cast %mul3A_2431 : i32 to index
        %swap3A_2433 = tpu.vector_load %arg20[%swap3A_2432] {strides = array<i32>} : memref<8192xf32, #tpu.memory_space<vmem>>, vector<16xf32>,
        tpu.vector_store %arg20[%swap3A_2432], %select_n3A_2425 {strides = array<i32>} : memref<8192xf32, #tpu.memory_space<vmem>>, vector<16xf32>,
        %scan3A_2434 = arith.constant 0 : i32
        scf.yield %scan3A_2434 : i32
      }
      %scan3A_115 = arith.constant 16 : i32
      %mul3A_116 = arith.constant 512 : i32
      %mul3A_117 = arith.muli %add3A, %mul3A_116 : i32
      %mul3A_118 = arith.constant 16 : i32
      %mul3A_119 = arith.muli %scan3A_107, %mul3A_118 : i32
      %add3A_120 = arith.addi %mul3A_117, %mul3A_119 : i32
      %mul3A_121 = arith.constant 32 : i32
      %mul3A_122 = arith.muli %add3A_120, %mul3A_121 : i32
      %mul3A_123 = arith.constant 16 : i32
      %mul3A_124 = arith.muli %mul3A_122, %mul3A_123 : i32
      "tpu.region"() ({
        %run_scoped3A = tpu.sem_alloc : memref<!tpu.dma_semaphore, #tpu.memory_space<semaphore_mem>>
        %dma_start3A = tpu.memref_slice %arg8[%mul3A_124] : memref<8388608xf32, #tpu.memory_space<hbm>> -> memref<8192xf32, #tpu.memory_space<hbm>>
        %dma_start3A_128 = tpu.memref_slice %arg8[%mul3A_124] : memref<8388608xf32, #tpu.memory_space<hbm>> -> memref<8192xf32, #tpu.memory_space<hbm>>
        tpu.enqueue_dma source(%arg20 : memref<8192xf32, #tpu.memory_space<vmem>>) target(%dma_start3A_128 : memref<8192xf32, #tpu.memory_space<hbm>>) target_semaphore(%run_scoped3A : memref<!tpu.dma_semaphore, #tpu.memory_space<semaphore_mem>>)
        %dma_wait3A = tpu.memref_slice %arg8[%mul3A_124] : memref<8388608xf32, #tpu.memory_space<hbm>> -> memref<8192xf32, #tpu.memory_space<hbm>>
        %dma_wait3A_129 = tpu.memref_slice %arg8[%mul3A_124] : memref<8388608xf32, #tpu.memory_space<hbm>> -> memref<8192xf32, #tpu.memory_space<hbm>>
        tpu.wait_dma2 semaphore(%run_scoped3A : memref<!tpu.dma_semaphore, #tpu.memory_space<semaphore_mem>>) src(%arg20 : memref<8192xf32, #tpu.memory_space<vmem>>) dst(%dma_wait3A_129 : memref<8192xf32, #tpu.memory_space<hbm>>)
        tpu.yield
      }) : () -> ()
      %mul3A_125 = arith.constant 32 : i32
      %mul3A_126 = arith.muli %add3A_120, %mul3A_125 : i32
      "tpu.region"() ({
        %run_scoped3A = tpu.sem_alloc : memref<!tpu.dma_semaphore, #tpu.memory_space<semaphore_mem>>
        %dma_start3A = tpu.memref_slice %arg7[%mul3A_126] : memref<524288xi32, #tpu.memory_space<hbm>> -> memref<512xi32, #tpu.memory_space<hbm>>
        %dma_start3A_128 = tpu.memref_slice %arg7[%mul3A_126] : memref<524288xi32, #tpu.memory_space<hbm>> -> memref<512xi32, #tpu.memory_space<hbm>>
        tpu.enqueue_dma source(%arg19 : memref<512xi32, #tpu.memory_space<vmem>>) target(%dma_start3A_128 : memref<512xi32, #tpu.memory_space<hbm>>) target_semaphore(%run_scoped3A : memref<!tpu.dma_semaphore, #tpu.memory_space<semaphore_mem>>)
        %dma_wait3A = tpu.memref_slice %arg7[%mul3A_126] : memref<524288xi32, #tpu.memory_space<hbm>> -> memref<512xi32, #tpu.memory_space<hbm>>
        %dma_wait3A_129 = tpu.memref_slice %arg7[%mul3A_126] : memref<524288xi32, #tpu.memory_space<hbm>> -> memref<512xi32, #tpu.memory_space<hbm>>
        tpu.wait_dma2 semaphore(%run_scoped3A : memref<!tpu.dma_semaphore, #tpu.memory_space<semaphore_mem>>) src(%arg19 : memref<512xi32, #tpu.memory_space<vmem>>) dst(%dma_wait3A_129 : memref<512xi32, #tpu.memory_space<hbm>>)
        tpu.yield
      }) : () -> ()
      %scan3A_127 = arith.constant 0 : i32
      scf.yield %scan3A_127 : i32
    }
    %scan3A_106 = arith.constant 32 : i32
    return
  }
}

</mosaic_0001>

<sc_bundles>
// kernel: _run.3.cloned.1.call-start
scs
__scs_entry_jumppad:
0x0: {  	(pc) =	sbr.rel $0x88, $3  }
0x1: {  	(tag) =	ssettag $0x0;
	lr =	simm.s32 $0x1  }
0x2: {  	[smem:$0x3F9C] =	sst lr;
	_ =	strace $0xD0000000  }
0x3: {  	_ = 	snop  }
0x4: {  	_ = 	snop  }
0x5: {  	_ = 	snop  }
0x6: {  	_ = 	snop  }
0x7: {  	_ = 	snop  }
__scs_overlays_trampoline_lowered:
0x8: {  	[smem:$0x3FAB] =	sst s0  }
0x9: {  	[smem:$0x3FAC] =	sst s1  }
0xa: {  	[smem:$0x3FAD] =	sst s2  }
0xb: {  	[smem:$0x3FAE] =	sst s3  }
0xc: {  	[smem:$0x3FAF] =	sst s4  }
0xd: {  	[smem:$0x3FB0] =	sst s5  }
0xe: {  	[smem:$0x3FB1] =	sst s6  }
0xf: {  	[smem:$0x3FB2] =	sst s7  }
0x10: {  	[smem:$0x3FB3] =	sst s8  }
0x11: {  	[smem:$0x3FB4] =	sst s9;
	s0 =	simm.s32 @!p0 $0x0  }
0x12: {  	s1 =	sld [smem:$0x3F9A];
	s0 =	simm.s32 @p0 $0x1  }
0x13: {  	[smem:$0x3FB5] =	sst s0;
	s0 =	simm.s32 @!p1 $0x0  }
0x14: {  	s2 =	sld [smem:$0x3F99];
	s0 =	simm.s32 @p1 $0x1  }
0x15: {  	[smem:$0x3FB6] =	sst s0;
	s0 =	simm.s32 @!p2 $0x0  }
0x16: {  	s3 =	sld [smem:$0x3FDB];
	s0 =	simm.s32 @p2 $0x1  }
0x17: {  	s4 =	simm.s32 $0x1BF5;
	[smem:$0x3FB8] =	sst s0  }
0x18: {  	s0 =	sld [smem:$0x3F9B];
	_ =	swait.ge [sflag:s4], $0x0  }
0x19: {  	s7 =	sld [smem:$0x3F9C]  }
0x1a: {  	s8 =	sadd.s32 $0xFFFFE003, lr  }
0x1b: {  	s9 =	sadd.s32 $0xFFFFFEF7, lr;
	s5 =	simm.s32 $0xFFFFFFFF;
	p2 =	slt.u32 s8, $0xFFFFF086  }
0x1c: {  	p1 =	slt.u32 s9, $0xF7A;
	s5 =	simm.s32 @!p2 $0x0  }
0x1d: {  	s5 =	simm.s32 @p1 $0x1;
	p0 =	seq.s32 s7, s2  }
0x1e: {  	s7 =	smul.u32 @!p0 $0xF7A, s2;
	p2 =	seq.s32 @!p0 s5, $0x0  }
0x1f: {  	s9 =	smul.u32 $0xF7A, s1;
	s8 =	simm.s32 @!p0 $0x1BF5;
	p2 =	por !p2, p0  }
0x20: {  	[sflag:s8] =	ssyncset.s32 @!p0 $0xFFFFF086;
	s6 =	sadd.s32 @!p0 s3, s7;
	s7 =	simm.s32 @!p0 $0x108  }
0x21: {  	s3 =	sadd.s32 s3, s9;
	s6 =	sadd.s32 @!p0 $0x88, s6;
	s7 =	simm.s32 @p2 $0x1082  }
0x22: {  	[simem:s7], [sflag:s8] =	dma.local @!p0 [hbm:s6], $0xF7A  }
0x23: {  	s9 =	sor.u32 $0xD0000000, s2;
	s6 =	simm.s32 $0x108;
	_ =	swait.ge @!p0 [sflag:s8], $0x0  }
0x24: {  	s3 =	sadd.s32 $0x88, s3;
	s6 =	simm.s32 @!p1 $0x1082;
	[sflag:s4] =	ssyncset.s32 $0xFFFFF086  }
0x25: {  	[simem:s6], [sflag:s4] =	dma.local [hbm:s3], $0xF7A  }
0x26: {  	[smem:$0x3F9C] =	sst s1;
	(tag) =	ssettag s2;
	_ =	strace s9  }
0x27: {  	s1 =	sld [smem:$0x3FAC]  }
0x28: {  	s2 =	sld [smem:$0x3FAD]  }
0x29: {  	s4 =	sld [smem:$0x3FAF]  }
0x2a: {  	p0 =	seq.s32 s5, $0x0;
	s5 =	sld [smem:$0x3FB0]  }
0x2b: {  	s6 =	sld [smem:$0x3FB1]  }
0x2c: {  	s7 =	sld [smem:$0x3FB2]  }
0x2d: {  	s3 =	simm.s32 $0x108;
	s8 =	sld [smem:$0x3FB3]  }
0x2e: {  	s3 =	simm.s32 @!p0 $0x1082;
	s9 =	sld [smem:$0x3FB4]  }
0x2f: {  	lr =	sadd.s32 s0, s3;
	s0 =	sld [smem:$0x3FAB]  }
0x30: {  	s3 =	sld [smem:$0x3FAE]  }
0x31: {  	[smem:$0x3FB7] =	sst s10  }
0x32: {  	s10 =	sld [smem:$0x3FB5];
	_ =	sdelay $0x3  }
0x33: {  	p0 =	seq.s32 s10, $0x1;
	s10 =	sld [smem:$0x3FB7];
	_ =	sdelay $0x3  }
0x34: {  	[smem:$0x3FB7] =	sst s10  }
0x35: {  	s10 =	sld [smem:$0x3FB6];
	_ =	sdelay $0x3  }
0x36: {  	p1 =	seq.s32 s10, $0x1;
	s10 =	sld [smem:$0x3FB7];
	_ =	sdelay $0x3  }
0x37: {  	[smem:$0x3FB7] =	sst s10  }
0x38: {  	s10 =	sld [smem:$0x3FB8]  }
0x39: {  	_ = 	snop;
	(pc) =	sbr.ind lr, $3  }
0x3a: {  	_ = 	snop  }
0x3b: {  	_ = 	snop  }
0x3c: {  	p2 =	seq.s32 s10, $0x1;
	s10 =	sld [smem:$0x3FB7]  }
0x3d: {  	_ =	shalt  }
0x3e: {  	_ =	shalt  }
0x3f: {  	_ =	shalt  }
0x40: {  	_ =	shalt  }
0x41: {  	_ =	shalt  }
0x42: {  	_ =	shalt  }
0x43: {  	_ =	shalt  }
0x44: {  	_ =	shalt  }
0x45: {  	_ =	shalt  }
0x46: {  	_ =	shalt  }
0x47: {  	_ =	shalt  }
0x48: {  	_ =	shalt  }
0x49: {  	_ =	shalt  }
0x4a: {  	_ =	shalt  }
0x4b: {  	_ =	shalt  }
0x4c: {  	_ =	shalt  }
0x4d: {  	_ =	shalt  }
0x4e: {  	_ =	shalt  }
0x4f: {  	_ =	shalt  }
0x50: {  	_ =	shalt  }
0x51: {  	_ =	shalt  }
0x52: {  	_ =	shalt  }
0x53: {  	_ =	shalt  }
0x54: {  	_ =	shalt  }
0x55: {  	_ =	shalt  }
0x56: {  	_ =	shalt  }
0x57: {  	_ =	shalt  }
0x58: {  	_ =	shalt  }
0x59: {  	_ =	shalt  }
0x5a: {  	_ =	shalt  }
0x5b: {  	_ =	shalt  }
0x5c: {  	_ =	shalt  }
0x5d: {  	_ =	shalt  }
0x5e: {  	_ =	shalt  }
0x5f: {  	_ =	shalt  }
0x60: {  	_ =	shalt  }
0x61: {  	_ =	shalt  }
0x62: {  	_ =	shalt  }
0x63: {  	_ =	shalt  }
0x64: {  	_ =	shalt  }
0x65: {  	_ =	shalt  }
0x66: {  	_ =	shalt  }
0x67: {  	_ =	shalt  }
0x68: {  	_ =	shalt  }
0x69: {  	_ =	shalt  }
0x6a: {  	_ =	shalt  }
0x6b: {  	_ =	shalt  }
0x6c: {  	_ =	shalt  }
0x6d: {  	_ =	shalt  }
0x6e: {  	_ =	shalt  }
0x6f: {  	_ =	shalt  }
0x70: {  	_ =	shalt  }
0x71: {  	_ =	shalt  }
0x72: {  	_ =	shalt  }
0x73: {  	_ =	shalt  }
0x74: {  	_ =	shalt  }
0x75: {  	_ =	shalt  }
0x76: {  	_ =	shalt  }
0x77: {  	_ =	shalt  }
0x78: {  	_ =	shalt  }
0x79: {  	_ =	shalt  }
0x7a: {  	_ =	shalt  }
0x7b: {  	_ =	shalt  }
0x7c: {  	_ =	shalt  }
0x7d: {  	_ =	shalt  }
0x7e: {  	_ =	shalt  }
0x7f: {  	_ =	shalt  }
0x80: {  	_ =	shalt  }
0x81: {  	_ =	shalt  }
0x82: {  	_ =	shalt  }
0x83: {  	_ =	shalt  }
0x84: {  	_ =	shalt  }
0x85: {  	_ =	shalt  }
0x86: {  	_ =	shalt  }
0x87: {  	_ =	shalt  }
.Lfunc_end0:
.L_simem_size_0:
called_computation_lowered:
.L_overlay_start_0:
0x88: {  	s2 =	sld [smem:$0x3FD9]  }
0x89: {  	s3 =	sld [smem:$0x3FFE];
	_ =	sdelay $0x1  }
0x8a: {  	s1 =	srdreg.scid  }
0x8b: {  	s0 =	sand.u32 $0x1, s1  }
0x8c: {  	s15 =	sshll.u32 s0, $0xA;
	s2 =	sadd.s32 s3, s2  }
0x8d: {  	s2 =	sadd.s32 s2, s15  }
0x8e: {  	[smem:$0x3FC3] =	sst s2  }
0x8f: {  	_ = 	snop  }
0x90: {  	s2 =	sld [smem:$0x3FC9]  }
0x91: {  	s16 =	sld [smem:$0x3FC8]  }
0x92: {  	s4 =	sld [smem:$0x3FD0]  }
0x93: {  	s5 =	sld [smem:$0x3FC7]  }
0x94: {  	s6 =	sld [smem:$0x3FC6]  }
0x95: {  	s8 =	simm.s32 $0xA;
	s9 =	simm.s32 $0x10;
	s7 =	sld [smem:$0x3FC5]  }
0x96: {  	[smem:s9], [sflag:s8] =	dma.local [hbm:s4], $0x1  }
0x97: {  	_ =	swait.eq [sflag:s8], $0x1  }
0x98: {  	[sflag:s8] =	ssyncset.done $0x0  }
0x99: {  	s17 =	sld [smem:$0x10];
	[sflag:s8] =	ssyncadd.s32 $0xFFFFFFFF  }
0x9a: {  	s18 =	sld [smem:$0x11];
	(tm) =	ssettm $0x1  }
0x9b: {  	s19 =	sld [smem:$0x3FFB];
	_ =	sdelay $0x3  }
0x9c: {  	_ =	strace s19  }
0x9d: {  	s9 =	sld [smem:$0x3FFC];
	_ =	sdelay $0x3  }
0x9e: {  	_ =	strace s9  }
0x9f: {  	s9 =	sld [smem:$0x3FFD];
	_ =	sdelay $0x3  }
0xa0: {  	_ =	strace s9  }
0xa1: {  	_ =	strace $0x8FFFFFFF  }
0xa2: {  	s20 =	sld [smem:$0x3FDB];
	_ =	sdelay $0x1  }
0xa3: {  	s10 =	simm.s32 $_scs_section_size  }
0xa4: {  	s11 =	simm.s32 $_size__tile_overlayer_lowered;
	s12 =	simm.s32 $_tile_overlayer_lowered  }
0xa5: {  	s23 =	simm.s32 $0x1BFF;
	s22 =	sshll.u32 s12, $0x1;
	s9 =	sadd.s32 s10, s20  }
0xa6: {  	s13 =	simm.s32 $0x0;
	s21 =	sshll.u32 s11, $0x1;
	s11 =	sadd.s32 s22, s9  }
0xa7: {  	[timem:s13], [sflag:s23] =	dma.local [hbm:s11], s21  }
0xa8: {  	_ =	swait.ge [sflag:s23], s21  }
0xa9: {  	s10 =	ssub.s32 $0x0, s21;
	[sflag:s23] =	ssyncset.done $0x0  }
0xaa: {  	[sflag:s23] =	ssyncadd.s32 s10;
	_ =	sdelay $0x1  }
0xab: {  	s24 =	simm.s32 $0x1B8B  }
0xac: {  	_ =	swait.ge [sflag:s24], $0x1  }
0xad: {  	[sflag:s24] =	ssyncset.done $0x0  }
0xae: {  	s25 =	simm.s32 $0x1B8E;
	[sflag:s24] =	ssyncadd.s32 $0xFFFFFFFF  }
0xaf: {  	s26 =	simm.s32 $execute0_lowered;
	[smem:$0x3FD2] =	sst s25  }
0xb0: {  	s10 =	sshll.u32 s26, $0x1;
	_ =	strace $0x80000046;
	[dreg:$0x1] =	wrdreg $0xFFFFFFFF  }
0xb1: {  	s28 =	simm.s32 $_size_execute0_lowered;
	s9 =	sadd.s32 s9, s10;
	[dreg:$0x0] =	wrdreg $0x0  }
0xb2: {  	s10 =	sshll.u32 s28, $0x1;
	[dreg:$0x2] =	wrdreg s9  }
0xb3: {  	[dreg:$0x3] =	wrdreg s10  }
0xb4: {  	[dreg:$0x4] =	wrdreg $0xC0  }
0xb5: {  	_ =	task [dreg:s13], $0x5FFFF  }
0xb6: {  	[dreg:$0x1] =	wrdreg $0xFFFFFFFF  }
0xb7: {  	[dreg:$0x0] =	wrdreg $0x60  }
0xb8: {  	[dreg:$0x2] =	wrdreg s2  }
0xb9: {  	[dreg:$0x3] =	wrdreg s16  }
0xba: {  	[dreg:$0x4] =	wrdreg s5  }
0xbb: {  	[dreg:$0x5] =	wrdreg s6  }
0xbc: {  	[dreg:$0x6] =	wrdreg s7  }
0xbd: {  	[dreg:$0x7] =	wrdreg s17  }
0xbe: {  	[dreg:$0x8] =	wrdreg s18  }
0xbf: {  	[dreg:$0x9] =	wrdreg $0x9  }
0xc0: {  	_ =	task.clear_ibuf [dreg:s13], $0xAFFFF;
	_ =	strace $0x90000046  }
0xc1: {  	s29 =	simm.s32 $0x9;
	_ =	strace $0x80000048  }
0xc2: {  	_ =	swait.ge [sflag:s29], $0x1  }
0xc3: {  	[sflag:s29] =	ssyncadd.s32 $0xFFFFFFFF  }
0xc4: {  	_ =	strace $0x90000048  }
0xc5: {  	_ =	sfence  }
0xc6: {  	s30 =	sld [smem:$0x0];
	_ =	sdelay $0x2  }
0xc7: {  	s31 =	sshll.u32 s1, $0xD;
	s1 =	sshrl.u32 s1, $0x2  }
0xc8: {  	s3 =	sand.u32 $0x4000, s31;
	s1 =	sadd.s32 s1, s30  }
0xc9: {  	s0 =	sor.u32 s3, s0;
	s1 =	sshll.u32 s1, $0x11  }
0xca: {  	s0 =	sor.u32 s1, s0  }
0xcb: {  	s0 =	sadd.s32 $0x8F2B, s0  }
0xcc: {  	[sflag:s0] =	ssyncadd.remote.s32 $0x1  }
0xcd: {  	_ =	sfence.sel $0xFFFF  }
0xce: {  	[dreg:$0x0] =	wrdreg $0xFFFFFFFF;
	(pc) =	sbr.abs _section_cstart, $3  }
0xcf: {  	[dreg:$0x1] =	wrdreg $0xFFFFFFFF  }
0xd0: {  	_ =	task.clear_ibuf [dreg:s13], $0x2FFFF;
	_ =	strace $0x9FFFFFFF  }
0xd1: {  	(tm) =	ssettm $0x7FFFFFFF  }
tec
execute0_lowered:
.L_overlay_start_1:
0x0: {  	(tag) =	ssettag $0x1  }
0x1: {  	s0 =	rddreg [dreg:$0x0]  }
0x2: {  	s1 =	rddreg [dreg:$0x1]  }
0x3: {  	s2 =	rddreg [dreg:$0x2]  }
0x4: {  	s3 =	rddreg [dreg:$0x5]  }
0x5: {  	s5 =	rddreg [dreg:$0x6]  }
0x6: {  	s6 =	simm.s32 $0x0;
	s4 =	srdreg.scid;
	s7 =	stileid.u32  }
0x7: {  	s13 =	simm.s32 $0x1;
	s14 =	simm.s32 $0x800;
	s15 =	simm.s32 $0x1000  }
0x8: {  	v0 =	vlaneseq.u32;
	s17 =	simm.s32 $0x5E80;
	s18 =	simm.s32 $0x1800;
	s19 =	simm.s32 $0x2000  }
0x9: {  	v4 =	vimm.f32 $-Inf;
	v5 =	vimm.s32 $0x0;
	v6 =	vimm.s32 $0x1;
	s20 =	simm.s32 $0x2800;
	s21 =	simm.s32 $0x3E00;
	s22 =	simm.s32 $0x3C00  }
0xa: {  	v7 =	vimm.s32 $0x2;
	v8 =	vimm.s32 $0x3;
	v9 =	vimm.s32 $0x4;
	s23 =	simm.s32 $0x0;
	[smem:$0x7FF] =	sst s6;
	s4 =	sand.u32 $0x1, s4  }
.Ltmp0:
0xb: {  	v10 =	vimm.s32 $0x5;
	v11 =	vimm.s32 $0x6;
	v12 =	vimm.s32 $0x7;
	s7 =	sshll.u32 s7, $0xA;
	s8 =	ssub.s32 $0x2, s4;
	(pc) =	sbr.rel .LBB2_1-.Ltmp0, $4  }
0xc: {  	v13 =	vimm.s32 $0x8;
	v14 =	vimm.s32 $0x9;
	v15 =	vimm.s32 $0xA;
	s4 =	sshll.u32 s4, $0x9;
	s9 =	sand.u32 $0x3800, s7;
	_ =	strace $0x80000047  }
0xd: {  	v16 =	vimm.s32 $0xB;
	v17 =	vimm.s32 $0xC;
	v3 =	vmul.u32 $0xFFFFFFFF, v0;
	s10 =	sshrl.u32 s8, $0x1;
	s7 =	sor.u32 s4, s7;
	s11 =	sshrl.u32 s9, $0x3  }
0xe: {  	v18 =	vimm.s32 $0xD;
	v19 =	vimm.s32 $0xE;
	v1 =	vmov s9;
	s31 =	ssub.s32 s8, s10;
	s8 =	sand.u32 $0x600, s7;
	s9 =	sadd.s32 s0, s11  }
0xf: {  	v20 =	vimm.s32 $0xF;
	v2 =	vor.u32 $0x10, v0;
	v3 =	vadd.s32 $0xF, v3;
	s10 =	sadd.s32 s1, s11;
	s11 =	sadd.s32 s2, s11;
	s12 =	smax.u32 s31, $0x1  }
.LBB2_11:
0x10: {  	s23 =	sadd.s32 $0x1, s23  }
0x11: {  	p0 =	sne.s32 s23, s12  }
.Ltmp1:
0x12: {  	_ = 	snop;
	(pc) =	sbr.rel @!p0 .LBB2_12-.Ltmp1, $1  }
0x13: {  	_ =	sdelay $0x3  }
.LBB2_1:
0x14: {  	[tilespmem:s6], [sflag:$0x1] =	stream.linear.gather [hbm4b:s9+s6], $0x800, $0x38;
	[tilespmem:$0x5F00] =	vst v63  }
0x15: {  	_ =	swait.ge [sflag:s13], $0x800  }
0x16: {  	[sflag:s13] =	ssyncset.done $0x0  }
0x17: {  	[sflag:s13] =	ssyncadd.s32 $0xFFFFF800  }
0x18: {  	[tilespmem:s14], [sflag:$0x1] =	stream.linear.gather [hbm4b:s10+s6], $0x800, $0x38;
	[tilespmem:$0x5F00] =	vst v63  }
0x19: {  	_ =	swait.ge [sflag:s13], $0x800  }
0x1a: {  	[sflag:s13] =	ssyncset.done $0x0  }
0x1b: {  	[sflag:s13] =	ssyncadd.s32 $0xFFFFF800  }
0x1c: {  	[tilespmem:s15], [sflag:$0x1] =	stream.linear.gather [hbm4b:s11+s6], $0x800, $0x38;
	[tilespmem:$0x5F00] =	vst v63  }
0x1d: {  	_ =	swait.ge [sflag:s13], $0x800  }
0x1e: {  	[sflag:s13] =	ssyncset.done $0x0  }
0x1f: {  	[sflag:s13] =	ssyncadd.s32 $0xFFFFF800  }
0x20: {  	s1 =	simm.s32 $0x5E00;
	s0 =	rddreg [dreg:$0x3]  }
0x21: {  	[tilespmem:s1], [sflag:$0x1] =	stream.linear.gather [hbm4b:s0+s6], $0x80, $0x38;
	[tilespmem:$0x5F00] =	vst v63  }
0x22: {  	_ =	swait.ge [sflag:s13], $0x80  }
0x23: {  	[sflag:s13] =	ssyncset.done $0x0  }
0x24: {  	[sflag:s13] =	ssyncadd.s32 $0xFFFFFF80  }
0x25: {  	s31 =	rddreg [dreg:$0x4]  }
0x26: {  	[tilespmem:s17], [sflag:$0x1] =	stream.linear.gather [hbm4b:s31+s6], $0x80, $0x38;
	[tilespmem:$0x5F00] =	vst v63  }
0x27: {  	_ =	swait.ge [sflag:s13], $0x80  }
0x28: {  	[sflag:s13] =	ssyncset.done $0x0  }
0x29: {  	s1 =	simm.s32 $0x0;
	[sflag:s13] =	ssyncadd.s32 $0xFFFFFF80  }
0x2a: {  	v21 =	vld [tilespmem:s1+$0x0]  }
0x2b: {  	v22 =	vld [tilespmem:s1+$0x800]  }
0x2c: {  	v25 =	vld [tilespmem:s1+$0x1000];
	_ =	sdelay $0x3  }
0x2d: {  	s0 =	simm.s32 $0x10;
	v24 =	vmul.f32 v21, v21;
	v26 =	vmul.f32 v22, v22;
	v27 =	vshrl.u32 v21, $0x10  }
0x2e: {  	v23 =	vld [tilespmem:s0+$0x0];
	v28 =	vshrl.u32 v22, $0x10;
	v29 =	vmul.f32 v25, v25;
	v30 =	vshrl.u32 v25, $0x10  }
0x2f: {  	v27 =	vand.u32 $0x1, v27;
	v28 =	vand.u32 $0x1, v28;
	v26 =	vadd.f32 v26, v24;
	v24 =	vld [tilespmem:s0+$0x800]  }
0x30: {  	v27 =	vadd.s32 v27, v21;
	v22 =	vadd.s32 v28, v22;
	v28 =	vand.u32 $0x1, v30  }
0x31: {  	v21 =	vld [tilespmem:s0+$0x1000];
	v27 =	vadd.s32 $0x7FFF, v27;
	v25 =	vadd.s32 v28, v25  }
0x32: {  	v22 =	vadd.s32 $0x7FFF, v22;
	v26 =	vadd.f32 v29, v26;
	v27 =	vand.u32 $0xFFFF0000, v27  }
0x33: {  	v28 =	vshrl.u32 v23, $0x10;
	v25 =	vadd.s32 $0x7FFF, v25;
	v30 =	vand.u32 $0xFFFF0000, v22;
	[tilespmem:s1+$0x1800] =	vst v27  }
0x34: {  	s2 =	simm.s32 $0x20;
	[tilespmem:s1+$0x3000] =	vst v26;
	v26 =	vmul.f32 v23, v23;
	v27 =	vshrl.u32 v24, $0x10;
	v29 =	vmul.f32 v24, v24  }
0x35: {  	s4 =	simm.s32 $0xC0;
	v28 =	vand.u32 $0x1, v28;
	v25 =	vand.u32 $0xFFFF0000, v25;
	v22 =	vld [tilespmem:s2+$0x0];
	[tilespmem:s1+$0x2000] =	vst v30;
	v27 =	vand.u32 $0x1, v27  }
.LBB2_2:
0x36: {  	p0 =	sne.s32 s4, $0x1FC0;
	v30 =	vld [tilespmem:s2+$0x800];
	v26 =	vadd.f32 v29, v26;
	v29 =	vmul.f32 v21, v21;
	v31 =	vshrl.u32 v21, $0x10;
	[tilespmem:s1+$0x2800] =	vst v25;
	s1 =	smov.u32 s0;
	s0 =	smov.u32 s2  }
0x37: {  	v23 =	vadd.s32 v28, v23;
	v24 =	vadd.s32 v27, v24;
	v25 =	vand.u32 $0x1, v31  }
.Ltmp2:
0x38: {  	v32 =	vadd.s32 $0x7FFF, v23;
	v26 =	vadd.f32 v29, v26;
	v25 =	vadd.s32 v25, v21;
	v21 =	vld [tilespmem:s0+$0x1000];
	(pc) =	sbr.rel @p0 .LBB2_2-.Ltmp2, $4  }
0x39: {  	v27 =	vand.u32 $0xFFFF0000, v32;
	v29 =	vadd.s32 $0x7FFF, v24;
	v33 =	vadd.s32 $0x7FFF, v25  }
0x3a: {  	v31 =	vand.u32 $0xFFFF0000, v29;
	v28 =	vshrl.u32 v22, $0x10;
	[tilespmem:s1+$0x3000] =	vst v26;
	v25 =	vand.u32 $0xFFFF0000, v33;
	v23 =	vmovc v22  }
0x3b: {  	s2 =	sshra.s32 s4, $0x2;
	v26 =	vmul.f32 v22, v23;
	v29 =	vmul.f32 v30, v30;
	v32 =	vshrl.u32 v30, $0x10;
	[tilespmem:s1+$0x1800] =	vst v27;
	v24 =	vmovc v30  }
0x3c: {  	s4 =	sadd.s32 $0x40, s4;
	v28 =	vand.u32 $0x1, v28;
	v22 =	vld [tilespmem:s2+$0x0];
	v27 =	vand.u32 $0x1, v32;
	[tilespmem:s1+$0x2000] =	vst v31  }
0x3d: {  	v30 =	vld [tilespmem:s2+$0x800];
	v26 =	vadd.f32 v29, v26;
	[tilespmem:s1+$0x2800] =	vst v25;
	v25 =	vmul.f32 v21, v21  }
0x3e: {  	v61 =	vshrl.u32 v21, $0x10;
	v23 =	vadd.s32 v28, v23;
	v24 =	vadd.s32 v27, v24  }
0x3f: {  	v62 =	vld [tilespmem:s2+$0x1000];
	v27 =	vand.u32 $0x1, v61;
	v23 =	vadd.s32 $0x7FFF, v23;
	v24 =	vadd.s32 $0x7FFF, v24  }
0x40: {  	v25 =	vadd.f32 v25, v26;
	v21 =	vadd.s32 v27, v21;
	v23 =	vand.u32 $0xFFFF0000, v23  }
0x41: {  	v24 =	vand.u32 $0xFFFF0000, v24;
	v21 =	vadd.s32 $0x7FFF, v21;
	v26 =	vmul.f32 v22, v22  }
0x42: {  	v63 =	vshrl.u32 v22, $0x10;
	[tilespmem:s0+$0x3000] =	vst v25;
	v27 =	vmul.f32 v30, v30;
	v25 =	vshrl.u32 v30, $0x10  }
0x43: {  	[tilespmem:s0+$0x1800] =	vst v23;
	v21 =	vand.u32 $0xFFFF0000, v21;
	v23 =	vand.u32 $0x1, v63;
	v25 =	vand.u32 $0x1, v25  }
0x44: {  	[tilespmem:s0+$0x2000] =	vst v24;
	v22 =	vadd.s32 v23, v22;
	v26 =	vadd.f32 v27, v26;
	v27 =	vmul.f32 v62, v62  }
0x45: {  	[tilespmem:s0+$0x2800] =	vst v21;
	v24 =	vshrl.u32 v62, $0x10;
	v21 =	vadd.s32 v25, v30;
	v22 =	vadd.s32 $0x7FFF, v22  }
0x46: {  	v24 =	vand.u32 $0x1, v24;
	v22 =	vand.u32 $0xFFFF0000, v22;
	v23 =	vadd.f32 v27, v26  }
0x47: {  	v24 =	vadd.s32 v24, v62;
	v21 =	vadd.s32 $0x7FFF, v21;
	[tilespmem:s2+$0x1800] =	vst v22  }
0x48: {  	v21 =	vand.u32 $0xFFFF0000, v21;
	[tilespmem:s2+$0x3000] =	vst v23;
	v23 =	vadd.s32 $0x7FFF, v24  }
0x49: {  	[tilespmem:s2+$0x2000] =	vst v21;
	v22 =	vand.u32 $0xFFFF0000, v23  }
0x4a: {  	[tilespmem:s2+$0x2800] =	vst v22  }
0x4b: {  	v21 =	vld [tilespmem:$0x5E00]  }
0x4c: {  	v22 =	vld [tilespmem:$0x5E10]  }
0x4d: {  	v23 =	vld [tilespmem:$0x5E20];
	_ =	sdelay $0x4  }
.Ltmp3:
0x4e: {  	v24 =	vshrl.u32 v21, $0x10;
	v25 =	vshrl.u32 v22, $0x10;
	v26 =	vshrl.u32 v23, $0x10;
	(pc) =	sbr.rel .LBB2_4-.Ltmp3, $4  }
0x4f: {  	v24 =	vand.u32 $0x1, v24;
	v25 =	vand.u32 $0x1, v25;
	v26 =	vand.u32 $0x1, v26  }
0x50: {  	v21 =	vadd.s32 v24, v21;
	v22 =	vadd.s32 v25, v22;
	v23 =	vadd.s32 v26, v23  }
0x51: {  	v21 =	vadd.s32 $0x7FFF, v21;
	v22 =	vadd.s32 $0x7FFF, v22;
	v23 =	vadd.s32 $0x7FFF, v23  }
0x52: {  	s24 =	simm.s32 $0x0;
	v24 =	vld [tilespmem:$0x5E80];
	v21 =	vand.u32 $0xFFFF0000, v21;
	v22 =	vand.u32 $0xFFFF0000, v22;
	v23 =	vand.u32 $0xFFFF0000, v23  }
.LBB2_10:
0x53: {  	s0 =	sadd.s32 s7, s25  }
0x54: {  	s1 =	sshll.u32 s0, $0x6  }
0x55: {  	s1 =	sadd.s32 s5, s1  }
0x56: {  	[hbm4b:s1+s6] =	stream.linear.scatter [tilespmem:s21], [sflag:$0x1], $0x2000, $0x38;
	[tilespmem:$0x5F00] =	vst v63  }
0x57: {  	s24 =	sadd.s32 $0x1, s24;
	_ =	swait.ge [sflag:s13], $0x2000  }
0x58: {  	s0 =	sshll.u32 s0, $0x2;
	p0 =	sne.s32 s24, $0x20;
	[sflag:s13] =	ssyncset.done $0x0  }
.Ltmp4:
0x59: {  	s0 =	sadd.s32 s3, s0;
	[sflag:s13] =	ssyncadd.s32 $0xFFFFE000;
	(pc) =	sbr.rel @!p0 .LBB2_11-.Ltmp4, $4  }
0x5a: {  	[hbm4b:s0+s6] =	stream.linear.scatter [tilespmem:s22], [sflag:$0x1], $0x200, $0x38;
	[tilespmem:$0x5F00] =	vst v63  }
0x5b: {  	_ =	swait.ge [sflag:s13], $0x200  }
0x5c: {  	[sflag:s13] =	ssyncset.done $0x0  }
0x5d: {  	[sflag:s13] =	ssyncadd.s32 $0xFFFFFE00  }
.LBB2_4:
.Ltmp5:
0x5e: {  	(pc) =	sbr.rel .LBB2_5-.Ltmp5, $3  }
0x5f: {  	_ =	sdelay $0x1  }
0x60: {  	s25 =	sshll.u32 s24, $0x4  }
0x61: {  	s28 =	simm.s32 $0x0;
	s26 =	sadd.s32 s8, s25  }
.LBB2_9:
0x62: {  	v28 =	vld [tilespmem:$0x1FE0]  }
0x63: {  	v29 =	vld [tilespmem:$0x27E0];
	_ =	sdelay $0x1  }
0x64: {  	v30 =	vld [tilespmem:$0x2FE0];
	_ =	sdelay $0x2  }
0x65: {  	v28 =	vmul.f32 v28, v26;
	v29 =	vmul.f32 v29, v27;
	_ =	sdelay $0x1  }
0x66: {  	v50 =	vmul.f32 v30, v25;
	v28 =	vadd.f32 v29, v28  }
0x67: {  	v51 =	vld [tilespmem:$0x37E0]  }
0x68: {  	v28 =	vadd.f32 v50, v28;
	_ =	sdelay $0x1  }
0x69: {  	v28 =	vadd.f32 v28, v28;
	_ =	sdelay $0x1  }
0x6a: {  	v28 =	vsub.f32 v28, v51;
	_ =	sdelay $0x1  }
0x6b: {  	vm0 =	vgt.f32 v28, s2  }
0x6c: {  	v52 =	vor.u32 $0x7E0, v0;
	[tilespmem:s1+$0x3800] =	vst.msk vm0, v28;
	v53 =	vmpcnt.ones.xlane vm0  }
0x6d: {  	[tilespmem:s1+$0x3900] =	vst.msk vm0, v52  }
0x6e: {  	(v2sf) =	vpush v53, $0x0;
	v28 =	vld [tilespmem:$0x1FF0]  }
0x6f: {  	v54 =	vld [tilespmem:$0x27F0];
	_ =	sdelay $0x1  }
0x70: {  	v55 =	vld [tilespmem:$0x2FF0];
	_ =	sdelay $0x2  }
0x71: {  	v26 =	vmul.f32 v28, v26;
	v27 =	vmul.f32 v54, v27;
	_ =	sdelay $0x1  }
0x72: {  	v25 =	vmul.f32 v55, v25;
	v26 =	vadd.f32 v27, v26  }
0x73: {  	v27 =	vld [tilespmem:$0x37F0]  }
0x74: {  	v25 =	vadd.f32 v25, v26;
	_ =	sdelay $0x1  }
0x75: {  	v25 =	vadd.f32 v25, v25;
	_ =	sdelay $0x1  }
0x76: {  	v25 =	vsub.f32 v25, v27  }
0x77: {  	s0 =	spop (v2sf)  }
0x78: {  	vm7 =	vgt.f32 v25, s2;
	s0 =	sadd.s32 s1, s0  }
0x79: {  	[tilespmem:s0+$0x3800] =	vst.msk vm7, v25;
	v25 =	vor.u32 $0x7F0, v0  }
0x7a: {  	[tilespmem:s0+$0x3900] =	vst.msk vm7, v25  }
0x7b: {  	v25 =	vld [tilespmem:$0x3800]  }
0x7c: {  	v26 =	vld [tilespmem:$0x3900]  }
0x7d: {  	v27 =	vld [tilespmem:$0x3810]  }
0x7e: {  	v56 =	vld [tilespmem:$0x3910]  }
0x7f: {  	v57 =	vld [tilespmem:$0x3820]  }
0x80: {  	v58 =	vld [tilespmem:$0x3920]  }
0x81: {  	v31 =	vld [tilespmem:$0x3830]  }
0x82: {  	v32 =	vld [tilespmem:$0x3930]  }
0x83: {  	v33 =	vld [tilespmem:$0x3840]  }
0x84: {  	v34 =	vld [tilespmem:$0x3940]  }
0x85: {  	v35 =	vld [tilespmem:$0x3850]  }
0x86: {  	v36 =	vld [tilespmem:$0x3950]  }
0x87: {  	v37 =	vld [tilespmem:$0x3860]  }
0x88: {  	v59 =	vld [tilespmem:$0x3880];
	(xrf1) =	vsort.dscd.msk.f32 $0xffff, v25, v26  }
0x89: {  	v60 =	vld [tilespmem:$0x3980];
	(xrf1) =	vsort.dscd.msk.f32 $0xffff, v27, v56  }
0x8a: {  	v61 =	vld [tilespmem:$0x3890]  }
0x8b: {  	v62 =	vld [tilespmem:$0x3990]  }
0x8c: {  	v63 =	vld [tilespmem:$0x38A0];
	(xrf1) =	vsort.dscd.msk.f32 $0xffff, v57, v58  }
0x8d: {  	v40 =	vld [tilespmem:$0x39A0];
	(xrf1) =	vsort.dscd.msk.f32 $0xffff, v31, v32  }
0x8e: {  	v25 =	vld [tilespmem:$0x3960]  }
0x8f: {  	v26 =	vld [tilespmem:$0x3870]  }
0x90: {  	v27 =	vld [tilespmem:$0x3970]  }
0x91: {  	v41 =	vld [tilespmem:$0x38B0];
	(xrf1) =	vsort.dscd.msk.f32 $0xffff, v33, v34  }
0x92: {  	v42 =	vld [tilespmem:$0x39B0];
	(xrf1) =	vsort.dscd.msk.f32 $0xffff, v35, v36  }
0x93: {  	v45 =	vld [tilespmem:$0x39D0]  }
0x94: {  	(xrf1) =	vsort.dscd.msk.f32 $0xffff, v37, v25;
	v25 =	vld [tilespmem:$0x38C0]  }
0x95: {  	(xrf1) =	vsort.dscd.msk.f32 $0xffff, v26, v27;
	v26 =	vld [tilespmem:$0x39C0]  }
0x96: {  	v27 =	vld [tilespmem:$0x38D0];
	v43, v44, _ =	vpop (xrf1);
	(xrf1) =	vsort.dscd.msk.f32 $0xffff, v59, v60  }
0x97: {  	v46, v38, _ =	vpop (xrf1);
	(xrf1) =	vsort.dscd.msk.f32 $0xffff, v61, v62  }
0x98: {  	(xrf1) =	vsort.dscd.msk.f32 $0xffff, v63, v40;
	v29 =	vperm.xlane v46, v3  }
0x99: {  	(xrf1) =	vsort.dscd.msk.f32 $0xffff, v41, v42  }
0x9a: {  	v30, v31, _ =	vpop (xrf1);
	(xrf1) =	vsort.dscd.msk.f32 $0xffff, v25, v26;
	v25 =	vperm.xlane v38, v3;
	vm8 =	vge.f32 v43, v29  }
0x9b: {  	v26, v47, _ =	vpop (xrf1);
	(xrf1) =	vsort.dscd.msk.f32 $0xffff, v27, v45;
	v27 =	vsel vm8, v43, v29  }
0x9c: {  	v29 =	vsel vm8, v29, v43;
	v26 =	vperm.xlane v26, v3;
	v48 =	vsel vm8, v44, v25  }
0x9d: {  	v25 =	vsel vm8, v25, v44;
	(xrf1) =	vsort.dscd.msk.f32 $0xffff, v27, v48;
	v27 =	vperm.xlane v47, v3  }
0x9e: {  	vm9 =	vge.f32 v30, v26  }
0x9f: {  	v49, v50, _ =	vpop (xrf1);
	v52 =	vsel vm9, v31, v27;
	v27 =	vsel vm9, v27, v31  }
0xa0: {  	(xrf1) =	vsort.dscd.msk.f32 $0xffff, v29, v25;
	v51 =	vsel vm9, v30, v26;
	v26 =	vsel vm9, v26, v30;
	v25, v29, _ =	vpop (xrf1)  }
0xa1: {  	(xrf1) =	vsort.dscd.msk.f32 $0xffff, v51, v52;
	v25 =	vperm.xlane v25, v3  }
0xa2: {  	v53, v54, _ =	vpop (xrf1);
	v29 =	vperm.xlane v29, v3;
	(xrf1) =	vsort.dscd.msk.f32 $0xffff, v26, v27  }
0xa3: {  	vm10 =	vge.f32 v49, v25;
	v26, v27, _ =	vpop (xrf1)  }
0xa4: {  	v55 =	vsel vm10, v49, v25;
	v26 =	vperm.xlane v26, v3  }
0xa5: {  	v58 =	vsel vm10, v50, v29;
	v25 =	vsel vm10, v25, v49;
	v59 =	vsel vm10, v29, v50;
	v57, v56, _ =	vpop (xrf1)  }
0xa6: {  	(xrf1) =	vsort.dscd.msk.f32 $0xffff, v55, v58;
	v27 =	vperm.xlane v27, v3;
	v29, v32, _ =	vpop (xrf1);
	vm11 =	vge.f32 v53, v26  }
0xa7: {  	(xrf1) =	vsort.dscd.msk.f32 $0xffff, v25, v59;
	v60 =	vperm.xlane v29, v3;
	v25 =	vsel vm11, v53, v26  }
0xa8: {  	v63 =	vsel vm11, v54, v27;
	v26 =	vsel vm11, v26, v53;
	v27 =	vsel vm11, v27, v54  }
0xa9: {  	v62, v61, _ =	vpop (xrf1);
	(xrf1) =	vsort.dscd.msk.f32 $0xffff, v25, v63;
	v25 =	vperm.xlane v32, v3;
	vm12 =	vge.f32 v57, v60  }
0xaa: {  	v39, v40, _ =	vpop (xrf1);
	(xrf1) =	vsort.dscd.msk.f32 $0xffff, v26, v27;
	v26 =	vsel vm12, v57, v60  }
0xab: {  	v42, v41, _ =	vpop (xrf1);
	v27 =	vperm.xlane v39, v3;
	v28 =	vsel vm12, v60, v57;
	v43 =	vsel vm12, v56, v25  }
0xac: {  	v44, v45, _ =	vpop (xrf1);
	v25 =	vsel vm12, v25, v56;
	(xrf1) =	vsort.dscd.msk.f32 $0xffff, v26, v43;
	v26 =	vperm.xlane v40, v3  }
0xad: {  	v48 =	vperm.xlane v44, v3;
	vm13 =	vge.f32 v62, v27;
	v47, v46, _ =	vpop (xrf1);
	(xrf1) =	vsort.dscd.msk.f32 $0xffff, v28, v25  }
0xae: {  	v25 =	vsel vm13, v62, v27;
	v50, v49, _ =	vpop (xrf1);
	v27 =	vsel vm13, v27, v62;
	v51 =	vsel vm13, v61, v26  }
0xaf: {  	vm14 =	vge.f32 v42, v48;
	v26 =	vsel vm13, v26, v61;
	v52, v53, _ =	vpop (xrf1);
	(xrf1) =	vsort.dscd.msk.f32 $0xffff, v25, v51  }
0xb0: {  	v28 =	vsel vm14, v48, v42;
	v25 =	vperm.xlane v45, v3;
	v55, v54, _ =	vpop (xrf1);
	(xrf1) =	vsort.dscd.msk.f32 $0xffff, v27, v26  }
0xb1: {  	v26 =	vsel vm14, v42, v48;
	v29 =	vperm.xlane v52, v3;
	v35 =	vperm.xlane v55, v3  }
0xb2: {  	v56 =	vperm.xlane v53, v3;
	v27 =	vsel vm14, v41, v25;
	v25 =	vsel vm14, v25, v41  }
0xb3: {  	v57 =	vperm.xlane v54, v3;
	vm1 =	vge.f32 v50, v29;
	vm15 =	vge.f32 v47, v35  }
0xb4: {  	(xrf1) =	vsort.dscd.msk.f32 $0xffff, v26, v27;
	v27 =	vsel vm1, v50, v29;
	v26 =	vsel vm15, v47, v35  }
0xb5: {  	v30 =	vsel vm1, v49, v56;
	v58 =	vsel vm15, v46, v57;
	vm4 =	vge.f32 v26, v27  }
0xb6: {  	(xrf1) =	vsort.dscd.msk.f32 $0xffff, v28, v25;
	v25 =	vsel vm4, v26, v27;
	v59 =	vsel vm4, v58, v30  }
0xb7: {  	v26 =	vsel vm4, v27, v26;
	v27 =	vsel vm4, v30, v58;
	(xrf1) =	vsort.dscd.msk.f32 $0xffff, v25, v59  }
0xb8: {  	(xrf1) =	vsort.dscd.msk.f32 $0xffff, v26, v27;
	_ =	sdelay $0x2  }
0xb9: {  	v25, v26, _ =	vpop (xrf1)  }
0xba: {  	v27, v60, _ =	vpop (xrf1)  }
0xbb: {  	v29, v30, _ =	vpop (xrf1)  }
0xbc: {  	v61, v62, _ =	vpop (xrf1)  }
0xbd: {  	v63, v52, _ =	vpop (xrf1)  }
0xbe: {  	v53, v54, _ =	vpop (xrf1)  }
0xbf: {  	v56, v55, _ =	vpop (xrf1)  }
0xc0: {  	v39, v40, _ =	vpop (xrf1)  }
0xc1: {  	v41, v42, _ =	vpop (xrf1)  }
0xc2: {  	v43, v44, _ =	vpop (xrf1)  }
0xc3: {  	v25 =	vperm.xlane v25, v3;
	v27 =	vperm.xlane v27, v3;
	v45, v46, _ =	vpop (xrf1)  }
0xc4: {  	v26 =	vperm.xlane v26, v3;
	v47, v48, _ =	vpop (xrf1)  }
0xc5: {  	v28 =	vperm.xlane v60, v3;
	vm5 =	vge.f32 v45, v27;
	vm6 =	vge.f32 v47, v25  }
0xc6: {  	v27 =	vsel vm5, v45, v27;
	v25 =	vsel vm6, v47, v25  }
0xc7: {  	v28 =	vsel vm5, v46, v28;
	v26 =	vsel vm6, v48, v26;
	vm7 =	vge.f32 v27, v25  }
0xc8: {  	v45 =	vsel vm7, v27, v25;
	v46 =	vsel vm7, v28, v26  }
0xc9: {  	v25 =	vsel vm7, v25, v27;
	v26 =	vsel vm7, v26, v28;
	(xrf1) =	vsort.dscd.msk.f32 $0xffff, v45, v46  }
0xca: {  	(xrf1) =	vsort.dscd.msk.f32 $0xffff, v25, v26;
	_ =	sdelay $0xc  }
0xcb: {  	v57 =	vperm.xlane v61, v3;
	v27 =	vperm.xlane v29, v3;
	v25, v26, _ =	vpop (xrf1)  }
0xcc: {  	v30 =	vperm.xlane v30, v3;
	v58, v59, _ =	vpop (xrf1)  }
0xcd: {  	v32 =	vperm.xlane v62, v3;
	vm8 =	vge.f32 v25, v57;
	vm9 =	vge.f32 v58, v27  }
0xce: {  	v25 =	vsel vm8, v25, v57;
	v27 =	vsel vm9, v58, v27  }
0xcf: {  	v26 =	vsel vm8, v26, v32;
	v60 =	vsel vm9, v59, v30;
	vm10 =	vge.f32 v25, v27  }
0xd0: {  	v29 =	vsel vm10, v25, v27;
	v30 =	vsel vm10, v26, v60  }
0xd1: {  	v25 =	vsel vm10, v27, v25;
	v26 =	vsel vm10, v60, v26;
	(xrf1) =	vsort.dscd.msk.f32 $0xffff, v29, v30  }
0xd2: {  	(xrf1) =	vsort.dscd.msk.f32 $0xffff, v25, v26;
	_ =	sdelay $0xc  }
0xd3: {  	v61 =	vperm.xlane v53, v3;
	v27 =	vperm.xlane v63, v3;
	v25, v26, _ =	vpop (xrf1)  }
0xd4: {  	v62 =	vperm.xlane v52, v3;
	v29, v30, _ =	vpop (xrf1)  }
0xd5: {  	v63 =	vperm.xlane v54, v3;
	vm11 =	vge.f32 v25, v61;
	vm12 =	vge.f32 v29, v27  }
0xd6: {  	v25 =	vsel vm11, v25, v61;
	v27 =	vsel vm12, v29, v27  }
0xd7: {  	v26 =	vsel vm11, v26, v63;
	v36 =	vsel vm12, v30, v62;
	vm13 =	vge.f32 v25, v27  }
0xd8: {  	v29 =	vsel vm13, v25, v27;
	v30 =	vsel vm13, v26, v36  }
0xd9: {  	v25 =	vsel vm13, v27, v25;
	v26 =	vsel vm13, v36, v26;
	(xrf1) =	vsort.dscd.msk.f32 $0xffff, v29, v30  }
0xda: {  	(xrf1) =	vsort.dscd.msk.f32 $0xffff, v25, v26;
	_ =	sdelay $0xc  }
0xdb: {  	v45 =	vperm.xlane v39, v3;
	v27 =	vperm.xlane v56, v3;
	v25, v26, _ =	vpop (xrf1)  }
0xdc: {  	v47 =	vperm.xlane v40, v3;
	v29, v30, _ =	vpop (xrf1)  }
0xdd: {  	v46 =	vperm.xlane v55, v3;
	vm14 =	vge.f32 v25, v45;
	vm15 =	vge.f32 v29, v27  }
0xde: {  	v25 =	vsel vm14, v25, v45;
	v27 =	vsel vm15, v29, v27  }
0xdf: {  	v26 =	vsel vm14, v26, v47;
	v48 =	vsel vm15, v30, v46;
	vm4 =	vge.f32 v25, v27  }
0xe0: {  	v29 =	vsel vm4, v25, v27;
	v30 =	vsel vm4, v26, v48  }
0xe1: {  	v25 =	vsel vm4, v27, v25;
	v26 =	vsel vm4, v48, v26;
	(xrf1) =	vsort.dscd.msk.f32 $0xffff, v29, v30  }
0xe2: {  	(xrf1) =	vsort.dscd.msk.f32 $0xffff, v25, v26;
	_ =	sdelay $0xc  }
0xe3: {  	v49 =	vperm.xlane v43, v3;
	v27 =	vperm.xlane v41, v3;
	v25, v26, _ =	vpop (xrf1)  }
0xe4: {  	v50 =	vperm.xlane v42, v3;
	v29, v30, _ =	vpop (xrf1)  }
0xe5: {  	v51 =	vperm.xlane v44, v3;
	vm5 =	vge.f32 v25, v49;
	vm6 =	vge.f32 v29, v27  }
0xe6: {  	v25 =	vsel vm5, v25, v49;
	v27 =	vsel vm6, v29, v27  }
0xe7: {  	v26 =	vsel vm5, v26, v51;
	v52 =	vsel vm6, v30, v50;
	vm7 =	vge.f32 v25, v27  }
0xe8: {  	v29 =	vsel vm7, v25, v27;
	v30 =	vsel vm7, v26, v52  }
0xe9: {  	v25 =	vsel vm7, v27, v25;
	v26 =	vsel vm7, v52, v26;
	(xrf1) =	vsort.dscd.msk.f32 $0xffff, v29, v30  }
0xea: {  	(xrf1) =	vsort.dscd.msk.f32 $0xffff, v25, v26;
	_ =	sdelay $0xc  }
0xeb: {  	_, v25, _ =	vpop (xrf1)  }
0xec: {  	s29 =	sshll.u32 s28, $0x5;
	_, v26, _ =	vpop (xrf1);
	v27 =	vadd.s32 v1, v25  }
0xed: {  	[tilespmem:s29+$0x3C00] =	vst v27;
	v27 =	vadd.s32 v1, v26  }
0xee: {  	[tilespmem:s29+$0x3C10] =	vst v27  }
0xef: {  	v27 =	vld.idx.msk [tilespmem:v25+s6+$0x0], $0xffff  }
0xf0: {  	v53 =	vld.idx.msk [tilespmem:v25+s14+$0x0], $0xffff  }
0xf1: {  	v25 =	vld.idx.msk [tilespmem:v25+s15+$0x0], $0xffff  }
0xf2: {  	v55 =	vld.idx.msk [tilespmem:v26+s6+$0x0], $0xffff  }
0xf3: {  	v58 =	vld.idx.msk [tilespmem:v26+s14+$0x0], $0xffff  }
0xf4: {  	v26 =	vld.idx.msk [tilespmem:v26+s15+$0x0], $0xffff  }
0xf5: {  	v54 =	vperm.xlane v27, v5;
	v56 =	vperm.xlane v53, v5  }
0xf6: {  	v59 =	vperm.xlane v25, v5  }
0xf7: {  	v27 =	vsub.f32 v27, v54;
	v28 =	vsub.f32 v53, v56  }
0xf8: {  	v29 =	vsub.f32 v55, v54;
	v25 =	vsub.f32 v25, v59  }
0xf9: {  	v26 =	vsub.f32 v26, v59;
	v57 =	vshrl.u32 v27, $0x10;
	v60 =	vshrl.u32 v28, $0x10  }
0xfa: {  	v61 =	vshrl.u32 v25, $0x10;
	v32 =	vand.u32 $0x1, v57;
	v30 =	vand.u32 $0x1, v60  }
0xfb: {  	v63 =	vand.u32 $0x1, v61;
	v27 =	vadd.s32 v32, v27;
	v28 =	vadd.s32 v30, v28  }
0xfc: {  	v25 =	vadd.s32 v63, v25;
	v27 =	vadd.s32 $0x7FFF, v27;
	v28 =	vadd.s32 $0x7FFF, v28  }
0xfd: {  	v25 =	vadd.s32 $0x7FFF, v25;
	v40 =	vand.u32 $0xFFFF0000, v27;
	v41 =	vand.u32 $0xFFFF0000, v28  }
0xfe: {  	v42 =	vand.u32 $0xFFFF0000, v25;
	v25 =	vperm.xlane v40, v5;
	v33 =	vperm.xlane v41, v5  }
0xff: {  	v62 =	vsub.f32 v58, v56;
	v35 =	vperm.xlane v42, v5;
	v39 =	vperm.xlane v40, v6  }
0x100: {  	v44 =	vshrl.u32 v26, $0x10;
	v43 =	vperm.xlane v41, v6;
	v45 =	vperm.xlane v42, v6  }
0x101: {  	v32 =	vshrl.u32 v62, $0x10;
	v46 =	vperm.xlane v40, v7;
	v47 =	vperm.xlane v41, v7  }
0x102: {  	v27 =	vshrl.u32 v29, $0x10;
	v48 =	vperm.xlane v42, v7;
	v52 =	vperm.xlane v40, v8  }
0x103: {  	v28 =	vand.u32 $0x1, v32;
	v53 =	vperm.xlane v41, v8;
	v55 =	vperm.xlane v42, v8  }
0x104: {  	v32 =	vand.u32 $0x1, v44;
	v59 =	vperm.xlane v40, v9;
	v60 =	vperm.xlane v41, v9  }
0x105: {  	v27 =	vand.u32 $0x1, v27;
	v61 =	vperm.xlane v42, v9;
	v44 =	vperm.xlane v41, v10  }
0x106: {  	v27 =	vadd.s32 v27, v29;
	v36 =	vmul.f32 v21, v25;
	v29 =	vmul.f32 v22, v33  }
0x107: {  	v38 =	vmul.f32 v23, v35;
	v30 =	vmul.f32 v21, v39  }
0x108: {  	v31 =	vmul.f32 v22, v43;
	v33 =	vmul.f32 v21, v46  }
0x109: {  	v34 =	vmul.f32 v22, v47;
	v50 =	vmul.f32 v23, v48  }
0x10a: {  	v56 =	vmul.f32 v21, v52;
	v57 =	vmul.f32 v22, v53  }
0x10b: {  	v28 =	vadd.s32 v28, v62;
	v35 =	vmul.f32 v23, v55;
	v62 =	vmul.f32 v21, v59  }
0x10c: {  	v32 =	vadd.s32 v32, v26;
	v63 =	vmul.f32 v22, v60;
	v43 =	vperm.xlane v40, v10  }
0x10d: {  	v27 =	vadd.s32 $0x7FFF, v27;
	v46 =	vperm.xlane v42, v10;
	v48 =	vmul.f32 v22, v44  }
0x10e: {  	v52 =	vperm.xlane v42, v11;
	v39 =	vadd.s32 $0x7FFF, v32;
	v60 =	vperm.xlane v40, v12  }
0x10f: {  	v25 =	vand.u32 $0xFFFF0000, v27;
	v27 =	vadd.s32 $0x7FFF, v28;
	v37 =	vadd.f32 v29, v36  }
0x110: {  	v27 =	vand.u32 $0xFFFF0000, v27;
	v30 =	vadd.f32 v31, v30;
	v29 =	vmul.f32 v23, v45  }
0x111: {  	v51 =	vadd.f32 v34, v33;
	v45 =	vmul.f32 v23, v61;
	v31 =	vadd.f32 v63, v62  }
0x112: {  	v47 =	vmul.f32 v21, v43;
	v61 =	vperm.xlane v41, v12;
	v28 =	vadd.f32 v38, v37  }
0x113: {  	v63 =	vperm.xlane v42, v12;
	v49 =	vadd.f32 v29, v30;
	v29 =	vadd.f32 v50, v51  }
0x114: {  	v30 =	vadd.f32 v57, v56;
	v50 =	vperm.xlane v41, v11;
	v51 =	vmul.f32 v23, v46  }
0x115: {  	v34 =	vadd.f32 v48, v47;
	v46 =	vmul.f32 v21, v60;
	v47 =	vmul.f32 v22, v61  }
0x116: {  	v31 =	vadd.f32 v45, v31;
	v48 =	vperm.xlane v40, v13;
	v60 =	vperm.xlane v41, v16  }
0x117: {  	v28 =	vadd.f32 v28, v24;
	v29 =	vmax.f32 v29, $0.0e+00;
	v30 =	vadd.f32 v35, v30  }
0x118: {  	v31 =	vmax.f32 v31, $0.0e+00;
	v56 =	vadd.f32 v51, v34;
	v34 =	vmul.f32 v23, v63  }
0x119: {  	v36 =	vadd.f32 v47, v46;
	v38 =	vmul.f32 v21, v48;
	v51 =	vperm.xlane v40, v14  }
0x11a: {  	v26 =	vmax.f32 v28, $0.0e+00;
	v28 =	vmax.f32 v49, $0.0e+00;
	v49 =	vperm.xlane v40, v11  }
0x11b: {  	v32 =	vmax.f32 v56, $0.0e+00;
	v34 =	vadd.f32 v34, v36;
	v36 =	vmul.f32 v21, v51  }
0x11c: {  	v56 =	vperm.xlane v42, v15;
	v51 =	vperm.xlane v42, v19;
	v54 =	vadd.f32 $0.0e+00, v26  }
0x11d: {  	v30 =	vmax.f32 v30, $0.0e+00;
	v53 =	vmul.f32 v21, v49;
	v49 =	vperm.xlane v41, v13  }
0x11e: {  	v58 =	vadd.f32 v28, v54;
	v54 =	vmul.f32 v22, v50;
	v50 =	vperm.xlane v42, v13  }
0x11f: {  	v34 =	vmax.f32 v34, $0.0e+00;
	v43 =	vmul.f32 v22, v49;
	v49 =	vperm.xlane v41, v18  }
0x120: {  	v33 =	vadd.f32 v29, v58;
	v58 =	vmul.f32 v23, v52;
	v52 =	vperm.xlane v41, v14  }
0x121: {  	v57 =	vadd.f32 v54, v53;
	v37 =	vmul.f32 v23, v50;
	v53 =	vperm.xlane v42, v14  }
0x122: {  	v54 =	vperm.xlane v40, v15;
	v50 =	vperm.xlane v41, v19;
	v38 =	vadd.f32 v43, v38  }
0x123: {  	v55 =	vadd.f32 v30, v33;
	v44 =	vmul.f32 v22, v52;
	v43 =	vmul.f32 v23, v53  }
0x124: {  	v62 =	vadd.f32 v58, v57;
	v58 =	vmul.f32 v23, v56;
	v52 =	vmul.f32 v22, v60  }
0x125: {  	v56 =	vperm.xlane v42, v17;
	v37 =	vadd.f32 v37, v38;
	v38 =	vmul.f32 v21, v54  }
0x126: {  	v54 =	vperm.xlane v40, v17;
	v59 =	vadd.f32 v31, v55;
	v33 =	vmax.f32 v62, $0.0e+00  }
0x127: {  	v55 =	vperm.xlane v41, v15;
	v36 =	vadd.f32 v44, v36;
	v62 =	vperm.xlane v42, v16  }
0x128: {  	v60 =	vmul.f32 v23, v56;
	v45 =	vadd.f32 v32, v59;
	v59 =	vperm.xlane v40, v16  }
0x129: {  	v56 =	vmul.f32 v22, v50;
	v36 =	vadd.f32 v43, v36;
	v46 =	vmul.f32 v23, v62  }
0x12a: {  	v35 =	vadd.f32 v33, v45;
	v45 =	vmul.f32 v22, v55;
	v63 =	vmul.f32 v21, v59  }
0x12b: {  	v36 =	vmax.f32 v36, $0.0e+00;
	v55 =	vperm.xlane v41, v17;
	v59 =	vperm.xlane v40, v18  }
0x12c: {  	v41 =	vperm.xlane v41, v20;
	v57 =	vadd.f32 v34, v35;
	v38 =	vadd.f32 v45, v38  }
0x12d: {  	v35 =	vmax.f32 v37, $0.0e+00;
	v62 =	vmul.f32 v21, v59;
	v59 =	vmul.f32 v23, v51  }
0x12e: {  	v61 =	vadd.f32 v35, v57;
	v37 =	vadd.f32 v58, v38;
	v57 =	vmul.f32 v21, v54  }
0x12f: {  	v38 =	vadd.f32 v52, v63;
	v58 =	vmul.f32 v22, v55;
	v63 =	vmul.f32 v22, v49  }
0x130: {  	v54 =	vperm.xlane v40, v19;
	v52 =	vperm.xlane v25, v5;
	v53 =	vadd.f32 v36, v61  }
0x131: {  	v37 =	vmax.f32 v37, $0.0e+00;
	v38 =	vadd.f32 v46, v38;
	v61 =	vperm.xlane v42, v18  }
0x132: {  	v43 =	vadd.f32 v58, v57;
	v45 =	vadd.f32 v63, v62;
	v55 =	vmul.f32 v21, v54  }
0x133: {  	v46 =	vand.u32 $0xFFFF0000, v39;
	v42 =	vperm.xlane v42, v20;
	v63 =	vmul.f32 v22, v41  }
0x134: {  	v54 =	vperm.xlane v46, v5;
	v44 =	vadd.f32 v37, v53;
	v48 =	vmul.f32 v23, v61  }
0x135: {  	v43 =	vadd.f32 v60, v43;
	v60 =	vperm.xlane v40, v20;
	v53 =	vperm.xlane v27, v5  }
0x136: {  	v58 =	vadd.f32 v56, v55;
	v42 =	vmul.f32 v23, v42;
	v55 =	vperm.xlane v25, v6  }
0x137: {  	v38 =	vmax.f32 v38, $0.0e+00;
	v56 =	vperm.xlane v27, v6;
	v47 =	vmul.f32 v23, v54  }
0x138: {  	v54 =	vperm.xlane v27, v10;
	v39 =	vmax.f32 v43, $0.0e+00;
	v62 =	vmul.f32 v21, v60  }
0x139: {  	v57 =	vadd.f32 v48, v45;
	v43 =	vmul.f32 v21, v52;
	v48 =	vmul.f32 v22, v53  }
0x13a: {  	v61 =	vadd.f32 v59, v58;
	v49 =	vmul.f32 v22, v56;
	v58 =	vperm.xlane v25, v7  }
0x13b: {  	v44 =	vadd.f32 v38, v44;
	v59 =	vperm.xlane v27, v7;
	v60 =	vperm.xlane v46, v7  }
0x13c: {  	v52 =	vperm.xlane v46, v8;
	v53 =	vperm.xlane v46, v9  }
0x13d: {  	v44 =	vadd.f32 v39, v44;
	v40 =	vmax.f32 v57, $0.0e+00;
	v41 =	vmax.f32 v61, $0.0e+00  }
0x13e: {  	v45 =	vadd.f32 v63, v62;
	v57 =	vperm.xlane v46, v6;
	v50 =	vmul.f32 v22, v59  }
0x13f: {  	v43 =	vadd.f32 v48, v43;
	v61 =	vmul.f32 v23, v60;
	v62 =	vperm.xlane v25, v8  }
0x140: {  	v63 =	vperm.xlane v27, v8;
	v52 =	vmul.f32 v23, v52;
	v44 =	vadd.f32 v40, v44  }
0x141: {  	v42 =	vadd.f32 v42, v45;
	v45 =	vmul.f32 v21, v55;
	v48 =	vmul.f32 v23, v57  }
0x142: {  	v43 =	vadd.f32 v47, v43;
	v47 =	vmul.f32 v21, v58;
	v58 =	vmul.f32 v21, v62  }
0x143: {  	v59 =	vmul.f32 v22, v63;
	v62 =	vperm.xlane v27, v9  }
0x144: {  	v63 =	vperm.xlane v25, v10;
	v55 =	vperm.xlane v46, v11;
	v44 =	vadd.f32 v41, v44  }
0x145: {  	v42 =	vmax.f32 v42, $0.0e+00;
	v45 =	vadd.f32 v49, v45;
	v47 =	vadd.f32 v50, v47  }
0x146: {  	v43 =	vmax.f32 v43, $0.0e+00;
	v51 =	vmul.f32 v22, v62;
	v44 =	vadd.f32 v42, v44  }
0x147: {  	v45 =	vadd.f32 v48, v45;
	v57 =	vadd.f32 v61, v47;
	v61 =	vperm.xlane v25, v9  }
0x148: {  	v47 =	vadd.f32 v59, v58;
	v58 =	vperm.xlane v46, v10;
	v48 =	vmul.f32 v21, v63  }
0x149: {  	v59 =	vmul.f32 v22, v54;
	v63 =	vmul.f32 v23, v55;
	v56 =	vadd.f32 v43, v44  }
0x14a: {  	v44 =	vmax.f32 v45, $0.0e+00;
	v45 =	vmax.f32 v57, $0.0e+00;
	v50 =	vmul.f32 v21, v61  }
0x14b: {  	v57 =	vmul.f32 v23, v53;
	v47 =	vadd.f32 v52, v47;
	v61 =	vperm.xlane v27, v11  }
0x14c: {  	v52 =	vadd.f32 v59, v48;
	v53 =	vmul.f32 v23, v58;
	v59 =	vperm.xlane v27, v12  }
0x14d: {  	v60 =	vadd.f32 v44, v56;
	v50 =	vadd.f32 v51, v50;
	v47 =	vmax.f32 v47, $0.0e+00  }
0x14e: {  	v54 =	vmul.f32 v22, v61;
	v62 =	vadd.f32 v53, v52;
	v61 =	vmul.f32 v22, v59  }
0x14f: {  	v56 =	vperm.xlane v25, v13;
	v49 =	vadd.f32 v45, v60;
	v60 =	vperm.xlane v25, v11  }
0x150: {  	v59 =	vperm.xlane v46, v15;
	v50 =	vadd.f32 v57, v50;
	v57 =	vperm.xlane v25, v12  }
0x151: {  	v56 =	vmul.f32 v21, v56;
	v51 =	vmul.f32 v21, v60;
	v49 =	vadd.f32 v47, v49  }
0x152: {  	v48 =	vmax.f32 v50, $0.0e+00;
	v60 =	vperm.xlane v46, v12;
	v53 =	vmul.f32 v21, v57  }
0x153: {  	v57 =	vperm.xlane v25, v14;
	v51 =	vadd.f32 v54, v51;
	v58 =	vadd.f32 v48, v49  }
0x154: {  	v49 =	vmax.f32 v62, $0.0e+00;
	v62 =	vmul.f32 v23, v60;
	v60 =	vperm.xlane v46, v13  }
0x155: {  	v53 =	vadd.f32 v61, v53;
	v51 =	vadd.f32 v63, v51;
	v63 =	vperm.xlane v27, v13  }
0x156: {  	v57 =	vmul.f32 v21, v57;
	v54 =	vadd.f32 v49, v58;
	v61 =	vmul.f32 v23, v60  }
0x157: {  	v58 =	vperm.xlane v25, v15;
	v50 =	vmax.f32 v51, $0.0e+00;
	v52 =	vmul.f32 v22, v63  }
0x158: {  	v51 =	vadd.f32 v62, v53;
	v62 =	vperm.xlane v27, v14;
	v63 =	vperm.xlane v46, v14  }
0x159: {  	v60 =	vperm.xlane v27, v15;
	v58 =	vmul.f32 v21, v58;
	v54 =	vadd.f32 v50, v54  }
0x15a: {  	v52 =	vadd.f32 v52, v56;
	v55 =	vmul.f32 v22, v62;
	v53 =	vmul.f32 v23, v63  }
0x15b: {  	v51 =	vmax.f32 v51, $0.0e+00;
	v56 =	vmul.f32 v22, v60;
	v60 =	vperm.xlane v25, v16  }
0x15c: {  	v62 =	vperm.xlane v27, v18;
	v54 =	vadd.f32 v51, v54;
	v52 =	vadd.f32 v61, v52  }
0x15d: {  	v55 =	vadd.f32 v55, v57;
	v57 =	vmul.f32 v23, v59;
	v59 =	vperm.xlane v27, v16  }
0x15e: {  	v61 =	vperm.xlane v46, v16;
	v60 =	vmul.f32 v21, v60;
	v56 =	vadd.f32 v56, v58  }
0x15f: {  	v62 =	vmul.f32 v22, v62;
	v53 =	vadd.f32 v53, v55;
	v55 =	vmul.f32 v22, v59  }
0x160: {  	v52 =	vmax.f32 v52, $0.0e+00;
	v59 =	vperm.xlane v25, v17;
	v58 =	vmul.f32 v23, v61  }
0x161: {  	v61 =	vperm.xlane v27, v17;
	v56 =	vadd.f32 v57, v56;
	v57 =	vperm.xlane v25, v18  }
0x162: {  	v54 =	vadd.f32 v52, v54;
	v55 =	vadd.f32 v55, v60;
	v60 =	vperm.xlane v46, v17  }
0x163: {  	v59 =	vmul.f32 v21, v59;
	v53 =	vmax.f32 v53, $0.0e+00;
	v57 =	vmul.f32 v21, v57  }
0x164: {  	v54 =	vadd.f32 v53, v54;
	v55 =	vadd.f32 v58, v55;
	v58 =	vmul.f32 v22, v61  }
0x165: {  	v56 =	vmax.f32 v56, $0.0e+00;
	v61 =	vperm.xlane v46, v18;
	v57 =	vadd.f32 v62, v57  }
0x166: {  	v54 =	vadd.f32 v56, v54;
	v58 =	vadd.f32 v58, v59;
	v59 =	vmul.f32 v23, v60  }
0x167: {  	v60 =	vmul.f32 v23, v61;
	v61 =	vperm.xlane v27, v19;
	v55 =	vmax.f32 v55, $0.0e+00  }
0x168: {  	v27 =	vperm.xlane v27, v20;
	v58 =	vadd.f32 v59, v58;
	v59 =	vperm.xlane v25, v19  }
0x169: {  	v57 =	vadd.f32 v60, v57;
	v60 =	vperm.xlane v46, v19;
	v61 =	vmul.f32 v22, v61  }
0x16a: {  	v54 =	vadd.f32 v55, v54;
	v25 =	vperm.xlane v25, v20;
	v59 =	vmul.f32 v21, v59  }
0x16b: {  	v46 =	vperm.xlane v46, v20;
	v27 =	vmul.f32 v22, v27;
	v58 =	vmax.f32 v58, $0.0e+00  }
0x16c: {  	v60 =	vmul.f32 v23, v60;
	v25 =	vmul.f32 v21, v25;
	v59 =	vadd.f32 v61, v59  }
0x16d: {  	v57 =	vmax.f32 v57, $0.0e+00;
	v54 =	vadd.f32 v58, v54  }
0x16e: {  	v25 =	vadd.f32 v27, v25;
	v27 =	vmul.f32 v23, v46;
	v59 =	vadd.f32 v60, v59  }
0x16f: {  	v61 =	vadd.f32 v57, v54  }
0x170: {  	v25 =	vadd.f32 v27, v25;
	v54 =	vmax.f32 v59, $0.0e+00  }
0x171: {  	v27 =	vadd.f32 v54, v61  }
0x172: {  	v25 =	vmax.f32 v25, $0.0e+00  }
0x173: {  	v27 =	vadd.f32 v25, v27;
	_ =	sdelay $0x1  }
0x174: {  	v27 =	vadd.f32 $9.999999970e-07, v27;
	_ =	sdelay $0x1  }
0x175: {  	(erf) = vrcp.f32 v27;
	_ =	sdelay $0x8  }
0x176: {  	v27 =	vpop (erf)  }
0x177: {  	v26 =	vmul.f32 v27, v26;
	v28 =	vmul.f32 v27, v28  }
0x178: {  	v29 =	vmul.f32 v27, v29  }
0x179: {  	v26 =	vmul.f32 v26, v26;
	v28 =	vmul.f32 v28, v28;
	_ =	sdelay $0x1  }
0x17a: {  	v30 =	vmul.f32 v27, v30;
	v29 =	vmul.f32 v29, v29;
	v62 =	vadd.f32 v28, v26;
	_ =	sdelay $0x1  }
0x17b: {  	v31 =	vmul.f32 v27, v31;
	v30 =	vmul.f32 v30, v30;
	v46 =	vadd.f32 v62, v29;
	_ =	sdelay $0x1  }
0x17c: {  	v32 =	vmul.f32 v27, v32;
	v31 =	vmul.f32 v31, v31;
	v46 =	vadd.f32 v46, v30;
	_ =	sdelay $0x1  }
0x17d: {  	v33 =	vmul.f32 v27, v33;
	v32 =	vmul.f32 v32, v32;
	v46 =	vadd.f32 v46, v31;
	_ =	sdelay $0x1  }
0x17e: {  	v34 =	vmul.f32 v27, v34;
	v33 =	vmul.f32 v33, v33;
	v46 =	vadd.f32 v46, v32;
	_ =	sdelay $0x1  }
0x17f: {  	v35 =	vmul.f32 v27, v35;
	v34 =	vmul.f32 v34, v34;
	v46 =	vadd.f32 v46, v33;
	_ =	sdelay $0x1  }
0x180: {  	v36 =	vmul.f32 v27, v36;
	v35 =	vmul.f32 v35, v35;
	v46 =	vadd.f32 v46, v34;
	_ =	sdelay $0x1  }
0x181: {  	v37 =	vmul.f32 v27, v37;
	v36 =	vmul.f32 v36, v36;
	v46 =	vadd.f32 v46, v35;
	_ =	sdelay $0x1  }
0x182: {  	v38 =	vmul.f32 v27, v38;
	v37 =	vmul.f32 v37, v37;
	v46 =	vadd.f32 v46, v36;
	_ =	sdelay $0x1  }
0x183: {  	v39 =	vmul.f32 v27, v39;
	v38 =	vmul.f32 v38, v38;
	v46 =	vadd.f32 v46, v37;
	_ =	sdelay $0x1  }
0x184: {  	v40 =	vmul.f32 v27, v40;
	v39 =	vmul.f32 v39, v39;
	v46 =	vadd.f32 v46, v38;
	_ =	sdelay $0x1  }
0x185: {  	v41 =	vmul.f32 v27, v41;
	v40 =	vmul.f32 v40, v40;
	v46 =	vadd.f32 v46, v39;
	_ =	sdelay $0x1  }
0x186: {  	v42 =	vmul.f32 v27, v42;
	v41 =	vmul.f32 v41, v41;
	v46 =	vadd.f32 v46, v40;
	_ =	sdelay $0x1  }
0x187: {  	v43 =	vmul.f32 v27, v43;
	v42 =	vmul.f32 v42, v42;
	v46 =	vadd.f32 v46, v41;
	_ =	sdelay $0x1  }
0x188: {  	v44 =	vmul.f32 v27, v44;
	v43 =	vmul.f32 v43, v43;
	v46 =	vadd.f32 v46, v42;
	_ =	sdelay $0x1  }
0x189: {  	v45 =	vmul.f32 v27, v45;
	v44 =	vmul.f32 v44, v44;
	v46 =	vadd.f32 v46, v43;
	_ =	sdelay $0x1  }
0x18a: {  	v47 =	vmul.f32 v27, v47;
	v45 =	vmul.f32 v45, v45;
	v46 =	vadd.f32 v46, v44;
	_ =	sdelay $0x1  }
0x18b: {  	v48 =	vmul.f32 v27, v48;
	v47 =	vmul.f32 v47, v47;
	v46 =	vadd.f32 v46, v45;
	_ =	sdelay $0x1  }
0x18c: {  	v49 =	vmul.f32 v27, v49;
	v48 =	vmul.f32 v48, v48;
	v46 =	vadd.f32 v46, v47;
	_ =	sdelay $0x1  }
0x18d: {  	v50 =	vmul.f32 v27, v50;
	v49 =	vmul.f32 v49, v49;
	v46 =	vadd.f32 v46, v48;
	_ =	sdelay $0x1  }
0x18e: {  	v51 =	vmul.f32 v27, v51;
	v50 =	vmul.f32 v50, v50;
	v46 =	vadd.f32 v46, v49;
	_ =	sdelay $0x1  }
0x18f: {  	v52 =	vmul.f32 v27, v52;
	v51 =	vmul.f32 v51, v51;
	v46 =	vadd.f32 v46, v50;
	_ =	sdelay $0x1  }
0x190: {  	v53 =	vmul.f32 v27, v53;
	v52 =	vmul.f32 v52, v52;
	v46 =	vadd.f32 v46, v51;
	_ =	sdelay $0x1  }
0x191: {  	v56 =	vmul.f32 v27, v56;
	v53 =	vmul.f32 v53, v53;
	[tilespmem:$0x3A00] =	vst v26;
	v46 =	vadd.f32 v46, v52  }
0x192: {  	[tilespmem:$0x3A10] =	vst v28  }
0x193: {  	[tilespmem:$0x3A20] =	vst v29;
	v29 =	vmul.f32 v56, v56;
	v56 =	vmul.f32 v27, v55;
	v63 =	vadd.f32 v46, v53  }
0x194: {  	[tilespmem:$0x3A30] =	vst v30  }
0x195: {  	v60 =	vmul.f32 v27, v58;
	[tilespmem:$0x3A40] =	vst v31;
	v59 =	vmul.f32 v56, v56;
	v28 =	vadd.f32 v63, v29  }
0x196: {  	[tilespmem:$0x3A50] =	vst v32  }
0x197: {  	v61 =	vmul.f32 v27, v57;
	[tilespmem:$0x3A60] =	vst v33;
	v31 =	vmul.f32 v60, v60;
	v28 =	vadd.f32 v28, v59  }
0x198: {  	[tilespmem:$0x3A70] =	vst v34  }
0x199: {  	[tilespmem:$0x3A80] =	vst v35;
	v62 =	vmul.f32 v27, v54;
	v32 =	vmul.f32 v61, v61;
	v28 =	vadd.f32 v28, v31  }
0x19a: {  	[tilespmem:$0x3A90] =	vst v36  }
0x19b: {  	v25 =	vmul.f32 v27, v25;
	[tilespmem:$0x3AA0] =	vst v37;
	v33 =	vmul.f32 v62, v62;
	v28 =	vadd.f32 v28, v32  }
0x19c: {  	[tilespmem:$0x3AB0] =	vst v38  }
0x19d: {  	[tilespmem:$0x3AC0] =	vst v39;
	v63 =	vmul.f32 v25, v25;
	v27 =	vadd.f32 v28, v33  }
0x19e: {  	[tilespmem:$0x3AD0] =	vst v40  }
0x19f: {  	[tilespmem:$0x3AE0] =	vst v41;
	v25 =	vadd.f32 v27, v63  }
0x1a0: {  	[tilespmem:$0x3AF0] =	vst v42  }
0x1a1: {  	[tilespmem:$0x3B00] =	vst v43;
	v25 =	vadd.f32 $9.999999970e-07, v25  }
0x1a2: {  	[tilespmem:$0x3B10] =	vst v44  }
0x1a3: {  	[tilespmem:$0x3B20] =	vst v45;
	(erf) = vrcp.f32 v25  }
0x1a4: {  	[tilespmem:$0x3B30] =	vst v47  }
0x1a5: {  	[tilespmem:$0x3B40] =	vst v48  }
0x1a6: {  	[tilespmem:$0x3B50] =	vst v49  }
0x1a7: {  	[tilespmem:$0x3B60] =	vst v50  }
0x1a8: {  	[tilespmem:$0x3B70] =	vst v51  }
0x1a9: {  	[tilespmem:$0x3B80] =	vst v52  }
0x1aa: {  	[tilespmem:$0x3B90] =	vst v53  }
0x1ab: {  	[tilespmem:$0x3BA0] =	vst v29  }
0x1ac: {  	[tilespmem:$0x3BB0] =	vst v59;
	v25 =	vpop (erf)  }
0x1ad: {  	[tilespmem:$0x3BC0] =	vst v31;
	v26 =	vmul.f32 v25, v26  }
0x1ae: {  	[tilespmem:$0x3BD0] =	vst v32  }
0x1af: {  	s30 =	sshll.u32 s28, $0x9;
	[tilespmem:$0x3BE0] =	vst v33;
	vm8 =	vgt.f32 v26, $1.000000010e-01  }
0x1b0: {  	s31 =	sand.u32 $0x3FFFFE00, s30;
	[tilespmem:$0x3BF0] =	vst v63;
	v26 =	vnsel vm8, $0x0, v26  }
0x1b1: {  	[tilespmem:s31+$0x3E00] =	vst v26  }
0x1b2: {  	v26 =	vld [tilespmem:$0x3A10];
	_ =	sdelay $0x4  }
0x1b3: {  	v26 =	vmul.f32 v25, v26;
	_ =	sdelay $0x1  }
0x1b4: {  	vm9 =	vgt.f32 v26, $1.000000010e-01  }
0x1b5: {  	v26 =	vnsel vm9, $0x0, v26  }
0x1b6: {  	[tilespmem:s31+$0x3E10] =	vst v26  }
0x1b7: {  	v26 =	vld [tilespmem:$0x3A20];
	_ =	sdelay $0x4  }
0x1b8: {  	v26 =	vmul.f32 v25, v26;
	_ =	sdelay $0x1  }
0x1b9: {  	vm10 =	vgt.f32 v26, $1.000000010e-01  }
0x1ba: {  	v26 =	vnsel vm10, $0x0, v26  }
0x1bb: {  	[tilespmem:s31+$0x3E20] =	vst v26  }
0x1bc: {  	v26 =	vld [tilespmem:$0x3A30];
	_ =	sdelay $0x4  }
0x1bd: {  	v26 =	vmul.f32 v25, v26;
	_ =	sdelay $0x1  }
0x1be: {  	vm11 =	vgt.f32 v26, $1.000000010e-01  }
0x1bf: {  	v26 =	vnsel vm11, $0x0, v26  }
0x1c0: {  	[tilespmem:s31+$0x3E30] =	vst v26  }
0x1c1: {  	v26 =	vld [tilespmem:$0x3A40];
	_ =	sdelay $0x4  }
0x1c2: {  	v26 =	vmul.f32 v25, v26;
	_ =	sdelay $0x1  }
0x1c3: {  	vm12 =	vgt.f32 v26, $1.000000010e-01  }
0x1c4: {  	v26 =	vnsel vm12, $0x0, v26  }
0x1c5: {  	[tilespmem:s31+$0x3E40] =	vst v26  }
0x1c6: {  	v26 =	vld [tilespmem:$0x3A50];
	_ =	sdelay $0x4  }
0x1c7: {  	v26 =	vmul.f32 v26, v25;
	_ =	sdelay $0x1  }
0x1c8: {  	vm13 =	vgt.f32 v26, $1.000000010e-01  }
0x1c9: {  	v26 =	vnsel vm13, $0x0, v26  }
0x1ca: {  	[tilespmem:s31+$0x3E50] =	vst v26  }
0x1cb: {  	v26 =	vld [tilespmem:$0x3A60];
	_ =	sdelay $0x4  }
0x1cc: {  	v26 =	vmul.f32 v26, v25;
	_ =	sdelay $0x1  }
0x1cd: {  	vm14 =	vgt.f32 v26, $1.000000010e-01  }
0x1ce: {  	v26 =	vnsel vm14, $0x0, v26  }
0x1cf: {  	[tilespmem:s31+$0x3E60] =	vst v26  }
0x1d0: {  	v26 =	vld [tilespmem:$0x3A70];
	_ =	sdelay $0x4  }
0x1d1: {  	v26 =	vmul.f32 v26, v25;
	_ =	sdelay $0x1  }
0x1d2: {  	vm15 =	vgt.f32 v26, $1.000000010e-01  }
0x1d3: {  	v26 =	vnsel vm15, $0x0, v26  }
0x1d4: {  	[tilespmem:s31+$0x3E70] =	vst v26  }
0x1d5: {  	v26 =	vld [tilespmem:$0x3A80];
	_ =	sdelay $0x4  }
0x1d6: {  	v26 =	vmul.f32 v26, v25;
	_ =	sdelay $0x1  }
0x1d7: {  	vm4 =	vgt.f32 v26, $1.000000010e-01  }
0x1d8: {  	v26 =	vnsel vm4, $0x0, v26  }
0x1d9: {  	[tilespmem:s31+$0x3E80] =	vst v26  }
0x1da: {  	v26 =	vld [tilespmem:$0x3A90];
	_ =	sdelay $0x4  }
0x1db: {  	v26 =	vmul.f32 v26, v25;
	_ =	sdelay $0x1  }
0x1dc: {  	vm5 =	vgt.f32 v26, $1.000000010e-01  }
0x1dd: {  	v26 =	vnsel vm5, $0x0, v26  }
0x1de: {  	[tilespmem:s31+$0x3E90] =	vst v26  }
0x1df: {  	v26 =	vld [tilespmem:$0x3AA0];
	_ =	sdelay $0x4  }
0x1e0: {  	v26 =	vmul.f32 v26, v25;
	_ =	sdelay $0x1  }
0x1e1: {  	vm6 =	vgt.f32 v26, $1.000000010e-01  }
0x1e2: {  	v26 =	vnsel vm6, $0x0, v26  }
0x1e3: {  	[tilespmem:s31+$0x3EA0] =	vst v26  }
0x1e4: {  	v26 =	vld [tilespmem:$0x3AB0];
	_ =	sdelay $0x4  }
0x1e5: {  	v26 =	vmul.f32 v26, v25;
	_ =	sdelay $0x1  }
0x1e6: {  	vm7 =	vgt.f32 v26, $1.000000010e-01  }
0x1e7: {  	v26 =	vnsel vm7, $0x0, v26  }
0x1e8: {  	[tilespmem:s31+$0x3EB0] =	vst v26  }
0x1e9: {  	v26 =	vld [tilespmem:$0x3AC0];
	_ =	sdelay $0x4  }
0x1ea: {  	v26 =	vmul.f32 v26, v25;
	_ =	sdelay $0x1  }
0x1eb: {  	vm8 =	vgt.f32 v26, $1.000000010e-01  }
0x1ec: {  	v26 =	vnsel vm8, $0x0, v26  }
0x1ed: {  	[tilespmem:s31+$0x3EC0] =	vst v26  }
0x1ee: {  	v26 =	vld [tilespmem:$0x3AD0];
	_ =	sdelay $0x4  }
0x1ef: {  	v26 =	vmul.f32 v26, v25;
	_ =	sdelay $0x1  }
0x1f0: {  	vm9 =	vgt.f32 v26, $1.000000010e-01  }
0x1f1: {  	v26 =	vnsel vm9, $0x0, v26  }
0x1f2: {  	[tilespmem:s31+$0x3ED0] =	vst v26  }
0x1f3: {  	v26 =	vld [tilespmem:$0x3AE0];
	_ =	sdelay $0x4  }
0x1f4: {  	v26 =	vmul.f32 v26, v25;
	_ =	sdelay $0x1  }
0x1f5: {  	vm10 =	vgt.f32 v26, $1.000000010e-01  }
0x1f6: {  	v26 =	vnsel vm10, $0x0, v26  }
0x1f7: {  	[tilespmem:s31+$0x3EE0] =	vst v26  }
0x1f8: {  	v26 =	vld [tilespmem:$0x3AF0];
	_ =	sdelay $0x4  }
0x1f9: {  	v26 =	vmul.f32 v26, v25;
	_ =	sdelay $0x1  }
0x1fa: {  	vm11 =	vgt.f32 v26, $1.000000010e-01  }
0x1fb: {  	v26 =	vnsel vm11, $0x0, v26  }
0x1fc: {  	[tilespmem:s31+$0x3EF0] =	vst v26  }
0x1fd: {  	v26 =	vld [tilespmem:$0x3B00];
	_ =	sdelay $0x4  }
0x1fe: {  	v26 =	vmul.f32 v26, v25;
	_ =	sdelay $0x1  }
0x1ff: {  	s1 =	sor.u32 $0x100, s30;
	vm12 =	vgt.f32 v26, $1.000000010e-01  }
0x200: {  	s1 =	sand.u32 $0x3FFFFF00, s1;
	v26 =	vnsel vm12, $0x0, v26  }
0x201: {  	[tilespmem:s1+$0x3E00] =	vst v26  }
0x202: {  	v26 =	vld [tilespmem:$0x3B10];
	_ =	sdelay $0x4  }
0x203: {  	v26 =	vmul.f32 v26, v25;
	_ =	sdelay $0x1  }
0x204: {  	vm13 =	vgt.f32 v26, $1.000000010e-01  }
0x205: {  	v26 =	vnsel vm13, $0x0, v26  }
0x206: {  	[tilespmem:s31+$0x3F10] =	vst v26  }
0x207: {  	v26 =	vld [tilespmem:$0x3B20];
	_ =	sdelay $0x4  }
0x208: {  	v26 =	vmul.f32 v26, v25;
	_ =	sdelay $0x1  }
0x209: {  	vm14 =	vgt.f32 v26, $1.000000010e-01  }
0x20a: {  	v26 =	vnsel vm14, $0x0, v26  }
0x20b: {  	[tilespmem:s31+$0x3F20] =	vst v26  }
0x20c: {  	v26 =	vld [tilespmem:$0x3B30];
	_ =	sdelay $0x4  }
0x20d: {  	v26 =	vmul.f32 v26, v25;
	_ =	sdelay $0x1  }
0x20e: {  	vm15 =	vgt.f32 v26, $1.000000010e-01  }
0x20f: {  	v26 =	vnsel vm15, $0x0, v26  }
0x210: {  	[tilespmem:s31+$0x3F30] =	vst v26  }
0x211: {  	v26 =	vld [tilespmem:$0x3B40];
	_ =	sdelay $0x4  }
0x212: {  	v26 =	vmul.f32 v26, v25;
	_ =	sdelay $0x1  }
0x213: {  	vm4 =	vgt.f32 v26, $1.000000010e-01  }
0x214: {  	v26 =	vnsel vm4, $0x0, v26  }
0x215: {  	[tilespmem:s31+$0x3F40] =	vst v26  }
0x216: {  	v26 =	vld [tilespmem:$0x3B50];
	_ =	sdelay $0x4  }
0x217: {  	v26 =	vmul.f32 v26, v25;
	_ =	sdelay $0x1  }
0x218: {  	vm5 =	vgt.f32 v26, $1.000000010e-01  }
0x219: {  	v26 =	vnsel vm5, $0x0, v26  }
0x21a: {  	[tilespmem:s31+$0x3F50] =	vst v26  }
0x21b: {  	v26 =	vld [tilespmem:$0x3B60];
	_ =	sdelay $0x4  }
0x21c: {  	v26 =	vmul.f32 v26, v25;
	_ =	sdelay $0x1  }
0x21d: {  	vm6 =	vgt.f32 v26, $1.000000010e-01  }
0x21e: {  	v26 =	vnsel vm6, $0x0, v26  }
0x21f: {  	[tilespmem:s31+$0x3F60] =	vst v26  }
0x220: {  	v26 =	vld [tilespmem:$0x3B70];
	_ =	sdelay $0x4  }
0x221: {  	v26 =	vmul.f32 v26, v25;
	_ =	sdelay $0x1  }
0x222: {  	vm7 =	vgt.f32 v26, $1.000000010e-01  }
0x223: {  	v26 =	vnsel vm7, $0x0, v26  }
0x224: {  	[tilespmem:s31+$0x3F70] =	vst v26  }
0x225: {  	v26 =	vld [tilespmem:$0x3B80];
	_ =	sdelay $0x4  }
0x226: {  	v26 =	vmul.f32 v26, v25;
	_ =	sdelay $0x1  }
0x227: {  	vm8 =	vgt.f32 v26, $1.000000010e-01  }
0x228: {  	v26 =	vnsel vm8, $0x0, v26  }
0x229: {  	[tilespmem:s31+$0x3F80] =	vst v26  }
0x22a: {  	v26 =	vld [tilespmem:$0x3B90];
	_ =	sdelay $0x4  }
0x22b: {  	v26 =	vmul.f32 v26, v25;
	_ =	sdelay $0x1  }
0x22c: {  	vm9 =	vgt.f32 v26, $1.000000010e-01  }
0x22d: {  	v26 =	vnsel vm9, $0x0, v26  }
0x22e: {  	[tilespmem:s31+$0x3F90] =	vst v26  }
0x22f: {  	v26 =	vld [tilespmem:$0x3BA0];
	_ =	sdelay $0x4  }
0x230: {  	v26 =	vmul.f32 v26, v25;
	_ =	sdelay $0x1  }
0x231: {  	vm10 =	vgt.f32 v26, $1.000000010e-01  }
0x232: {  	v26 =	vnsel vm10, $0x0, v26  }
0x233: {  	[tilespmem:s31+$0x3FA0] =	vst v26  }
0x234: {  	v26 =	vld [tilespmem:$0x3BB0];
	_ =	sdelay $0x4  }
0x235: {  	v26 =	vmul.f32 v26, v25;
	_ =	sdelay $0x1  }
0x236: {  	vm11 =	vgt.f32 v26, $1.000000010e-01  }
0x237: {  	v26 =	vnsel vm11, $0x0, v26  }
0x238: {  	[tilespmem:s31+$0x3FB0] =	vst v26  }
0x239: {  	v26 =	vld [tilespmem:$0x3BC0];
	_ =	sdelay $0x4  }
0x23a: {  	v26 =	vmul.f32 v26, v25;
	_ =	sdelay $0x1  }
0x23b: {  	vm12 =	vgt.f32 v26, $1.000000010e-01  }
0x23c: {  	v26 =	vnsel vm12, $0x0, v26  }
0x23d: {  	[tilespmem:s31+$0x3FC0] =	vst v26  }
0x23e: {  	v26 =	vld [tilespmem:$0x3BD0];
	_ =	sdelay $0x4  }
0x23f: {  	v26 =	vmul.f32 v26, v25;
	_ =	sdelay $0x1  }
0x240: {  	vm13 =	vgt.f32 v26, $1.000000010e-01  }
0x241: {  	v26 =	vnsel vm13, $0x0, v26  }
0x242: {  	[tilespmem:s31+$0x3FD0] =	vst v26  }
0x243: {  	v26 =	vld [tilespmem:$0x3BE0];
	_ =	sdelay $0x4  }
0x244: {  	v26 =	vmul.f32 v26, v25;
	_ =	sdelay $0x1  }
0x245: {  	vm14 =	vgt.f32 v26, $1.000000010e-01  }
0x246: {  	v26 =	vnsel vm14, $0x0, v26  }
0x247: {  	[tilespmem:s31+$0x3FE0] =	vst v26  }
0x248: {  	v26 =	vld [tilespmem:$0x3BF0];
	_ =	sdelay $0x2  }
0x249: {  	s28 =	sadd.s32 $0x1, s28  }
0x24a: {  	p0 =	sne.s32 s28, $0x10  }
.Ltmp6:
0x24b: {  	v25 =	vmul.f32 v26, v25;
	(pc) =	sbr.rel @!p0 .LBB2_10-.Ltmp6, $4  }
0x24c: {  	_ = 	snop  }
0x24d: {  	vm15 =	vgt.f32 v25, $1.000000010e-01  }
0x24e: {  	v25 =	vnsel vm15, $0x0, v25  }
0x24f: {  	[tilespmem:s31+$0x3FF0] =	vst v25  }
.LBB2_5:
0x250: {  	s0 =	sadd.s32 s26, s28  }
0x251: {  	v25 =	vmov s0  }
0x252: {  	v28 =	vld [tilespmem:$0x1800]  }
0x253: {  	v29 =	vld [tilespmem:$0x2000]  }
0x254: {  	v30 =	vld [tilespmem:$0x1810]  }
0x255: {  	v31 =	vld [tilespmem:$0x2010]  }
0x256: {  	v26 =	vld.idx.msk [tilespmem:v25+s18+$0x0], $0xffff  }
0x257: {  	v27 =	vld.idx.msk [tilespmem:v25+s19+$0x0], $0xffff  }
0x258: {  	v32 =	vld [tilespmem:$0x2800]  }
0x259: {  	v25 =	vld.idx.msk [tilespmem:v25+s20+$0x0], $0xffff  }
0x25a: {  	v33 =	vld [tilespmem:$0x2810];
	_ =	sdelay $0x1  }
0x25b: {  	v28 =	vmul.f32 v28, v26;
	v29 =	vmul.f32 v29, v27  }
0x25c: {  	v30 =	vmul.f32 v30, v26;
	v31 =	vmul.f32 v31, v27  }
0x25d: {  	v28 =	vadd.f32 v29, v28;
	v29 =	vmul.f32 v32, v25  }
0x25e: {  	v57 =	vld [tilespmem:$0x3000];
	v58 =	vmul.f32 v33, v25;
	v30 =	vadd.f32 v31, v30  }
0x25f: {  	v28 =	vadd.f32 v29, v28;
	v29 =	vld [tilespmem:$0x3010]  }
0x260: {  	v30 =	vadd.f32 v58, v30  }
0x261: {  	v28 =	vadd.f32 v28, v28  }
0x262: {  	v30 =	vadd.f32 v30, v30  }
0x263: {  	v28 =	vsub.f32 v28, v57  }
0x264: {  	v29 =	vsub.f32 v30, v29  }
0x265: {  	(xrf1) =	vsort.dscd.msk.f32 $0xffff, v28, v0  }
0x266: {  	(xrf1) =	vsort.dscd.msk.f32 $0xffff, v29, v2;
	_ =	sdelay $0xc  }
0x267: {  	v28, v29, _ =	vpop (xrf1)  }
0x268: {  	v60, v59, _ =	vpop (xrf1)  }
0x269: {  	v30 =	vperm.xlane v60, v3  }
0x26a: {  	v31 =	vperm.xlane v59, v3  }
0x26b: {  	vm0 =	vge.f32 v28, v30  }
0x26c: {  	v61 =	vsel vm0, v28, v30;
	v62 =	vsel vm0, v29, v31  }
0x26d: {  	v28 =	vsel vm0, v30, v28;
	v29 =	vsel vm0, v31, v29;
	(xrf1) =	vsort.dscd.msk.f32 $0xffff, v61, v62  }
0x26e: {  	(xrf1) =	vsort.dscd.msk.f32 $0xffff, v28, v29;
	_ =	sdelay $0x9  }
0x26f: {  	[tilespmem:$0x3820] =	vst v4  }
0x270: {  	[tilespmem:$0x3920] =	vst v5  }
0x271: {  	[tilespmem:$0x3830] =	vst v4  }
0x272: {  	[tilespmem:$0x3930] =	vst v5;
	v28, v29, _ =	vpop (xrf1)  }
0x273: {  	[tilespmem:$0x3800] =	vst v28;
	v28, v63, _ =	vpop (xrf1)  }
0x274: {  	[tilespmem:$0x3840] =	vst v4;
	(xrf0) =	vmin.scan.msk.f32 $0xffff, v28  }
0x275: {  	[tilespmem:$0x3940] =	vst v5  }
0x276: {  	[tilespmem:$0x3850] =	vst v4  }
0x277: {  	[tilespmem:$0x3950] =	vst v5  }
0x278: {  	[tilespmem:$0x3860] =	vst v4  }
0x279: {  	[tilespmem:$0x3960] =	vst v5  }
0x27a: {  	[tilespmem:$0x3810] =	vst v28;
	v28, _, _ =	vpop (xrf0)  }
0x27b: {  	[tilespmem:$0x3870] =	vst v4;
	(v2sf) =	vpush v28, $0xF  }
0x27c: {  	[tilespmem:$0x3970] =	vst v5  }
0x27d: {  	[tilespmem:$0x3880] =	vst v4  }
0x27e: {  	[tilespmem:$0x3980] =	vst v5  }
0x27f: {  	[tilespmem:$0x3890] =	vst v4  }
0x280: {  	[tilespmem:$0x3990] =	vst v5  }
0x281: {  	[tilespmem:$0x38A0] =	vst v4  }
0x282: {  	[tilespmem:$0x39A0] =	vst v5  }
0x283: {  	[tilespmem:$0x38B0] =	vst v4  }
0x284: {  	[tilespmem:$0x39B0] =	vst v5  }
0x285: {  	[tilespmem:$0x38C0] =	vst v4  }
.Ltmp7:
0x286: {  	[tilespmem:$0x39C0] =	vst v5;
	(pc) =	sbr.rel .LBB2_6-.Ltmp7, $4  }
0x287: {  	[tilespmem:$0x38D0] =	vst v4  }
0x288: {  	s1 =	simm.s32 $0x20;
	[tilespmem:$0x39D0] =	vst v5  }
0x289: {  	s29 =	simm.s32 $0x50;
	s30 =	simm.s32 $0x3030;
	s31 =	simm.s32 $0x1830;
	[tilespmem:$0x3900] =	vst v29  }
0x28a: {  	s4 =	simm.s32 $0x2830;
	s0 =	simm.s32 $0x2030;
	[tilespmem:$0x3910] =	vst v63;
	s2 =	spop (v2sf)  }
.LBB2_8:
0x28b: {  	p0 =	sgt.s32 s1, $0x9F;
	s29 =	sadd.s32 $0x40, s29  }
0x28c: {  	s1 =	simm.s32 @p0 $0x20;
	p0 =	sne.s32 s29, $0x810  }
.Ltmp8:
0x28d: {  	_ = 	snop;
	(pc) =	sbr.rel @!p0 .LBB2_9-.Ltmp8, $3  }
0x28e: {  	_ =	sdelay $0x1  }
0x28f: {  	s30 =	sadd.s32 $0x40, s30  }
0x290: {  	s31 =	sadd.s32 $0x40, s31;
	s0 =	sadd.s32 $0x40, s0;
	s4 =	sadd.s32 $0x40, s4  }
.LBB2_6:
0x291: {  	v28 =	vld [tilespmem:s31+$0xFFFFFFF0]  }
0x292: {  	v29 =	vld [tilespmem:s0+$0xFFFFFFF0];
	_ =	sdelay $0x1  }
0x293: {  	v30 =	vld [tilespmem:s4+$0xFFFFFFF0];
	_ =	sdelay $0x2  }
0x294: {  	v28 =	vmul.f32 v28, v26;
	v29 =	vmul.f32 v29, v27;
	_ =	sdelay $0x1  }
0x295: {  	v28 =	vadd.f32 v29, v28;
	v29 =	vmul.f32 v30, v25  }
0x296: {  	v56 =	vld [tilespmem:s30+$0xFFFFFFF0]  }
0x297: {  	v28 =	vadd.f32 v29, v28;
	_ =	sdelay $0x1  }
0x298: {  	v28 =	vadd.f32 v28, v28;
	_ =	sdelay $0x1  }
0x299: {  	v28 =	vsub.f32 v28, v56;
	_ =	sdelay $0x1  }
0x29a: {  	s16 =	sadd.s32 $0xFFFFFFD0, s29;
	vm0 =	vgt.f32 v28, s2  }
0x29b: {  	[tilespmem:s1+$0x3800] =	vst.msk vm0, v28;
	v28 =	vor.u32 s16, v0;
	v29 =	vmpcnt.ones.xlane vm0  }
0x29c: {  	[tilespmem:s1+$0x3900] =	vst.msk vm0, v28  }
0x29d: {  	(v2sf) =	vpush v29, $0x0;
	v28 =	vld [tilespmem:s31+$0x0]  }
0x29e: {  	v29 =	vld [tilespmem:s0+$0x0];
	_ =	sdelay $0x1  }
0x29f: {  	v57 =	vld [tilespmem:s4+$0x0];
	_ =	sdelay $0x2  }
0x2a0: {  	v28 =	vmul.f32 v28, v26;
	v29 =	vmul.f32 v29, v27;
	_ =	sdelay $0x1  }
0x2a1: {  	v28 =	vadd.f32 v29, v28;
	v29 =	vmul.f32 v57, v25  }
0x2a2: {  	v58 =	vld [tilespmem:s30+$0x0]  }
0x2a3: {  	v28 =	vadd.f32 v29, v28;
	_ =	sdelay $0x1  }
0x2a4: {  	v28 =	vadd.f32 v28, v28;
	_ =	sdelay $0x1  }
0x2a5: {  	v28 =	vsub.f32 v28, v58  }
0x2a6: {  	s16 =	spop (v2sf)  }
0x2a7: {  	vm13 =	vgt.f32 v28, s2;
	s1 =	sadd.s32 s1, s16;
	s16 =	sadd.s32 $0xFFFFFFE0, s29  }
0x2a8: {  	v29 =	vmpcnt.ones.xlane vm13;
	[tilespmem:s1+$0x3800] =	vst.msk vm13, v28;
	v28 =	vor.u32 s16, v0  }
0x2a9: {  	[tilespmem:s1+$0x3900] =	vst.msk vm13, v28  }
0x2aa: {  	(v2sf) =	vpush v29, $0x0;
	v28 =	vld [tilespmem:s31+$0x10]  }
0x2ab: {  	v29 =	vld [tilespmem:s0+$0x10];
	_ =	sdelay $0x1  }
0x2ac: {  	v59 =	vld [tilespmem:s4+$0x10];
	_ =	sdelay $0x2  }
0x2ad: {  	v28 =	vmul.f32 v28, v26;
	v29 =	vmul.f32 v29, v27;
	_ =	sdelay $0x1  }
0x2ae: {  	v28 =	vadd.f32 v29, v28;
	v29 =	vmul.f32 v59, v25  }
0x2af: {  	v60 =	vld [tilespmem:s30+$0x10]  }
0x2b0: {  	v28 =	vadd.f32 v29, v28;
	_ =	sdelay $0x1  }
0x2b1: {  	v28 =	vadd.f32 v28, v28;
	_ =	sdelay $0x1  }
0x2b2: {  	v28 =	vsub.f32 v28, v60  }
0x2b3: {  	s16 =	spop (v2sf)  }
0x2b4: {  	s1 =	sadd.s32 s1, s16;
	s16 =	sadd.s32 $0xFFFFFFF0, s29;
	vm14 =	vgt.f32 v28, s2  }
0x2b5: {  	[tilespmem:s1+$0x3800] =	vst.msk vm14, v28;
	v28 =	vor.u32 s16, v0  }
0x2b6: {  	[tilespmem:s1+$0x3900] =	vst.msk vm14, v28  }
0x2b7: {  	v28 =	vld [tilespmem:s31+$0x20]  }
0x2b8: {  	v29 =	vld [tilespmem:s0+$0x20];
	_ =	sdelay $0x1  }
0x2b9: {  	v61 =	vld [tilespmem:s4+$0x20];
	_ =	sdelay $0x2  }
0x2ba: {  	v28 =	vmul.f32 v28, v26;
	v29 =	vmul.f32 v29, v27;
	_ =	sdelay $0x1  }
0x2bb: {  	v28 =	vadd.f32 v29, v28;
	v29 =	vmul.f32 v61, v25  }
0x2bc: {  	v62 =	vld [tilespmem:s30+$0x20]  }
0x2bd: {  	v28 =	vadd.f32 v29, v28;
	_ =	sdelay $0x1  }
0x2be: {  	v28 =	vadd.f32 v28, v28;
	_ =	sdelay $0x1  }
0x2bf: {  	v28 =	vsub.f32 v28, v62;
	_ =	sdelay $0x1  }
0x2c0: {  	v29 =	vmpcnt.ones.xlane vm14;
	vm15 =	vgt.f32 v28, s2  }
0x2c1: {  	v63 =	vmpcnt.ones.xlane vm15  }
0x2c2: {  	(v2sf) =	vpush v29, $0x0  }
0x2c3: {  	(v2sf) =	vpush v63, $0x0;
	_ =	sdelay $0xd  }
0x2c4: {  	s16 =	spop (v2sf)  }
0x2c5: {  	s16 =	sadd.s32 s1, s16;
	s1 =	spop (v2sf)  }
0x2c6: {  	s1 =	sadd.s32 s16, s1  }
0x2c7: {  	p0 =	slt.s32 s1, $0xA0  }
.Ltmp9:
0x2c8: {  	_ = 	snop;
	(pc) =	sbr.rel @p0 .LBB2_8-.Ltmp9, $3  }
0x2c9: {  	_ =	sdelay $0x1  }
0x2ca: {  	[tilespmem:s16+$0x3800] =	vst.msk vm15, v28;
	v28 =	vor.u32 s29, v0  }
0x2cb: {  	[tilespmem:s16+$0x3900] =	vst.msk vm15, v28  }
0x2cc: {  	v28 =	vld [tilespmem:$0x3800]  }
0x2cd: {  	v29 =	vld [tilespmem:$0x3900]  }
0x2ce: {  	v30 =	vld [tilespmem:$0x3810]  }
0x2cf: {  	v31 =	vld [tilespmem:$0x3910]  }
0x2d0: {  	v32 =	vld [tilespmem:$0x3820]  }
0x2d1: {  	v33 =	vld [tilespmem:$0x3920]  }
0x2d2: {  	v34 =	vld [tilespmem:$0x3830]  }
0x2d3: {  	v35 =	vld [tilespmem:$0x3930]  }
0x2d4: {  	v36 =	vld [tilespmem:$0x3840]  }
0x2d5: {  	v37 =	vld [tilespmem:$0x3940]  }
0x2d6: {  	v38 =	vld [tilespmem:$0x3850]  }
0x2d7: {  	v39 =	vld [tilespmem:$0x3950]  }
0x2d8: {  	v40 =	vld [tilespmem:$0x3860]  }
0x2d9: {  	v44 =	vld [tilespmem:$0x3970];
	(xrf1) =	vsort.dscd.msk.f32 $0xffff, v28, v29  }
0x2da: {  	v45 =	vld [tilespmem:$0x3880];
	(xrf1) =	vsort.dscd.msk.f32 $0xffff, v30, v31  }
0x2db: {  	v46 =	vld [tilespmem:$0x3980]  }
0x2dc: {  	v47 =	vld [tilespmem:$0x3890]  }
0x2dd: {  	v48 =	vld [tilespmem:$0x3990];
	(xrf1) =	vsort.dscd.msk.f32 $0xffff, v32, v33  }
0x2de: {  	v49 =	vld [tilespmem:$0x38A0];
	(xrf1) =	vsort.dscd.msk.f32 $0xffff, v34, v35  }
0x2df: {  	v50 =	vld [tilespmem:$0x39A0]  }
0x2e0: {  	v28 =	vld [tilespmem:$0x3960]  }
0x2e1: {  	v29 =	vld [tilespmem:$0x3870]  }
0x2e2: {  	v51 =	vld [tilespmem:$0x38B0];
	(xrf1) =	vsort.dscd.msk.f32 $0xffff, v36, v37  }
0x2e3: {  	v52 =	vld [tilespmem:$0x39B0];
	(xrf1) =	vsort.dscd.msk.f32 $0xffff, v38, v39  }
0x2e4: {  	v53 =	vld [tilespmem:$0x38D0]  }
0x2e5: {  	(xrf1) =	vsort.dscd.msk.f32 $0xffff, v40, v28;
	v28 =	vld [tilespmem:$0x38C0]  }
0x2e6: {  	(xrf1) =	vsort.dscd.msk.f32 $0xffff, v29, v44;
	v29 =	vld [tilespmem:$0x39C0]  }
0x2e7: {  	v56 =	vld [tilespmem:$0x39D0];
	v54, v55, _ =	vpop (xrf1);
	(xrf1) =	vsort.dscd.msk.f32 $0xffff, v45, v46  }
0x2e8: {  	v57, v41, _ =	vpop (xrf1);
	(xrf1) =	vsort.dscd.msk.f32 $0xffff, v47, v48  }
0x2e9: {  	(xrf1) =	vsort.dscd.msk.f32 $0xffff, v49, v50  }
0x2ea: {  	v32 =	vperm.xlane v57, v3;
	(xrf1) =	vsort.dscd.msk.f32 $0xffff, v51, v52  }
0x2eb: {  	v33, v34, _ =	vpop (xrf1);
	(xrf1) =	vsort.dscd.msk.f32 $0xffff, v28, v29  }
0x2ec: {  	v28 =	vperm.xlane v41, v3;
	vm0 =	vge.f32 v54, v32;
	v29, v58, _ =	vpop (xrf1);
	(xrf1) =	vsort.dscd.msk.f32 $0xffff, v53, v56  }
0x2ed: {  	v59 =	vsel vm0, v54, v32;
	v32 =	vsel vm0, v32, v54;
	v29 =	vperm.xlane v29, v3  }
0x2ee: {  	v61 =	vperm.xlane v58, v3;
	v60 =	vsel vm0, v55, v28;
	v28 =	vsel vm0, v28, v55  }
0x2ef: {  	(xrf1) =	vsort.dscd.msk.f32 $0xffff, v59, v60;
	vm5 =	vge.f32 v33, v29  }
0x2f0: {  	v62, v63, _ =	vpop (xrf1);
	(xrf1) =	vsort.dscd.msk.f32 $0xffff, v32, v28;
	v30 =	vsel vm5, v61, v34  }
0x2f1: {  	v42 =	vsel vm5, v33, v29;
	v43 =	vsel vm5, v34, v61;
	v29 =	vsel vm5, v29, v33;
	v28, v32, _ =	vpop (xrf1)  }
0x2f2: {  	(xrf1) =	vsort.dscd.msk.f32 $0xffff, v42, v43;
	v28 =	vperm.xlane v28, v3  }
0x2f3: {  	v44, v45, _ =	vpop (xrf1);
	(xrf1) =	vsort.dscd.msk.f32 $0xffff, v29, v30  }
0x2f4: {  	v32 =	vperm.xlane v32, v3;
	v29, v30, _ =	vpop (xrf1);
	vm6 =	vge.f32 v62, v28  }
0x2f5: {  	v46 =	vsel vm6, v62, v28;
	v29 =	vperm.xlane v29, v3  }
0x2f6: {  	v49 =	vsel vm6, v63, v32;
	v28 =	vsel vm6, v28, v62;
	v50 =	vsel vm6, v32, v63  }
0x2f7: {  	v30 =	vperm.xlane v30, v3;
	v48, v47, _ =	vpop (xrf1);
	(xrf1) =	vsort.dscd.msk.f32 $0xffff, v46, v49;
	vm7 =	vge.f32 v44, v29  }
0x2f8: {  	v32, v35, _ =	vpop (xrf1);
	(xrf1) =	vsort.dscd.msk.f32 $0xffff, v28, v50;
	v28 =	vsel vm7, v44, v29  }
0x2f9: {  	v51 =	vperm.xlane v32, v3;
	v53, v52, _ =	vpop (xrf1);
	v54 =	vsel vm7, v45, v30;
	v29 =	vsel vm7, v29, v44  }
0x2fa: {  	v30 =	vsel vm7, v30, v45;
	v55, v56, _ =	vpop (xrf1);
	(xrf1) =	vsort.dscd.msk.f32 $0xffff, v28, v54;
	v28 =	vperm.xlane v35, v3  }
0x2fb: {  	vm8 =	vge.f32 v48, v51;
	(xrf1) =	vsort.dscd.msk.f32 $0xffff, v29, v30;
	v57 =	vperm.xlane v55, v3  }
0x2fc: {  	v59, v58, _ =	vpop (xrf1);
	v29 =	vsel vm8, v48, v51;
	v60 =	vsel vm8, v47, v28;
	v31 =	vsel vm8, v51, v48  }
0x2fd: {  	v28 =	vsel vm8, v28, v47;
	v61, v62, _ =	vpop (xrf1);
	(xrf1) =	vsort.dscd.msk.f32 $0xffff, v29, v60;
	v29 =	vperm.xlane v56, v3  }
0x2fe: {  	vm9 =	vge.f32 v53, v57;
	v45 =	vperm.xlane v61, v3;
	v44, v63, _ =	vpop (xrf1);
	(xrf1) =	vsort.dscd.msk.f32 $0xffff, v31, v28  }
0x2ff: {  	v28 =	vsel vm9, v53, v57;
	v30 =	vsel vm9, v57, v53;
	v47, v46, _ =	vpop (xrf1);
	v48 =	vsel vm9, v52, v29  }
0x300: {  	v29 =	vsel vm9, v29, v52;
	vm10 =	vge.f32 v59, v45;
	v49, v50, _ =	vpop (xrf1);
	(xrf1) =	vsort.dscd.msk.f32 $0xffff, v28, v48  }
0x301: {  	v28 =	vperm.xlane v62, v3;
	v31 =	vsel vm10, v45, v59;
	v52, v51, _ =	vpop (xrf1);
	(xrf1) =	vsort.dscd.msk.f32 $0xffff, v30, v29  }
0x302: {  	v29 =	vsel vm10, v59, v45;
	v32 =	vperm.xlane v49, v3;
	v38 =	vperm.xlane v52, v3  }
0x303: {  	v54 =	vperm.xlane v50, v3;
	v53 =	vsel vm10, v58, v28;
	v28 =	vsel vm10, v28, v58  }
0x304: {  	v55 =	vperm.xlane v51, v3;
	vm1 =	vge.f32 v47, v32;
	vm11 =	vge.f32 v44, v38  }
0x305: {  	(xrf1) =	vsort.dscd.msk.f32 $0xffff, v29, v53;
	v56 =	vsel vm1, v47, v32;
	v29 =	vsel vm11, v44, v38  }
0x306: {  	v33 =	vsel vm1, v46, v54;
	v57 =	vsel vm11, v63, v55;
	vm12 =	vge.f32 v29, v56  }
0x307: {  	(xrf1) =	vsort.dscd.msk.f32 $0xffff, v31, v28;
	v28 =	vsel vm12, v29, v56;
	v58 =	vsel vm12, v57, v33  }
0x308: {  	v29 =	vsel vm12, v56, v29;
	v59 =	vsel vm12, v33, v57;
	(xrf1) =	vsort.dscd.msk.f32 $0xffff, v28, v58  }
0x309: {  	(xrf1) =	vsort.dscd.msk.f32 $0xffff, v29, v59;
	_ =	sdelay $0x2  }
0x30a: {  	v28, v29, _ =	vpop (xrf1)  }
0x30b: {  	v61, v60, _ =	vpop (xrf1)  }
0x30c: {  	v32, v33, _ =	vpop (xrf1)  }
0x30d: {  	v62, v63, _ =	vpop (xrf1)  }
0x30e: {  	v36, v54, _ =	vpop (xrf1)  }
0x30f: {  	v55, v56, _ =	vpop (xrf1)  }
0x310: {  	v58, v57, _ =	vpop (xrf1)  }
0x311: {  	v42, v43, _ =	vpop (xrf1)  }
0x312: {  	v44, v45, _ =	vpop (xrf1)  }
0x313: {  	v46, v47, _ =	vpop (xrf1)  }
0x314: {  	v28 =	vperm.xlane v28, v3;
	v30 =	vperm.xlane v61, v3;
	v48, v49, _ =	vpop (xrf1)  }
0x315: {  	v29 =	vperm.xlane v29, v3;
	v50, v51, _ =	vpop (xrf1)  }
0x316: {  	v31 =	vperm.xlane v60, v3;
	vm13 =	vge.f32 v48, v30;
	vm14 =	vge.f32 v50, v28  }
0x317: {  	v30 =	vsel vm13, v48, v30;
	v28 =	vsel vm14, v50, v28  }
0x318: {  	v31 =	vsel vm13, v49, v31;
	v29 =	vsel vm14, v51, v29;
	vm15 =	vge.f32 v30, v28  }
0x319: {  	v48 =	vsel vm15, v30, v28;
	v49 =	vsel vm15, v31, v29  }
0x31a: {  	v28 =	vsel vm15, v28, v30;
	v29 =	vsel vm15, v29, v31;
	(xrf1) =	vsort.dscd.msk.f32 $0xffff, v48, v49  }
0x31b: {  	(xrf1) =	vsort.dscd.msk.f32 $0xffff, v28, v29;
	_ =	sdelay $0xc  }
0x31c: {  	v59 =	vperm.xlane v32, v3;
	v60 =	vperm.xlane v62, v3;
	v28, v29, _ =	vpop (xrf1)  }
0x31d: {  	v33 =	vperm.xlane v33, v3;
	v61, v62, _ =	vpop (xrf1)  }
0x31e: {  	v35 =	vperm.xlane v63, v3;
	vm4 =	vge.f32 v28, v60;
	vm5 =	vge.f32 v61, v59  }
0x31f: {  	v28 =	vsel vm4, v28, v60;
	v30 =	vsel vm5, v61, v59  }
0x320: {  	v29 =	vsel vm4, v29, v35;
	v63 =	vsel vm5, v62, v33;
	vm6 =	vge.f32 v28, v30  }
0x321: {  	v32 =	vsel vm6, v28, v30;
	v33 =	vsel vm6, v29, v63  }
0x322: {  	v28 =	vsel vm6, v30, v28;
	v29 =	vsel vm6, v63, v29;
	(xrf1) =	vsort.dscd.msk.f32 $0xffff, v32, v33  }
0x323: {  	(xrf1) =	vsort.dscd.msk.f32 $0xffff, v28, v29;
	_ =	sdelay $0xc  }
0x324: {  	v48 =	vperm.xlane v36, v3;
	v49 =	vperm.xlane v55, v3;
	v28, v29, _ =	vpop (xrf1)  }
0x325: {  	v50 =	vperm.xlane v54, v3;
	v32, v33, _ =	vpop (xrf1)  }
0x326: {  	v51 =	vperm.xlane v56, v3;
	vm7 =	vge.f32 v28, v49;
	vm8 =	vge.f32 v32, v48  }
0x327: {  	v28 =	vsel vm7, v28, v49;
	v30 =	vsel vm8, v32, v48  }
0x328: {  	v29 =	vsel vm7, v29, v51;
	v52 =	vsel vm8, v33, v50;
	vm9 =	vge.f32 v28, v30  }
0x329: {  	v32 =	vsel vm9, v28, v30;
	v33 =	vsel vm9, v29, v52  }
0x32a: {  	v28 =	vsel vm9, v30, v28;
	v29 =	vsel vm9, v52, v29;
	(xrf1) =	vsort.dscd.msk.f32 $0xffff, v32, v33  }
0x32b: {  	(xrf1) =	vsort.dscd.msk.f32 $0xffff, v28, v29;
	_ =	sdelay $0xc  }
0x32c: {  	v53 =	vperm.xlane v58, v3;
	v54 =	vperm.xlane v42, v3;
	v28, v29, _ =	vpop (xrf1)  }
0x32d: {  	v56 =	vperm.xlane v43, v3;
	v32, v33, _ =	vpop (xrf1)  }
0x32e: {  	v55 =	vperm.xlane v57, v3;
	vm10 =	vge.f32 v28, v54;
	vm11 =	vge.f32 v32, v53  }
0x32f: {  	v28 =	vsel vm10, v28, v54;
	v30 =	vsel vm11, v32, v53  }
0x330: {  	v29 =	vsel vm10, v29, v56;
	v57 =	vsel vm11, v33, v55;
	vm12 =	vge.f32 v28, v30  }
0x331: {  	v32 =	vsel vm12, v28, v30;
	v33 =	vsel vm12, v29, v57  }
0x332: {  	v28 =	vsel vm12, v30, v28;
	v29 =	vsel vm12, v57, v29;
	(xrf1) =	vsort.dscd.msk.f32 $0xffff, v32, v33  }
0x333: {  	(xrf1) =	vsort.dscd.msk.f32 $0xffff, v28, v29;
	_ =	sdelay $0xc  }
0x334: {  	v58 =	vperm.xlane v44, v3;
	v59 =	vperm.xlane v46, v3;
	v28, v29, _ =	vpop (xrf1)  }
0x335: {  	v60 =	vperm.xlane v45, v3;
	v32, v33, _ =	vpop (xrf1)  }
0x336: {  	v61 =	vperm.xlane v47, v3;
	vm13 =	vge.f32 v28, v59;
	vm14 =	vge.f32 v32, v58  }
0x337: {  	v28 =	vsel vm13, v28, v59;
	v30 =	vsel vm14, v32, v58  }
0x338: {  	v29 =	vsel vm13, v29, v61;
	v62 =	vsel vm14, v33, v60;
	vm15 =	vge.f32 v28, v30  }
0x339: {  	v32 =	vsel vm15, v28, v30;
	v33 =	vsel vm15, v29, v62  }
0x33a: {  	v28 =	vsel vm15, v30, v28;
	v29 =	vsel vm15, v62, v29;
	(xrf1) =	vsort.dscd.msk.f32 $0xffff, v32, v33  }
0x33b: {  	(xrf1) =	vsort.dscd.msk.f32 $0xffff, v28, v29;
	_ =	sdelay $0x9  }
0x33c: {  	[tilespmem:$0x3820] =	vst v4  }
0x33d: {  	[tilespmem:$0x3920] =	vst v5  }
0x33e: {  	[tilespmem:$0x3830] =	vst v4  }
0x33f: {  	[tilespmem:$0x3930] =	vst v5;
	v28, v29, _ =	vpop (xrf1)  }
0x340: {  	[tilespmem:$0x3800] =	vst v28;
	v28, v63, _ =	vpop (xrf1)  }
0x341: {  	[tilespmem:$0x3840] =	vst v4;
	(xrf0) =	vmin.scan.msk.f32 $0xffff, v28  }
0x342: {  	[tilespmem:$0x3940] =	vst v5  }
0x343: {  	[tilespmem:$0x3850] =	vst v4  }
0x344: {  	[tilespmem:$0x3950] =	vst v5  }
0x345: {  	[tilespmem:$0x3860] =	vst v4  }
0x346: {  	[tilespmem:$0x3970] =	vst v5  }
0x347: {  	[tilespmem:$0x3810] =	vst v28;
	v28, _, _ =	vpop (xrf0)  }
0x348: {  	[tilespmem:$0x3880] =	vst v4;
	(v2sf) =	vpush v28, $0xF  }
0x349: {  	[tilespmem:$0x3980] =	vst v5  }
0x34a: {  	[tilespmem:$0x3890] =	vst v4  }
0x34b: {  	[tilespmem:$0x3990] =	vst v5  }
0x34c: {  	[tilespmem:$0x38A0] =	vst v4  }
0x34d: {  	[tilespmem:$0x39A0] =	vst v5  }
0x34e: {  	[tilespmem:$0x38B0] =	vst v4  }
0x34f: {  	[tilespmem:$0x39B0] =	vst v5  }
0x350: {  	[tilespmem:$0x38D0] =	vst v4  }
0x351: {  	[tilespmem:$0x39D0] =	vst v5  }
0x352: {  	[tilespmem:$0x3960] =	vst v5  }
.Ltmp10:
0x353: {  	[tilespmem:$0x3870] =	vst v4;
	(pc) =	sbr.rel .LBB2_8-.Ltmp10, $4  }
0x354: {  	[tilespmem:$0x38C0] =	vst v4  }
0x355: {  	[tilespmem:$0x39C0] =	vst v5  }
0x356: {  	[tilespmem:$0x3900] =	vst v29  }
0x357: {  	[tilespmem:$0x3910] =	vst v63;
	s2 =	spop (v2sf)  }
.LBB2_12:
0x358: {  	_ =	sfence.sel $0x180000  }
0x359: {  	[bflag:$0x0] =	sbarrier.arrive $0xFFFF  }
0x35a: {  	_ =	strace $0x90000047  }
0x35b: {  	s0 =	stileid.u32;
	[bflag:$0x2] =	sbarrier.arrive $0xFFFF  }
0x35c: {  	p0 =	sne.s32 s0, $0x0;
	s0 =	rddreg [dreg:$0x7]  }
0x35d: {  	s0 =	sadd.s32 @!p0 $0x100000, s0  }
0x35e: {  	[sflag:s0] =	ssyncadd.tile.s32 @!p0 $0x1;
	_ =	shalt  }
.Lfunc_end2:
_tile_overlayer_lowered:
.L_overlay_start_2:
0x35f: {  	(tag) =	ssettag $0x2  }
0x360: {  	s0 =	rddreg [dreg:$0x0];
	s2 =	stileid.u32  }
0x361: {  	s1 =	rddreg [dreg:$0x1];
	p0 =	sne.s32 s2, $0x0  }
0x362: {  	s3 =	rddreg [dreg:$0x2];
	[bflag:$0x3] =	sbarrier.arrive $0xFFFF;
	s2 =	simm.s32 @!p0 $0x1C01  }
0x363: {  	[timem:s3], [sflag:s2] =	dma.local @!p0 [hbm:s0], s1  }
0x364: {  	s0 =	simm.s32 @!p0 $0x1  }
0x365: {  	_ =	swait.ge @!p0 [sflag:s0], s1  }
0x366: {  	s1 =	ssub.s32 @!p0 $0x0, s1;
	[sflag:s0] =	ssyncset.done @!p0 $0x0  }
0x367: {  	[sflag:s0] =	ssyncadd.s32 @!p0 s1  }
0x368: {  	[bflag:$0x3] =	sbarrier.arrive $0xFFFF  }
0x369: {  	_ =	shalt  }

</sc_bundles>
